<compile_context>
chip_gen: v7x
topology: tpu7x:2x2x1
jax: 0.10.2.dev20260603
libtpu: 0.0.44.dev20260713+nightly
codegen_flags: <defaults>
</compile_context>

<pallas_src>
import jax
import jax.numpy as jnp
from jax import lax
from jax.experimental import pallas as pl
from jax.experimental.pallas import tpu as pltpu
from jax.experimental.pallas import tpu_sc as plsc

BATCH = 16384
HIST = 50
D = 64
NC = 2
NS = 16
NW = NC * NS
E = BATCH * HIST
EPW = E // NW
K = 128
NCH = EPW // K
NBUF = 8


def _gather_body(idx_hbm, table_hbm, out_hbm, idx_v, rows_v, sem_g, sem_o):
  wid = lax.axis_index("s") * NC + lax.axis_index("c")
  pltpu.sync_copy(idx_hbm.at[pl.ds(wid * NCH, NCH)], idx_v)

  def gather_piece(c, b, j):
    idx16 = idx_v[c, pl.ds(j * 16, 16)]
    return pltpu.make_async_copy(
        table_hbm.at[idx16], rows_v.at[b, pl.ds(j * 16, 16)], sem_g.at[b])

  def gathers_start(c, b):
    for j in range(K // 16):
      gather_piece(c, b, j).start()

  def gathers_wait(c, b):
    for j in range(K // 16):
      gather_piece(c, b, j).wait()

  def store(c, b):
    return pltpu.make_async_copy(
        rows_v.at[b], out_hbm.at[pl.ds(wid * EPW + c * K, K)], sem_o.at[b])

  for b in range(NBUF):
    gathers_start(b, b)

  def outer(i, carry):
    c0 = i * NBUF
    for b in range(NBUF):
      gathers_wait(c0 + b, b)
      store(c0 + b, b).start()
    for b in range(NBUF):
      store(c0 + b, b).wait()

      @pl.when(i + 1 < NCH // NBUF)
      def _():
        gathers_start(c0 + b + NBUF, b)

    return carry

  lax.fori_loop(0, NCH // NBUF, outer, 0)


@jax.jit
def _embed(idx, table):
  mesh = plsc.VectorSubcoreMesh(core_axis_name="c", subcore_axis_name="s")
  f = pl.kernel(
      _gather_body,
      out_type=jax.ShapeDtypeStruct((E, D), jnp.float32),
      mesh=mesh,
      scratch_types=[
          pltpu.VMEM((NCH, K), jnp.int32),
          pltpu.VMEM((NBUF, K, D), jnp.float32),
          pltpu.SemaphoreType.DMA((NBUF,)),
          pltpu.SemaphoreType.DMA((NBUF,)),
      ],
      compiler_params=pltpu.CompilerParams(use_tc_tiling_on_sc=False),
  )
  return f(idx.reshape(E // K, K), table).reshape(BATCH, HIST, D)


def kernel(input, C):
  return _embed(input, C)

# --- scband reference (transcript-rebuilt; emitter-appended) ---
"""Pipeline reference for scband-embedding-14147622273520 (READ-ONLY COPY).

The authoritative reference and input builder live on the scoring server;
editing this copy changes nothing except your own understanding.
"""

import jax, jax.numpy as jnp
import numpy as np
import math

IN_SIZE = 1000000
OUT_SIZE = 64
BATCH = 16384
HIST = 50

def setup_inputs(seed: int = 0) -> dict:
    key = jax.random.key(seed)
    k_idx, k_C = jax.random.split(key)
    input_idx = jax.random.randint(k_idx, (BATCH, HIST), 0, IN_SIZE, dtype=jnp.int64 if jax.config.jax_enable_x64 else jnp.int32)
    stdv = 1.0 / math.sqrt(IN_SIZE)
    C = jax.random.uniform(k_C, (IN_SIZE, OUT_SIZE), dtype=jnp.float32, minval=-stdv, maxval=stdv)
    return {"input": input_idx, "C": C}

def reference(input, C):
    # torch: self.C[input.data, :]  ->  row gather from embedding table
    return jnp.take(C, input, axis=0)

if __name__ == "__main__":
    import jax
    _d = setup_inputs()
    print(jax.jit(kernel)(*tuple(_d.values())))

</pallas_src>

<mosaic_0001>
#map = affine_map<(d0, d1) -> (0, 0)>
module attributes {stable_mosaic.version = 14 : i64} {
  func.func @_gather_body(%arg0: i32, %arg1: i32, %arg2: memref<6400x128xi32, #tpu.memory_space<hbm>>, %arg3: memref<1000000x64xf32, #tpu.memory_space<hbm>>, %arg4: memref<819200x64xf32, #tpu.memory_space<hbm>>, %arg5: memref<200x128xi32, #tpu.memory_space<vmem>>, %arg6: memref<8x128x64xf32, #tpu.memory_space<vmem>>, %arg7: memref<8x!tpu.dma_semaphore, #tpu.memory_space<semaphore_mem>>, %arg8: memref<8x!tpu.dma_semaphore, #tpu.memory_space<semaphore_mem>>) attributes {dimension_semantics = [#tpu.dimension_semantics<core_parallel>, #tpu.dimension_semantics<subcore_parallel>], iteration_bounds = array<i64: 2, 16>, scalar_prefetch = 0 : i64, scratch_operands = 4 : i64, tpu.core_type = #tpu.core_type<sc_vector_subcore>, window_params = [{transform_indices = #map}, {transform_indices = #map}, {transform_indices = #map}]} {
    %mul3A = arith.constant 2 : i32
    %mul3A_0 = arith.muli %arg1, %mul3A : i32
    %add3A = arith.addi %mul3A_0, %arg0 : i32
    %mul3A_1 = arith.constant 200 : i32
    %mul3A_2 = arith.muli %add3A, %mul3A_1 : i32
    "tpu.region"() ({
      %run_scoped3A = tpu.sem_alloc : memref<!tpu.dma_semaphore, #tpu.memory_space<semaphore_mem>>
      %dma_start3A_1030 = arith.constant 0 : i32
      %dma_start3A_1031 = tpu.memref_slice %arg2[%mul3A_2, %dma_start3A_1030] : memref<6400x128xi32, #tpu.memory_space<hbm>> -> memref<200x128xi32, #tpu.memory_space<hbm>>
      %dma_start3A_1032 = arith.constant 0 : i32
      %dma_start3A_1033 = tpu.memref_slice %arg2[%mul3A_2, %dma_start3A_1032] : memref<6400x128xi32, #tpu.memory_space<hbm>> -> memref<200x128xi32, #tpu.memory_space<hbm>>
      tpu.enqueue_dma source(%dma_start3A_1033 : memref<200x128xi32, #tpu.memory_space<hbm>>) target(%arg5 : memref<200x128xi32, #tpu.memory_space<vmem>>) target_semaphore(%run_scoped3A : memref<!tpu.dma_semaphore, #tpu.memory_space<semaphore_mem>>)
      %dma_wait3A = arith.constant 0 : i32
      %dma_wait3A_1034 = tpu.memref_slice %arg2[%mul3A_2, %dma_wait3A] : memref<6400x128xi32, #tpu.memory_space<hbm>> -> memref<200x128xi32, #tpu.memory_space<hbm>>
      %dma_wait3A_1035 = arith.constant 0 : i32
      %dma_wait3A_1036 = tpu.memref_slice %arg2[%mul3A_2, %dma_wait3A_1035] : memref<6400x128xi32, #tpu.memory_space<hbm>> -> memref<200x128xi32, #tpu.memory_space<hbm>>
      tpu.wait_dma2 semaphore(%run_scoped3A : memref<!tpu.dma_semaphore, #tpu.memory_space<semaphore_mem>>) src(%dma_wait3A_1036 : memref<200x128xi32, #tpu.memory_space<hbm>>) dst(%arg5 : memref<200x128xi32, #tpu.memory_space<vmem>>)
      tpu.yield
    }) : () -> ()
    %get3A = arith.constant 0 : i32
    %get3A_3 = arith.index_cast %get3A : i32 to index
    %get3A_4 = arith.constant 0 : index
    %get3A_5 = tpu.vector_load %arg5[%get3A_3, %get3A_4] {strides = array<i32>} : memref<200x128xi32, #tpu.memory_space<vmem>>, vector<1x16xi32>,
    %get3A_6 = vector.shape_cast %get3A_5 : vector<1x16xi32> to vector<16xi32>
    %dma_start3A = arith.constant 0 : i32
    %dma_start3A_7 = arith.constant 0 : i32
    %dma_start3A_8 = arith.constant 0 : i32
    %dma_start3A_9 = arith.constant 0 : i32
    %dma_start3A_10 = tpu.memref_slice %arg6[%dma_start3A, %dma_start3A_8, %dma_start3A_9] : memref<8x128x64xf32, #tpu.memory_space<vmem>> -> memref<1x16x64xf32, #tpu.memory_space<vmem>>
    %dma_start3A_11 = tpu.memref_squeeze %dma_start3A_10 : memref<1x16x64xf32, #tpu.memory_space<vmem>> -> memref<16x64xf32, #tpu.memory_space<vmem>>
    %dma_start3A_12 = arith.constant 0 : i32
    %dma_start3A_13 = arith.constant 0 : i32
    %dma_start3A_14 = tpu.memref_slice %arg3[%dma_start3A_12, %dma_start3A_13] : memref<1000000x64xf32, #tpu.memory_space<hbm>> -> memref<1000000x64xf32, #tpu.memory_space<hbm>>
    %dma_start3A_15 = tpu.memref_slice %arg7[%dma_start3A_7] : memref<8x!tpu.dma_semaphore, #tpu.memory_space<semaphore_mem>> -> memref<1x!tpu.dma_semaphore, #tpu.memory_space<semaphore_mem>>
    %dma_start3A_16 = tpu.memref_squeeze %dma_start3A_15 : memref<1x!tpu.dma_semaphore, #tpu.memory_space<semaphore_mem>> -> memref<!tpu.dma_semaphore, #tpu.memory_space<semaphore_mem>>
    tpu.enqueue_indirect_dma source(%dma_start3A_14 : memref<1000000x64xf32, #tpu.memory_space<hbm>>) target(%dma_start3A_11 : memref<16x64xf32, #tpu.memory_space<vmem>>) offsets(%get3A_6 : vector<16xi32>) semaphore(%dma_start3A_16 : memref<!tpu.dma_semaphore, #tpu.memory_space<semaphore_mem>>)
    %get3A_17 = arith.constant 0 : i32
    %get3A_18 = arith.index_cast %get3A_17 : i32 to index
    %get3A_19 = arith.constant 16 : index
    %get3A_20 = tpu.vector_load %arg5[%get3A_18, %get3A_19] {strides = array<i32>} : memref<200x128xi32, #tpu.memory_space<vmem>>, vector<1x16xi32>,
    %get3A_21 = vector.shape_cast %get3A_20 : vector<1x16xi32> to vector<16xi32>
    %dma_start3A_22 = arith.constant 0 : i32
    %dma_start3A_23 = arith.constant 0 : i32
    %dma_start3A_24 = arith.constant 16 : i32
    %dma_start3A_25 = arith.constant 0 : i32
    %dma_start3A_26 = tpu.memref_slice %arg6[%dma_start3A_22, %dma_start3A_24, %dma_start3A_25] : memref<8x128x64xf32, #tpu.memory_space<vmem>> -> memref<1x16x64xf32, #tpu.memory_space<vmem>>
    %dma_start3A_27 = tpu.memref_squeeze %dma_start3A_26 : memref<1x16x64xf32, #tpu.memory_space<vmem>> -> memref<16x64xf32, #tpu.memory_space<vmem>>
    %dma_start3A_28 = arith.constant 0 : i32
    %dma_start3A_29 = arith.constant 0 : i32
    %dma_start3A_30 = tpu.memref_slice %arg3[%dma_start3A_28, %dma_start3A_29] : memref<1000000x64xf32, #tpu.memory_space<hbm>> -> memref<1000000x64xf32, #tpu.memory_space<hbm>>
    %dma_start3A_31 = tpu.memref_slice %arg7[%dma_start3A_23] : memref<8x!tpu.dma_semaphore, #tpu.memory_space<semaphore_mem>> -> memref<1x!tpu.dma_semaphore, #tpu.memory_space<semaphore_mem>>
    %dma_start3A_32 = tpu.memref_squeeze %dma_start3A_31 : memref<1x!tpu.dma_semaphore, #tpu.memory_space<semaphore_mem>> -> memref<!tpu.dma_semaphore, #tpu.memory_space<semaphore_mem>>
    tpu.enqueue_indirect_dma source(%dma_start3A_30 : memref<1000000x64xf32, #tpu.memory_space<hbm>>) target(%dma_start3A_27 : memref<16x64xf32, #tpu.memory_space<vmem>>) offsets(%get3A_21 : vector<16xi32>) semaphore(%dma_start3A_32 : memref<!tpu.dma_semaphore, #tpu.memory_space<semaphore_mem>>)
    %get3A_33 = arith.constant 0 : i32
    %get3A_34 = arith.index_cast %get3A_33 : i32 to index
    %get3A_35 = arith.constant 32 : index
    %get3A_36 = tpu.vector_load %arg5[%get3A_34, %get3A_35] {strides = array<i32>} : memref<200x128xi32, #tpu.memory_space<vmem>>, vector<1x16xi32>,
    %get3A_37 = vector.shape_cast %get3A_36 : vector<1x16xi32> to vector<16xi32>
    %dma_start3A_38 = arith.constant 0 : i32
    %dma_start3A_39 = arith.constant 0 : i32
    %dma_start3A_40 = arith.constant 32 : i32
    %dma_start3A_41 = arith.constant 0 : i32
    %dma_start3A_42 = tpu.memref_slice %arg6[%dma_start3A_38, %dma_start3A_40, %dma_start3A_41] : memref<8x128x64xf32, #tpu.memory_space<vmem>> -> memref<1x16x64xf32, #tpu.memory_space<vmem>>
    %dma_start3A_43 = tpu.memref_squeeze %dma_start3A_42 : memref<1x16x64xf32, #tpu.memory_space<vmem>> -> memref<16x64xf32, #tpu.memory_space<vmem>>
    %dma_start3A_44 = arith.constant 0 : i32
    %dma_start3A_45 = arith.constant 0 : i32
    %dma_start3A_46 = tpu.memref_slice %arg3[%dma_start3A_44, %dma_start3A_45] : memref<1000000x64xf32, #tpu.memory_space<hbm>> -> memref<1000000x64xf32, #tpu.memory_space<hbm>>
    %dma_start3A_47 = tpu.memref_slice %arg7[%dma_start3A_39] : memref<8x!tpu.dma_semaphore, #tpu.memory_space<semaphore_mem>> -> memref<1x!tpu.dma_semaphore, #tpu.memory_space<semaphore_mem>>
    %dma_start3A_48 = tpu.memref_squeeze %dma_start3A_47 : memref<1x!tpu.dma_semaphore, #tpu.memory_space<semaphore_mem>> -> memref<!tpu.dma_semaphore, #tpu.memory_space<semaphore_mem>>
    tpu.enqueue_indirect_dma source(%dma_start3A_46 : memref<1000000x64xf32, #tpu.memory_space<hbm>>) target(%dma_start3A_43 : memref<16x64xf32, #tpu.memory_space<vmem>>) offsets(%get3A_37 : vector<16xi32>) semaphore(%dma_start3A_48 : memref<!tpu.dma_semaphore, #tpu.memory_space<semaphore_mem>>)
    %get3A_49 = arith.constant 0 : i32
    %get3A_50 = arith.index_cast %get3A_49 : i32 to index
    %get3A_51 = arith.constant 48 : index
    %get3A_52 = tpu.vector_load %arg5[%get3A_50, %get3A_51] {strides = array<i32>} : memref<200x128xi32, #tpu.memory_space<vmem>>, vector<1x16xi32>,
    %get3A_53 = vector.shape_cast %get3A_52 : vector<1x16xi32> to vector<16xi32>
    %dma_start3A_54 = arith.constant 0 : i32
    %dma_start3A_55 = arith.constant 0 : i32
    %dma_start3A_56 = arith.constant 48 : i32
    %dma_start3A_57 = arith.constant 0 : i32
    %dma_start3A_58 = tpu.memref_slice %arg6[%dma_start3A_54, %dma_start3A_56, %dma_start3A_57] : memref<8x128x64xf32, #tpu.memory_space<vmem>> -> memref<1x16x64xf32, #tpu.memory_space<vmem>>
    %dma_start3A_59 = tpu.memref_squeeze %dma_start3A_58 : memref<1x16x64xf32, #tpu.memory_space<vmem>> -> memref<16x64xf32, #tpu.memory_space<vmem>>
    %dma_start3A_60 = arith.constant 0 : i32
    %dma_start3A_61 = arith.constant 0 : i32
    %dma_start3A_62 = tpu.memref_slice %arg3[%dma_start3A_60, %dma_start3A_61] : memref<1000000x64xf32, #tpu.memory_space<hbm>> -> memref<1000000x64xf32, #tpu.memory_space<hbm>>
    %dma_start3A_63 = tpu.memref_slice %arg7[%dma_start3A_55] : memref<8x!tpu.dma_semaphore, #tpu.memory_space<semaphore_mem>> -> memref<1x!tpu.dma_semaphore, #tpu.memory_space<semaphore_mem>>
    %dma_start3A_64 = tpu.memref_squeeze %dma_start3A_63 : memref<1x!tpu.dma_semaphore, #tpu.memory_space<semaphore_mem>> -> memref<!tpu.dma_semaphore, #tpu.memory_space<semaphore_mem>>
    tpu.enqueue_indirect_dma source(%dma_start3A_62 : memref<1000000x64xf32, #tpu.memory_space<hbm>>) target(%dma_start3A_59 : memref<16x64xf32, #tpu.memory_space<vmem>>) offsets(%get3A_53 : vector<16xi32>) semaphore(%dma_start3A_64 : memref<!tpu.dma_semaphore, #tpu.memory_space<semaphore_mem>>)
    %get3A_65 = arith.constant 0 : i32
    %get3A_66 = arith.index_cast %get3A_65 : i32 to index
    %get3A_67 = arith.constant 64 : index
    %get3A_68 = tpu.vector_load %arg5[%get3A_66, %get3A_67] {strides = array<i32>} : memref<200x128xi32, #tpu.memory_space<vmem>>, vector<1x16xi32>,
    %get3A_69 = vector.shape_cast %get3A_68 : vector<1x16xi32> to vector<16xi32>
    %dma_start3A_70 = arith.constant 0 : i32
    %dma_start3A_71 = arith.constant 0 : i32
    %dma_start3A_72 = arith.constant 64 : i32
    %dma_start3A_73 = arith.constant 0 : i32
    %dma_start3A_74 = tpu.memref_slice %arg6[%dma_start3A_70, %dma_start3A_72, %dma_start3A_73] : memref<8x128x64xf32, #tpu.memory_space<vmem>> -> memref<1x16x64xf32, #tpu.memory_space<vmem>>
    %dma_start3A_75 = tpu.memref_squeeze %dma_start3A_74 : memref<1x16x64xf32, #tpu.memory_space<vmem>> -> memref<16x64xf32, #tpu.memory_space<vmem>>
    %dma_start3A_76 = arith.constant 0 : i32
    %dma_start3A_77 = arith.constant 0 : i32
    %dma_start3A_78 = tpu.memref_slice %arg3[%dma_start3A_76, %dma_start3A_77] : memref<1000000x64xf32, #tpu.memory_space<hbm>> -> memref<1000000x64xf32, #tpu.memory_space<hbm>>
    %dma_start3A_79 = tpu.memref_slice %arg7[%dma_start3A_71] : memref<8x!tpu.dma_semaphore, #tpu.memory_space<semaphore_mem>> -> memref<1x!tpu.dma_semaphore, #tpu.memory_space<semaphore_mem>>
    %dma_start3A_80 = tpu.memref_squeeze %dma_start3A_79 : memref<1x!tpu.dma_semaphore, #tpu.memory_space<semaphore_mem>> -> memref<!tpu.dma_semaphore, #tpu.memory_space<semaphore_mem>>
    tpu.enqueue_indirect_dma source(%dma_start3A_78 : memref<1000000x64xf32, #tpu.memory_space<hbm>>) target(%dma_start3A_75 : memref<16x64xf32, #tpu.memory_space<vmem>>) offsets(%get3A_69 : vector<16xi32>) semaphore(%dma_start3A_80 : memref<!tpu.dma_semaphore, #tpu.memory_space<semaphore_mem>>)
    %get3A_81 = arith.constant 0 : i32
    %get3A_82 = arith.index_cast %get3A_81 : i32 to index
    %get3A_83 = arith.constant 80 : index
    %get3A_84 = tpu.vector_load %arg5[%get3A_82, %get3A_83] {strides = array<i32>} : memref<200x128xi32, #tpu.memory_space<vmem>>, vector<1x16xi32>,
    %get3A_85 = vector.shape_cast %get3A_84 : vector<1x16xi32> to vector<16xi32>
    %dma_start3A_86 = arith.constant 0 : i32
    %dma_start3A_87 = arith.constant 0 : i32
    %dma_start3A_88 = arith.constant 80 : i32
    %dma_start3A_89 = arith.constant 0 : i32
    %dma_start3A_90 = tpu.memref_slice %arg6[%dma_start3A_86, %dma_start3A_88, %dma_start3A_89] : memref<8x128x64xf32, #tpu.memory_space<vmem>> -> memref<1x16x64xf32, #tpu.memory_space<vmem>>
    %dma_start3A_91 = tpu.memref_squeeze %dma_start3A_90 : memref<1x16x64xf32, #tpu.memory_space<vmem>> -> memref<16x64xf32, #tpu.memory_space<vmem>>
    %dma_start3A_92 = arith.constant 0 : i32
    %dma_start3A_93 = arith.constant 0 : i32
    %dma_start3A_94 = tpu.memref_slice %arg3[%dma_start3A_92, %dma_start3A_93] : memref<1000000x64xf32, #tpu.memory_space<hbm>> -> memref<1000000x64xf32, #tpu.memory_space<hbm>>
    %dma_start3A_95 = tpu.memref_slice %arg7[%dma_start3A_87] : memref<8x!tpu.dma_semaphore, #tpu.memory_space<semaphore_mem>> -> memref<1x!tpu.dma_semaphore, #tpu.memory_space<semaphore_mem>>
    %dma_start3A_96 = tpu.memref_squeeze %dma_start3A_95 : memref<1x!tpu.dma_semaphore, #tpu.memory_space<semaphore_mem>> -> memref<!tpu.dma_semaphore, #tpu.memory_space<semaphore_mem>>
    tpu.enqueue_indirect_dma source(%dma_start3A_94 : memref<1000000x64xf32, #tpu.memory_space<hbm>>) target(%dma_start3A_91 : memref<16x64xf32, #tpu.memory_space<vmem>>) offsets(%get3A_85 : vector<16xi32>) semaphore(%dma_start3A_96 : memref<!tpu.dma_semaphore, #tpu.memory_space<semaphore_mem>>)
    %get3A_97 = arith.constant 0 : i32
    %get3A_98 = arith.index_cast %get3A_97 : i32 to index
    %get3A_99 = arith.constant 96 : index
    %get3A_100 = tpu.vector_load %arg5[%get3A_98, %get3A_99] {strides = array<i32>} : memref<200x128xi32, #tpu.memory_space<vmem>>, vector<1x16xi32>,
    %get3A_101 = vector.shape_cast %get3A_100 : vector<1x16xi32> to vector<16xi32>
    %dma_start3A_102 = arith.constant 0 : i32
    %dma_start3A_103 = arith.constant 0 : i32
    %dma_start3A_104 = arith.constant 96 : i32
    %dma_start3A_105 = arith.constant 0 : i32
    %dma_start3A_106 = tpu.memref_slice %arg6[%dma_start3A_102, %dma_start3A_104, %dma_start3A_105] : memref<8x128x64xf32, #tpu.memory_space<vmem>> -> memref<1x16x64xf32, #tpu.memory_space<vmem>>
    %dma_start3A_107 = tpu.memref_squeeze %dma_start3A_106 : memref<1x16x64xf32, #tpu.memory_space<vmem>> -> memref<16x64xf32, #tpu.memory_space<vmem>>
    %dma_start3A_108 = arith.constant 0 : i32
    %dma_start3A_109 = arith.constant 0 : i32
    %dma_start3A_110 = tpu.memref_slice %arg3[%dma_start3A_108, %dma_start3A_109] : memref<1000000x64xf32, #tpu.memory_space<hbm>> -> memref<1000000x64xf32, #tpu.memory_space<hbm>>
    %dma_start3A_111 = tpu.memref_slice %arg7[%dma_start3A_103] : memref<8x!tpu.dma_semaphore, #tpu.memory_space<semaphore_mem>> -> memref<1x!tpu.dma_semaphore, #tpu.memory_space<semaphore_mem>>
    %dma_start3A_112 = tpu.memref_squeeze %dma_start3A_111 : memref<1x!tpu.dma_semaphore, #tpu.memory_space<semaphore_mem>> -> memref<!tpu.dma_semaphore, #tpu.memory_space<semaphore_mem>>
    tpu.enqueue_indirect_dma source(%dma_start3A_110 : memref<1000000x64xf32, #tpu.memory_space<hbm>>) target(%dma_start3A_107 : memref<16x64xf32, #tpu.memory_space<vmem>>) offsets(%get3A_101 : vector<16xi32>) semaphore(%dma_start3A_112 : memref<!tpu.dma_semaphore, #tpu.memory_space<semaphore_mem>>)
    %get3A_113 = arith.constant 0 : i32
    %get3A_114 = arith.index_cast %get3A_113 : i32 to index
    %get3A_115 = arith.constant 112 : index
    %get3A_116 = tpu.vector_load %arg5[%get3A_114, %get3A_115] {strides = array<i32>} : memref<200x128xi32, #tpu.memory_space<vmem>>, vector<1x16xi32>,
    %get3A_117 = vector.shape_cast %get3A_116 : vector<1x16xi32> to vector<16xi32>
    %dma_start3A_118 = arith.constant 0 : i32
    %dma_start3A_119 = arith.constant 0 : i32
    %dma_start3A_120 = arith.constant 112 : i32
    %dma_start3A_121 = arith.constant 0 : i32
    %dma_start3A_122 = tpu.memref_slice %arg6[%dma_start3A_118, %dma_start3A_120, %dma_start3A_121] : memref<8x128x64xf32, #tpu.memory_space<vmem>> -> memref<1x16x64xf32, #tpu.memory_space<vmem>>
    %dma_start3A_123 = tpu.memref_squeeze %dma_start3A_122 : memref<1x16x64xf32, #tpu.memory_space<vmem>> -> memref<16x64xf32, #tpu.memory_space<vmem>>
    %dma_start3A_124 = arith.constant 0 : i32
    %dma_start3A_125 = arith.constant 0 : i32
    %dma_start3A_126 = tpu.memref_slice %arg3[%dma_start3A_124, %dma_start3A_125] : memref<1000000x64xf32, #tpu.memory_space<hbm>> -> memref<1000000x64xf32, #tpu.memory_space<hbm>>
    %dma_start3A_127 = tpu.memref_slice %arg7[%dma_start3A_119] : memref<8x!tpu.dma_semaphore, #tpu.memory_space<semaphore_mem>> -> memref<1x!tpu.dma_semaphore, #tpu.memory_space<semaphore_mem>>
    %dma_start3A_128 = tpu.memref_squeeze %dma_start3A_127 : memref<1x!tpu.dma_semaphore, #tpu.memory_space<semaphore_mem>> -> memref<!tpu.dma_semaphore, #tpu.memory_space<semaphore_mem>>
    tpu.enqueue_indirect_dma source(%dma_start3A_126 : memref<1000000x64xf32, #tpu.memory_space<hbm>>) target(%dma_start3A_123 : memref<16x64xf32, #tpu.memory_space<vmem>>) offsets(%get3A_117 : vector<16xi32>) semaphore(%dma_start3A_128 : memref<!tpu.dma_semaphore, #tpu.memory_space<semaphore_mem>>)
    %get3A_129 = arith.constant 1 : i32
    %get3A_130 = arith.index_cast %get3A_129 : i32 to index
    %get3A_131 = arith.constant 0 : index
    %get3A_132 = tpu.vector_load %arg5[%get3A_130, %get3A_131] {strides = array<i32>} : memref<200x128xi32, #tpu.memory_space<vmem>>, vector<1x16xi32>,
    %get3A_133 = vector.shape_cast %get3A_132 : vector<1x16xi32> to vector<16xi32>
    %dma_start3A_134 = arith.constant 1 : i32
    %dma_start3A_135 = arith.constant 1 : i32
    %dma_start3A_136 = arith.constant 0 : i32
    %dma_start3A_137 = arith.constant 0 : i32
    %dma_start3A_138 = tpu.memref_slice %arg6[%dma_start3A_134, %dma_start3A_136, %dma_start3A_137] : memref<8x128x64xf32, #tpu.memory_space<vmem>> -> memref<1x16x64xf32, #tpu.memory_space<vmem>>
    %dma_start3A_139 = tpu.memref_squeeze %dma_start3A_138 : memref<1x16x64xf32, #tpu.memory_space<vmem>> -> memref<16x64xf32, #tpu.memory_space<vmem>>
    %dma_start3A_140 = arith.constant 0 : i32
    %dma_start3A_141 = arith.constant 0 : i32
    %dma_start3A_142 = tpu.memref_slice %arg3[%dma_start3A_140, %dma_start3A_141] : memref<1000000x64xf32, #tpu.memory_space<hbm>> -> memref<1000000x64xf32, #tpu.memory_space<hbm>>
    %dma_start3A_143 = tpu.memref_slice %arg7[%dma_start3A_135] : memref<8x!tpu.dma_semaphore, #tpu.memory_space<semaphore_mem>> -> memref<1x!tpu.dma_semaphore, #tpu.memory_space<semaphore_mem>>
    %dma_start3A_144 = tpu.memref_squeeze %dma_start3A_143 : memref<1x!tpu.dma_semaphore, #tpu.memory_space<semaphore_mem>> -> memref<!tpu.dma_semaphore, #tpu.memory_space<semaphore_mem>>
    tpu.enqueue_indirect_dma source(%dma_start3A_142 : memref<1000000x64xf32, #tpu.memory_space<hbm>>) target(%dma_start3A_139 : memref<16x64xf32, #tpu.memory_space<vmem>>) offsets(%get3A_133 : vector<16xi32>) semaphore(%dma_start3A_144 : memref<!tpu.dma_semaphore, #tpu.memory_space<semaphore_mem>>)
    %get3A_145 = arith.constant 1 : i32
    %get3A_146 = arith.index_cast %get3A_145 : i32 to index
    %get3A_147 = arith.constant 16 : index
    %get3A_148 = tpu.vector_load %arg5[%get3A_146, %get3A_147] {strides = array<i32>} : memref<200x128xi32, #tpu.memory_space<vmem>>, vector<1x16xi32>,
    %get3A_149 = vector.shape_cast %get3A_148 : vector<1x16xi32> to vector<16xi32>
    %dma_start3A_150 = arith.constant 1 : i32
    %dma_start3A_151 = arith.constant 1 : i32
    %dma_start3A_152 = arith.constant 16 : i32
    %dma_start3A_153 = arith.constant 0 : i32
    %dma_start3A_154 = tpu.memref_slice %arg6[%dma_start3A_150, %dma_start3A_152, %dma_start3A_153] : memref<8x128x64xf32, #tpu.memory_space<vmem>> -> memref<1x16x64xf32, #tpu.memory_space<vmem>>
    %dma_start3A_155 = tpu.memref_squeeze %dma_start3A_154 : memref<1x16x64xf32, #tpu.memory_space<vmem>> -> memref<16x64xf32, #tpu.memory_space<vmem>>
    %dma_start3A_156 = arith.constant 0 : i32
    %dma_start3A_157 = arith.constant 0 : i32
    %dma_start3A_158 = tpu.memref_slice %arg3[%dma_start3A_156, %dma_start3A_157] : memref<1000000x64xf32, #tpu.memory_space<hbm>> -> memref<1000000x64xf32, #tpu.memory_space<hbm>>
    %dma_start3A_159 = tpu.memref_slice %arg7[%dma_start3A_151] : memref<8x!tpu.dma_semaphore, #tpu.memory_space<semaphore_mem>> -> memref<1x!tpu.dma_semaphore, #tpu.memory_space<semaphore_mem>>
    %dma_start3A_160 = tpu.memref_squeeze %dma_start3A_159 : memref<1x!tpu.dma_semaphore, #tpu.memory_space<semaphore_mem>> -> memref<!tpu.dma_semaphore, #tpu.memory_space<semaphore_mem>>
    tpu.enqueue_indirect_dma source(%dma_start3A_158 : memref<1000000x64xf32, #tpu.memory_space<hbm>>) target(%dma_start3A_155 : memref<16x64xf32, #tpu.memory_space<vmem>>) offsets(%get3A_149 : vector<16xi32>) semaphore(%dma_start3A_160 : memref<!tpu.dma_semaphore, #tpu.memory_space<semaphore_mem>>)
    %get3A_161 = arith.constant 1 : i32
    %get3A_162 = arith.index_cast %get3A_161 : i32 to index
    %get3A_163 = arith.constant 32 : index
    %get3A_164 = tpu.vector_load %arg5[%get3A_162, %get3A_163] {strides = array<i32>} : memref<200x128xi32, #tpu.memory_space<vmem>>, vector<1x16xi32>,
    %get3A_165 = vector.shape_cast %get3A_164 : vector<1x16xi32> to vector<16xi32>
    %dma_start3A_166 = arith.constant 1 : i32
    %dma_start3A_167 = arith.constant 1 : i32
    %dma_start3A_168 = arith.constant 32 : i32
    %dma_start3A_169 = arith.constant 0 : i32
    %dma_start3A_170 = tpu.memref_slice %arg6[%dma_start3A_166, %dma_start3A_168, %dma_start3A_169] : memref<8x128x64xf32, #tpu.memory_space<vmem>> -> memref<1x16x64xf32, #tpu.memory_space<vmem>>
    %dma_start3A_171 = tpu.memref_squeeze %dma_start3A_170 : memref<1x16x64xf32, #tpu.memory_space<vmem>> -> memref<16x64xf32, #tpu.memory_space<vmem>>
    %dma_start3A_172 = arith.constant 0 : i32
    %dma_start3A_173 = arith.constant 0 : i32
    %dma_start3A_174 = tpu.memref_slice %arg3[%dma_start3A_172, %dma_start3A_173] : memref<1000000x64xf32, #tpu.memory_space<hbm>> -> memref<1000000x64xf32, #tpu.memory_space<hbm>>
    %dma_start3A_175 = tpu.memref_slice %arg7[%dma_start3A_167] : memref<8x!tpu.dma_semaphore, #tpu.memory_space<semaphore_mem>> -> memref<1x!tpu.dma_semaphore, #tpu.memory_space<semaphore_mem>>
    %dma_start3A_176 = tpu.memref_squeeze %dma_start3A_175 : memref<1x!tpu.dma_semaphore, #tpu.memory_space<semaphore_mem>> -> memref<!tpu.dma_semaphore, #tpu.memory_space<semaphore_mem>>
    tpu.enqueue_indirect_dma source(%dma_start3A_174 : memref<1000000x64xf32, #tpu.memory_space<hbm>>) target(%dma_start3A_171 : memref<16x64xf32, #tpu.memory_space<vmem>>) offsets(%get3A_165 : vector<16xi32>) semaphore(%dma_start3A_176 : memref<!tpu.dma_semaphore, #tpu.memory_space<semaphore_mem>>)
    %get3A_177 = arith.constant 1 : i32
    %get3A_178 = arith.index_cast %get3A_177 : i32 to index
    %get3A_179 = arith.constant 48 : index
    %get3A_180 = tpu.vector_load %arg5[%get3A_178, %get3A_179] {strides = array<i32>} : memref<200x128xi32, #tpu.memory_space<vmem>>, vector<1x16xi32>,
    %get3A_181 = vector.shape_cast %get3A_180 : vector<1x16xi32> to vector<16xi32>
    %dma_start3A_182 = arith.constant 1 : i32
    %dma_start3A_183 = arith.constant 1 : i32
    %dma_start3A_184 = arith.constant 48 : i32
    %dma_start3A_185 = arith.constant 0 : i32
    %dma_start3A_186 = tpu.memref_slice %arg6[%dma_start3A_182, %dma_start3A_184, %dma_start3A_185] : memref<8x128x64xf32, #tpu.memory_space<vmem>> -> memref<1x16x64xf32, #tpu.memory_space<vmem>>
    %dma_start3A_187 = tpu.memref_squeeze %dma_start3A_186 : memref<1x16x64xf32, #tpu.memory_space<vmem>> -> memref<16x64xf32, #tpu.memory_space<vmem>>
    %dma_start3A_188 = arith.constant 0 : i32
    %dma_start3A_189 = arith.constant 0 : i32
    %dma_start3A_190 = tpu.memref_slice %arg3[%dma_start3A_188, %dma_start3A_189] : memref<1000000x64xf32, #tpu.memory_space<hbm>> -> memref<1000000x64xf32, #tpu.memory_space<hbm>>
    %dma_start3A_191 = tpu.memref_slice %arg7[%dma_start3A_183] : memref<8x!tpu.dma_semaphore, #tpu.memory_space<semaphore_mem>> -> memref<1x!tpu.dma_semaphore, #tpu.memory_space<semaphore_mem>>
    %dma_start3A_192 = tpu.memref_squeeze %dma_start3A_191 : memref<1x!tpu.dma_semaphore, #tpu.memory_space<semaphore_mem>> -> memref<!tpu.dma_semaphore, #tpu.memory_space<semaphore_mem>>
    tpu.enqueue_indirect_dma source(%dma_start3A_190 : memref<1000000x64xf32, #tpu.memory_space<hbm>>) target(%dma_start3A_187 : memref<16x64xf32, #tpu.memory_space<vmem>>) offsets(%get3A_181 : vector<16xi32>) semaphore(%dma_start3A_192 : memref<!tpu.dma_semaphore, #tpu.memory_space<semaphore_mem>>)
    %get3A_193 = arith.constant 1 : i32
    %get3A_194 = arith.index_cast %get3A_193 : i32 to index
    %get3A_195 = arith.constant 64 : index
    %get3A_196 = tpu.vector_load %arg5[%get3A_194, %get3A_195] {strides = array<i32>} : memref<200x128xi32, #tpu.memory_space<vmem>>, vector<1x16xi32>,
    %get3A_197 = vector.shape_cast %get3A_196 : vector<1x16xi32> to vector<16xi32>
    %dma_start3A_198 = arith.constant 1 : i32
    %dma_start3A_199 = arith.constant 1 : i32
    %dma_start3A_200 = arith.constant 64 : i32
    %dma_start3A_201 = arith.constant 0 : i32
    %dma_start3A_202 = tpu.memref_slice %arg6[%dma_start3A_198, %dma_start3A_200, %dma_start3A_201] : memref<8x128x64xf32, #tpu.memory_space<vmem>> -> memref<1x16x64xf32, #tpu.memory_space<vmem>>
    %dma_start3A_203 = tpu.memref_squeeze %dma_start3A_202 : memref<1x16x64xf32, #tpu.memory_space<vmem>> -> memref<16x64xf32, #tpu.memory_space<vmem>>
    %dma_start3A_204 = arith.constant 0 : i32
    %dma_start3A_205 = arith.constant 0 : i32
    %dma_start3A_206 = tpu.memref_slice %arg3[%dma_start3A_204, %dma_start3A_205] : memref<1000000x64xf32, #tpu.memory_space<hbm>> -> memref<1000000x64xf32, #tpu.memory_space<hbm>>
    %dma_start3A_207 = tpu.memref_slice %arg7[%dma_start3A_199] : memref<8x!tpu.dma_semaphore, #tpu.memory_space<semaphore_mem>> -> memref<1x!tpu.dma_semaphore, #tpu.memory_space<semaphore_mem>>
    %dma_start3A_208 = tpu.memref_squeeze %dma_start3A_207 : memref<1x!tpu.dma_semaphore, #tpu.memory_space<semaphore_mem>> -> memref<!tpu.dma_semaphore, #tpu.memory_space<semaphore_mem>>
    tpu.enqueue_indirect_dma source(%dma_start3A_206 : memref<1000000x64xf32, #tpu.memory_space<hbm>>) target(%dma_start3A_203 : memref<16x64xf32, #tpu.memory_space<vmem>>) offsets(%get3A_197 : vector<16xi32>) semaphore(%dma_start3A_208 : memref<!tpu.dma_semaphore, #tpu.memory_space<semaphore_mem>>)
    %get3A_209 = arith.constant 1 : i32
    %get3A_210 = arith.index_cast %get3A_209 : i32 to index
    %get3A_211 = arith.constant 80 : index
    %get3A_212 = tpu.vector_load %arg5[%get3A_210, %get3A_211] {strides = array<i32>} : memref<200x128xi32, #tpu.memory_space<vmem>>, vector<1x16xi32>,
    %get3A_213 = vector.shape_cast %get3A_212 : vector<1x16xi32> to vector<16xi32>
    %dma_start3A_214 = arith.constant 1 : i32
    %dma_start3A_215 = arith.constant 1 : i32
    %dma_start3A_216 = arith.constant 80 : i32
    %dma_start3A_217 = arith.constant 0 : i32
    %dma_start3A_218 = tpu.memref_slice %arg6[%dma_start3A_214, %dma_start3A_216, %dma_start3A_217] : memref<8x128x64xf32, #tpu.memory_space<vmem>> -> memref<1x16x64xf32, #tpu.memory_space<vmem>>
    %dma_start3A_219 = tpu.memref_squeeze %dma_start3A_218 : memref<1x16x64xf32, #tpu.memory_space<vmem>> -> memref<16x64xf32, #tpu.memory_space<vmem>>
    %dma_start3A_220 = arith.constant 0 : i32
    %dma_start3A_221 = arith.constant 0 : i32
    %dma_start3A_222 = tpu.memref_slice %arg3[%dma_start3A_220, %dma_start3A_221] : memref<1000000x64xf32, #tpu.memory_space<hbm>> -> memref<1000000x64xf32, #tpu.memory_space<hbm>>
    %dma_start3A_223 = tpu.memref_slice %arg7[%dma_start3A_215] : memref<8x!tpu.dma_semaphore, #tpu.memory_space<semaphore_mem>> -> memref<1x!tpu.dma_semaphore, #tpu.memory_space<semaphore_mem>>
    %dma_start3A_224 = tpu.memref_squeeze %dma_start3A_223 : memref<1x!tpu.dma_semaphore, #tpu.memory_space<semaphore_mem>> -> memref<!tpu.dma_semaphore, #tpu.memory_space<semaphore_mem>>
    tpu.enqueue_indirect_dma source(%dma_start3A_222 : memref<1000000x64xf32, #tpu.memory_space<hbm>>) target(%dma_start3A_219 : memref<16x64xf32, #tpu.memory_space<vmem>>) offsets(%get3A_213 : vector<16xi32>) semaphore(%dma_start3A_224 : memref<!tpu.dma_semaphore, #tpu.memory_space<semaphore_mem>>)
    %get3A_225 = arith.constant 1 : i32
    %get3A_226 = arith.index_cast %get3A_225 : i32 to index
    %get3A_227 = arith.constant 96 : index
    %get3A_228 = tpu.vector_load %arg5[%get3A_226, %get3A_227] {strides = array<i32>} : memref<200x128xi32, #tpu.memory_space<vmem>>, vector<1x16xi32>,
    %get3A_229 = vector.shape_cast %get3A_228 : vector<1x16xi32> to vector<16xi32>
    %dma_start3A_230 = arith.constant 1 : i32
    %dma_start3A_231 = arith.constant 1 : i32
    %dma_start3A_232 = arith.constant 96 : i32
    %dma_start3A_233 = arith.constant 0 : i32
    %dma_start3A_234 = tpu.memref_slice %arg6[%dma_start3A_230, %dma_start3A_232, %dma_start3A_233] : memref<8x128x64xf32, #tpu.memory_space<vmem>> -> memref<1x16x64xf32, #tpu.memory_space<vmem>>
    %dma_start3A_235 = tpu.memref_squeeze %dma_start3A_234 : memref<1x16x64xf32, #tpu.memory_space<vmem>> -> memref<16x64xf32, #tpu.memory_space<vmem>>
    %dma_start3A_236 = arith.constant 0 : i32
    %dma_start3A_237 = arith.constant 0 : i32
    %dma_start3A_238 = tpu.memref_slice %arg3[%dma_start3A_236, %dma_start3A_237] : memref<1000000x64xf32, #tpu.memory_space<hbm>> -> memref<1000000x64xf32, #tpu.memory_space<hbm>>
    %dma_start3A_239 = tpu.memref_slice %arg7[%dma_start3A_231] : memref<8x!tpu.dma_semaphore, #tpu.memory_space<semaphore_mem>> -> memref<1x!tpu.dma_semaphore, #tpu.memory_space<semaphore_mem>>
    %dma_start3A_240 = tpu.memref_squeeze %dma_start3A_239 : memref<1x!tpu.dma_semaphore, #tpu.memory_space<semaphore_mem>> -> memref<!tpu.dma_semaphore, #tpu.memory_space<semaphore_mem>>
    tpu.enqueue_indirect_dma source(%dma_start3A_238 : memref<1000000x64xf32, #tpu.memory_space<hbm>>) target(%dma_start3A_235 : memref<16x64xf32, #tpu.memory_space<vmem>>) offsets(%get3A_229 : vector<16xi32>) semaphore(%dma_start3A_240 : memref<!tpu.dma_semaphore, #tpu.memory_space<semaphore_mem>>)
    %get3A_241 = arith.constant 1 : i32
    %get3A_242 = arith.index_cast %get3A_241 : i32 to index
    %get3A_243 = arith.constant 112 : index
    %get3A_244 = tpu.vector_load %arg5[%get3A_242, %get3A_243] {strides = array<i32>} : memref<200x128xi32, #tpu.memory_space<vmem>>, vector<1x16xi32>,
    %get3A_245 = vector.shape_cast %get3A_244 : vector<1x16xi32> to vector<16xi32>
    %dma_start3A_246 = arith.constant 1 : i32
    %dma_start3A_247 = arith.constant 1 : i32
    %dma_start3A_248 = arith.constant 112 : i32
    %dma_start3A_249 = arith.constant 0 : i32
    %dma_start3A_250 = tpu.memref_slice %arg6[%dma_start3A_246, %dma_start3A_248, %dma_start3A_249] : memref<8x128x64xf32, #tpu.memory_space<vmem>> -> memref<1x16x64xf32, #tpu.memory_space<vmem>>
    %dma_start3A_251 = tpu.memref_squeeze %dma_start3A_250 : memref<1x16x64xf32, #tpu.memory_space<vmem>> -> memref<16x64xf32, #tpu.memory_space<vmem>>
    %dma_start3A_252 = arith.constant 0 : i32
    %dma_start3A_253 = arith.constant 0 : i32
    %dma_start3A_254 = tpu.memref_slice %arg3[%dma_start3A_252, %dma_start3A_253] : memref<1000000x64xf32, #tpu.memory_space<hbm>> -> memref<1000000x64xf32, #tpu.memory_space<hbm>>
    %dma_start3A_255 = tpu.memref_slice %arg7[%dma_start3A_247] : memref<8x!tpu.dma_semaphore, #tpu.memory_space<semaphore_mem>> -> memref<1x!tpu.dma_semaphore, #tpu.memory_space<semaphore_mem>>
    %dma_start3A_256 = tpu.memref_squeeze %dma_start3A_255 : memref<1x!tpu.dma_semaphore, #tpu.memory_space<semaphore_mem>> -> memref<!tpu.dma_semaphore, #tpu.memory_space<semaphore_mem>>
    tpu.enqueue_indirect_dma source(%dma_start3A_254 : memref<1000000x64xf32, #tpu.memory_space<hbm>>) target(%dma_start3A_251 : memref<16x64xf32, #tpu.memory_space<vmem>>) offsets(%get3A_245 : vector<16xi32>) semaphore(%dma_start3A_256 : memref<!tpu.dma_semaphore, #tpu.memory_space<semaphore_mem>>)
    %get3A_257 = arith.constant 2 : i32
    %get3A_258 = arith.index_cast %get3A_257 : i32 to index
    %get3A_259 = arith.constant 0 : index
    %get3A_260 = tpu.vector_load %arg5[%get3A_258, %get3A_259] {strides = array<i32>} : memref<200x128xi32, #tpu.memory_space<vmem>>, vector<1x16xi32>,
    %get3A_261 = vector.shape_cast %get3A_260 : vector<1x16xi32> to vector<16xi32>
    %dma_start3A_262 = arith.constant 2 : i32
    %dma_start3A_263 = arith.constant 2 : i32
    %dma_start3A_264 = arith.constant 0 : i32
    %dma_start3A_265 = arith.constant 0 : i32
    %dma_start3A_266 = tpu.memref_slice %arg6[%dma_start3A_262, %dma_start3A_264, %dma_start3A_265] : memref<8x128x64xf32, #tpu.memory_space<vmem>> -> memref<1x16x64xf32, #tpu.memory_space<vmem>>
    %dma_start3A_267 = tpu.memref_squeeze %dma_start3A_266 : memref<1x16x64xf32, #tpu.memory_space<vmem>> -> memref<16x64xf32, #tpu.memory_space<vmem>>
    %dma_start3A_268 = arith.constant 0 : i32
    %dma_start3A_269 = arith.constant 0 : i32
    %dma_start3A_270 = tpu.memref_slice %arg3[%dma_start3A_268, %dma_start3A_269] : memref<1000000x64xf32, #tpu.memory_space<hbm>> -> memref<1000000x64xf32, #tpu.memory_space<hbm>>
    %dma_start3A_271 = tpu.memref_slice %arg7[%dma_start3A_263] : memref<8x!tpu.dma_semaphore, #tpu.memory_space<semaphore_mem>> -> memref<1x!tpu.dma_semaphore, #tpu.memory_space<semaphore_mem>>
    %dma_start3A_272 = tpu.memref_squeeze %dma_start3A_271 : memref<1x!tpu.dma_semaphore, #tpu.memory_space<semaphore_mem>> -> memref<!tpu.dma_semaphore, #tpu.memory_space<semaphore_mem>>
    tpu.enqueue_indirect_dma source(%dma_start3A_270 : memref<1000000x64xf32, #tpu.memory_space<hbm>>) target(%dma_start3A_267 : memref<16x64xf32, #tpu.memory_space<vmem>>) offsets(%get3A_261 : vector<16xi32>) semaphore(%dma_start3A_272 : memref<!tpu.dma_semaphore, #tpu.memory_space<semaphore_mem>>)
    %get3A_273 = arith.constant 2 : i32
    %get3A_274 = arith.index_cast %get3A_273 : i32 to index
    %get3A_275 = arith.constant 16 : index
    %get3A_276 = tpu.vector_load %arg5[%get3A_274, %get3A_275] {strides = array<i32>} : memref<200x128xi32, #tpu.memory_space<vmem>>, vector<1x16xi32>,
    %get3A_277 = vector.shape_cast %get3A_276 : vector<1x16xi32> to vector<16xi32>
    %dma_start3A_278 = arith.constant 2 : i32
    %dma_start3A_279 = arith.constant 2 : i32
    %dma_start3A_280 = arith.constant 16 : i32
    %dma_start3A_281 = arith.constant 0 : i32
    %dma_start3A_282 = tpu.memref_slice %arg6[%dma_start3A_278, %dma_start3A_280, %dma_start3A_281] : memref<8x128x64xf32, #tpu.memory_space<vmem>> -> memref<1x16x64xf32, #tpu.memory_space<vmem>>
    %dma_start3A_283 = tpu.memref_squeeze %dma_start3A_282 : memref<1x16x64xf32, #tpu.memory_space<vmem>> -> memref<16x64xf32, #tpu.memory_space<vmem>>
    %dma_start3A_284 = arith.constant 0 : i32
    %dma_start3A_285 = arith.constant 0 : i32
    %dma_start3A_286 = tpu.memref_slice %arg3[%dma_start3A_284, %dma_start3A_285] : memref<1000000x64xf32, #tpu.memory_space<hbm>> -> memref<1000000x64xf32, #tpu.memory_space<hbm>>
    %dma_start3A_287 = tpu.memref_slice %arg7[%dma_start3A_279] : memref<8x!tpu.dma_semaphore, #tpu.memory_space<semaphore_mem>> -> memref<1x!tpu.dma_semaphore, #tpu.memory_space<semaphore_mem>>
    %dma_start3A_288 = tpu.memref_squeeze %dma_start3A_287 : memref<1x!tpu.dma_semaphore, #tpu.memory_space<semaphore_mem>> -> memref<!tpu.dma_semaphore, #tpu.memory_space<semaphore_mem>>
    tpu.enqueue_indirect_dma source(%dma_start3A_286 : memref<1000000x64xf32, #tpu.memory_space<hbm>>) target(%dma_start3A_283 : memref<16x64xf32, #tpu.memory_space<vmem>>) offsets(%get3A_277 : vector<16xi32>) semaphore(%dma_start3A_288 : memref<!tpu.dma_semaphore, #tpu.memory_space<semaphore_mem>>)
    %get3A_289 = arith.constant 2 : i32
    %get3A_290 = arith.index_cast %get3A_289 : i32 to index
    %get3A_291 = arith.constant 32 : index
    %get3A_292 = tpu.vector_load %arg5[%get3A_290, %get3A_291] {strides = array<i32>} : memref<200x128xi32, #tpu.memory_space<vmem>>, vector<1x16xi32>,
    %get3A_293 = vector.shape_cast %get3A_292 : vector<1x16xi32> to vector<16xi32>
    %dma_start3A_294 = arith.constant 2 : i32
    %dma_start3A_295 = arith.constant 2 : i32
    %dma_start3A_296 = arith.constant 32 : i32
    %dma_start3A_297 = arith.constant 0 : i32
    %dma_start3A_298 = tpu.memref_slice %arg6[%dma_start3A_294, %dma_start3A_296, %dma_start3A_297] : memref<8x128x64xf32, #tpu.memory_space<vmem>> -> memref<1x16x64xf32, #tpu.memory_space<vmem>>
    %dma_start3A_299 = tpu.memref_squeeze %dma_start3A_298 : memref<1x16x64xf32, #tpu.memory_space<vmem>> -> memref<16x64xf32, #tpu.memory_space<vmem>>
    %dma_start3A_300 = arith.constant 0 : i32
    %dma_start3A_301 = arith.constant 0 : i32
    %dma_start3A_302 = tpu.memref_slice %arg3[%dma_start3A_300, %dma_start3A_301] : memref<1000000x64xf32, #tpu.memory_space<hbm>> -> memref<1000000x64xf32, #tpu.memory_space<hbm>>
    %dma_start3A_303 = tpu.memref_slice %arg7[%dma_start3A_295] : memref<8x!tpu.dma_semaphore, #tpu.memory_space<semaphore_mem>> -> memref<1x!tpu.dma_semaphore, #tpu.memory_space<semaphore_mem>>
    %dma_start3A_304 = tpu.memref_squeeze %dma_start3A_303 : memref<1x!tpu.dma_semaphore, #tpu.memory_space<semaphore_mem>> -> memref<!tpu.dma_semaphore, #tpu.memory_space<semaphore_mem>>
    tpu.enqueue_indirect_dma source(%dma_start3A_302 : memref<1000000x64xf32, #tpu.memory_space<hbm>>) target(%dma_start3A_299 : memref<16x64xf32, #tpu.memory_space<vmem>>) offsets(%get3A_293 : vector<16xi32>) semaphore(%dma_start3A_304 : memref<!tpu.dma_semaphore, #tpu.memory_space<semaphore_mem>>)
    %get3A_305 = arith.constant 2 : i32
    %get3A_306 = arith.index_cast %get3A_305 : i32 to index
    %get3A_307 = arith.constant 48 : index
    %get3A_308 = tpu.vector_load %arg5[%get3A_306, %get3A_307] {strides = array<i32>} : memref<200x128xi32, #tpu.memory_space<vmem>>, vector<1x16xi32>,
    %get3A_309 = vector.shape_cast %get3A_308 : vector<1x16xi32> to vector<16xi32>
    %dma_start3A_310 = arith.constant 2 : i32
    %dma_start3A_311 = arith.constant 2 : i32
    %dma_start3A_312 = arith.constant 48 : i32
    %dma_start3A_313 = arith.constant 0 : i32
    %dma_start3A_314 = tpu.memref_slice %arg6[%dma_start3A_310, %dma_start3A_312, %dma_start3A_313] : memref<8x128x64xf32, #tpu.memory_space<vmem>> -> memref<1x16x64xf32, #tpu.memory_space<vmem>>
    %dma_start3A_315 = tpu.memref_squeeze %dma_start3A_314 : memref<1x16x64xf32, #tpu.memory_space<vmem>> -> memref<16x64xf32, #tpu.memory_space<vmem>>
    %dma_start3A_316 = arith.constant 0 : i32
    %dma_start3A_317 = arith.constant 0 : i32
    %dma_start3A_318 = tpu.memref_slice %arg3[%dma_start3A_316, %dma_start3A_317] : memref<1000000x64xf32, #tpu.memory_space<hbm>> -> memref<1000000x64xf32, #tpu.memory_space<hbm>>
    %dma_start3A_319 = tpu.memref_slice %arg7[%dma_start3A_311] : memref<8x!tpu.dma_semaphore, #tpu.memory_space<semaphore_mem>> -> memref<1x!tpu.dma_semaphore, #tpu.memory_space<semaphore_mem>>
    %dma_start3A_320 = tpu.memref_squeeze %dma_start3A_319 : memref<1x!tpu.dma_semaphore, #tpu.memory_space<semaphore_mem>> -> memref<!tpu.dma_semaphore, #tpu.memory_space<semaphore_mem>>
    tpu.enqueue_indirect_dma source(%dma_start3A_318 : memref<1000000x64xf32, #tpu.memory_space<hbm>>) target(%dma_start3A_315 : memref<16x64xf32, #tpu.memory_space<vmem>>) offsets(%get3A_309 : vector<16xi32>) semaphore(%dma_start3A_320 : memref<!tpu.dma_semaphore, #tpu.memory_space<semaphore_mem>>)
    %get3A_321 = arith.constant 2 : i32
    %get3A_322 = arith.index_cast %get3A_321 : i32 to index
    %get3A_323 = arith.constant 64 : index
    %get3A_324 = tpu.vector_load %arg5[%get3A_322, %get3A_323] {strides = array<i32>} : memref<200x128xi32, #tpu.memory_space<vmem>>, vector<1x16xi32>,
    %get3A_325 = vector.shape_cast %get3A_324 : vector<1x16xi32> to vector<16xi32>
    %dma_start3A_326 = arith.constant 2 : i32
    %dma_start3A_327 = arith.constant 2 : i32
    %dma_start3A_328 = arith.constant 64 : i32
    %dma_start3A_329 = arith.constant 0 : i32
    %dma_start3A_330 = tpu.memref_slice %arg6[%dma_start3A_326, %dma_start3A_328, %dma_start3A_329] : memref<8x128x64xf32, #tpu.memory_space<vmem>> -> memref<1x16x64xf32, #tpu.memory_space<vmem>>
    %dma_start3A_331 = tpu.memref_squeeze %dma_start3A_330 : memref<1x16x64xf32, #tpu.memory_space<vmem>> -> memref<16x64xf32, #tpu.memory_space<vmem>>
    %dma_start3A_332 = arith.constant 0 : i32
    %dma_start3A_333 = arith.constant 0 : i32
    %dma_start3A_334 = tpu.memref_slice %arg3[%dma_start3A_332, %dma_start3A_333] : memref<1000000x64xf32, #tpu.memory_space<hbm>> -> memref<1000000x64xf32, #tpu.memory_space<hbm>>
    %dma_start3A_335 = tpu.memref_slice %arg7[%dma_start3A_327] : memref<8x!tpu.dma_semaphore, #tpu.memory_space<semaphore_mem>> -> memref<1x!tpu.dma_semaphore, #tpu.memory_space<semaphore_mem>>
    %dma_start3A_336 = tpu.memref_squeeze %dma_start3A_335 : memref<1x!tpu.dma_semaphore, #tpu.memory_space<semaphore_mem>> -> memref<!tpu.dma_semaphore, #tpu.memory_space<semaphore_mem>>
    tpu.enqueue_indirect_dma source(%dma_start3A_334 : memref<1000000x64xf32, #tpu.memory_space<hbm>>) target(%dma_start3A_331 : memref<16x64xf32, #tpu.memory_space<vmem>>) offsets(%get3A_325 : vector<16xi32>) semaphore(%dma_start3A_336 : memref<!tpu.dma_semaphore, #tpu.memory_space<semaphore_mem>>)
    %get3A_337 = arith.constant 2 : i32
    %get3A_338 = arith.index_cast %get3A_337 : i32 to index
    %get3A_339 = arith.constant 80 : index
    %get3A_340 = tpu.vector_load %arg5[%get3A_338, %get3A_339] {strides = array<i32>} : memref<200x128xi32, #tpu.memory_space<vmem>>, vector<1x16xi32>,
    %get3A_341 = vector.shape_cast %get3A_340 : vector<1x16xi32> to vector<16xi32>
    %dma_start3A_342 = arith.constant 2 : i32
    %dma_start3A_343 = arith.constant 2 : i32
    %dma_start3A_344 = arith.constant 80 : i32
    %dma_start3A_345 = arith.constant 0 : i32
    %dma_start3A_346 = tpu.memref_slice %arg6[%dma_start3A_342, %dma_start3A_344, %dma_start3A_345] : memref<8x128x64xf32, #tpu.memory_space<vmem>> -> memref<1x16x64xf32, #tpu.memory_space<vmem>>
    %dma_start3A_347 = tpu.memref_squeeze %dma_start3A_346 : memref<1x16x64xf32, #tpu.memory_space<vmem>> -> memref<16x64xf32, #tpu.memory_space<vmem>>
    %dma_start3A_348 = arith.constant 0 : i32
    %dma_start3A_349 = arith.constant 0 : i32
    %dma_start3A_350 = tpu.memref_slice %arg3[%dma_start3A_348, %dma_start3A_349] : memref<1000000x64xf32, #tpu.memory_space<hbm>> -> memref<1000000x64xf32, #tpu.memory_space<hbm>>
    %dma_start3A_351 = tpu.memref_slice %arg7[%dma_start3A_343] : memref<8x!tpu.dma_semaphore, #tpu.memory_space<semaphore_mem>> -> memref<1x!tpu.dma_semaphore, #tpu.memory_space<semaphore_mem>>
    %dma_start3A_352 = tpu.memref_squeeze %dma_start3A_351 : memref<1x!tpu.dma_semaphore, #tpu.memory_space<semaphore_mem>> -> memref<!tpu.dma_semaphore, #tpu.memory_space<semaphore_mem>>
    tpu.enqueue_indirect_dma source(%dma_start3A_350 : memref<1000000x64xf32, #tpu.memory_space<hbm>>) target(%dma_start3A_347 : memref<16x64xf32, #tpu.memory_space<vmem>>) offsets(%get3A_341 : vector<16xi32>) semaphore(%dma_start3A_352 : memref<!tpu.dma_semaphore, #tpu.memory_space<semaphore_mem>>)
    %get3A_353 = arith.constant 2 : i32
    %get3A_354 = arith.index_cast %get3A_353 : i32 to index
    %get3A_355 = arith.constant 96 : index
    %get3A_356 = tpu.vector_load %arg5[%get3A_354, %get3A_355] {strides = array<i32>} : memref<200x128xi32, #tpu.memory_space<vmem>>, vector<1x16xi32>,
    %get3A_357 = vector.shape_cast %get3A_356 : vector<1x16xi32> to vector<16xi32>
    %dma_start3A_358 = arith.constant 2 : i32
    %dma_start3A_359 = arith.constant 2 : i32
    %dma_start3A_360 = arith.constant 96 : i32
    %dma_start3A_361 = arith.constant 0 : i32
    %dma_start3A_362 = tpu.memref_slice %arg6[%dma_start3A_358, %dma_start3A_360, %dma_start3A_361] : memref<8x128x64xf32, #tpu.memory_space<vmem>> -> memref<1x16x64xf32, #tpu.memory_space<vmem>>
    %dma_start3A_363 = tpu.memref_squeeze %dma_start3A_362 : memref<1x16x64xf32, #tpu.memory_space<vmem>> -> memref<16x64xf32, #tpu.memory_space<vmem>>
    %dma_start3A_364 = arith.constant 0 : i32
    %dma_start3A_365 = arith.constant 0 : i32
    %dma_start3A_366 = tpu.memref_slice %arg3[%dma_start3A_364, %dma_start3A_365] : memref<1000000x64xf32, #tpu.memory_space<hbm>> -> memref<1000000x64xf32, #tpu.memory_space<hbm>>
    %dma_start3A_367 = tpu.memref_slice %arg7[%dma_start3A_359] : memref<8x!tpu.dma_semaphore, #tpu.memory_space<semaphore_mem>> -> memref<1x!tpu.dma_semaphore, #tpu.memory_space<semaphore_mem>>
    %dma_start3A_368 = tpu.memref_squeeze %dma_start3A_367 : memref<1x!tpu.dma_semaphore, #tpu.memory_space<semaphore_mem>> -> memref<!tpu.dma_semaphore, #tpu.memory_space<semaphore_mem>>
    tpu.enqueue_indirect_dma source(%dma_start3A_366 : memref<1000000x64xf32, #tpu.memory_space<hbm>>) target(%dma_start3A_363 : memref<16x64xf32, #tpu.memory_space<vmem>>) offsets(%get3A_357 : vector<16xi32>) semaphore(%dma_start3A_368 : memref<!tpu.dma_semaphore, #tpu.memory_space<semaphore_mem>>)
    %get3A_369 = arith.constant 2 : i32
    %get3A_370 = arith.index_cast %get3A_369 : i32 to index
    %get3A_371 = arith.constant 112 : index
    %get3A_372 = tpu.vector_load %arg5[%get3A_370, %get3A_371] {strides = array<i32>} : memref<200x128xi32, #tpu.memory_space<vmem>>, vector<1x16xi32>,
    %get3A_373 = vector.shape_cast %get3A_372 : vector<1x16xi32> to vector<16xi32>
    %dma_start3A_374 = arith.constant 2 : i32
    %dma_start3A_375 = arith.constant 2 : i32
    %dma_start3A_376 = arith.constant 112 : i32
    %dma_start3A_377 = arith.constant 0 : i32
    %dma_start3A_378 = tpu.memref_slice %arg6[%dma_start3A_374, %dma_start3A_376, %dma_start3A_377] : memref<8x128x64xf32, #tpu.memory_space<vmem>> -> memref<1x16x64xf32, #tpu.memory_space<vmem>>
    %dma_start3A_379 = tpu.memref_squeeze %dma_start3A_378 : memref<1x16x64xf32, #tpu.memory_space<vmem>> -> memref<16x64xf32, #tpu.memory_space<vmem>>
    %dma_start3A_380 = arith.constant 0 : i32
    %dma_start3A_381 = arith.constant 0 : i32
    %dma_start3A_382 = tpu.memref_slice %arg3[%dma_start3A_380, %dma_start3A_381] : memref<1000000x64xf32, #tpu.memory_space<hbm>> -> memref<1000000x64xf32, #tpu.memory_space<hbm>>
    %dma_start3A_383 = tpu.memref_slice %arg7[%dma_start3A_375] : memref<8x!tpu.dma_semaphore, #tpu.memory_space<semaphore_mem>> -> memref<1x!tpu.dma_semaphore, #tpu.memory_space<semaphore_mem>>
    %dma_start3A_384 = tpu.memref_squeeze %dma_start3A_383 : memref<1x!tpu.dma_semaphore, #tpu.memory_space<semaphore_mem>> -> memref<!tpu.dma_semaphore, #tpu.memory_space<semaphore_mem>>
    tpu.enqueue_indirect_dma source(%dma_start3A_382 : memref<1000000x64xf32, #tpu.memory_space<hbm>>) target(%dma_start3A_379 : memref<16x64xf32, #tpu.memory_space<vmem>>) offsets(%get3A_373 : vector<16xi32>) semaphore(%dma_start3A_384 : memref<!tpu.dma_semaphore, #tpu.memory_space<semaphore_mem>>)
    %get3A_385 = arith.constant 3 : i32
    %get3A_386 = arith.index_cast %get3A_385 : i32 to index
    %get3A_387 = arith.constant 0 : index
    %get3A_388 = tpu.vector_load %arg5[%get3A_386, %get3A_387] {strides = array<i32>} : memref<200x128xi32, #tpu.memory_space<vmem>>, vector<1x16xi32>,
    %get3A_389 = vector.shape_cast %get3A_388 : vector<1x16xi32> to vector<16xi32>
    %dma_start3A_390 = arith.constant 3 : i32
    %dma_start3A_391 = arith.constant 3 : i32
    %dma_start3A_392 = arith.constant 0 : i32
    %dma_start3A_393 = arith.constant 0 : i32
    %dma_start3A_394 = tpu.memref_slice %arg6[%dma_start3A_390, %dma_start3A_392, %dma_start3A_393] : memref<8x128x64xf32, #tpu.memory_space<vmem>> -> memref<1x16x64xf32, #tpu.memory_space<vmem>>
    %dma_start3A_395 = tpu.memref_squeeze %dma_start3A_394 : memref<1x16x64xf32, #tpu.memory_space<vmem>> -> memref<16x64xf32, #tpu.memory_space<vmem>>
    %dma_start3A_396 = arith.constant 0 : i32
    %dma_start3A_397 = arith.constant 0 : i32
    %dma_start3A_398 = tpu.memref_slice %arg3[%dma_start3A_396, %dma_start3A_397] : memref<1000000x64xf32, #tpu.memory_space<hbm>> -> memref<1000000x64xf32, #tpu.memory_space<hbm>>
    %dma_start3A_399 = tpu.memref_slice %arg7[%dma_start3A_391] : memref<8x!tpu.dma_semaphore, #tpu.memory_space<semaphore_mem>> -> memref<1x!tpu.dma_semaphore, #tpu.memory_space<semaphore_mem>>
    %dma_start3A_400 = tpu.memref_squeeze %dma_start3A_399 : memref<1x!tpu.dma_semaphore, #tpu.memory_space<semaphore_mem>> -> memref<!tpu.dma_semaphore, #tpu.memory_space<semaphore_mem>>
    tpu.enqueue_indirect_dma source(%dma_start3A_398 : memref<1000000x64xf32, #tpu.memory_space<hbm>>) target(%dma_start3A_395 : memref<16x64xf32, #tpu.memory_space<vmem>>) offsets(%get3A_389 : vector<16xi32>) semaphore(%dma_start3A_400 : memref<!tpu.dma_semaphore, #tpu.memory_space<semaphore_mem>>)
    %get3A_401 = arith.constant 3 : i32
    %get3A_402 = arith.index_cast %get3A_401 : i32 to index
    %get3A_403 = arith.constant 16 : index
    %get3A_404 = tpu.vector_load %arg5[%get3A_402, %get3A_403] {strides = array<i32>} : memref<200x128xi32, #tpu.memory_space<vmem>>, vector<1x16xi32>,
    %get3A_405 = vector.shape_cast %get3A_404 : vector<1x16xi32> to vector<16xi32>
    %dma_start3A_406 = arith.constant 3 : i32
    %dma_start3A_407 = arith.constant 3 : i32
    %dma_start3A_408 = arith.constant 16 : i32
    %dma_start3A_409 = arith.constant 0 : i32
    %dma_start3A_410 = tpu.memref_slice %arg6[%dma_start3A_406, %dma_start3A_408, %dma_start3A_409] : memref<8x128x64xf32, #tpu.memory_space<vmem>> -> memref<1x16x64xf32, #tpu.memory_space<vmem>>
    %dma_start3A_411 = tpu.memref_squeeze %dma_start3A_410 : memref<1x16x64xf32, #tpu.memory_space<vmem>> -> memref<16x64xf32, #tpu.memory_space<vmem>>
    %dma_start3A_412 = arith.constant 0 : i32
    %dma_start3A_413 = arith.constant 0 : i32
    %dma_start3A_414 = tpu.memref_slice %arg3[%dma_start3A_412, %dma_start3A_413] : memref<1000000x64xf32, #tpu.memory_space<hbm>> -> memref<1000000x64xf32, #tpu.memory_space<hbm>>
    %dma_start3A_415 = tpu.memref_slice %arg7[%dma_start3A_407] : memref<8x!tpu.dma_semaphore, #tpu.memory_space<semaphore_mem>> -> memref<1x!tpu.dma_semaphore, #tpu.memory_space<semaphore_mem>>
    %dma_start3A_416 = tpu.memref_squeeze %dma_start3A_415 : memref<1x!tpu.dma_semaphore, #tpu.memory_space<semaphore_mem>> -> memref<!tpu.dma_semaphore, #tpu.memory_space<semaphore_mem>>
    tpu.enqueue_indirect_dma source(%dma_start3A_414 : memref<1000000x64xf32, #tpu.memory_space<hbm>>) target(%dma_start3A_411 : memref<16x64xf32, #tpu.memory_space<vmem>>) offsets(%get3A_405 : vector<16xi32>) semaphore(%dma_start3A_416 : memref<!tpu.dma_semaphore, #tpu.memory_space<semaphore_mem>>)
    %get3A_417 = arith.constant 3 : i32
    %get3A_418 = arith.index_cast %get3A_417 : i32 to index
    %get3A_419 = arith.constant 32 : index
    %get3A_420 = tpu.vector_load %arg5[%get3A_418, %get3A_419] {strides = array<i32>} : memref<200x128xi32, #tpu.memory_space<vmem>>, vector<1x16xi32>,
    %get3A_421 = vector.shape_cast %get3A_420 : vector<1x16xi32> to vector<16xi32>
    %dma_start3A_422 = arith.constant 3 : i32
    %dma_start3A_423 = arith.constant 3 : i32
    %dma_start3A_424 = arith.constant 32 : i32
    %dma_start3A_425 = arith.constant 0 : i32
    %dma_start3A_426 = tpu.memref_slice %arg6[%dma_start3A_422, %dma_start3A_424, %dma_start3A_425] : memref<8x128x64xf32, #tpu.memory_space<vmem>> -> memref<1x16x64xf32, #tpu.memory_space<vmem>>
    %dma_start3A_427 = tpu.memref_squeeze %dma_start3A_426 : memref<1x16x64xf32, #tpu.memory_space<vmem>> -> memref<16x64xf32, #tpu.memory_space<vmem>>
    %dma_start3A_428 = arith.constant 0 : i32
    %dma_start3A_429 = arith.constant 0 : i32
    %dma_start3A_430 = tpu.memref_slice %arg3[%dma_start3A_428, %dma_start3A_429] : memref<1000000x64xf32, #tpu.memory_space<hbm>> -> memref<1000000x64xf32, #tpu.memory_space<hbm>>
    %dma_start3A_431 = tpu.memref_slice %arg7[%dma_start3A_423] : memref<8x!tpu.dma_semaphore, #tpu.memory_space<semaphore_mem>> -> memref<1x!tpu.dma_semaphore, #tpu.memory_space<semaphore_mem>>
    %dma_start3A_432 = tpu.memref_squeeze %dma_start3A_431 : memref<1x!tpu.dma_semaphore, #tpu.memory_space<semaphore_mem>> -> memref<!tpu.dma_semaphore, #tpu.memory_space<semaphore_mem>>
    tpu.enqueue_indirect_dma source(%dma_start3A_430 : memref<1000000x64xf32, #tpu.memory_space<hbm>>) target(%dma_start3A_427 : memref<16x64xf32, #tpu.memory_space<vmem>>) offsets(%get3A_421 : vector<16xi32>) semaphore(%dma_start3A_432 : memref<!tpu.dma_semaphore, #tpu.memory_space<semaphore_mem>>)
    %get3A_433 = arith.constant 3 : i32
    %get3A_434 = arith.index_cast %get3A_433 : i32 to index
    %get3A_435 = arith.constant 48 : index
    %get3A_436 = tpu.vector_load %arg5[%get3A_434, %get3A_435] {strides = array<i32>} : memref<200x128xi32, #tpu.memory_space<vmem>>, vector<1x16xi32>,
    %get3A_437 = vector.shape_cast %get3A_436 : vector<1x16xi32> to vector<16xi32>
    %dma_start3A_438 = arith.constant 3 : i32
    %dma_start3A_439 = arith.constant 3 : i32
    %dma_start3A_440 = arith.constant 48 : i32
    %dma_start3A_441 = arith.constant 0 : i32
    %dma_start3A_442 = tpu.memref_slice %arg6[%dma_start3A_438, %dma_start3A_440, %dma_start3A_441] : memref<8x128x64xf32, #tpu.memory_space<vmem>> -> memref<1x16x64xf32, #tpu.memory_space<vmem>>
    %dma_start3A_443 = tpu.memref_squeeze %dma_start3A_442 : memref<1x16x64xf32, #tpu.memory_space<vmem>> -> memref<16x64xf32, #tpu.memory_space<vmem>>
    %dma_start3A_444 = arith.constant 0 : i32
    %dma_start3A_445 = arith.constant 0 : i32
    %dma_start3A_446 = tpu.memref_slice %arg3[%dma_start3A_444, %dma_start3A_445] : memref<1000000x64xf32, #tpu.memory_space<hbm>> -> memref<1000000x64xf32, #tpu.memory_space<hbm>>
    %dma_start3A_447 = tpu.memref_slice %arg7[%dma_start3A_439] : memref<8x!tpu.dma_semaphore, #tpu.memory_space<semaphore_mem>> -> memref<1x!tpu.dma_semaphore, #tpu.memory_space<semaphore_mem>>
    %dma_start3A_448 = tpu.memref_squeeze %dma_start3A_447 : memref<1x!tpu.dma_semaphore, #tpu.memory_space<semaphore_mem>> -> memref<!tpu.dma_semaphore, #tpu.memory_space<semaphore_mem>>
    tpu.enqueue_indirect_dma source(%dma_start3A_446 : memref<1000000x64xf32, #tpu.memory_space<hbm>>) target(%dma_start3A_443 : memref<16x64xf32, #tpu.memory_space<vmem>>) offsets(%get3A_437 : vector<16xi32>) semaphore(%dma_start3A_448 : memref<!tpu.dma_semaphore, #tpu.memory_space<semaphore_mem>>)
    %get3A_449 = arith.constant 3 : i32
    %get3A_450 = arith.index_cast %get3A_449 : i32 to index
    %get3A_451 = arith.constant 64 : index
    %get3A_452 = tpu.vector_load %arg5[%get3A_450, %get3A_451] {strides = array<i32>} : memref<200x128xi32, #tpu.memory_space<vmem>>, vector<1x16xi32>,
    %get3A_453 = vector.shape_cast %get3A_452 : vector<1x16xi32> to vector<16xi32>
    %dma_start3A_454 = arith.constant 3 : i32
    %dma_start3A_455 = arith.constant 3 : i32
    %dma_start3A_456 = arith.constant 64 : i32
    %dma_start3A_457 = arith.constant 0 : i32
    %dma_start3A_458 = tpu.memref_slice %arg6[%dma_start3A_454, %dma_start3A_456, %dma_start3A_457] : memref<8x128x64xf32, #tpu.memory_space<vmem>> -> memref<1x16x64xf32, #tpu.memory_space<vmem>>
    %dma_start3A_459 = tpu.memref_squeeze %dma_start3A_458 : memref<1x16x64xf32, #tpu.memory_space<vmem>> -> memref<16x64xf32, #tpu.memory_space<vmem>>
    %dma_start3A_460 = arith.constant 0 : i32
    %dma_start3A_461 = arith.constant 0 : i32
    %dma_start3A_462 = tpu.memref_slice %arg3[%dma_start3A_460, %dma_start3A_461] : memref<1000000x64xf32, #tpu.memory_space<hbm>> -> memref<1000000x64xf32, #tpu.memory_space<hbm>>
    %dma_start3A_463 = tpu.memref_slice %arg7[%dma_start3A_455] : memref<8x!tpu.dma_semaphore, #tpu.memory_space<semaphore_mem>> -> memref<1x!tpu.dma_semaphore, #tpu.memory_space<semaphore_mem>>
    %dma_start3A_464 = tpu.memref_squeeze %dma_start3A_463 : memref<1x!tpu.dma_semaphore, #tpu.memory_space<semaphore_mem>> -> memref<!tpu.dma_semaphore, #tpu.memory_space<semaphore_mem>>
    tpu.enqueue_indirect_dma source(%dma_start3A_462 : memref<1000000x64xf32, #tpu.memory_space<hbm>>) target(%dma_start3A_459 : memref<16x64xf32, #tpu.memory_space<vmem>>) offsets(%get3A_453 : vector<16xi32>) semaphore(%dma_start3A_464 : memref<!tpu.dma_semaphore, #tpu.memory_space<semaphore_mem>>)
    %get3A_465 = arith.constant 3 : i32
    %get3A_466 = arith.index_cast %get3A_465 : i32 to index
    %get3A_467 = arith.constant 80 : index
    %get3A_468 = tpu.vector_load %arg5[%get3A_466, %get3A_467] {strides = array<i32>} : memref<200x128xi32, #tpu.memory_space<vmem>>, vector<1x16xi32>,
    %get3A_469 = vector.shape_cast %get3A_468 : vector<1x16xi32> to vector<16xi32>
    %dma_start3A_470 = arith.constant 3 : i32
    %dma_start3A_471 = arith.constant 3 : i32
    %dma_start3A_472 = arith.constant 80 : i32
    %dma_start3A_473 = arith.constant 0 : i32
    %dma_start3A_474 = tpu.memref_slice %arg6[%dma_start3A_470, %dma_start3A_472, %dma_start3A_473] : memref<8x128x64xf32, #tpu.memory_space<vmem>> -> memref<1x16x64xf32, #tpu.memory_space<vmem>>
    %dma_start3A_475 = tpu.memref_squeeze %dma_start3A_474 : memref<1x16x64xf32, #tpu.memory_space<vmem>> -> memref<16x64xf32, #tpu.memory_space<vmem>>
    %dma_start3A_476 = arith.constant 0 : i32
    %dma_start3A_477 = arith.constant 0 : i32
    %dma_start3A_478 = tpu.memref_slice %arg3[%dma_start3A_476, %dma_start3A_477] : memref<1000000x64xf32, #tpu.memory_space<hbm>> -> memref<1000000x64xf32, #tpu.memory_space<hbm>>
    %dma_start3A_479 = tpu.memref_slice %arg7[%dma_start3A_471] : memref<8x!tpu.dma_semaphore, #tpu.memory_space<semaphore_mem>> -> memref<1x!tpu.dma_semaphore, #tpu.memory_space<semaphore_mem>>
    %dma_start3A_480 = tpu.memref_squeeze %dma_start3A_479 : memref<1x!tpu.dma_semaphore, #tpu.memory_space<semaphore_mem>> -> memref<!tpu.dma_semaphore, #tpu.memory_space<semaphore_mem>>
    tpu.enqueue_indirect_dma source(%dma_start3A_478 : memref<1000000x64xf32, #tpu.memory_space<hbm>>) target(%dma_start3A_475 : memref<16x64xf32, #tpu.memory_space<vmem>>) offsets(%get3A_469 : vector<16xi32>) semaphore(%dma_start3A_480 : memref<!tpu.dma_semaphore, #tpu.memory_space<semaphore_mem>>)
    %get3A_481 = arith.constant 3 : i32
    %get3A_482 = arith.index_cast %get3A_481 : i32 to index
    %get3A_483 = arith.constant 96 : index
    %get3A_484 = tpu.vector_load %arg5[%get3A_482, %get3A_483] {strides = array<i32>} : memref<200x128xi32, #tpu.memory_space<vmem>>, vector<1x16xi32>,
    %get3A_485 = vector.shape_cast %get3A_484 : vector<1x16xi32> to vector<16xi32>
    %dma_start3A_486 = arith.constant 3 : i32
    %dma_start3A_487 = arith.constant 3 : i32
    %dma_start3A_488 = arith.constant 96 : i32
    %dma_start3A_489 = arith.constant 0 : i32
    %dma_start3A_490 = tpu.memref_slice %arg6[%dma_start3A_486, %dma_start3A_488, %dma_start3A_489] : memref<8x128x64xf32, #tpu.memory_space<vmem>> -> memref<1x16x64xf32, #tpu.memory_space<vmem>>
    %dma_start3A_491 = tpu.memref_squeeze %dma_start3A_490 : memref<1x16x64xf32, #tpu.memory_space<vmem>> -> memref<16x64xf32, #tpu.memory_space<vmem>>
    %dma_start3A_492 = arith.constant 0 : i32
    %dma_start3A_493 = arith.constant 0 : i32
    %dma_start3A_494 = tpu.memref_slice %arg3[%dma_start3A_492, %dma_start3A_493] : memref<1000000x64xf32, #tpu.memory_space<hbm>> -> memref<1000000x64xf32, #tpu.memory_space<hbm>>
    %dma_start3A_495 = tpu.memref_slice %arg7[%dma_start3A_487] : memref<8x!tpu.dma_semaphore, #tpu.memory_space<semaphore_mem>> -> memref<1x!tpu.dma_semaphore, #tpu.memory_space<semaphore_mem>>
    %dma_start3A_496 = tpu.memref_squeeze %dma_start3A_495 : memref<1x!tpu.dma_semaphore, #tpu.memory_space<semaphore_mem>> -> memref<!tpu.dma_semaphore, #tpu.memory_space<semaphore_mem>>
    tpu.enqueue_indirect_dma source(%dma_start3A_494 : memref<1000000x64xf32, #tpu.memory_space<hbm>>) target(%dma_start3A_491 : memref<16x64xf32, #tpu.memory_space<vmem>>) offsets(%get3A_485 : vector<16xi32>) semaphore(%dma_start3A_496 : memref<!tpu.dma_semaphore, #tpu.memory_space<semaphore_mem>>)
    %get3A_497 = arith.constant 3 : i32
    %get3A_498 = arith.index_cast %get3A_497 : i32 to index
    %get3A_499 = arith.constant 112 : index
    %get3A_500 = tpu.vector_load %arg5[%get3A_498, %get3A_499] {strides = array<i32>} : memref<200x128xi32, #tpu.memory_space<vmem>>, vector<1x16xi32>,
    %get3A_501 = vector.shape_cast %get3A_500 : vector<1x16xi32> to vector<16xi32>
    %dma_start3A_502 = arith.constant 3 : i32
    %dma_start3A_503 = arith.constant 3 : i32
    %dma_start3A_504 = arith.constant 112 : i32
    %dma_start3A_505 = arith.constant 0 : i32
    %dma_start3A_506 = tpu.memref_slice %arg6[%dma_start3A_502, %dma_start3A_504, %dma_start3A_505] : memref<8x128x64xf32, #tpu.memory_space<vmem>> -> memref<1x16x64xf32, #tpu.memory_space<vmem>>
    %dma_start3A_507 = tpu.memref_squeeze %dma_start3A_506 : memref<1x16x64xf32, #tpu.memory_space<vmem>> -> memref<16x64xf32, #tpu.memory_space<vmem>>
    %dma_start3A_508 = arith.constant 0 : i32
    %dma_start3A_509 = arith.constant 0 : i32
    %dma_start3A_510 = tpu.memref_slice %arg3[%dma_start3A_508, %dma_start3A_509] : memref<1000000x64xf32, #tpu.memory_space<hbm>> -> memref<1000000x64xf32, #tpu.memory_space<hbm>>
    %dma_start3A_511 = tpu.memref_slice %arg7[%dma_start3A_503] : memref<8x!tpu.dma_semaphore, #tpu.memory_space<semaphore_mem>> -> memref<1x!tpu.dma_semaphore, #tpu.memory_space<semaphore_mem>>
    %dma_start3A_512 = tpu.memref_squeeze %dma_start3A_511 : memref<1x!tpu.dma_semaphore, #tpu.memory_space<semaphore_mem>> -> memref<!tpu.dma_semaphore, #tpu.memory_space<semaphore_mem>>
    tpu.enqueue_indirect_dma source(%dma_start3A_510 : memref<1000000x64xf32, #tpu.memory_space<hbm>>) target(%dma_start3A_507 : memref<16x64xf32, #tpu.memory_space<vmem>>) offsets(%get3A_501 : vector<16xi32>) semaphore(%dma_start3A_512 : memref<!tpu.dma_semaphore, #tpu.memory_space<semaphore_mem>>)
    %get3A_513 = arith.constant 4 : i32
    %get3A_514 = arith.index_cast %get3A_513 : i32 to index
    %get3A_515 = arith.constant 0 : index
    %get3A_516 = tpu.vector_load %arg5[%get3A_514, %get3A_515] {strides = array<i32>} : memref<200x128xi32, #tpu.memory_space<vmem>>, vector<1x16xi32>,
    %get3A_517 = vector.shape_cast %get3A_516 : vector<1x16xi32> to vector<16xi32>
    %dma_start3A_518 = arith.constant 4 : i32
    %dma_start3A_519 = arith.constant 4 : i32
    %dma_start3A_520 = arith.constant 0 : i32
    %dma_start3A_521 = arith.constant 0 : i32
    %dma_start3A_522 = tpu.memref_slice %arg6[%dma_start3A_518, %dma_start3A_520, %dma_start3A_521] : memref<8x128x64xf32, #tpu.memory_space<vmem>> -> memref<1x16x64xf32, #tpu.memory_space<vmem>>
    %dma_start3A_523 = tpu.memref_squeeze %dma_start3A_522 : memref<1x16x64xf32, #tpu.memory_space<vmem>> -> memref<16x64xf32, #tpu.memory_space<vmem>>
    %dma_start3A_524 = arith.constant 0 : i32
    %dma_start3A_525 = arith.constant 0 : i32
    %dma_start3A_526 = tpu.memref_slice %arg3[%dma_start3A_524, %dma_start3A_525] : memref<1000000x64xf32, #tpu.memory_space<hbm>> -> memref<1000000x64xf32, #tpu.memory_space<hbm>>
    %dma_start3A_527 = tpu.memref_slice %arg7[%dma_start3A_519] : memref<8x!tpu.dma_semaphore, #tpu.memory_space<semaphore_mem>> -> memref<1x!tpu.dma_semaphore, #tpu.memory_space<semaphore_mem>>
    %dma_start3A_528 = tpu.memref_squeeze %dma_start3A_527 : memref<1x!tpu.dma_semaphore, #tpu.memory_space<semaphore_mem>> -> memref<!tpu.dma_semaphore, #tpu.memory_space<semaphore_mem>>
    tpu.enqueue_indirect_dma source(%dma_start3A_526 : memref<1000000x64xf32, #tpu.memory_space<hbm>>) target(%dma_start3A_523 : memref<16x64xf32, #tpu.memory_space<vmem>>) offsets(%get3A_517 : vector<16xi32>) semaphore(%dma_start3A_528 : memref<!tpu.dma_semaphore, #tpu.memory_space<semaphore_mem>>)
    %get3A_529 = arith.constant 4 : i32
    %get3A_530 = arith.index_cast %get3A_529 : i32 to index
    %get3A_531 = arith.constant 16 : index
    %get3A_532 = tpu.vector_load %arg5[%get3A_530, %get3A_531] {strides = array<i32>} : memref<200x128xi32, #tpu.memory_space<vmem>>, vector<1x16xi32>,
    %get3A_533 = vector.shape_cast %get3A_532 : vector<1x16xi32> to vector<16xi32>
    %dma_start3A_534 = arith.constant 4 : i32
    %dma_start3A_535 = arith.constant 4 : i32
    %dma_start3A_536 = arith.constant 16 : i32
    %dma_start3A_537 = arith.constant 0 : i32
    %dma_start3A_538 = tpu.memref_slice %arg6[%dma_start3A_534, %dma_start3A_536, %dma_start3A_537] : memref<8x128x64xf32, #tpu.memory_space<vmem>> -> memref<1x16x64xf32, #tpu.memory_space<vmem>>
    %dma_start3A_539 = tpu.memref_squeeze %dma_start3A_538 : memref<1x16x64xf32, #tpu.memory_space<vmem>> -> memref<16x64xf32, #tpu.memory_space<vmem>>
    %dma_start3A_540 = arith.constant 0 : i32
    %dma_start3A_541 = arith.constant 0 : i32
    %dma_start3A_542 = tpu.memref_slice %arg3[%dma_start3A_540, %dma_start3A_541] : memref<1000000x64xf32, #tpu.memory_space<hbm>> -> memref<1000000x64xf32, #tpu.memory_space<hbm>>
    %dma_start3A_543 = tpu.memref_slice %arg7[%dma_start3A_535] : memref<8x!tpu.dma_semaphore, #tpu.memory_space<semaphore_mem>> -> memref<1x!tpu.dma_semaphore, #tpu.memory_space<semaphore_mem>>
    %dma_start3A_544 = tpu.memref_squeeze %dma_start3A_543 : memref<1x!tpu.dma_semaphore, #tpu.memory_space<semaphore_mem>> -> memref<!tpu.dma_semaphore, #tpu.memory_space<semaphore_mem>>
    tpu.enqueue_indirect_dma source(%dma_start3A_542 : memref<1000000x64xf32, #tpu.memory_space<hbm>>) target(%dma_start3A_539 : memref<16x64xf32, #tpu.memory_space<vmem>>) offsets(%get3A_533 : vector<16xi32>) semaphore(%dma_start3A_544 : memref<!tpu.dma_semaphore, #tpu.memory_space<semaphore_mem>>)
    %get3A_545 = arith.constant 4 : i32
    %get3A_546 = arith.index_cast %get3A_545 : i32 to index
    %get3A_547 = arith.constant 32 : index
    %get3A_548 = tpu.vector_load %arg5[%get3A_546, %get3A_547] {strides = array<i32>} : memref<200x128xi32, #tpu.memory_space<vmem>>, vector<1x16xi32>,
    %get3A_549 = vector.shape_cast %get3A_548 : vector<1x16xi32> to vector<16xi32>
    %dma_start3A_550 = arith.constant 4 : i32
    %dma_start3A_551 = arith.constant 4 : i32
    %dma_start3A_552 = arith.constant 32 : i32
    %dma_start3A_553 = arith.constant 0 : i32
    %dma_start3A_554 = tpu.memref_slice %arg6[%dma_start3A_550, %dma_start3A_552, %dma_start3A_553] : memref<8x128x64xf32, #tpu.memory_space<vmem>> -> memref<1x16x64xf32, #tpu.memory_space<vmem>>
    %dma_start3A_555 = tpu.memref_squeeze %dma_start3A_554 : memref<1x16x64xf32, #tpu.memory_space<vmem>> -> memref<16x64xf32, #tpu.memory_space<vmem>>
    %dma_start3A_556 = arith.constant 0 : i32
    %dma_start3A_557 = arith.constant 0 : i32
    %dma_start3A_558 = tpu.memref_slice %arg3[%dma_start3A_556, %dma_start3A_557] : memref<1000000x64xf32, #tpu.memory_space<hbm>> -> memref<1000000x64xf32, #tpu.memory_space<hbm>>
    %dma_start3A_559 = tpu.memref_slice %arg7[%dma_start3A_551] : memref<8x!tpu.dma_semaphore, #tpu.memory_space<semaphore_mem>> -> memref<1x!tpu.dma_semaphore, #tpu.memory_space<semaphore_mem>>
    %dma_start3A_560 = tpu.memref_squeeze %dma_start3A_559 : memref<1x!tpu.dma_semaphore, #tpu.memory_space<semaphore_mem>> -> memref<!tpu.dma_semaphore, #tpu.memory_space<semaphore_mem>>
    tpu.enqueue_indirect_dma source(%dma_start3A_558 : memref<1000000x64xf32, #tpu.memory_space<hbm>>) target(%dma_start3A_555 : memref<16x64xf32, #tpu.memory_space<vmem>>) offsets(%get3A_549 : vector<16xi32>) semaphore(%dma_start3A_560 : memref<!tpu.dma_semaphore, #tpu.memory_space<semaphore_mem>>)
    %get3A_561 = arith.constant 4 : i32
    %get3A_562 = arith.index_cast %get3A_561 : i32 to index
    %get3A_563 = arith.constant 48 : index
    %get3A_564 = tpu.vector_load %arg5[%get3A_562, %get3A_563] {strides = array<i32>} : memref<200x128xi32, #tpu.memory_space<vmem>>, vector<1x16xi32>,
    %get3A_565 = vector.shape_cast %get3A_564 : vector<1x16xi32> to vector<16xi32>
    %dma_start3A_566 = arith.constant 4 : i32
    %dma_start3A_567 = arith.constant 4 : i32
    %dma_start3A_568 = arith.constant 48 : i32
    %dma_start3A_569 = arith.constant 0 : i32
    %dma_start3A_570 = tpu.memref_slice %arg6[%dma_start3A_566, %dma_start3A_568, %dma_start3A_569] : memref<8x128x64xf32, #tpu.memory_space<vmem>> -> memref<1x16x64xf32, #tpu.memory_space<vmem>>
    %dma_start3A_571 = tpu.memref_squeeze %dma_start3A_570 : memref<1x16x64xf32, #tpu.memory_space<vmem>> -> memref<16x64xf32, #tpu.memory_space<vmem>>
    %dma_start3A_572 = arith.constant 0 : i32
    %dma_start3A_573 = arith.constant 0 : i32
    %dma_start3A_574 = tpu.memref_slice %arg3[%dma_start3A_572, %dma_start3A_573] : memref<1000000x64xf32, #tpu.memory_space<hbm>> -> memref<1000000x64xf32, #tpu.memory_space<hbm>>
    %dma_start3A_575 = tpu.memref_slice %arg7[%dma_start3A_567] : memref<8x!tpu.dma_semaphore, #tpu.memory_space<semaphore_mem>> -> memref<1x!tpu.dma_semaphore, #tpu.memory_space<semaphore_mem>>
    %dma_start3A_576 = tpu.memref_squeeze %dma_start3A_575 : memref<1x!tpu.dma_semaphore, #tpu.memory_space<semaphore_mem>> -> memref<!tpu.dma_semaphore, #tpu.memory_space<semaphore_mem>>
    tpu.enqueue_indirect_dma source(%dma_start3A_574 : memref<1000000x64xf32, #tpu.memory_space<hbm>>) target(%dma_start3A_571 : memref<16x64xf32, #tpu.memory_space<vmem>>) offsets(%get3A_565 : vector<16xi32>) semaphore(%dma_start3A_576 : memref<!tpu.dma_semaphore, #tpu.memory_space<semaphore_mem>>)
    %get3A_577 = arith.constant 4 : i32
    %get3A_578 = arith.index_cast %get3A_577 : i32 to index
    %get3A_579 = arith.constant 64 : index
    %get3A_580 = tpu.vector_load %arg5[%get3A_578, %get3A_579] {strides = array<i32>} : memref<200x128xi32, #tpu.memory_space<vmem>>, vector<1x16xi32>,
    %get3A_581 = vector.shape_cast %get3A_580 : vector<1x16xi32> to vector<16xi32>
    %dma_start3A_582 = arith.constant 4 : i32
    %dma_start3A_583 = arith.constant 4 : i32
    %dma_start3A_584 = arith.constant 64 : i32
    %dma_start3A_585 = arith.constant 0 : i32
    %dma_start3A_586 = tpu.memref_slice %arg6[%dma_start3A_582, %dma_start3A_584, %dma_start3A_585] : memref<8x128x64xf32, #tpu.memory_space<vmem>> -> memref<1x16x64xf32, #tpu.memory_space<vmem>>
    %dma_start3A_587 = tpu.memref_squeeze %dma_start3A_586 : memref<1x16x64xf32, #tpu.memory_space<vmem>> -> memref<16x64xf32, #tpu.memory_space<vmem>>
    %dma_start3A_588 = arith.constant 0 : i32
    %dma_start3A_589 = arith.constant 0 : i32
    %dma_start3A_590 = tpu.memref_slice %arg3[%dma_start3A_588, %dma_start3A_589] : memref<1000000x64xf32, #tpu.memory_space<hbm>> -> memref<1000000x64xf32, #tpu.memory_space<hbm>>
    %dma_start3A_591 = tpu.memref_slice %arg7[%dma_start3A_583] : memref<8x!tpu.dma_semaphore, #tpu.memory_space<semaphore_mem>> -> memref<1x!tpu.dma_semaphore, #tpu.memory_space<semaphore_mem>>
    %dma_start3A_592 = tpu.memref_squeeze %dma_start3A_591 : memref<1x!tpu.dma_semaphore, #tpu.memory_space<semaphore_mem>> -> memref<!tpu.dma_semaphore, #tpu.memory_space<semaphore_mem>>
    tpu.enqueue_indirect_dma source(%dma_start3A_590 : memref<1000000x64xf32, #tpu.memory_space<hbm>>) target(%dma_start3A_587 : memref<16x64xf32, #tpu.memory_space<vmem>>) offsets(%get3A_581 : vector<16xi32>) semaphore(%dma_start3A_592 : memref<!tpu.dma_semaphore, #tpu.memory_space<semaphore_mem>>)
    %get3A_593 = arith.constant 4 : i32
    %get3A_594 = arith.index_cast %get3A_593 : i32 to index
    %get3A_595 = arith.constant 80 : index
    %get3A_596 = tpu.vector_load %arg5[%get3A_594, %get3A_595] {strides = array<i32>} : memref<200x128xi32, #tpu.memory_space<vmem>>, vector<1x16xi32>,
    %get3A_597 = vector.shape_cast %get3A_596 : vector<1x16xi32> to vector<16xi32>
    %dma_start3A_598 = arith.constant 4 : i32
    %dma_start3A_599 = arith.constant 4 : i32
    %dma_start3A_600 = arith.constant 80 : i32
    %dma_start3A_601 = arith.constant 0 : i32
    %dma_start3A_602 = tpu.memref_slice %arg6[%dma_start3A_598, %dma_start3A_600, %dma_start3A_601] : memref<8x128x64xf32, #tpu.memory_space<vmem>> -> memref<1x16x64xf32, #tpu.memory_space<vmem>>
    %dma_start3A_603 = tpu.memref_squeeze %dma_start3A_602 : memref<1x16x64xf32, #tpu.memory_space<vmem>> -> memref<16x64xf32, #tpu.memory_space<vmem>>
    %dma_start3A_604 = arith.constant 0 : i32
    %dma_start3A_605 = arith.constant 0 : i32
    %dma_start3A_606 = tpu.memref_slice %arg3[%dma_start3A_604, %dma_start3A_605] : memref<1000000x64xf32, #tpu.memory_space<hbm>> -> memref<1000000x64xf32, #tpu.memory_space<hbm>>
    %dma_start3A_607 = tpu.memref_slice %arg7[%dma_start3A_599] : memref<8x!tpu.dma_semaphore, #tpu.memory_space<semaphore_mem>> -> memref<1x!tpu.dma_semaphore, #tpu.memory_space<semaphore_mem>>
    %dma_start3A_608 = tpu.memref_squeeze %dma_start3A_607 : memref<1x!tpu.dma_semaphore, #tpu.memory_space<semaphore_mem>> -> memref<!tpu.dma_semaphore, #tpu.memory_space<semaphore_mem>>
    tpu.enqueue_indirect_dma source(%dma_start3A_606 : memref<1000000x64xf32, #tpu.memory_space<hbm>>) target(%dma_start3A_603 : memref<16x64xf32, #tpu.memory_space<vmem>>) offsets(%get3A_597 : vector<16xi32>) semaphore(%dma_start3A_608 : memref<!tpu.dma_semaphore, #tpu.memory_space<semaphore_mem>>)
    %get3A_609 = arith.constant 4 : i32
    %get3A_610 = arith.index_cast %get3A_609 : i32 to index
    %get3A_611 = arith.constant 96 : index
    %get3A_612 = tpu.vector_load %arg5[%get3A_610, %get3A_611] {strides = array<i32>} : memref<200x128xi32, #tpu.memory_space<vmem>>, vector<1x16xi32>,
    %get3A_613 = vector.shape_cast %get3A_612 : vector<1x16xi32> to vector<16xi32>
    %dma_start3A_614 = arith.constant 4 : i32
    %dma_start3A_615 = arith.constant 4 : i32
    %dma_start3A_616 = arith.constant 96 : i32
    %dma_start3A_617 = arith.constant 0 : i32
    %dma_start3A_618 = tpu.memref_slice %arg6[%dma_start3A_614, %dma_start3A_616, %dma_start3A_617] : memref<8x128x64xf32, #tpu.memory_space<vmem>> -> memref<1x16x64xf32, #tpu.memory_space<vmem>>
    %dma_start3A_619 = tpu.memref_squeeze %dma_start3A_618 : memref<1x16x64xf32, #tpu.memory_space<vmem>> -> memref<16x64xf32, #tpu.memory_space<vmem>>
    %dma_start3A_620 = arith.constant 0 : i32
    %dma_start3A_621 = arith.constant 0 : i32
    %dma_start3A_622 = tpu.memref_slice %arg3[%dma_start3A_620, %dma_start3A_621] : memref<1000000x64xf32, #tpu.memory_space<hbm>> -> memref<1000000x64xf32, #tpu.memory_space<hbm>>
    %dma_start3A_623 = tpu.memref_slice %arg7[%dma_start3A_615] : memref<8x!tpu.dma_semaphore, #tpu.memory_space<semaphore_mem>> -> memref<1x!tpu.dma_semaphore, #tpu.memory_space<semaphore_mem>>
    %dma_start3A_624 = tpu.memref_squeeze %dma_start3A_623 : memref<1x!tpu.dma_semaphore, #tpu.memory_space<semaphore_mem>> -> memref<!tpu.dma_semaphore, #tpu.memory_space<semaphore_mem>>
    tpu.enqueue_indirect_dma source(%dma_start3A_622 : memref<1000000x64xf32, #tpu.memory_space<hbm>>) target(%dma_start3A_619 : memref<16x64xf32, #tpu.memory_space<vmem>>) offsets(%get3A_613 : vector<16xi32>) semaphore(%dma_start3A_624 : memref<!tpu.dma_semaphore, #tpu.memory_space<semaphore_mem>>)
    %get3A_625 = arith.constant 4 : i32
    %get3A_626 = arith.index_cast %get3A_625 : i32 to index
    %get3A_627 = arith.constant 112 : index
    %get3A_628 = tpu.vector_load %arg5[%get3A_626, %get3A_627] {strides = array<i32>} : memref<200x128xi32, #tpu.memory_space<vmem>>, vector<1x16xi32>,
    %get3A_629 = vector.shape_cast %get3A_628 : vector<1x16xi32> to vector<16xi32>
    %dma_start3A_630 = arith.constant 4 : i32
    %dma_start3A_631 = arith.constant 4 : i32
    %dma_start3A_632 = arith.constant 112 : i32
    %dma_start3A_633 = arith.constant 0 : i32
    %dma_start3A_634 = tpu.memref_slice %arg6[%dma_start3A_630, %dma_start3A_632, %dma_start3A_633] : memref<8x128x64xf32, #tpu.memory_space<vmem>> -> memref<1x16x64xf32, #tpu.memory_space<vmem>>
    %dma_start3A_635 = tpu.memref_squeeze %dma_start3A_634 : memref<1x16x64xf32, #tpu.memory_space<vmem>> -> memref<16x64xf32, #tpu.memory_space<vmem>>
    %dma_start3A_636 = arith.constant 0 : i32
    %dma_start3A_637 = arith.constant 0 : i32
    %dma_start3A_638 = tpu.memref_slice %arg3[%dma_start3A_636, %dma_start3A_637] : memref<1000000x64xf32, #tpu.memory_space<hbm>> -> memref<1000000x64xf32, #tpu.memory_space<hbm>>
    %dma_start3A_639 = tpu.memref_slice %arg7[%dma_start3A_631] : memref<8x!tpu.dma_semaphore, #tpu.memory_space<semaphore_mem>> -> memref<1x!tpu.dma_semaphore, #tpu.memory_space<semaphore_mem>>
    %dma_start3A_640 = tpu.memref_squeeze %dma_start3A_639 : memref<1x!tpu.dma_semaphore, #tpu.memory_space<semaphore_mem>> -> memref<!tpu.dma_semaphore, #tpu.memory_space<semaphore_mem>>
    tpu.enqueue_indirect_dma source(%dma_start3A_638 : memref<1000000x64xf32, #tpu.memory_space<hbm>>) target(%dma_start3A_635 : memref<16x64xf32, #tpu.memory_space<vmem>>) offsets(%get3A_629 : vector<16xi32>) semaphore(%dma_start3A_640 : memref<!tpu.dma_semaphore, #tpu.memory_space<semaphore_mem>>)
    %get3A_641 = arith.constant 5 : i32
    %get3A_642 = arith.index_cast %get3A_641 : i32 to index
    %get3A_643 = arith.constant 0 : index
    %get3A_644 = tpu.vector_load %arg5[%get3A_642, %get3A_643] {strides = array<i32>} : memref<200x128xi32, #tpu.memory_space<vmem>>, vector<1x16xi32>,
    %get3A_645 = vector.shape_cast %get3A_644 : vector<1x16xi32> to vector<16xi32>
    %dma_start3A_646 = arith.constant 5 : i32
    %dma_start3A_647 = arith.constant 5 : i32
    %dma_start3A_648 = arith.constant 0 : i32
    %dma_start3A_649 = arith.constant 0 : i32
    %dma_start3A_650 = tpu.memref_slice %arg6[%dma_start3A_646, %dma_start3A_648, %dma_start3A_649] : memref<8x128x64xf32, #tpu.memory_space<vmem>> -> memref<1x16x64xf32, #tpu.memory_space<vmem>>
    %dma_start3A_651 = tpu.memref_squeeze %dma_start3A_650 : memref<1x16x64xf32, #tpu.memory_space<vmem>> -> memref<16x64xf32, #tpu.memory_space<vmem>>
    %dma_start3A_652 = arith.constant 0 : i32
    %dma_start3A_653 = arith.constant 0 : i32
    %dma_start3A_654 = tpu.memref_slice %arg3[%dma_start3A_652, %dma_start3A_653] : memref<1000000x64xf32, #tpu.memory_space<hbm>> -> memref<1000000x64xf32, #tpu.memory_space<hbm>>
    %dma_start3A_655 = tpu.memref_slice %arg7[%dma_start3A_647] : memref<8x!tpu.dma_semaphore, #tpu.memory_space<semaphore_mem>> -> memref<1x!tpu.dma_semaphore, #tpu.memory_space<semaphore_mem>>
    %dma_start3A_656 = tpu.memref_squeeze %dma_start3A_655 : memref<1x!tpu.dma_semaphore, #tpu.memory_space<semaphore_mem>> -> memref<!tpu.dma_semaphore, #tpu.memory_space<semaphore_mem>>
    tpu.enqueue_indirect_dma source(%dma_start3A_654 : memref<1000000x64xf32, #tpu.memory_space<hbm>>) target(%dma_start3A_651 : memref<16x64xf32, #tpu.memory_space<vmem>>) offsets(%get3A_645 : vector<16xi32>) semaphore(%dma_start3A_656 : memref<!tpu.dma_semaphore, #tpu.memory_space<semaphore_mem>>)
    %get3A_657 = arith.constant 5 : i32
    %get3A_658 = arith.index_cast %get3A_657 : i32 to index
    %get3A_659 = arith.constant 16 : index
    %get3A_660 = tpu.vector_load %arg5[%get3A_658, %get3A_659] {strides = array<i32>} : memref<200x128xi32, #tpu.memory_space<vmem>>, vector<1x16xi32>,
    %get3A_661 = vector.shape_cast %get3A_660 : vector<1x16xi32> to vector<16xi32>
    %dma_start3A_662 = arith.constant 5 : i32
    %dma_start3A_663 = arith.constant 5 : i32
    %dma_start3A_664 = arith.constant 16 : i32
    %dma_start3A_665 = arith.constant 0 : i32
    %dma_start3A_666 = tpu.memref_slice %arg6[%dma_start3A_662, %dma_start3A_664, %dma_start3A_665] : memref<8x128x64xf32, #tpu.memory_space<vmem>> -> memref<1x16x64xf32, #tpu.memory_space<vmem>>
    %dma_start3A_667 = tpu.memref_squeeze %dma_start3A_666 : memref<1x16x64xf32, #tpu.memory_space<vmem>> -> memref<16x64xf32, #tpu.memory_space<vmem>>
    %dma_start3A_668 = arith.constant 0 : i32
    %dma_start3A_669 = arith.constant 0 : i32
    %dma_start3A_670 = tpu.memref_slice %arg3[%dma_start3A_668, %dma_start3A_669] : memref<1000000x64xf32, #tpu.memory_space<hbm>> -> memref<1000000x64xf32, #tpu.memory_space<hbm>>
    %dma_start3A_671 = tpu.memref_slice %arg7[%dma_start3A_663] : memref<8x!tpu.dma_semaphore, #tpu.memory_space<semaphore_mem>> -> memref<1x!tpu.dma_semaphore, #tpu.memory_space<semaphore_mem>>
    %dma_start3A_672 = tpu.memref_squeeze %dma_start3A_671 : memref<1x!tpu.dma_semaphore, #tpu.memory_space<semaphore_mem>> -> memref<!tpu.dma_semaphore, #tpu.memory_space<semaphore_mem>>
    tpu.enqueue_indirect_dma source(%dma_start3A_670 : memref<1000000x64xf32, #tpu.memory_space<hbm>>) target(%dma_start3A_667 : memref<16x64xf32, #tpu.memory_space<vmem>>) offsets(%get3A_661 : vector<16xi32>) semaphore(%dma_start3A_672 : memref<!tpu.dma_semaphore, #tpu.memory_space<semaphore_mem>>)
    %get3A_673 = arith.constant 5 : i32
    %get3A_674 = arith.index_cast %get3A_673 : i32 to index
    %get3A_675 = arith.constant 32 : index
    %get3A_676 = tpu.vector_load %arg5[%get3A_674, %get3A_675] {strides = array<i32>} : memref<200x128xi32, #tpu.memory_space<vmem>>, vector<1x16xi32>,
    %get3A_677 = vector.shape_cast %get3A_676 : vector<1x16xi32> to vector<16xi32>
    %dma_start3A_678 = arith.constant 5 : i32
    %dma_start3A_679 = arith.constant 5 : i32
    %dma_start3A_680 = arith.constant 32 : i32
    %dma_start3A_681 = arith.constant 0 : i32
    %dma_start3A_682 = tpu.memref_slice %arg6[%dma_start3A_678, %dma_start3A_680, %dma_start3A_681] : memref<8x128x64xf32, #tpu.memory_space<vmem>> -> memref<1x16x64xf32, #tpu.memory_space<vmem>>
    %dma_start3A_683 = tpu.memref_squeeze %dma_start3A_682 : memref<1x16x64xf32, #tpu.memory_space<vmem>> -> memref<16x64xf32, #tpu.memory_space<vmem>>
    %dma_start3A_684 = arith.constant 0 : i32
    %dma_start3A_685 = arith.constant 0 : i32
    %dma_start3A_686 = tpu.memref_slice %arg3[%dma_start3A_684, %dma_start3A_685] : memref<1000000x64xf32, #tpu.memory_space<hbm>> -> memref<1000000x64xf32, #tpu.memory_space<hbm>>
    %dma_start3A_687 = tpu.memref_slice %arg7[%dma_start3A_679] : memref<8x!tpu.dma_semaphore, #tpu.memory_space<semaphore_mem>> -> memref<1x!tpu.dma_semaphore, #tpu.memory_space<semaphore_mem>>
    %dma_start3A_688 = tpu.memref_squeeze %dma_start3A_687 : memref<1x!tpu.dma_semaphore, #tpu.memory_space<semaphore_mem>> -> memref<!tpu.dma_semaphore, #tpu.memory_space<semaphore_mem>>
    tpu.enqueue_indirect_dma source(%dma_start3A_686 : memref<1000000x64xf32, #tpu.memory_space<hbm>>) target(%dma_start3A_683 : memref<16x64xf32, #tpu.memory_space<vmem>>) offsets(%get3A_677 : vector<16xi32>) semaphore(%dma_start3A_688 : memref<!tpu.dma_semaphore, #tpu.memory_space<semaphore_mem>>)
    %get3A_689 = arith.constant 5 : i32
    %get3A_690 = arith.index_cast %get3A_689 : i32 to index
    %get3A_691 = arith.constant 48 : index
    %get3A_692 = tpu.vector_load %arg5[%get3A_690, %get3A_691] {strides = array<i32>} : memref<200x128xi32, #tpu.memory_space<vmem>>, vector<1x16xi32>,
    %get3A_693 = vector.shape_cast %get3A_692 : vector<1x16xi32> to vector<16xi32>
    %dma_start3A_694 = arith.constant 5 : i32
    %dma_start3A_695 = arith.constant 5 : i32
    %dma_start3A_696 = arith.constant 48 : i32
    %dma_start3A_697 = arith.constant 0 : i32
    %dma_start3A_698 = tpu.memref_slice %arg6[%dma_start3A_694, %dma_start3A_696, %dma_start3A_697] : memref<8x128x64xf32, #tpu.memory_space<vmem>> -> memref<1x16x64xf32, #tpu.memory_space<vmem>>
    %dma_start3A_699 = tpu.memref_squeeze %dma_start3A_698 : memref<1x16x64xf32, #tpu.memory_space<vmem>> -> memref<16x64xf32, #tpu.memory_space<vmem>>
    %dma_start3A_700 = arith.constant 0 : i32
    %dma_start3A_701 = arith.constant 0 : i32
    %dma_start3A_702 = tpu.memref_slice %arg3[%dma_start3A_700, %dma_start3A_701] : memref<1000000x64xf32, #tpu.memory_space<hbm>> -> memref<1000000x64xf32, #tpu.memory_space<hbm>>
    %dma_start3A_703 = tpu.memref_slice %arg7[%dma_start3A_695] : memref<8x!tpu.dma_semaphore, #tpu.memory_space<semaphore_mem>> -> memref<1x!tpu.dma_semaphore, #tpu.memory_space<semaphore_mem>>
    %dma_start3A_704 = tpu.memref_squeeze %dma_start3A_703 : memref<1x!tpu.dma_semaphore, #tpu.memory_space<semaphore_mem>> -> memref<!tpu.dma_semaphore, #tpu.memory_space<semaphore_mem>>
    tpu.enqueue_indirect_dma source(%dma_start3A_702 : memref<1000000x64xf32, #tpu.memory_space<hbm>>) target(%dma_start3A_699 : memref<16x64xf32, #tpu.memory_space<vmem>>) offsets(%get3A_693 : vector<16xi32>) semaphore(%dma_start3A_704 : memref<!tpu.dma_semaphore, #tpu.memory_space<semaphore_mem>>)
    %get3A_705 = arith.constant 5 : i32
    %get3A_706 = arith.index_cast %get3A_705 : i32 to index
    %get3A_707 = arith.constant 64 : index
    %get3A_708 = tpu.vector_load %arg5[%get3A_706, %get3A_707] {strides = array<i32>} : memref<200x128xi32, #tpu.memory_space<vmem>>, vector<1x16xi32>,
    %get3A_709 = vector.shape_cast %get3A_708 : vector<1x16xi32> to vector<16xi32>
    %dma_start3A_710 = arith.constant 5 : i32
    %dma_start3A_711 = arith.constant 5 : i32
    %dma_start3A_712 = arith.constant 64 : i32
    %dma_start3A_713 = arith.constant 0 : i32
    %dma_start3A_714 = tpu.memref_slice %arg6[%dma_start3A_710, %dma_start3A_712, %dma_start3A_713] : memref<8x128x64xf32, #tpu.memory_space<vmem>> -> memref<1x16x64xf32, #tpu.memory_space<vmem>>
    %dma_start3A_715 = tpu.memref_squeeze %dma_start3A_714 : memref<1x16x64xf32, #tpu.memory_space<vmem>> -> memref<16x64xf32, #tpu.memory_space<vmem>>
    %dma_start3A_716 = arith.constant 0 : i32
    %dma_start3A_717 = arith.constant 0 : i32
    %dma_start3A_718 = tpu.memref_slice %arg3[%dma_start3A_716, %dma_start3A_717] : memref<1000000x64xf32, #tpu.memory_space<hbm>> -> memref<1000000x64xf32, #tpu.memory_space<hbm>>
    %dma_start3A_719 = tpu.memref_slice %arg7[%dma_start3A_711] : memref<8x!tpu.dma_semaphore, #tpu.memory_space<semaphore_mem>> -> memref<1x!tpu.dma_semaphore, #tpu.memory_space<semaphore_mem>>
    %dma_start3A_720 = tpu.memref_squeeze %dma_start3A_719 : memref<1x!tpu.dma_semaphore, #tpu.memory_space<semaphore_mem>> -> memref<!tpu.dma_semaphore, #tpu.memory_space<semaphore_mem>>
    tpu.enqueue_indirect_dma source(%dma_start3A_718 : memref<1000000x64xf32, #tpu.memory_space<hbm>>) target(%dma_start3A_715 : memref<16x64xf32, #tpu.memory_space<vmem>>) offsets(%get3A_709 : vector<16xi32>) semaphore(%dma_start3A_720 : memref<!tpu.dma_semaphore, #tpu.memory_space<semaphore_mem>>)
    %get3A_721 = arith.constant 5 : i32
    %get3A_722 = arith.index_cast %get3A_721 : i32 to index
    %get3A_723 = arith.constant 80 : index
    %get3A_724 = tpu.vector_load %arg5[%get3A_722, %get3A_723] {strides = array<i32>} : memref<200x128xi32, #tpu.memory_space<vmem>>, vector<1x16xi32>,
    %get3A_725 = vector.shape_cast %get3A_724 : vector<1x16xi32> to vector<16xi32>
    %dma_start3A_726 = arith.constant 5 : i32
    %dma_start3A_727 = arith.constant 5 : i32
    %dma_start3A_728 = arith.constant 80 : i32
    %dma_start3A_729 = arith.constant 0 : i32
    %dma_start3A_730 = tpu.memref_slice %arg6[%dma_start3A_726, %dma_start3A_728, %dma_start3A_729] : memref<8x128x64xf32, #tpu.memory_space<vmem>> -> memref<1x16x64xf32, #tpu.memory_space<vmem>>
    %dma_start3A_731 = tpu.memref_squeeze %dma_start3A_730 : memref<1x16x64xf32, #tpu.memory_space<vmem>> -> memref<16x64xf32, #tpu.memory_space<vmem>>
    %dma_start3A_732 = arith.constant 0 : i32
    %dma_start3A_733 = arith.constant 0 : i32
    %dma_start3A_734 = tpu.memref_slice %arg3[%dma_start3A_732, %dma_start3A_733] : memref<1000000x64xf32, #tpu.memory_space<hbm>> -> memref<1000000x64xf32, #tpu.memory_space<hbm>>
    %dma_start3A_735 = tpu.memref_slice %arg7[%dma_start3A_727] : memref<8x!tpu.dma_semaphore, #tpu.memory_space<semaphore_mem>> -> memref<1x!tpu.dma_semaphore, #tpu.memory_space<semaphore_mem>>
    %dma_start3A_736 = tpu.memref_squeeze %dma_start3A_735 : memref<1x!tpu.dma_semaphore, #tpu.memory_space<semaphore_mem>> -> memref<!tpu.dma_semaphore, #tpu.memory_space<semaphore_mem>>
    tpu.enqueue_indirect_dma source(%dma_start3A_734 : memref<1000000x64xf32, #tpu.memory_space<hbm>>) target(%dma_start3A_731 : memref<16x64xf32, #tpu.memory_space<vmem>>) offsets(%get3A_725 : vector<16xi32>) semaphore(%dma_start3A_736 : memref<!tpu.dma_semaphore, #tpu.memory_space<semaphore_mem>>)
    %get3A_737 = arith.constant 5 : i32
    %get3A_738 = arith.index_cast %get3A_737 : i32 to index
    %get3A_739 = arith.constant 96 : index
    %get3A_740 = tpu.vector_load %arg5[%get3A_738, %get3A_739] {strides = array<i32>} : memref<200x128xi32, #tpu.memory_space<vmem>>, vector<1x16xi32>,
    %get3A_741 = vector.shape_cast %get3A_740 : vector<1x16xi32> to vector<16xi32>
    %dma_start3A_742 = arith.constant 5 : i32
    %dma_start3A_743 = arith.constant 5 : i32
    %dma_start3A_744 = arith.constant 96 : i32
    %dma_start3A_745 = arith.constant 0 : i32
    %dma_start3A_746 = tpu.memref_slice %arg6[%dma_start3A_742, %dma_start3A_744, %dma_start3A_745] : memref<8x128x64xf32, #tpu.memory_space<vmem>> -> memref<1x16x64xf32, #tpu.memory_space<vmem>>
    %dma_start3A_747 = tpu.memref_squeeze %dma_start3A_746 : memref<1x16x64xf32, #tpu.memory_space<vmem>> -> memref<16x64xf32, #tpu.memory_space<vmem>>
    %dma_start3A_748 = arith.constant 0 : i32
    %dma_start3A_749 = arith.constant 0 : i32
    %dma_start3A_750 = tpu.memref_slice %arg3[%dma_start3A_748, %dma_start3A_749] : memref<1000000x64xf32, #tpu.memory_space<hbm>> -> memref<1000000x64xf32, #tpu.memory_space<hbm>>
    %dma_start3A_751 = tpu.memref_slice %arg7[%dma_start3A_743] : memref<8x!tpu.dma_semaphore, #tpu.memory_space<semaphore_mem>> -> memref<1x!tpu.dma_semaphore, #tpu.memory_space<semaphore_mem>>
    %dma_start3A_752 = tpu.memref_squeeze %dma_start3A_751 : memref<1x!tpu.dma_semaphore, #tpu.memory_space<semaphore_mem>> -> memref<!tpu.dma_semaphore, #tpu.memory_space<semaphore_mem>>
    tpu.enqueue_indirect_dma source(%dma_start3A_750 : memref<1000000x64xf32, #tpu.memory_space<hbm>>) target(%dma_start3A_747 : memref<16x64xf32, #tpu.memory_space<vmem>>) offsets(%get3A_741 : vector<16xi32>) semaphore(%dma_start3A_752 : memref<!tpu.dma_semaphore, #tpu.memory_space<semaphore_mem>>)
    %get3A_753 = arith.constant 5 : i32
    %get3A_754 = arith.index_cast %get3A_753 : i32 to index
    %get3A_755 = arith.constant 112 : index
    %get3A_756 = tpu.vector_load %arg5[%get3A_754, %get3A_755] {strides = array<i32>} : memref<200x128xi32, #tpu.memory_space<vmem>>, vector<1x16xi32>,
    %get3A_757 = vector.shape_cast %get3A_756 : vector<1x16xi32> to vector<16xi32>
    %dma_start3A_758 = arith.constant 5 : i32
    %dma_start3A_759 = arith.constant 5 : i32
    %dma_start3A_760 = arith.constant 112 : i32
    %dma_start3A_761 = arith.constant 0 : i32
    %dma_start3A_762 = tpu.memref_slice %arg6[%dma_start3A_758, %dma_start3A_760, %dma_start3A_761] : memref<8x128x64xf32, #tpu.memory_space<vmem>> -> memref<1x16x64xf32, #tpu.memory_space<vmem>>
    %dma_start3A_763 = tpu.memref_squeeze %dma_start3A_762 : memref<1x16x64xf32, #tpu.memory_space<vmem>> -> memref<16x64xf32, #tpu.memory_space<vmem>>
    %dma_start3A_764 = arith.constant 0 : i32
    %dma_start3A_765 = arith.constant 0 : i32
    %dma_start3A_766 = tpu.memref_slice %arg3[%dma_start3A_764, %dma_start3A_765] : memref<1000000x64xf32, #tpu.memory_space<hbm>> -> memref<1000000x64xf32, #tpu.memory_space<hbm>>
    %dma_start3A_767 = tpu.memref_slice %arg7[%dma_start3A_759] : memref<8x!tpu.dma_semaphore, #tpu.memory_space<semaphore_mem>> -> memref<1x!tpu.dma_semaphore, #tpu.memory_space<semaphore_mem>>
    %dma_start3A_768 = tpu.memref_squeeze %dma_start3A_767 : memref<1x!tpu.dma_semaphore, #tpu.memory_space<semaphore_mem>> -> memref<!tpu.dma_semaphore, #tpu.memory_space<semaphore_mem>>
    tpu.enqueue_indirect_dma source(%dma_start3A_766 : memref<1000000x64xf32, #tpu.memory_space<hbm>>) target(%dma_start3A_763 : memref<16x64xf32, #tpu.memory_space<vmem>>) offsets(%get3A_757 : vector<16xi32>) semaphore(%dma_start3A_768 : memref<!tpu.dma_semaphore, #tpu.memory_space<semaphore_mem>>)
    %get3A_769 = arith.constant 6 : i32
    %get3A_770 = arith.index_cast %get3A_769 : i32 to index
    %get3A_771 = arith.constant 0 : index
    %get3A_772 = tpu.vector_load %arg5[%get3A_770, %get3A_771] {strides = array<i32>} : memref<200x128xi32, #tpu.memory_space<vmem>>, vector<1x16xi32>,
    %get3A_773 = vector.shape_cast %get3A_772 : vector<1x16xi32> to vector<16xi32>
    %dma_start3A_774 = arith.constant 6 : i32
    %dma_start3A_775 = arith.constant 6 : i32
    %dma_start3A_776 = arith.constant 0 : i32
    %dma_start3A_777 = arith.constant 0 : i32
    %dma_start3A_778 = tpu.memref_slice %arg6[%dma_start3A_774, %dma_start3A_776, %dma_start3A_777] : memref<8x128x64xf32, #tpu.memory_space<vmem>> -> memref<1x16x64xf32, #tpu.memory_space<vmem>>
    %dma_start3A_779 = tpu.memref_squeeze %dma_start3A_778 : memref<1x16x64xf32, #tpu.memory_space<vmem>> -> memref<16x64xf32, #tpu.memory_space<vmem>>
    %dma_start3A_780 = arith.constant 0 : i32
    %dma_start3A_781 = arith.constant 0 : i32
    %dma_start3A_782 = tpu.memref_slice %arg3[%dma_start3A_780, %dma_start3A_781] : memref<1000000x64xf32, #tpu.memory_space<hbm>> -> memref<1000000x64xf32, #tpu.memory_space<hbm>>
    %dma_start3A_783 = tpu.memref_slice %arg7[%dma_start3A_775] : memref<8x!tpu.dma_semaphore, #tpu.memory_space<semaphore_mem>> -> memref<1x!tpu.dma_semaphore, #tpu.memory_space<semaphore_mem>>
    %dma_start3A_784 = tpu.memref_squeeze %dma_start3A_783 : memref<1x!tpu.dma_semaphore, #tpu.memory_space<semaphore_mem>> -> memref<!tpu.dma_semaphore, #tpu.memory_space<semaphore_mem>>
    tpu.enqueue_indirect_dma source(%dma_start3A_782 : memref<1000000x64xf32, #tpu.memory_space<hbm>>) target(%dma_start3A_779 : memref<16x64xf32, #tpu.memory_space<vmem>>) offsets(%get3A_773 : vector<16xi32>) semaphore(%dma_start3A_784 : memref<!tpu.dma_semaphore, #tpu.memory_space<semaphore_mem>>)
    %get3A_785 = arith.constant 6 : i32
    %get3A_786 = arith.index_cast %get3A_785 : i32 to index
    %get3A_787 = arith.constant 16 : index
    %get3A_788 = tpu.vector_load %arg5[%get3A_786, %get3A_787] {strides = array<i32>} : memref<200x128xi32, #tpu.memory_space<vmem>>, vector<1x16xi32>,
    %get3A_789 = vector.shape_cast %get3A_788 : vector<1x16xi32> to vector<16xi32>
    %dma_start3A_790 = arith.constant 6 : i32
    %dma_start3A_791 = arith.constant 6 : i32
    %dma_start3A_792 = arith.constant 16 : i32
    %dma_start3A_793 = arith.constant 0 : i32
    %dma_start3A_794 = tpu.memref_slice %arg6[%dma_start3A_790, %dma_start3A_792, %dma_start3A_793] : memref<8x128x64xf32, #tpu.memory_space<vmem>> -> memref<1x16x64xf32, #tpu.memory_space<vmem>>
    %dma_start3A_795 = tpu.memref_squeeze %dma_start3A_794 : memref<1x16x64xf32, #tpu.memory_space<vmem>> -> memref<16x64xf32, #tpu.memory_space<vmem>>
    %dma_start3A_796 = arith.constant 0 : i32
    %dma_start3A_797 = arith.constant 0 : i32
    %dma_start3A_798 = tpu.memref_slice %arg3[%dma_start3A_796, %dma_start3A_797] : memref<1000000x64xf32, #tpu.memory_space<hbm>> -> memref<1000000x64xf32, #tpu.memory_space<hbm>>
    %dma_start3A_799 = tpu.memref_slice %arg7[%dma_start3A_791] : memref<8x!tpu.dma_semaphore, #tpu.memory_space<semaphore_mem>> -> memref<1x!tpu.dma_semaphore, #tpu.memory_space<semaphore_mem>>
    %dma_start3A_800 = tpu.memref_squeeze %dma_start3A_799 : memref<1x!tpu.dma_semaphore, #tpu.memory_space<semaphore_mem>> -> memref<!tpu.dma_semaphore, #tpu.memory_space<semaphore_mem>>
    tpu.enqueue_indirect_dma source(%dma_start3A_798 : memref<1000000x64xf32, #tpu.memory_space<hbm>>) target(%dma_start3A_795 : memref<16x64xf32, #tpu.memory_space<vmem>>) offsets(%get3A_789 : vector<16xi32>) semaphore(%dma_start3A_800 : memref<!tpu.dma_semaphore, #tpu.memory_space<semaphore_mem>>)
    %get3A_801 = arith.constant 6 : i32
    %get3A_802 = arith.index_cast %get3A_801 : i32 to index
    %get3A_803 = arith.constant 32 : index
    %get3A_804 = tpu.vector_load %arg5[%get3A_802, %get3A_803] {strides = array<i32>} : memref<200x128xi32, #tpu.memory_space<vmem>>, vector<1x16xi32>,
    %get3A_805 = vector.shape_cast %get3A_804 : vector<1x16xi32> to vector<16xi32>
    %dma_start3A_806 = arith.constant 6 : i32
    %dma_start3A_807 = arith.constant 6 : i32
    %dma_start3A_808 = arith.constant 32 : i32
    %dma_start3A_809 = arith.constant 0 : i32
    %dma_start3A_810 = tpu.memref_slice %arg6[%dma_start3A_806, %dma_start3A_808, %dma_start3A_809] : memref<8x128x64xf32, #tpu.memory_space<vmem>> -> memref<1x16x64xf32, #tpu.memory_space<vmem>>
    %dma_start3A_811 = tpu.memref_squeeze %dma_start3A_810 : memref<1x16x64xf32, #tpu.memory_space<vmem>> -> memref<16x64xf32, #tpu.memory_space<vmem>>
    %dma_start3A_812 = arith.constant 0 : i32
    %dma_start3A_813 = arith.constant 0 : i32
    %dma_start3A_814 = tpu.memref_slice %arg3[%dma_start3A_812, %dma_start3A_813] : memref<1000000x64xf32, #tpu.memory_space<hbm>> -> memref<1000000x64xf32, #tpu.memory_space<hbm>>
    %dma_start3A_815 = tpu.memref_slice %arg7[%dma_start3A_807] : memref<8x!tpu.dma_semaphore, #tpu.memory_space<semaphore_mem>> -> memref<1x!tpu.dma_semaphore, #tpu.memory_space<semaphore_mem>>
    %dma_start3A_816 = tpu.memref_squeeze %dma_start3A_815 : memref<1x!tpu.dma_semaphore, #tpu.memory_space<semaphore_mem>> -> memref<!tpu.dma_semaphore, #tpu.memory_space<semaphore_mem>>
    tpu.enqueue_indirect_dma source(%dma_start3A_814 : memref<1000000x64xf32, #tpu.memory_space<hbm>>) target(%dma_start3A_811 : memref<16x64xf32, #tpu.memory_space<vmem>>) offsets(%get3A_805 : vector<16xi32>) semaphore(%dma_start3A_816 : memref<!tpu.dma_semaphore, #tpu.memory_space<semaphore_mem>>)
    %get3A_817 = arith.constant 6 : i32
    %get3A_818 = arith.index_cast %get3A_817 : i32 to index
    %get3A_819 = arith.constant 48 : index
    %get3A_820 = tpu.vector_load %arg5[%get3A_818, %get3A_819] {strides = array<i32>} : memref<200x128xi32, #tpu.memory_space<vmem>>, vector<1x16xi32>,
    %get3A_821 = vector.shape_cast %get3A_820 : vector<1x16xi32> to vector<16xi32>
    %dma_start3A_822 = arith.constant 6 : i32
    %dma_start3A_823 = arith.constant 6 : i32
    %dma_start3A_824 = arith.constant 48 : i32
    %dma_start3A_825 = arith.constant 0 : i32
    %dma_start3A_826 = tpu.memref_slice %arg6[%dma_start3A_822, %dma_start3A_824, %dma_start3A_825] : memref<8x128x64xf32, #tpu.memory_space<vmem>> -> memref<1x16x64xf32, #tpu.memory_space<vmem>>
    %dma_start3A_827 = tpu.memref_squeeze %dma_start3A_826 : memref<1x16x64xf32, #tpu.memory_space<vmem>> -> memref<16x64xf32, #tpu.memory_space<vmem>>
    %dma_start3A_828 = arith.constant 0 : i32
    %dma_start3A_829 = arith.constant 0 : i32
    %dma_start3A_830 = tpu.memref_slice %arg3[%dma_start3A_828, %dma_start3A_829] : memref<1000000x64xf32, #tpu.memory_space<hbm>> -> memref<1000000x64xf32, #tpu.memory_space<hbm>>
    %dma_start3A_831 = tpu.memref_slice %arg7[%dma_start3A_823] : memref<8x!tpu.dma_semaphore, #tpu.memory_space<semaphore_mem>> -> memref<1x!tpu.dma_semaphore, #tpu.memory_space<semaphore_mem>>
    %dma_start3A_832 = tpu.memref_squeeze %dma_start3A_831 : memref<1x!tpu.dma_semaphore, #tpu.memory_space<semaphore_mem>> -> memref<!tpu.dma_semaphore, #tpu.memory_space<semaphore_mem>>
    tpu.enqueue_indirect_dma source(%dma_start3A_830 : memref<1000000x64xf32, #tpu.memory_space<hbm>>) target(%dma_start3A_827 : memref<16x64xf32, #tpu.memory_space<vmem>>) offsets(%get3A_821 : vector<16xi32>) semaphore(%dma_start3A_832 : memref<!tpu.dma_semaphore, #tpu.memory_space<semaphore_mem>>)
    %get3A_833 = arith.constant 6 : i32
    %get3A_834 = arith.index_cast %get3A_833 : i32 to index
    %get3A_835 = arith.constant 64 : index
    %get3A_836 = tpu.vector_load %arg5[%get3A_834, %get3A_835] {strides = array<i32>} : memref<200x128xi32, #tpu.memory_space<vmem>>, vector<1x16xi32>,
    %get3A_837 = vector.shape_cast %get3A_836 : vector<1x16xi32> to vector<16xi32>
    %dma_start3A_838 = arith.constant 6 : i32
    %dma_start3A_839 = arith.constant 6 : i32
    %dma_start3A_840 = arith.constant 64 : i32
    %dma_start3A_841 = arith.constant 0 : i32
    %dma_start3A_842 = tpu.memref_slice %arg6[%dma_start3A_838, %dma_start3A_840, %dma_start3A_841] : memref<8x128x64xf32, #tpu.memory_space<vmem>> -> memref<1x16x64xf32, #tpu.memory_space<vmem>>
    %dma_start3A_843 = tpu.memref_squeeze %dma_start3A_842 : memref<1x16x64xf32, #tpu.memory_space<vmem>> -> memref<16x64xf32, #tpu.memory_space<vmem>>
    %dma_start3A_844 = arith.constant 0 : i32
    %dma_start3A_845 = arith.constant 0 : i32
    %dma_start3A_846 = tpu.memref_slice %arg3[%dma_start3A_844, %dma_start3A_845] : memref<1000000x64xf32, #tpu.memory_space<hbm>> -> memref<1000000x64xf32, #tpu.memory_space<hbm>>
    %dma_start3A_847 = tpu.memref_slice %arg7[%dma_start3A_839] : memref<8x!tpu.dma_semaphore, #tpu.memory_space<semaphore_mem>> -> memref<1x!tpu.dma_semaphore, #tpu.memory_space<semaphore_mem>>
    %dma_start3A_848 = tpu.memref_squeeze %dma_start3A_847 : memref<1x!tpu.dma_semaphore, #tpu.memory_space<semaphore_mem>> -> memref<!tpu.dma_semaphore, #tpu.memory_space<semaphore_mem>>
    tpu.enqueue_indirect_dma source(%dma_start3A_846 : memref<1000000x64xf32, #tpu.memory_space<hbm>>) target(%dma_start3A_843 : memref<16x64xf32, #tpu.memory_space<vmem>>) offsets(%get3A_837 : vector<16xi32>) semaphore(%dma_start3A_848 : memref<!tpu.dma_semaphore, #tpu.memory_space<semaphore_mem>>)
    %get3A_849 = arith.constant 6 : i32
    %get3A_850 = arith.index_cast %get3A_849 : i32 to index
    %get3A_851 = arith.constant 80 : index
    %get3A_852 = tpu.vector_load %arg5[%get3A_850, %get3A_851] {strides = array<i32>} : memref<200x128xi32, #tpu.memory_space<vmem>>, vector<1x16xi32>,
    %get3A_853 = vector.shape_cast %get3A_852 : vector<1x16xi32> to vector<16xi32>
    %dma_start3A_854 = arith.constant 6 : i32
    %dma_start3A_855 = arith.constant 6 : i32
    %dma_start3A_856 = arith.constant 80 : i32
    %dma_start3A_857 = arith.constant 0 : i32
    %dma_start3A_858 = tpu.memref_slice %arg6[%dma_start3A_854, %dma_start3A_856, %dma_start3A_857] : memref<8x128x64xf32, #tpu.memory_space<vmem>> -> memref<1x16x64xf32, #tpu.memory_space<vmem>>
    %dma_start3A_859 = tpu.memref_squeeze %dma_start3A_858 : memref<1x16x64xf32, #tpu.memory_space<vmem>> -> memref<16x64xf32, #tpu.memory_space<vmem>>
    %dma_start3A_860 = arith.constant 0 : i32
    %dma_start3A_861 = arith.constant 0 : i32
    %dma_start3A_862 = tpu.memref_slice %arg3[%dma_start3A_860, %dma_start3A_861] : memref<1000000x64xf32, #tpu.memory_space<hbm>> -> memref<1000000x64xf32, #tpu.memory_space<hbm>>
    %dma_start3A_863 = tpu.memref_slice %arg7[%dma_start3A_855] : memref<8x!tpu.dma_semaphore, #tpu.memory_space<semaphore_mem>> -> memref<1x!tpu.dma_semaphore, #tpu.memory_space<semaphore_mem>>
    %dma_start3A_864 = tpu.memref_squeeze %dma_start3A_863 : memref<1x!tpu.dma_semaphore, #tpu.memory_space<semaphore_mem>> -> memref<!tpu.dma_semaphore, #tpu.memory_space<semaphore_mem>>
    tpu.enqueue_indirect_dma source(%dma_start3A_862 : memref<1000000x64xf32, #tpu.memory_space<hbm>>) target(%dma_start3A_859 : memref<16x64xf32, #tpu.memory_space<vmem>>) offsets(%get3A_853 : vector<16xi32>) semaphore(%dma_start3A_864 : memref<!tpu.dma_semaphore, #tpu.memory_space<semaphore_mem>>)
    %get3A_865 = arith.constant 6 : i32
    %get3A_866 = arith.index_cast %get3A_865 : i32 to index
    %get3A_867 = arith.constant 96 : index
    %get3A_868 = tpu.vector_load %arg5[%get3A_866, %get3A_867] {strides = array<i32>} : memref<200x128xi32, #tpu.memory_space<vmem>>, vector<1x16xi32>,
    %get3A_869 = vector.shape_cast %get3A_868 : vector<1x16xi32> to vector<16xi32>
    %dma_start3A_870 = arith.constant 6 : i32
    %dma_start3A_871 = arith.constant 6 : i32
    %dma_start3A_872 = arith.constant 96 : i32
    %dma_start3A_873 = arith.constant 0 : i32
    %dma_start3A_874 = tpu.memref_slice %arg6[%dma_start3A_870, %dma_start3A_872, %dma_start3A_873] : memref<8x128x64xf32, #tpu.memory_space<vmem>> -> memref<1x16x64xf32, #tpu.memory_space<vmem>>
    %dma_start3A_875 = tpu.memref_squeeze %dma_start3A_874 : memref<1x16x64xf32, #tpu.memory_space<vmem>> -> memref<16x64xf32, #tpu.memory_space<vmem>>
    %dma_start3A_876 = arith.constant 0 : i32
    %dma_start3A_877 = arith.constant 0 : i32
    %dma_start3A_878 = tpu.memref_slice %arg3[%dma_start3A_876, %dma_start3A_877] : memref<1000000x64xf32, #tpu.memory_space<hbm>> -> memref<1000000x64xf32, #tpu.memory_space<hbm>>
    %dma_start3A_879 = tpu.memref_slice %arg7[%dma_start3A_871] : memref<8x!tpu.dma_semaphore, #tpu.memory_space<semaphore_mem>> -> memref<1x!tpu.dma_semaphore, #tpu.memory_space<semaphore_mem>>
    %dma_start3A_880 = tpu.memref_squeeze %dma_start3A_879 : memref<1x!tpu.dma_semaphore, #tpu.memory_space<semaphore_mem>> -> memref<!tpu.dma_semaphore, #tpu.memory_space<semaphore_mem>>
    tpu.enqueue_indirect_dma source(%dma_start3A_878 : memref<1000000x64xf32, #tpu.memory_space<hbm>>) target(%dma_start3A_875 : memref<16x64xf32, #tpu.memory_space<vmem>>) offsets(%get3A_869 : vector<16xi32>) semaphore(%dma_start3A_880 : memref<!tpu.dma_semaphore, #tpu.memory_space<semaphore_mem>>)
    %get3A_881 = arith.constant 6 : i32
    %get3A_882 = arith.index_cast %get3A_881 : i32 to index
    %get3A_883 = arith.constant 112 : index
    %get3A_884 = tpu.vector_load %arg5[%get3A_882, %get3A_883] {strides = array<i32>} : memref<200x128xi32, #tpu.memory_space<vmem>>, vector<1x16xi32>,
    %get3A_885 = vector.shape_cast %get3A_884 : vector<1x16xi32> to vector<16xi32>
    %dma_start3A_886 = arith.constant 6 : i32
    %dma_start3A_887 = arith.constant 6 : i32
    %dma_start3A_888 = arith.constant 112 : i32
    %dma_start3A_889 = arith.constant 0 : i32
    %dma_start3A_890 = tpu.memref_slice %arg6[%dma_start3A_886, %dma_start3A_888, %dma_start3A_889] : memref<8x128x64xf32, #tpu.memory_space<vmem>> -> memref<1x16x64xf32, #tpu.memory_space<vmem>>
    %dma_start3A_891 = tpu.memref_squeeze %dma_start3A_890 : memref<1x16x64xf32, #tpu.memory_space<vmem>> -> memref<16x64xf32, #tpu.memory_space<vmem>>
    %dma_start3A_892 = arith.constant 0 : i32
    %dma_start3A_893 = arith.constant 0 : i32
    %dma_start3A_894 = tpu.memref_slice %arg3[%dma_start3A_892, %dma_start3A_893] : memref<1000000x64xf32, #tpu.memory_space<hbm>> -> memref<1000000x64xf32, #tpu.memory_space<hbm>>
    %dma_start3A_895 = tpu.memref_slice %arg7[%dma_start3A_887] : memref<8x!tpu.dma_semaphore, #tpu.memory_space<semaphore_mem>> -> memref<1x!tpu.dma_semaphore, #tpu.memory_space<semaphore_mem>>
    %dma_start3A_896 = tpu.memref_squeeze %dma_start3A_895 : memref<1x!tpu.dma_semaphore, #tpu.memory_space<semaphore_mem>> -> memref<!tpu.dma_semaphore, #tpu.memory_space<semaphore_mem>>
    tpu.enqueue_indirect_dma source(%dma_start3A_894 : memref<1000000x64xf32, #tpu.memory_space<hbm>>) target(%dma_start3A_891 : memref<16x64xf32, #tpu.memory_space<vmem>>) offsets(%get3A_885 : vector<16xi32>) semaphore(%dma_start3A_896 : memref<!tpu.dma_semaphore, #tpu.memory_space<semaphore_mem>>)
    %get3A_897 = arith.constant 7 : i32
    %get3A_898 = arith.index_cast %get3A_897 : i32 to index
    %get3A_899 = arith.constant 0 : index
    %get3A_900 = tpu.vector_load %arg5[%get3A_898, %get3A_899] {strides = array<i32>} : memref<200x128xi32, #tpu.memory_space<vmem>>, vector<1x16xi32>,
    %get3A_901 = vector.shape_cast %get3A_900 : vector<1x16xi32> to vector<16xi32>
    %dma_start3A_902 = arith.constant 7 : i32
    %dma_start3A_903 = arith.constant 7 : i32
    %dma_start3A_904 = arith.constant 0 : i32
    %dma_start3A_905 = arith.constant 0 : i32
    %dma_start3A_906 = tpu.memref_slice %arg6[%dma_start3A_902, %dma_start3A_904, %dma_start3A_905] : memref<8x128x64xf32, #tpu.memory_space<vmem>> -> memref<1x16x64xf32, #tpu.memory_space<vmem>>
    %dma_start3A_907 = tpu.memref_squeeze %dma_start3A_906 : memref<1x16x64xf32, #tpu.memory_space<vmem>> -> memref<16x64xf32, #tpu.memory_space<vmem>>
    %dma_start3A_908 = arith.constant 0 : i32
    %dma_start3A_909 = arith.constant 0 : i32
    %dma_start3A_910 = tpu.memref_slice %arg3[%dma_start3A_908, %dma_start3A_909] : memref<1000000x64xf32, #tpu.memory_space<hbm>> -> memref<1000000x64xf32, #tpu.memory_space<hbm>>
    %dma_start3A_911 = tpu.memref_slice %arg7[%dma_start3A_903] : memref<8x!tpu.dma_semaphore, #tpu.memory_space<semaphore_mem>> -> memref<1x!tpu.dma_semaphore, #tpu.memory_space<semaphore_mem>>
    %dma_start3A_912 = tpu.memref_squeeze %dma_start3A_911 : memref<1x!tpu.dma_semaphore, #tpu.memory_space<semaphore_mem>> -> memref<!tpu.dma_semaphore, #tpu.memory_space<semaphore_mem>>
    tpu.enqueue_indirect_dma source(%dma_start3A_910 : memref<1000000x64xf32, #tpu.memory_space<hbm>>) target(%dma_start3A_907 : memref<16x64xf32, #tpu.memory_space<vmem>>) offsets(%get3A_901 : vector<16xi32>) semaphore(%dma_start3A_912 : memref<!tpu.dma_semaphore, #tpu.memory_space<semaphore_mem>>)
    %get3A_913 = arith.constant 7 : i32
    %get3A_914 = arith.index_cast %get3A_913 : i32 to index
    %get3A_915 = arith.constant 16 : index
    %get3A_916 = tpu.vector_load %arg5[%get3A_914, %get3A_915] {strides = array<i32>} : memref<200x128xi32, #tpu.memory_space<vmem>>, vector<1x16xi32>,
    %get3A_917 = vector.shape_cast %get3A_916 : vector<1x16xi32> to vector<16xi32>
    %dma_start3A_918 = arith.constant 7 : i32
    %dma_start3A_919 = arith.constant 7 : i32
    %dma_start3A_920 = arith.constant 16 : i32
    %dma_start3A_921 = arith.constant 0 : i32
    %dma_start3A_922 = tpu.memref_slice %arg6[%dma_start3A_918, %dma_start3A_920, %dma_start3A_921] : memref<8x128x64xf32, #tpu.memory_space<vmem>> -> memref<1x16x64xf32, #tpu.memory_space<vmem>>
    %dma_start3A_923 = tpu.memref_squeeze %dma_start3A_922 : memref<1x16x64xf32, #tpu.memory_space<vmem>> -> memref<16x64xf32, #tpu.memory_space<vmem>>
    %dma_start3A_924 = arith.constant 0 : i32
    %dma_start3A_925 = arith.constant 0 : i32
    %dma_start3A_926 = tpu.memref_slice %arg3[%dma_start3A_924, %dma_start3A_925] : memref<1000000x64xf32, #tpu.memory_space<hbm>> -> memref<1000000x64xf32, #tpu.memory_space<hbm>>
    %dma_start3A_927 = tpu.memref_slice %arg7[%dma_start3A_919] : memref<8x!tpu.dma_semaphore, #tpu.memory_space<semaphore_mem>> -> memref<1x!tpu.dma_semaphore, #tpu.memory_space<semaphore_mem>>
    %dma_start3A_928 = tpu.memref_squeeze %dma_start3A_927 : memref<1x!tpu.dma_semaphore, #tpu.memory_space<semaphore_mem>> -> memref<!tpu.dma_semaphore, #tpu.memory_space<semaphore_mem>>
    tpu.enqueue_indirect_dma source(%dma_start3A_926 : memref<1000000x64xf32, #tpu.memory_space<hbm>>) target(%dma_start3A_923 : memref<16x64xf32, #tpu.memory_space<vmem>>) offsets(%get3A_917 : vector<16xi32>) semaphore(%dma_start3A_928 : memref<!tpu.dma_semaphore, #tpu.memory_space<semaphore_mem>>)
    %get3A_929 = arith.constant 7 : i32
    %get3A_930 = arith.index_cast %get3A_929 : i32 to index
    %get3A_931 = arith.constant 32 : index
    %get3A_932 = tpu.vector_load %arg5[%get3A_930, %get3A_931] {strides = array<i32>} : memref<200x128xi32, #tpu.memory_space<vmem>>, vector<1x16xi32>,
    %get3A_933 = vector.shape_cast %get3A_932 : vector<1x16xi32> to vector<16xi32>
    %dma_start3A_934 = arith.constant 7 : i32
    %dma_start3A_935 = arith.constant 7 : i32
    %dma_start3A_936 = arith.constant 32 : i32
    %dma_start3A_937 = arith.constant 0 : i32
    %dma_start3A_938 = tpu.memref_slice %arg6[%dma_start3A_934, %dma_start3A_936, %dma_start3A_937] : memref<8x128x64xf32, #tpu.memory_space<vmem>> -> memref<1x16x64xf32, #tpu.memory_space<vmem>>
    %dma_start3A_939 = tpu.memref_squeeze %dma_start3A_938 : memref<1x16x64xf32, #tpu.memory_space<vmem>> -> memref<16x64xf32, #tpu.memory_space<vmem>>
    %dma_start3A_940 = arith.constant 0 : i32
    %dma_start3A_941 = arith.constant 0 : i32
    %dma_start3A_942 = tpu.memref_slice %arg3[%dma_start3A_940, %dma_start3A_941] : memref<1000000x64xf32, #tpu.memory_space<hbm>> -> memref<1000000x64xf32, #tpu.memory_space<hbm>>
    %dma_start3A_943 = tpu.memref_slice %arg7[%dma_start3A_935] : memref<8x!tpu.dma_semaphore, #tpu.memory_space<semaphore_mem>> -> memref<1x!tpu.dma_semaphore, #tpu.memory_space<semaphore_mem>>
    %dma_start3A_944 = tpu.memref_squeeze %dma_start3A_943 : memref<1x!tpu.dma_semaphore, #tpu.memory_space<semaphore_mem>> -> memref<!tpu.dma_semaphore, #tpu.memory_space<semaphore_mem>>
    tpu.enqueue_indirect_dma source(%dma_start3A_942 : memref<1000000x64xf32, #tpu.memory_space<hbm>>) target(%dma_start3A_939 : memref<16x64xf32, #tpu.memory_space<vmem>>) offsets(%get3A_933 : vector<16xi32>) semaphore(%dma_start3A_944 : memref<!tpu.dma_semaphore, #tpu.memory_space<semaphore_mem>>)
    %get3A_945 = arith.constant 7 : i32
    %get3A_946 = arith.index_cast %get3A_945 : i32 to index
    %get3A_947 = arith.constant 48 : index
    %get3A_948 = tpu.vector_load %arg5[%get3A_946, %get3A_947] {strides = array<i32>} : memref<200x128xi32, #tpu.memory_space<vmem>>, vector<1x16xi32>,
    %get3A_949 = vector.shape_cast %get3A_948 : vector<1x16xi32> to vector<16xi32>
    %dma_start3A_950 = arith.constant 7 : i32
    %dma_start3A_951 = arith.constant 7 : i32
    %dma_start3A_952 = arith.constant 48 : i32
    %dma_start3A_953 = arith.constant 0 : i32
    %dma_start3A_954 = tpu.memref_slice %arg6[%dma_start3A_950, %dma_start3A_952, %dma_start3A_953] : memref<8x128x64xf32, #tpu.memory_space<vmem>> -> memref<1x16x64xf32, #tpu.memory_space<vmem>>
    %dma_start3A_955 = tpu.memref_squeeze %dma_start3A_954 : memref<1x16x64xf32, #tpu.memory_space<vmem>> -> memref<16x64xf32, #tpu.memory_space<vmem>>
    %dma_start3A_956 = arith.constant 0 : i32
    %dma_start3A_957 = arith.constant 0 : i32
    %dma_start3A_958 = tpu.memref_slice %arg3[%dma_start3A_956, %dma_start3A_957] : memref<1000000x64xf32, #tpu.memory_space<hbm>> -> memref<1000000x64xf32, #tpu.memory_space<hbm>>
    %dma_start3A_959 = tpu.memref_slice %arg7[%dma_start3A_951] : memref<8x!tpu.dma_semaphore, #tpu.memory_space<semaphore_mem>> -> memref<1x!tpu.dma_semaphore, #tpu.memory_space<semaphore_mem>>
    %dma_start3A_960 = tpu.memref_squeeze %dma_start3A_959 : memref<1x!tpu.dma_semaphore, #tpu.memory_space<semaphore_mem>> -> memref<!tpu.dma_semaphore, #tpu.memory_space<semaphore_mem>>
    tpu.enqueue_indirect_dma source(%dma_start3A_958 : memref<1000000x64xf32, #tpu.memory_space<hbm>>) target(%dma_start3A_955 : memref<16x64xf32, #tpu.memory_space<vmem>>) offsets(%get3A_949 : vector<16xi32>) semaphore(%dma_start3A_960 : memref<!tpu.dma_semaphore, #tpu.memory_space<semaphore_mem>>)
    %get3A_961 = arith.constant 7 : i32
    %get3A_962 = arith.index_cast %get3A_961 : i32 to index
    %get3A_963 = arith.constant 64 : index
    %get3A_964 = tpu.vector_load %arg5[%get3A_962, %get3A_963] {strides = array<i32>} : memref<200x128xi32, #tpu.memory_space<vmem>>, vector<1x16xi32>,
    %get3A_965 = vector.shape_cast %get3A_964 : vector<1x16xi32> to vector<16xi32>
    %dma_start3A_966 = arith.constant 7 : i32
    %dma_start3A_967 = arith.constant 7 : i32
    %dma_start3A_968 = arith.constant 64 : i32
    %dma_start3A_969 = arith.constant 0 : i32
    %dma_start3A_970 = tpu.memref_slice %arg6[%dma_start3A_966, %dma_start3A_968, %dma_start3A_969] : memref<8x128x64xf32, #tpu.memory_space<vmem>> -> memref<1x16x64xf32, #tpu.memory_space<vmem>>
    %dma_start3A_971 = tpu.memref_squeeze %dma_start3A_970 : memref<1x16x64xf32, #tpu.memory_space<vmem>> -> memref<16x64xf32, #tpu.memory_space<vmem>>
    %dma_start3A_972 = arith.constant 0 : i32
    %dma_start3A_973 = arith.constant 0 : i32
    %dma_start3A_974 = tpu.memref_slice %arg3[%dma_start3A_972, %dma_start3A_973] : memref<1000000x64xf32, #tpu.memory_space<hbm>> -> memref<1000000x64xf32, #tpu.memory_space<hbm>>
    %dma_start3A_975 = tpu.memref_slice %arg7[%dma_start3A_967] : memref<8x!tpu.dma_semaphore, #tpu.memory_space<semaphore_mem>> -> memref<1x!tpu.dma_semaphore, #tpu.memory_space<semaphore_mem>>
    %dma_start3A_976 = tpu.memref_squeeze %dma_start3A_975 : memref<1x!tpu.dma_semaphore, #tpu.memory_space<semaphore_mem>> -> memref<!tpu.dma_semaphore, #tpu.memory_space<semaphore_mem>>
    tpu.enqueue_indirect_dma source(%dma_start3A_974 : memref<1000000x64xf32, #tpu.memory_space<hbm>>) target(%dma_start3A_971 : memref<16x64xf32, #tpu.memory_space<vmem>>) offsets(%get3A_965 : vector<16xi32>) semaphore(%dma_start3A_976 : memref<!tpu.dma_semaphore, #tpu.memory_space<semaphore_mem>>)
    %get3A_977 = arith.constant 7 : i32
    %get3A_978 = arith.index_cast %get3A_977 : i32 to index
    %get3A_979 = arith.constant 80 : index
    %get3A_980 = tpu.vector_load %arg5[%get3A_978, %get3A_979] {strides = array<i32>} : memref<200x128xi32, #tpu.memory_space<vmem>>, vector<1x16xi32>,
    %get3A_981 = vector.shape_cast %get3A_980 : vector<1x16xi32> to vector<16xi32>
    %dma_start3A_982 = arith.constant 7 : i32
    %dma_start3A_983 = arith.constant 7 : i32
    %dma_start3A_984 = arith.constant 80 : i32
    %dma_start3A_985 = arith.constant 0 : i32
    %dma_start3A_986 = tpu.memref_slice %arg6[%dma_start3A_982, %dma_start3A_984, %dma_start3A_985] : memref<8x128x64xf32, #tpu.memory_space<vmem>> -> memref<1x16x64xf32, #tpu.memory_space<vmem>>
    %dma_start3A_987 = tpu.memref_squeeze %dma_start3A_986 : memref<1x16x64xf32, #tpu.memory_space<vmem>> -> memref<16x64xf32, #tpu.memory_space<vmem>>
    %dma_start3A_988 = arith.constant 0 : i32
    %dma_start3A_989 = arith.constant 0 : i32
    %dma_start3A_990 = tpu.memref_slice %arg3[%dma_start3A_988, %dma_start3A_989] : memref<1000000x64xf32, #tpu.memory_space<hbm>> -> memref<1000000x64xf32, #tpu.memory_space<hbm>>
    %dma_start3A_991 = tpu.memref_slice %arg7[%dma_start3A_983] : memref<8x!tpu.dma_semaphore, #tpu.memory_space<semaphore_mem>> -> memref<1x!tpu.dma_semaphore, #tpu.memory_space<semaphore_mem>>
    %dma_start3A_992 = tpu.memref_squeeze %dma_start3A_991 : memref<1x!tpu.dma_semaphore, #tpu.memory_space<semaphore_mem>> -> memref<!tpu.dma_semaphore, #tpu.memory_space<semaphore_mem>>
    tpu.enqueue_indirect_dma source(%dma_start3A_990 : memref<1000000x64xf32, #tpu.memory_space<hbm>>) target(%dma_start3A_987 : memref<16x64xf32, #tpu.memory_space<vmem>>) offsets(%get3A_981 : vector<16xi32>) semaphore(%dma_start3A_992 : memref<!tpu.dma_semaphore, #tpu.memory_space<semaphore_mem>>)
    %get3A_993 = arith.constant 7 : i32
    %get3A_994 = arith.index_cast %get3A_993 : i32 to index
    %get3A_995 = arith.constant 96 : index
    %get3A_996 = tpu.vector_load %arg5[%get3A_994, %get3A_995] {strides = array<i32>} : memref<200x128xi32, #tpu.memory_space<vmem>>, vector<1x16xi32>,
    %get3A_997 = vector.shape_cast %get3A_996 : vector<1x16xi32> to vector<16xi32>
    %dma_start3A_998 = arith.constant 7 : i32
    %dma_start3A_999 = arith.constant 7 : i32
    %dma_start3A_1000 = arith.constant 96 : i32
    %dma_start3A_1001 = arith.constant 0 : i32
    %dma_start3A_1002 = tpu.memref_slice %arg6[%dma_start3A_998, %dma_start3A_1000, %dma_start3A_1001] : memref<8x128x64xf32, #tpu.memory_space<vmem>> -> memref<1x16x64xf32, #tpu.memory_space<vmem>>
    %dma_start3A_1003 = tpu.memref_squeeze %dma_start3A_1002 : memref<1x16x64xf32, #tpu.memory_space<vmem>> -> memref<16x64xf32, #tpu.memory_space<vmem>>
    %dma_start3A_1004 = arith.constant 0 : i32
    %dma_start3A_1005 = arith.constant 0 : i32
    %dma_start3A_1006 = tpu.memref_slice %arg3[%dma_start3A_1004, %dma_start3A_1005] : memref<1000000x64xf32, #tpu.memory_space<hbm>> -> memref<1000000x64xf32, #tpu.memory_space<hbm>>
    %dma_start3A_1007 = tpu.memref_slice %arg7[%dma_start3A_999] : memref<8x!tpu.dma_semaphore, #tpu.memory_space<semaphore_mem>> -> memref<1x!tpu.dma_semaphore, #tpu.memory_space<semaphore_mem>>
    %dma_start3A_1008 = tpu.memref_squeeze %dma_start3A_1007 : memref<1x!tpu.dma_semaphore, #tpu.memory_space<semaphore_mem>> -> memref<!tpu.dma_semaphore, #tpu.memory_space<semaphore_mem>>
    tpu.enqueue_indirect_dma source(%dma_start3A_1006 : memref<1000000x64xf32, #tpu.memory_space<hbm>>) target(%dma_start3A_1003 : memref<16x64xf32, #tpu.memory_space<vmem>>) offsets(%get3A_997 : vector<16xi32>) semaphore(%dma_start3A_1008 : memref<!tpu.dma_semaphore, #tpu.memory_space<semaphore_mem>>)
    %get3A_1009 = arith.constant 7 : i32
    %get3A_1010 = arith.index_cast %get3A_1009 : i32 to index
    %get3A_1011 = arith.constant 112 : index
    %get3A_1012 = tpu.vector_load %arg5[%get3A_1010, %get3A_1011] {strides = array<i32>} : memref<200x128xi32, #tpu.memory_space<vmem>>, vector<1x16xi32>,
    %get3A_1013 = vector.shape_cast %get3A_1012 : vector<1x16xi32> to vector<16xi32>
    %dma_start3A_1014 = arith.constant 7 : i32
    %dma_start3A_1015 = arith.constant 7 : i32
    %dma_start3A_1016 = arith.constant 112 : i32
    %dma_start3A_1017 = arith.constant 0 : i32
    %dma_start3A_1018 = tpu.memref_slice %arg6[%dma_start3A_1014, %dma_start3A_1016, %dma_start3A_1017] : memref<8x128x64xf32, #tpu.memory_space<vmem>> -> memref<1x16x64xf32, #tpu.memory_space<vmem>>
    %dma_start3A_1019 = tpu.memref_squeeze %dma_start3A_1018 : memref<1x16x64xf32, #tpu.memory_space<vmem>> -> memref<16x64xf32, #tpu.memory_space<vmem>>
    %dma_start3A_1020 = arith.constant 0 : i32
    %dma_start3A_1021 = arith.constant 0 : i32
    %dma_start3A_1022 = tpu.memref_slice %arg3[%dma_start3A_1020, %dma_start3A_1021] : memref<1000000x64xf32, #tpu.memory_space<hbm>> -> memref<1000000x64xf32, #tpu.memory_space<hbm>>
    %dma_start3A_1023 = tpu.memref_slice %arg7[%dma_start3A_1015] : memref<8x!tpu.dma_semaphore, #tpu.memory_space<semaphore_mem>> -> memref<1x!tpu.dma_semaphore, #tpu.memory_space<semaphore_mem>>
    %dma_start3A_1024 = tpu.memref_squeeze %dma_start3A_1023 : memref<1x!tpu.dma_semaphore, #tpu.memory_space<semaphore_mem>> -> memref<!tpu.dma_semaphore, #tpu.memory_space<semaphore_mem>>
    tpu.enqueue_indirect_dma source(%dma_start3A_1022 : memref<1000000x64xf32, #tpu.memory_space<hbm>>) target(%dma_start3A_1019 : memref<16x64xf32, #tpu.memory_space<vmem>>) offsets(%get3A_1013 : vector<16xi32>) semaphore(%dma_start3A_1024 : memref<!tpu.dma_semaphore, #tpu.memory_space<semaphore_mem>>)
    %scan3A = arith.constant 0 : i32
    %scan3A_1025 = arith.constant 0 : i32
    %scan3A_1026 = arith.constant 25 : i32
    %scan3A_1027 = arith.addi %scan3A_1025, %scan3A_1026 : i32
    %scan3A_1028 = arith.constant 1 : i32
    scf.for %scan3A_1030 = %scan3A_1025 to %scan3A_1027 step %scan3A_1028  : i32 {
      %mul3A_1031 = arith.constant 8 : i32
      %mul3A_1032 = arith.muli %scan3A_1030, %mul3A_1031 : i32
      %add3A_1033 = arith.constant 0 : i32
      %add3A_1034 = arith.addi %mul3A_1032, %add3A_1033 : i32
      %get3A_1035 = arith.index_cast %add3A_1034 : i32 to index
      %get3A_1036 = arith.constant 0 : index
      %get3A_1037 = tpu.vector_load %arg5[%get3A_1035, %get3A_1036] {strides = array<i32>} : memref<200x128xi32, #tpu.memory_space<vmem>>, vector<1x16xi32>,
      %get3A_1038 = vector.shape_cast %get3A_1037 : vector<1x16xi32> to vector<16xi32>
      %dma_wait3A = arith.constant 0 : i32
      %dma_wait3A_1039 = arith.constant 0 : i32
      %dma_wait3A_1040 = arith.constant 0 : i32
      %dma_wait3A_1041 = arith.constant 0 : i32
      %dma_wait3A_1042 = tpu.memref_slice %arg6[%dma_wait3A, %dma_wait3A_1040, %dma_wait3A_1041] : memref<8x128x64xf32, #tpu.memory_space<vmem>> -> memref<1x16x64xf32, #tpu.memory_space<vmem>>
      %dma_wait3A_1043 = tpu.memref_squeeze %dma_wait3A_1042 : memref<1x16x64xf32, #tpu.memory_space<vmem>> -> memref<16x64xf32, #tpu.memory_space<vmem>>
      %dma_wait3A_1044 = arith.constant 0 : i32
      %dma_wait3A_1045 = arith.constant 0 : i32
      %dma_wait3A_1046 = tpu.memref_slice %arg3[%dma_wait3A_1044, %dma_wait3A_1045] : memref<1000000x64xf32, #tpu.memory_space<hbm>> -> memref<1000000x64xf32, #tpu.memory_space<hbm>>
      %dma_wait3A_1047 = tpu.memref_slice %arg7[%dma_wait3A_1039] : memref<8x!tpu.dma_semaphore, #tpu.memory_space<semaphore_mem>> -> memref<1x!tpu.dma_semaphore, #tpu.memory_space<semaphore_mem>>
      %dma_wait3A_1048 = tpu.memref_squeeze %dma_wait3A_1047 : memref<1x!tpu.dma_semaphore, #tpu.memory_space<semaphore_mem>> -> memref<!tpu.dma_semaphore, #tpu.memory_space<semaphore_mem>>
      tpu.wait_indirect_dma semaphore(%dma_wait3A_1048 : memref<!tpu.dma_semaphore, #tpu.memory_space<semaphore_mem>>) src(%dma_wait3A_1046 : memref<1000000x64xf32, #tpu.memory_space<hbm>>) dst(%dma_wait3A_1043 : memref<16x64xf32, #tpu.memory_space<vmem>>)
      %get3A_1049 = arith.index_cast %add3A_1034 : i32 to index
      %get3A_1050 = arith.constant 16 : index
      %get3A_1051 = tpu.vector_load %arg5[%get3A_1049, %get3A_1050] {strides = array<i32>} : memref<200x128xi32, #tpu.memory_space<vmem>>, vector<1x16xi32>,
      %get3A_1052 = vector.shape_cast %get3A_1051 : vector<1x16xi32> to vector<16xi32>
      %dma_wait3A_1053 = arith.constant 0 : i32
      %dma_wait3A_1054 = arith.constant 0 : i32
      %dma_wait3A_1055 = arith.constant 16 : i32
      %dma_wait3A_1056 = arith.constant 0 : i32
      %dma_wait3A_1057 = tpu.memref_slice %arg6[%dma_wait3A_1053, %dma_wait3A_1055, %dma_wait3A_1056] : memref<8x128x64xf32, #tpu.memory_space<vmem>> -> memref<1x16x64xf32, #tpu.memory_space<vmem>>
      %dma_wait3A_1058 = tpu.memref_squeeze %dma_wait3A_1057 : memref<1x16x64xf32, #tpu.memory_space<vmem>> -> memref<16x64xf32, #tpu.memory_space<vmem>>
      %dma_wait3A_1059 = arith.constant 0 : i32
      %dma_wait3A_1060 = arith.constant 0 : i32
      %dma_wait3A_1061 = tpu.memref_slice %arg3[%dma_wait3A_1059, %dma_wait3A_1060] : memref<1000000x64xf32, #tpu.memory_space<hbm>> -> memref<1000000x64xf32, #tpu.memory_space<hbm>>
      %dma_wait3A_1062 = tpu.memref_slice %arg7[%dma_wait3A_1054] : memref<8x!tpu.dma_semaphore, #tpu.memory_space<semaphore_mem>> -> memref<1x!tpu.dma_semaphore, #tpu.memory_space<semaphore_mem>>
      %dma_wait3A_1063 = tpu.memref_squeeze %dma_wait3A_1062 : memref<1x!tpu.dma_semaphore, #tpu.memory_space<semaphore_mem>> -> memref<!tpu.dma_semaphore, #tpu.memory_space<semaphore_mem>>
      tpu.wait_indirect_dma semaphore(%dma_wait3A_1063 : memref<!tpu.dma_semaphore, #tpu.memory_space<semaphore_mem>>) src(%dma_wait3A_1061 : memref<1000000x64xf32, #tpu.memory_space<hbm>>) dst(%dma_wait3A_1058 : memref<16x64xf32, #tpu.memory_space<vmem>>)
      %get3A_1064 = arith.index_cast %add3A_1034 : i32 to index
      %get3A_1065 = arith.constant 32 : index
      %get3A_1066 = tpu.vector_load %arg5[%get3A_1064, %get3A_1065] {strides = array<i32>} : memref<200x128xi32, #tpu.memory_space<vmem>>, vector<1x16xi32>,
      %get3A_1067 = vector.shape_cast %get3A_1066 : vector<1x16xi32> to vector<16xi32>
      %dma_wait3A_1068 = arith.constant 0 : i32
      %dma_wait3A_1069 = arith.constant 0 : i32
      %dma_wait3A_1070 = arith.constant 32 : i32
      %dma_wait3A_1071 = arith.constant 0 : i32
      %dma_wait3A_1072 = tpu.memref_slice %arg6[%dma_wait3A_1068, %dma_wait3A_1070, %dma_wait3A_1071] : memref<8x128x64xf32, #tpu.memory_space<vmem>> -> memref<1x16x64xf32, #tpu.memory_space<vmem>>
      %dma_wait3A_1073 = tpu.memref_squeeze %dma_wait3A_1072 : memref<1x16x64xf32, #tpu.memory_space<vmem>> -> memref<16x64xf32, #tpu.memory_space<vmem>>
      %dma_wait3A_1074 = arith.constant 0 : i32
      %dma_wait3A_1075 = arith.constant 0 : i32
      %dma_wait3A_1076 = tpu.memref_slice %arg3[%dma_wait3A_1074, %dma_wait3A_1075] : memref<1000000x64xf32, #tpu.memory_space<hbm>> -> memref<1000000x64xf32, #tpu.memory_space<hbm>>
      %dma_wait3A_1077 = tpu.memref_slice %arg7[%dma_wait3A_1069] : memref<8x!tpu.dma_semaphore, #tpu.memory_space<semaphore_mem>> -> memref<1x!tpu.dma_semaphore, #tpu.memory_space<semaphore_mem>>
      %dma_wait3A_1078 = tpu.memref_squeeze %dma_wait3A_1077 : memref<1x!tpu.dma_semaphore, #tpu.memory_space<semaphore_mem>> -> memref<!tpu.dma_semaphore, #tpu.memory_space<semaphore_mem>>
      tpu.wait_indirect_dma semaphore(%dma_wait3A_1078 : memref<!tpu.dma_semaphore, #tpu.memory_space<semaphore_mem>>) src(%dma_wait3A_1076 : memref<1000000x64xf32, #tpu.memory_space<hbm>>) dst(%dma_wait3A_1073 : memref<16x64xf32, #tpu.memory_space<vmem>>)
      %get3A_1079 = arith.index_cast %add3A_1034 : i32 to index
      %get3A_1080 = arith.constant 48 : index
      %get3A_1081 = tpu.vector_load %arg5[%get3A_1079, %get3A_1080] {strides = array<i32>} : memref<200x128xi32, #tpu.memory_space<vmem>>, vector<1x16xi32>,
      %get3A_1082 = vector.shape_cast %get3A_1081 : vector<1x16xi32> to vector<16xi32>
      %dma_wait3A_1083 = arith.constant 0 : i32
      %dma_wait3A_1084 = arith.constant 0 : i32
      %dma_wait3A_1085 = arith.constant 48 : i32
      %dma_wait3A_1086 = arith.constant 0 : i32
      %dma_wait3A_1087 = tpu.memref_slice %arg6[%dma_wait3A_1083, %dma_wait3A_1085, %dma_wait3A_1086] : memref<8x128x64xf32, #tpu.memory_space<vmem>> -> memref<1x16x64xf32, #tpu.memory_space<vmem>>
      %dma_wait3A_1088 = tpu.memref_squeeze %dma_wait3A_1087 : memref<1x16x64xf32, #tpu.memory_space<vmem>> -> memref<16x64xf32, #tpu.memory_space<vmem>>
      %dma_wait3A_1089 = arith.constant 0 : i32
      %dma_wait3A_1090 = arith.constant 0 : i32
      %dma_wait3A_1091 = tpu.memref_slice %arg3[%dma_wait3A_1089, %dma_wait3A_1090] : memref<1000000x64xf32, #tpu.memory_space<hbm>> -> memref<1000000x64xf32, #tpu.memory_space<hbm>>
      %dma_wait3A_1092 = tpu.memref_slice %arg7[%dma_wait3A_1084] : memref<8x!tpu.dma_semaphore, #tpu.memory_space<semaphore_mem>> -> memref<1x!tpu.dma_semaphore, #tpu.memory_space<semaphore_mem>>
      %dma_wait3A_1093 = tpu.memref_squeeze %dma_wait3A_1092 : memref<1x!tpu.dma_semaphore, #tpu.memory_space<semaphore_mem>> -> memref<!tpu.dma_semaphore, #tpu.memory_space<semaphore_mem>>
      tpu.wait_indirect_dma semaphore(%dma_wait3A_1093 : memref<!tpu.dma_semaphore, #tpu.memory_space<semaphore_mem>>) src(%dma_wait3A_1091 : memref<1000000x64xf32, #tpu.memory_space<hbm>>) dst(%dma_wait3A_1088 : memref<16x64xf32, #tpu.memory_space<vmem>>)
      %get3A_1094 = arith.index_cast %add3A_1034 : i32 to index
      %get3A_1095 = arith.constant 64 : index
      %get3A_1096 = tpu.vector_load %arg5[%get3A_1094, %get3A_1095] {strides = array<i32>} : memref<200x128xi32, #tpu.memory_space<vmem>>, vector<1x16xi32>,
      %get3A_1097 = vector.shape_cast %get3A_1096 : vector<1x16xi32> to vector<16xi32>
      %dma_wait3A_1098 = arith.constant 0 : i32
      %dma_wait3A_1099 = arith.constant 0 : i32
      %dma_wait3A_1100 = arith.constant 64 : i32
      %dma_wait3A_1101 = arith.constant 0 : i32
      %dma_wait3A_1102 = tpu.memref_slice %arg6[%dma_wait3A_1098, %dma_wait3A_1100, %dma_wait3A_1101] : memref<8x128x64xf32, #tpu.memory_space<vmem>> -> memref<1x16x64xf32, #tpu.memory_space<vmem>>
      %dma_wait3A_1103 = tpu.memref_squeeze %dma_wait3A_1102 : memref<1x16x64xf32, #tpu.memory_space<vmem>> -> memref<16x64xf32, #tpu.memory_space<vmem>>
      %dma_wait3A_1104 = arith.constant 0 : i32
      %dma_wait3A_1105 = arith.constant 0 : i32
      %dma_wait3A_1106 = tpu.memref_slice %arg3[%dma_wait3A_1104, %dma_wait3A_1105] : memref<1000000x64xf32, #tpu.memory_space<hbm>> -> memref<1000000x64xf32, #tpu.memory_space<hbm>>
      %dma_wait3A_1107 = tpu.memref_slice %arg7[%dma_wait3A_1099] : memref<8x!tpu.dma_semaphore, #tpu.memory_space<semaphore_mem>> -> memref<1x!tpu.dma_semaphore, #tpu.memory_space<semaphore_mem>>
      %dma_wait3A_1108 = tpu.memref_squeeze %dma_wait3A_1107 : memref<1x!tpu.dma_semaphore, #tpu.memory_space<semaphore_mem>> -> memref<!tpu.dma_semaphore, #tpu.memory_space<semaphore_mem>>
      tpu.wait_indirect_dma semaphore(%dma_wait3A_1108 : memref<!tpu.dma_semaphore, #tpu.memory_space<semaphore_mem>>) src(%dma_wait3A_1106 : memref<1000000x64xf32, #tpu.memory_space<hbm>>) dst(%dma_wait3A_1103 : memref<16x64xf32, #tpu.memory_space<vmem>>)
      %get3A_1109 = arith.index_cast %add3A_1034 : i32 to index
      %get3A_1110 = arith.constant 80 : index
      %get3A_1111 = tpu.vector_load %arg5[%get3A_1109, %get3A_1110] {strides = array<i32>} : memref<200x128xi32, #tpu.memory_space<vmem>>, vector<1x16xi32>,
      %get3A_1112 = vector.shape_cast %get3A_1111 : vector<1x16xi32> to vector<16xi32>
      %dma_wait3A_1113 = arith.constant 0 : i32
      %dma_wait3A_1114 = arith.constant 0 : i32
      %dma_wait3A_1115 = arith.constant 80 : i32
      %dma_wait3A_1116 = arith.constant 0 : i32
      %dma_wait3A_1117 = tpu.memref_slice %arg6[%dma_wait3A_1113, %dma_wait3A_1115, %dma_wait3A_1116] : memref<8x128x64xf32, #tpu.memory_space<vmem>> -> memref<1x16x64xf32, #tpu.memory_space<vmem>>
      %dma_wait3A_1118 = tpu.memref_squeeze %dma_wait3A_1117 : memref<1x16x64xf32, #tpu.memory_space<vmem>> -> memref<16x64xf32, #tpu.memory_space<vmem>>
      %dma_wait3A_1119 = arith.constant 0 : i32
      %dma_wait3A_1120 = arith.constant 0 : i32
      %dma_wait3A_1121 = tpu.memref_slice %arg3[%dma_wait3A_1119, %dma_wait3A_1120] : memref<1000000x64xf32, #tpu.memory_space<hbm>> -> memref<1000000x64xf32, #tpu.memory_space<hbm>>
      %dma_wait3A_1122 = tpu.memref_slice %arg7[%dma_wait3A_1114] : memref<8x!tpu.dma_semaphore, #tpu.memory_space<semaphore_mem>> -> memref<1x!tpu.dma_semaphore, #tpu.memory_space<semaphore_mem>>
      %dma_wait3A_1123 = tpu.memref_squeeze %dma_wait3A_1122 : memref<1x!tpu.dma_semaphore, #tpu.memory_space<semaphore_mem>> -> memref<!tpu.dma_semaphore, #tpu.memory_space<semaphore_mem>>
      tpu.wait_indirect_dma semaphore(%dma_wait3A_1123 : memref<!tpu.dma_semaphore, #tpu.memory_space<semaphore_mem>>) src(%dma_wait3A_1121 : memref<1000000x64xf32, #tpu.memory_space<hbm>>) dst(%dma_wait3A_1118 : memref<16x64xf32, #tpu.memory_space<vmem>>)
      %get3A_1124 = arith.index_cast %add3A_1034 : i32 to index
      %get3A_1125 = arith.constant 96 : index
      %get3A_1126 = tpu.vector_load %arg5[%get3A_1124, %get3A_1125] {strides = array<i32>} : memref<200x128xi32, #tpu.memory_space<vmem>>, vector<1x16xi32>,
      %get3A_1127 = vector.shape_cast %get3A_1126 : vector<1x16xi32> to vector<16xi32>
      %dma_wait3A_1128 = arith.constant 0 : i32
      %dma_wait3A_1129 = arith.constant 0 : i32
      %dma_wait3A_1130 = arith.constant 96 : i32
      %dma_wait3A_1131 = arith.constant 0 : i32
      %dma_wait3A_1132 = tpu.memref_slice %arg6[%dma_wait3A_1128, %dma_wait3A_1130, %dma_wait3A_1131] : memref<8x128x64xf32, #tpu.memory_space<vmem>> -> memref<1x16x64xf32, #tpu.memory_space<vmem>>
      %dma_wait3A_1133 = tpu.memref_squeeze %dma_wait3A_1132 : memref<1x16x64xf32, #tpu.memory_space<vmem>> -> memref<16x64xf32, #tpu.memory_space<vmem>>
      %dma_wait3A_1134 = arith.constant 0 : i32
      %dma_wait3A_1135 = arith.constant 0 : i32
      %dma_wait3A_1136 = tpu.memref_slice %arg3[%dma_wait3A_1134, %dma_wait3A_1135] : memref<1000000x64xf32, #tpu.memory_space<hbm>> -> memref<1000000x64xf32, #tpu.memory_space<hbm>>
      %dma_wait3A_1137 = tpu.memref_slice %arg7[%dma_wait3A_1129] : memref<8x!tpu.dma_semaphore, #tpu.memory_space<semaphore_mem>> -> memref<1x!tpu.dma_semaphore, #tpu.memory_space<semaphore_mem>>
      %dma_wait3A_1138 = tpu.memref_squeeze %dma_wait3A_1137 : memref<1x!tpu.dma_semaphore, #tpu.memory_space<semaphore_mem>> -> memref<!tpu.dma_semaphore, #tpu.memory_space<semaphore_mem>>
      tpu.wait_indirect_dma semaphore(%dma_wait3A_1138 : memref<!tpu.dma_semaphore, #tpu.memory_space<semaphore_mem>>) src(%dma_wait3A_1136 : memref<1000000x64xf32, #tpu.memory_space<hbm>>) dst(%dma_wait3A_1133 : memref<16x64xf32, #tpu.memory_space<vmem>>)
      %get3A_1139 = arith.index_cast %add3A_1034 : i32 to index
      %get3A_1140 = arith.constant 112 : index
      %get3A_1141 = tpu.vector_load %arg5[%get3A_1139, %get3A_1140] {strides = array<i32>} : memref<200x128xi32, #tpu.memory_space<vmem>>, vector<1x16xi32>,
      %get3A_1142 = vector.shape_cast %get3A_1141 : vector<1x16xi32> to vector<16xi32>
      %dma_wait3A_1143 = arith.constant 0 : i32
      %dma_wait3A_1144 = arith.constant 0 : i32
      %dma_wait3A_1145 = arith.constant 112 : i32
      %dma_wait3A_1146 = arith.constant 0 : i32
      %dma_wait3A_1147 = tpu.memref_slice %arg6[%dma_wait3A_1143, %dma_wait3A_1145, %dma_wait3A_1146] : memref<8x128x64xf32, #tpu.memory_space<vmem>> -> memref<1x16x64xf32, #tpu.memory_space<vmem>>
      %dma_wait3A_1148 = tpu.memref_squeeze %dma_wait3A_1147 : memref<1x16x64xf32, #tpu.memory_space<vmem>> -> memref<16x64xf32, #tpu.memory_space<vmem>>
      %dma_wait3A_1149 = arith.constant 0 : i32
      %dma_wait3A_1150 = arith.constant 0 : i32
      %dma_wait3A_1151 = tpu.memref_slice %arg3[%dma_wait3A_1149, %dma_wait3A_1150] : memref<1000000x64xf32, #tpu.memory_space<hbm>> -> memref<1000000x64xf32, #tpu.memory_space<hbm>>
      %dma_wait3A_1152 = tpu.memref_slice %arg7[%dma_wait3A_1144] : memref<8x!tpu.dma_semaphore, #tpu.memory_space<semaphore_mem>> -> memref<1x!tpu.dma_semaphore, #tpu.memory_space<semaphore_mem>>
      %dma_wait3A_1153 = tpu.memref_squeeze %dma_wait3A_1152 : memref<1x!tpu.dma_semaphore, #tpu.memory_space<semaphore_mem>> -> memref<!tpu.dma_semaphore, #tpu.memory_space<semaphore_mem>>
      tpu.wait_indirect_dma semaphore(%dma_wait3A_1153 : memref<!tpu.dma_semaphore, #tpu.memory_space<semaphore_mem>>) src(%dma_wait3A_1151 : memref<1000000x64xf32, #tpu.memory_space<hbm>>) dst(%dma_wait3A_1148 : memref<16x64xf32, #tpu.memory_space<vmem>>)
      %add3A_1154 = arith.constant 0 : i32
      %add3A_1155 = arith.addi %mul3A_1032, %add3A_1154 : i32
      %mul3A_1156 = arith.constant 25600 : i32
      %mul3A_1157 = arith.muli %add3A, %mul3A_1156 : i32
      %mul3A_1158 = arith.constant 128 : i32
      %mul3A_1159 = arith.muli %add3A_1155, %mul3A_1158 : i32
      %add3A_1160 = arith.addi %mul3A_1157, %mul3A_1159 : i32
      %dma_start3A_1161 = arith.constant 0 : i32
      %dma_start3A_1162 = arith.constant 0 : i32
      %dma_start3A_1163 = arith.constant 0 : i32
      %dma_start3A_1164 = arith.constant 0 : i32
      %dma_start3A_1165 = tpu.memref_slice %arg6[%dma_start3A_1161, %dma_start3A_1163, %dma_start3A_1164] : memref<8x128x64xf32, #tpu.memory_space<vmem>> -> memref<1x128x64xf32, #tpu.memory_space<vmem>>
      %dma_start3A_1166 = tpu.memref_squeeze %dma_start3A_1165 : memref<1x128x64xf32, #tpu.memory_space<vmem>> -> memref<128x64xf32, #tpu.memory_space<vmem>>
      %dma_start3A_1167 = arith.constant 0 : i32
      %dma_start3A_1168 = tpu.memref_slice %arg4[%add3A_1160, %dma_start3A_1167] : memref<819200x64xf32, #tpu.memory_space<hbm>> -> memref<128x64xf32, #tpu.memory_space<hbm>>
      %dma_start3A_1169 = tpu.memref_slice %arg8[%dma_start3A_1162] : memref<8x!tpu.dma_semaphore, #tpu.memory_space<semaphore_mem>> -> memref<1x!tpu.dma_semaphore, #tpu.memory_space<semaphore_mem>>
      %dma_start3A_1170 = tpu.memref_squeeze %dma_start3A_1169 : memref<1x!tpu.dma_semaphore, #tpu.memory_space<semaphore_mem>> -> memref<!tpu.dma_semaphore, #tpu.memory_space<semaphore_mem>>
      %dma_start3A_1171 = arith.constant 0 : i32
      %dma_start3A_1172 = tpu.memref_slice %arg4[%add3A_1160, %dma_start3A_1171] : memref<819200x64xf32, #tpu.memory_space<hbm>> -> memref<128x64xf32, #tpu.memory_space<hbm>>
      %dma_start3A_1173 = arith.constant 0 : i32
      %dma_start3A_1174 = arith.constant 0 : i32
      %dma_start3A_1175 = tpu.memref_slice %arg6[%dma_start3A_1161, %dma_start3A_1173, %dma_start3A_1174] : memref<8x128x64xf32, #tpu.memory_space<vmem>> -> memref<1x128x64xf32, #tpu.memory_space<vmem>>
      %dma_start3A_1176 = tpu.memref_squeeze %dma_start3A_1175 : memref<1x128x64xf32, #tpu.memory_space<vmem>> -> memref<128x64xf32, #tpu.memory_space<vmem>>
      tpu.enqueue_dma source(%dma_start3A_1176 : memref<128x64xf32, #tpu.memory_space<vmem>>) target(%dma_start3A_1172 : memref<128x64xf32, #tpu.memory_space<hbm>>) target_semaphore(%dma_start3A_1170 : memref<!tpu.dma_semaphore, #tpu.memory_space<semaphore_mem>>)
      %add3A_1177 = arith.constant 1 : i32
      %add3A_1178 = arith.addi %mul3A_1032, %add3A_1177 : i32
      %get3A_1179 = arith.index_cast %add3A_1178 : i32 to index
      %get3A_1180 = arith.constant 0 : index
      %get3A_1181 = tpu.vector_load %arg5[%get3A_1179, %get3A_1180] {strides = array<i32>} : memref<200x128xi32, #tpu.memory_space<vmem>>, vector<1x16xi32>,
      %get3A_1182 = vector.shape_cast %get3A_1181 : vector<1x16xi32> to vector<16xi32>
      %dma_wait3A_1183 = arith.constant 1 : i32
      %dma_wait3A_1184 = arith.constant 1 : i32
      %dma_wait3A_1185 = arith.constant 0 : i32
      %dma_wait3A_1186 = arith.constant 0 : i32
      %dma_wait3A_1187 = tpu.memref_slice %arg6[%dma_wait3A_1183, %dma_wait3A_1185, %dma_wait3A_1186] : memref<8x128x64xf32, #tpu.memory_space<vmem>> -> memref<1x16x64xf32, #tpu.memory_space<vmem>>
      %dma_wait3A_1188 = tpu.memref_squeeze %dma_wait3A_1187 : memref<1x16x64xf32, #tpu.memory_space<vmem>> -> memref<16x64xf32, #tpu.memory_space<vmem>>
      %dma_wait3A_1189 = arith.constant 0 : i32
      %dma_wait3A_1190 = arith.constant 0 : i32
      %dma_wait3A_1191 = tpu.memref_slice %arg3[%dma_wait3A_1189, %dma_wait3A_1190] : memref<1000000x64xf32, #tpu.memory_space<hbm>> -> memref<1000000x64xf32, #tpu.memory_space<hbm>>
      %dma_wait3A_1192 = tpu.memref_slice %arg7[%dma_wait3A_1184] : memref<8x!tpu.dma_semaphore, #tpu.memory_space<semaphore_mem>> -> memref<1x!tpu.dma_semaphore, #tpu.memory_space<semaphore_mem>>
      %dma_wait3A_1193 = tpu.memref_squeeze %dma_wait3A_1192 : memref<1x!tpu.dma_semaphore, #tpu.memory_space<semaphore_mem>> -> memref<!tpu.dma_semaphore, #tpu.memory_space<semaphore_mem>>
      tpu.wait_indirect_dma semaphore(%dma_wait3A_1193 : memref<!tpu.dma_semaphore, #tpu.memory_space<semaphore_mem>>) src(%dma_wait3A_1191 : memref<1000000x64xf32, #tpu.memory_space<hbm>>) dst(%dma_wait3A_1188 : memref<16x64xf32, #tpu.memory_space<vmem>>)
      %get3A_1194 = arith.index_cast %add3A_1178 : i32 to index
      %get3A_1195 = arith.constant 16 : index
      %get3A_1196 = tpu.vector_load %arg5[%get3A_1194, %get3A_1195] {strides = array<i32>} : memref<200x128xi32, #tpu.memory_space<vmem>>, vector<1x16xi32>,
      %get3A_1197 = vector.shape_cast %get3A_1196 : vector<1x16xi32> to vector<16xi32>
      %dma_wait3A_1198 = arith.constant 1 : i32
      %dma_wait3A_1199 = arith.constant 1 : i32
      %dma_wait3A_1200 = arith.constant 16 : i32
      %dma_wait3A_1201 = arith.constant 0 : i32
      %dma_wait3A_1202 = tpu.memref_slice %arg6[%dma_wait3A_1198, %dma_wait3A_1200, %dma_wait3A_1201] : memref<8x128x64xf32, #tpu.memory_space<vmem>> -> memref<1x16x64xf32, #tpu.memory_space<vmem>>
      %dma_wait3A_1203 = tpu.memref_squeeze %dma_wait3A_1202 : memref<1x16x64xf32, #tpu.memory_space<vmem>> -> memref<16x64xf32, #tpu.memory_space<vmem>>
      %dma_wait3A_1204 = arith.constant 0 : i32
      %dma_wait3A_1205 = arith.constant 0 : i32
      %dma_wait3A_1206 = tpu.memref_slice %arg3[%dma_wait3A_1204, %dma_wait3A_1205] : memref<1000000x64xf32, #tpu.memory_space<hbm>> -> memref<1000000x64xf32, #tpu.memory_space<hbm>>
      %dma_wait3A_1207 = tpu.memref_slice %arg7[%dma_wait3A_1199] : memref<8x!tpu.dma_semaphore, #tpu.memory_space<semaphore_mem>> -> memref<1x!tpu.dma_semaphore, #tpu.memory_space<semaphore_mem>>
      %dma_wait3A_1208 = tpu.memref_squeeze %dma_wait3A_1207 : memref<1x!tpu.dma_semaphore, #tpu.memory_space<semaphore_mem>> -> memref<!tpu.dma_semaphore, #tpu.memory_space<semaphore_mem>>
      tpu.wait_indirect_dma semaphore(%dma_wait3A_1208 : memref<!tpu.dma_semaphore, #tpu.memory_space<semaphore_mem>>) src(%dma_wait3A_1206 : memref<1000000x64xf32, #tpu.memory_space<hbm>>) dst(%dma_wait3A_1203 : memref<16x64xf32, #tpu.memory_space<vmem>>)
      %get3A_1209 = arith.index_cast %add3A_1178 : i32 to index
      %get3A_1210 = arith.constant 32 : index
      %get3A_1211 = tpu.vector_load %arg5[%get3A_1209, %get3A_1210] {strides = array<i32>} : memref<200x128xi32, #tpu.memory_space<vmem>>, vector<1x16xi32>,
      %get3A_1212 = vector.shape_cast %get3A_1211 : vector<1x16xi32> to vector<16xi32>
      %dma_wait3A_1213 = arith.constant 1 : i32
      %dma_wait3A_1214 = arith.constant 1 : i32
      %dma_wait3A_1215 = arith.constant 32 : i32
      %dma_wait3A_1216 = arith.constant 0 : i32
      %dma_wait3A_1217 = tpu.memref_slice %arg6[%dma_wait3A_1213, %dma_wait3A_1215, %dma_wait3A_1216] : memref<8x128x64xf32, #tpu.memory_space<vmem>> -> memref<1x16x64xf32, #tpu.memory_space<vmem>>
      %dma_wait3A_1218 = tpu.memref_squeeze %dma_wait3A_1217 : memref<1x16x64xf32, #tpu.memory_space<vmem>> -> memref<16x64xf32, #tpu.memory_space<vmem>>
      %dma_wait3A_1219 = arith.constant 0 : i32
      %dma_wait3A_1220 = arith.constant 0 : i32
      %dma_wait3A_1221 = tpu.memref_slice %arg3[%dma_wait3A_1219, %dma_wait3A_1220] : memref<1000000x64xf32, #tpu.memory_space<hbm>> -> memref<1000000x64xf32, #tpu.memory_space<hbm>>
      %dma_wait3A_1222 = tpu.memref_slice %arg7[%dma_wait3A_1214] : memref<8x!tpu.dma_semaphore, #tpu.memory_space<semaphore_mem>> -> memref<1x!tpu.dma_semaphore, #tpu.memory_space<semaphore_mem>>
      %dma_wait3A_1223 = tpu.memref_squeeze %dma_wait3A_1222 : memref<1x!tpu.dma_semaphore, #tpu.memory_space<semaphore_mem>> -> memref<!tpu.dma_semaphore, #tpu.memory_space<semaphore_mem>>
      tpu.wait_indirect_dma semaphore(%dma_wait3A_1223 : memref<!tpu.dma_semaphore, #tpu.memory_space<semaphore_mem>>) src(%dma_wait3A_1221 : memref<1000000x64xf32, #tpu.memory_space<hbm>>) dst(%dma_wait3A_1218 : memref<16x64xf32, #tpu.memory_space<vmem>>)
      %get3A_1224 = arith.index_cast %add3A_1178 : i32 to index
      %get3A_1225 = arith.constant 48 : index
      %get3A_1226 = tpu.vector_load %arg5[%get3A_1224, %get3A_1225] {strides = array<i32>} : memref<200x128xi32, #tpu.memory_space<vmem>>, vector<1x16xi32>,
      %get3A_1227 = vector.shape_cast %get3A_1226 : vector<1x16xi32> to vector<16xi32>
      %dma_wait3A_1228 = arith.constant 1 : i32
      %dma_wait3A_1229 = arith.constant 1 : i32
      %dma_wait3A_1230 = arith.constant 48 : i32
      %dma_wait3A_1231 = arith.constant 0 : i32
      %dma_wait3A_1232 = tpu.memref_slice %arg6[%dma_wait3A_1228, %dma_wait3A_1230, %dma_wait3A_1231] : memref<8x128x64xf32, #tpu.memory_space<vmem>> -> memref<1x16x64xf32, #tpu.memory_space<vmem>>
      %dma_wait3A_1233 = tpu.memref_squeeze %dma_wait3A_1232 : memref<1x16x64xf32, #tpu.memory_space<vmem>> -> memref<16x64xf32, #tpu.memory_space<vmem>>
      %dma_wait3A_1234 = arith.constant 0 : i32
      %dma_wait3A_1235 = arith.constant 0 : i32
      %dma_wait3A_1236 = tpu.memref_slice %arg3[%dma_wait3A_1234, %dma_wait3A_1235] : memref<1000000x64xf32, #tpu.memory_space<hbm>> -> memref<1000000x64xf32, #tpu.memory_space<hbm>>
      %dma_wait3A_1237 = tpu.memref_slice %arg7[%dma_wait3A_1229] : memref<8x!tpu.dma_semaphore, #tpu.memory_space<semaphore_mem>> -> memref<1x!tpu.dma_semaphore, #tpu.memory_space<semaphore_mem>>
      %dma_wait3A_1238 = tpu.memref_squeeze %dma_wait3A_1237 : memref<1x!tpu.dma_semaphore, #tpu.memory_space<semaphore_mem>> -> memref<!tpu.dma_semaphore, #tpu.memory_space<semaphore_mem>>
      tpu.wait_indirect_dma semaphore(%dma_wait3A_1238 : memref<!tpu.dma_semaphore, #tpu.memory_space<semaphore_mem>>) src(%dma_wait3A_1236 : memref<1000000x64xf32, #tpu.memory_space<hbm>>) dst(%dma_wait3A_1233 : memref<16x64xf32, #tpu.memory_space<vmem>>)
      %get3A_1239 = arith.index_cast %add3A_1178 : i32 to index
      %get3A_1240 = arith.constant 64 : index
      %get3A_1241 = tpu.vector_load %arg5[%get3A_1239, %get3A_1240] {strides = array<i32>} : memref<200x128xi32, #tpu.memory_space<vmem>>, vector<1x16xi32>,
      %get3A_1242 = vector.shape_cast %get3A_1241 : vector<1x16xi32> to vector<16xi32>
      %dma_wait3A_1243 = arith.constant 1 : i32
      %dma_wait3A_1244 = arith.constant 1 : i32
      %dma_wait3A_1245 = arith.constant 64 : i32
      %dma_wait3A_1246 = arith.constant 0 : i32
      %dma_wait3A_1247 = tpu.memref_slice %arg6[%dma_wait3A_1243, %dma_wait3A_1245, %dma_wait3A_1246] : memref<8x128x64xf32, #tpu.memory_space<vmem>> -> memref<1x16x64xf32, #tpu.memory_space<vmem>>
      %dma_wait3A_1248 = tpu.memref_squeeze %dma_wait3A_1247 : memref<1x16x64xf32, #tpu.memory_space<vmem>> -> memref<16x64xf32, #tpu.memory_space<vmem>>
      %dma_wait3A_1249 = arith.constant 0 : i32
      %dma_wait3A_1250 = arith.constant 0 : i32
      %dma_wait3A_1251 = tpu.memref_slice %arg3[%dma_wait3A_1249, %dma_wait3A_1250] : memref<1000000x64xf32, #tpu.memory_space<hbm>> -> memref<1000000x64xf32, #tpu.memory_space<hbm>>
      %dma_wait3A_1252 = tpu.memref_slice %arg7[%dma_wait3A_1244] : memref<8x!tpu.dma_semaphore, #tpu.memory_space<semaphore_mem>> -> memref<1x!tpu.dma_semaphore, #tpu.memory_space<semaphore_mem>>
      %dma_wait3A_1253 = tpu.memref_squeeze %dma_wait3A_1252 : memref<1x!tpu.dma_semaphore, #tpu.memory_space<semaphore_mem>> -> memref<!tpu.dma_semaphore, #tpu.memory_space<semaphore_mem>>
      tpu.wait_indirect_dma semaphore(%dma_wait3A_1253 : memref<!tpu.dma_semaphore, #tpu.memory_space<semaphore_mem>>) src(%dma_wait3A_1251 : memref<1000000x64xf32, #tpu.memory_space<hbm>>) dst(%dma_wait3A_1248 : memref<16x64xf32, #tpu.memory_space<vmem>>)
      %get3A_1254 = arith.index_cast %add3A_1178 : i32 to index
      %get3A_1255 = arith.constant 80 : index
      %get3A_1256 = tpu.vector_load %arg5[%get3A_1254, %get3A_1255] {strides = array<i32>} : memref<200x128xi32, #tpu.memory_space<vmem>>, vector<1x16xi32>,
      %get3A_1257 = vector.shape_cast %get3A_1256 : vector<1x16xi32> to vector<16xi32>
      %dma_wait3A_1258 = arith.constant 1 : i32
      %dma_wait3A_1259 = arith.constant 1 : i32
      %dma_wait3A_1260 = arith.constant 80 : i32
      %dma_wait3A_1261 = arith.constant 0 : i32
      %dma_wait3A_1262 = tpu.memref_slice %arg6[%dma_wait3A_1258, %dma_wait3A_1260, %dma_wait3A_1261] : memref<8x128x64xf32, #tpu.memory_space<vmem>> -> memref<1x16x64xf32, #tpu.memory_space<vmem>>
      %dma_wait3A_1263 = tpu.memref_squeeze %dma_wait3A_1262 : memref<1x16x64xf32, #tpu.memory_space<vmem>> -> memref<16x64xf32, #tpu.memory_space<vmem>>
      %dma_wait3A_1264 = arith.constant 0 : i32
      %dma_wait3A_1265 = arith.constant 0 : i32
      %dma_wait3A_1266 = tpu.memref_slice %arg3[%dma_wait3A_1264, %dma_wait3A_1265] : memref<1000000x64xf32, #tpu.memory_space<hbm>> -> memref<1000000x64xf32, #tpu.memory_space<hbm>>
      %dma_wait3A_1267 = tpu.memref_slice %arg7[%dma_wait3A_1259] : memref<8x!tpu.dma_semaphore, #tpu.memory_space<semaphore_mem>> -> memref<1x!tpu.dma_semaphore, #tpu.memory_space<semaphore_mem>>
      %dma_wait3A_1268 = tpu.memref_squeeze %dma_wait3A_1267 : memref<1x!tpu.dma_semaphore, #tpu.memory_space<semaphore_mem>> -> memref<!tpu.dma_semaphore, #tpu.memory_space<semaphore_mem>>
      tpu.wait_indirect_dma semaphore(%dma_wait3A_1268 : memref<!tpu.dma_semaphore, #tpu.memory_space<semaphore_mem>>) src(%dma_wait3A_1266 : memref<1000000x64xf32, #tpu.memory_space<hbm>>) dst(%dma_wait3A_1263 : memref<16x64xf32, #tpu.memory_space<vmem>>)
      %get3A_1269 = arith.index_cast %add3A_1178 : i32 to index
      %get3A_1270 = arith.constant 96 : index
      %get3A_1271 = tpu.vector_load %arg5[%get3A_1269, %get3A_1270] {strides = array<i32>} : memref<200x128xi32, #tpu.memory_space<vmem>>, vector<1x16xi32>,
      %get3A_1272 = vector.shape_cast %get3A_1271 : vector<1x16xi32> to vector<16xi32>
      %dma_wait3A_1273 = arith.constant 1 : i32
      %dma_wait3A_1274 = arith.constant 1 : i32
      %dma_wait3A_1275 = arith.constant 96 : i32
      %dma_wait3A_1276 = arith.constant 0 : i32
      %dma_wait3A_1277 = tpu.memref_slice %arg6[%dma_wait3A_1273, %dma_wait3A_1275, %dma_wait3A_1276] : memref<8x128x64xf32, #tpu.memory_space<vmem>> -> memref<1x16x64xf32, #tpu.memory_space<vmem>>
      %dma_wait3A_1278 = tpu.memref_squeeze %dma_wait3A_1277 : memref<1x16x64xf32, #tpu.memory_space<vmem>> -> memref<16x64xf32, #tpu.memory_space<vmem>>
      %dma_wait3A_1279 = arith.constant 0 : i32
      %dma_wait3A_1280 = arith.constant 0 : i32
      %dma_wait3A_1281 = tpu.memref_slice %arg3[%dma_wait3A_1279, %dma_wait3A_1280] : memref<1000000x64xf32, #tpu.memory_space<hbm>> -> memref<1000000x64xf32, #tpu.memory_space<hbm>>
      %dma_wait3A_1282 = tpu.memref_slice %arg7[%dma_wait3A_1274] : memref<8x!tpu.dma_semaphore, #tpu.memory_space<semaphore_mem>> -> memref<1x!tpu.dma_semaphore, #tpu.memory_space<semaphore_mem>>
      %dma_wait3A_1283 = tpu.memref_squeeze %dma_wait3A_1282 : memref<1x!tpu.dma_semaphore, #tpu.memory_space<semaphore_mem>> -> memref<!tpu.dma_semaphore, #tpu.memory_space<semaphore_mem>>
      tpu.wait_indirect_dma semaphore(%dma_wait3A_1283 : memref<!tpu.dma_semaphore, #tpu.memory_space<semaphore_mem>>) src(%dma_wait3A_1281 : memref<1000000x64xf32, #tpu.memory_space<hbm>>) dst(%dma_wait3A_1278 : memref<16x64xf32, #tpu.memory_space<vmem>>)
      %get3A_1284 = arith.index_cast %add3A_1178 : i32 to index
      %get3A_1285 = arith.constant 112 : index
      %get3A_1286 = tpu.vector_load %arg5[%get3A_1284, %get3A_1285] {strides = array<i32>} : memref<200x128xi32, #tpu.memory_space<vmem>>, vector<1x16xi32>,
      %get3A_1287 = vector.shape_cast %get3A_1286 : vector<1x16xi32> to vector<16xi32>
      %dma_wait3A_1288 = arith.constant 1 : i32
      %dma_wait3A_1289 = arith.constant 1 : i32
      %dma_wait3A_1290 = arith.constant 112 : i32
      %dma_wait3A_1291 = arith.constant 0 : i32
      %dma_wait3A_1292 = tpu.memref_slice %arg6[%dma_wait3A_1288, %dma_wait3A_1290, %dma_wait3A_1291] : memref<8x128x64xf32, #tpu.memory_space<vmem>> -> memref<1x16x64xf32, #tpu.memory_space<vmem>>
      %dma_wait3A_1293 = tpu.memref_squeeze %dma_wait3A_1292 : memref<1x16x64xf32, #tpu.memory_space<vmem>> -> memref<16x64xf32, #tpu.memory_space<vmem>>
      %dma_wait3A_1294 = arith.constant 0 : i32
      %dma_wait3A_1295 = arith.constant 0 : i32
      %dma_wait3A_1296 = tpu.memref_slice %arg3[%dma_wait3A_1294, %dma_wait3A_1295] : memref<1000000x64xf32, #tpu.memory_space<hbm>> -> memref<1000000x64xf32, #tpu.memory_space<hbm>>
      %dma_wait3A_1297 = tpu.memref_slice %arg7[%dma_wait3A_1289] : memref<8x!tpu.dma_semaphore, #tpu.memory_space<semaphore_mem>> -> memref<1x!tpu.dma_semaphore, #tpu.memory_space<semaphore_mem>>
      %dma_wait3A_1298 = tpu.memref_squeeze %dma_wait3A_1297 : memref<1x!tpu.dma_semaphore, #tpu.memory_space<semaphore_mem>> -> memref<!tpu.dma_semaphore, #tpu.memory_space<semaphore_mem>>
      tpu.wait_indirect_dma semaphore(%dma_wait3A_1298 : memref<!tpu.dma_semaphore, #tpu.memory_space<semaphore_mem>>) src(%dma_wait3A_1296 : memref<1000000x64xf32, #tpu.memory_space<hbm>>) dst(%dma_wait3A_1293 : memref<16x64xf32, #tpu.memory_space<vmem>>)
      %add3A_1299 = arith.constant 1 : i32
      %add3A_1300 = arith.addi %mul3A_1032, %add3A_1299 : i32
      %mul3A_1301 = arith.constant 25600 : i32
      %mul3A_1302 = arith.muli %add3A, %mul3A_1301 : i32
      %mul3A_1303 = arith.constant 128 : i32
      %mul3A_1304 = arith.muli %add3A_1300, %mul3A_1303 : i32
      %add3A_1305 = arith.addi %mul3A_1302, %mul3A_1304 : i32
      %dma_start3A_1306 = arith.constant 1 : i32
      %dma_start3A_1307 = arith.constant 1 : i32
      %dma_start3A_1308 = arith.constant 0 : i32
      %dma_start3A_1309 = arith.constant 0 : i32
      %dma_start3A_1310 = tpu.memref_slice %arg6[%dma_start3A_1306, %dma_start3A_1308, %dma_start3A_1309] : memref<8x128x64xf32, #tpu.memory_space<vmem>> -> memref<1x128x64xf32, #tpu.memory_space<vmem>>
      %dma_start3A_1311 = tpu.memref_squeeze %dma_start3A_1310 : memref<1x128x64xf32, #tpu.memory_space<vmem>> -> memref<128x64xf32, #tpu.memory_space<vmem>>
      %dma_start3A_1312 = arith.constant 0 : i32
      %dma_start3A_1313 = tpu.memref_slice %arg4[%add3A_1305, %dma_start3A_1312] : memref<819200x64xf32, #tpu.memory_space<hbm>> -> memref<128x64xf32, #tpu.memory_space<hbm>>
      %dma_start3A_1314 = tpu.memref_slice %arg8[%dma_start3A_1307] : memref<8x!tpu.dma_semaphore, #tpu.memory_space<semaphore_mem>> -> memref<1x!tpu.dma_semaphore, #tpu.memory_space<semaphore_mem>>
      %dma_start3A_1315 = tpu.memref_squeeze %dma_start3A_1314 : memref<1x!tpu.dma_semaphore, #tpu.memory_space<semaphore_mem>> -> memref<!tpu.dma_semaphore, #tpu.memory_space<semaphore_mem>>
      %dma_start3A_1316 = arith.constant 0 : i32
      %dma_start3A_1317 = tpu.memref_slice %arg4[%add3A_1305, %dma_start3A_1316] : memref<819200x64xf32, #tpu.memory_space<hbm>> -> memref<128x64xf32, #tpu.memory_space<hbm>>
      %dma_start3A_1318 = arith.constant 0 : i32
      %dma_start3A_1319 = arith.constant 0 : i32
      %dma_start3A_1320 = tpu.memref_slice %arg6[%dma_start3A_1306, %dma_start3A_1318, %dma_start3A_1319] : memref<8x128x64xf32, #tpu.memory_space<vmem>> -> memref<1x128x64xf32, #tpu.memory_space<vmem>>
      %dma_start3A_1321 = tpu.memref_squeeze %dma_start3A_1320 : memref<1x128x64xf32, #tpu.memory_space<vmem>> -> memref<128x64xf32, #tpu.memory_space<vmem>>
      tpu.enqueue_dma source(%dma_start3A_1321 : memref<128x64xf32, #tpu.memory_space<vmem>>) target(%dma_start3A_1317 : memref<128x64xf32, #tpu.memory_space<hbm>>) target_semaphore(%dma_start3A_1315 : memref<!tpu.dma_semaphore, #tpu.memory_space<semaphore_mem>>)
      %add3A_1322 = arith.constant 2 : i32
      %add3A_1323 = arith.addi %mul3A_1032, %add3A_1322 : i32
      %get3A_1324 = arith.index_cast %add3A_1323 : i32 to index
      %get3A_1325 = arith.constant 0 : index
      %get3A_1326 = tpu.vector_load %arg5[%get3A_1324, %get3A_1325] {strides = array<i32>} : memref<200x128xi32, #tpu.memory_space<vmem>>, vector<1x16xi32>,
      %get3A_1327 = vector.shape_cast %get3A_1326 : vector<1x16xi32> to vector<16xi32>
      %dma_wait3A_1328 = arith.constant 2 : i32
      %dma_wait3A_1329 = arith.constant 2 : i32
      %dma_wait3A_1330 = arith.constant 0 : i32
      %dma_wait3A_1331 = arith.constant 0 : i32
      %dma_wait3A_1332 = tpu.memref_slice %arg6[%dma_wait3A_1328, %dma_wait3A_1330, %dma_wait3A_1331] : memref<8x128x64xf32, #tpu.memory_space<vmem>> -> memref<1x16x64xf32, #tpu.memory_space<vmem>>
      %dma_wait3A_1333 = tpu.memref_squeeze %dma_wait3A_1332 : memref<1x16x64xf32, #tpu.memory_space<vmem>> -> memref<16x64xf32, #tpu.memory_space<vmem>>
      %dma_wait3A_1334 = arith.constant 0 : i32
      %dma_wait3A_1335 = arith.constant 0 : i32
      %dma_wait3A_1336 = tpu.memref_slice %arg3[%dma_wait3A_1334, %dma_wait3A_1335] : memref<1000000x64xf32, #tpu.memory_space<hbm>> -> memref<1000000x64xf32, #tpu.memory_space<hbm>>
      %dma_wait3A_1337 = tpu.memref_slice %arg7[%dma_wait3A_1329] : memref<8x!tpu.dma_semaphore, #tpu.memory_space<semaphore_mem>> -> memref<1x!tpu.dma_semaphore, #tpu.memory_space<semaphore_mem>>
      %dma_wait3A_1338 = tpu.memref_squeeze %dma_wait3A_1337 : memref<1x!tpu.dma_semaphore, #tpu.memory_space<semaphore_mem>> -> memref<!tpu.dma_semaphore, #tpu.memory_space<semaphore_mem>>
      tpu.wait_indirect_dma semaphore(%dma_wait3A_1338 : memref<!tpu.dma_semaphore, #tpu.memory_space<semaphore_mem>>) src(%dma_wait3A_1336 : memref<1000000x64xf32, #tpu.memory_space<hbm>>) dst(%dma_wait3A_1333 : memref<16x64xf32, #tpu.memory_space<vmem>>)
      %get3A_1339 = arith.index_cast %add3A_1323 : i32 to index
      %get3A_1340 = arith.constant 16 : index
      %get3A_1341 = tpu.vector_load %arg5[%get3A_1339, %get3A_1340] {strides = array<i32>} : memref<200x128xi32, #tpu.memory_space<vmem>>, vector<1x16xi32>,
      %get3A_1342 = vector.shape_cast %get3A_1341 : vector<1x16xi32> to vector<16xi32>
      %dma_wait3A_1343 = arith.constant 2 : i32
      %dma_wait3A_1344 = arith.constant 2 : i32
      %dma_wait3A_1345 = arith.constant 16 : i32
      %dma_wait3A_1346 = arith.constant 0 : i32
      %dma_wait3A_1347 = tpu.memref_slice %arg6[%dma_wait3A_1343, %dma_wait3A_1345, %dma_wait3A_1346] : memref<8x128x64xf32, #tpu.memory_space<vmem>> -> memref<1x16x64xf32, #tpu.memory_space<vmem>>
      %dma_wait3A_1348 = tpu.memref_squeeze %dma_wait3A_1347 : memref<1x16x64xf32, #tpu.memory_space<vmem>> -> memref<16x64xf32, #tpu.memory_space<vmem>>
      %dma_wait3A_1349 = arith.constant 0 : i32
      %dma_wait3A_1350 = arith.constant 0 : i32
      %dma_wait3A_1351 = tpu.memref_slice %arg3[%dma_wait3A_1349, %dma_wait3A_1350] : memref<1000000x64xf32, #tpu.memory_space<hbm>> -> memref<1000000x64xf32, #tpu.memory_space<hbm>>
      %dma_wait3A_1352 = tpu.memref_slice %arg7[%dma_wait3A_1344] : memref<8x!tpu.dma_semaphore, #tpu.memory_space<semaphore_mem>> -> memref<1x!tpu.dma_semaphore, #tpu.memory_space<semaphore_mem>>
      %dma_wait3A_1353 = tpu.memref_squeeze %dma_wait3A_1352 : memref<1x!tpu.dma_semaphore, #tpu.memory_space<semaphore_mem>> -> memref<!tpu.dma_semaphore, #tpu.memory_space<semaphore_mem>>
      tpu.wait_indirect_dma semaphore(%dma_wait3A_1353 : memref<!tpu.dma_semaphore, #tpu.memory_space<semaphore_mem>>) src(%dma_wait3A_1351 : memref<1000000x64xf32, #tpu.memory_space<hbm>>) dst(%dma_wait3A_1348 : memref<16x64xf32, #tpu.memory_space<vmem>>)
      %get3A_1354 = arith.index_cast %add3A_1323 : i32 to index
      %get3A_1355 = arith.constant 32 : index
      %get3A_1356 = tpu.vector_load %arg5[%get3A_1354, %get3A_1355] {strides = array<i32>} : memref<200x128xi32, #tpu.memory_space<vmem>>, vector<1x16xi32>,
      %get3A_1357 = vector.shape_cast %get3A_1356 : vector<1x16xi32> to vector<16xi32>
      %dma_wait3A_1358 = arith.constant 2 : i32
      %dma_wait3A_1359 = arith.constant 2 : i32
      %dma_wait3A_1360 = arith.constant 32 : i32
      %dma_wait3A_1361 = arith.constant 0 : i32
      %dma_wait3A_1362 = tpu.memref_slice %arg6[%dma_wait3A_1358, %dma_wait3A_1360, %dma_wait3A_1361] : memref<8x128x64xf32, #tpu.memory_space<vmem>> -> memref<1x16x64xf32, #tpu.memory_space<vmem>>
      %dma_wait3A_1363 = tpu.memref_squeeze %dma_wait3A_1362 : memref<1x16x64xf32, #tpu.memory_space<vmem>> -> memref<16x64xf32, #tpu.memory_space<vmem>>
      %dma_wait3A_1364 = arith.constant 0 : i32
      %dma_wait3A_1365 = arith.constant 0 : i32
      %dma_wait3A_1366 = tpu.memref_slice %arg3[%dma_wait3A_1364, %dma_wait3A_1365] : memref<1000000x64xf32, #tpu.memory_space<hbm>> -> memref<1000000x64xf32, #tpu.memory_space<hbm>>
      %dma_wait3A_1367 = tpu.memref_slice %arg7[%dma_wait3A_1359] : memref<8x!tpu.dma_semaphore, #tpu.memory_space<semaphore_mem>> -> memref<1x!tpu.dma_semaphore, #tpu.memory_space<semaphore_mem>>
      %dma_wait3A_1368 = tpu.memref_squeeze %dma_wait3A_1367 : memref<1x!tpu.dma_semaphore, #tpu.memory_space<semaphore_mem>> -> memref<!tpu.dma_semaphore, #tpu.memory_space<semaphore_mem>>
      tpu.wait_indirect_dma semaphore(%dma_wait3A_1368 : memref<!tpu.dma_semaphore, #tpu.memory_space<semaphore_mem>>) src(%dma_wait3A_1366 : memref<1000000x64xf32, #tpu.memory_space<hbm>>) dst(%dma_wait3A_1363 : memref<16x64xf32, #tpu.memory_space<vmem>>)
      %get3A_1369 = arith.index_cast %add3A_1323 : i32 to index
      %get3A_1370 = arith.constant 48 : index
      %get3A_1371 = tpu.vector_load %arg5[%get3A_1369, %get3A_1370] {strides = array<i32>} : memref<200x128xi32, #tpu.memory_space<vmem>>, vector<1x16xi32>,
      %get3A_1372 = vector.shape_cast %get3A_1371 : vector<1x16xi32> to vector<16xi32>
      %dma_wait3A_1373 = arith.constant 2 : i32
      %dma_wait3A_1374 = arith.constant 2 : i32
      %dma_wait3A_1375 = arith.constant 48 : i32
      %dma_wait3A_1376 = arith.constant 0 : i32
      %dma_wait3A_1377 = tpu.memref_slice %arg6[%dma_wait3A_1373, %dma_wait3A_1375, %dma_wait3A_1376] : memref<8x128x64xf32, #tpu.memory_space<vmem>> -> memref<1x16x64xf32, #tpu.memory_space<vmem>>
      %dma_wait3A_1378 = tpu.memref_squeeze %dma_wait3A_1377 : memref<1x16x64xf32, #tpu.memory_space<vmem>> -> memref<16x64xf32, #tpu.memory_space<vmem>>
      %dma_wait3A_1379 = arith.constant 0 : i32
      %dma_wait3A_1380 = arith.constant 0 : i32
      %dma_wait3A_1381 = tpu.memref_slice %arg3[%dma_wait3A_1379, %dma_wait3A_1380] : memref<1000000x64xf32, #tpu.memory_space<hbm>> -> memref<1000000x64xf32, #tpu.memory_space<hbm>>
      %dma_wait3A_1382 = tpu.memref_slice %arg7[%dma_wait3A_1374] : memref<8x!tpu.dma_semaphore, #tpu.memory_space<semaphore_mem>> -> memref<1x!tpu.dma_semaphore, #tpu.memory_space<semaphore_mem>>
      %dma_wait3A_1383 = tpu.memref_squeeze %dma_wait3A_1382 : memref<1x!tpu.dma_semaphore, #tpu.memory_space<semaphore_mem>> -> memref<!tpu.dma_semaphore, #tpu.memory_space<semaphore_mem>>
      tpu.wait_indirect_dma semaphore(%dma_wait3A_1383 : memref<!tpu.dma_semaphore, #tpu.memory_space<semaphore_mem>>) src(%dma_wait3A_1381 : memref<1000000x64xf32, #tpu.memory_space<hbm>>) dst(%dma_wait3A_1378 : memref<16x64xf32, #tpu.memory_space<vmem>>)
      %get3A_1384 = arith.index_cast %add3A_1323 : i32 to index
      %get3A_1385 = arith.constant 64 : index
      %get3A_1386 = tpu.vector_load %arg5[%get3A_1384, %get3A_1385] {strides = array<i32>} : memref<200x128xi32, #tpu.memory_space<vmem>>, vector<1x16xi32>,
      %get3A_1387 = vector.shape_cast %get3A_1386 : vector<1x16xi32> to vector<16xi32>
      %dma_wait3A_1388 = arith.constant 2 : i32
      %dma_wait3A_1389 = arith.constant 2 : i32
      %dma_wait3A_1390 = arith.constant 64 : i32
      %dma_wait3A_1391 = arith.constant 0 : i32
      %dma_wait3A_1392 = tpu.memref_slice %arg6[%dma_wait3A_1388, %dma_wait3A_1390, %dma_wait3A_1391] : memref<8x128x64xf32, #tpu.memory_space<vmem>> -> memref<1x16x64xf32, #tpu.memory_space<vmem>>
      %dma_wait3A_1393 = tpu.memref_squeeze %dma_wait3A_1392 : memref<1x16x64xf32, #tpu.memory_space<vmem>> -> memref<16x64xf32, #tpu.memory_space<vmem>>
      %dma_wait3A_1394 = arith.constant 0 : i32
      %dma_wait3A_1395 = arith.constant 0 : i32
      %dma_wait3A_1396 = tpu.memref_slice %arg3[%dma_wait3A_1394, %dma_wait3A_1395] : memref<1000000x64xf32, #tpu.memory_space<hbm>> -> memref<1000000x64xf32, #tpu.memory_space<hbm>>
      %dma_wait3A_1397 = tpu.memref_slice %arg7[%dma_wait3A_1389] : memref<8x!tpu.dma_semaphore, #tpu.memory_space<semaphore_mem>> -> memref<1x!tpu.dma_semaphore, #tpu.memory_space<semaphore_mem>>
      %dma_wait3A_1398 = tpu.memref_squeeze %dma_wait3A_1397 : memref<1x!tpu.dma_semaphore, #tpu.memory_space<semaphore_mem>> -> memref<!tpu.dma_semaphore, #tpu.memory_space<semaphore_mem>>
      tpu.wait_indirect_dma semaphore(%dma_wait3A_1398 : memref<!tpu.dma_semaphore, #tpu.memory_space<semaphore_mem>>) src(%dma_wait3A_1396 : memref<1000000x64xf32, #tpu.memory_space<hbm>>) dst(%dma_wait3A_1393 : memref<16x64xf32, #tpu.memory_space<vmem>>)
      %get3A_1399 = arith.index_cast %add3A_1323 : i32 to index
      %get3A_1400 = arith.constant 80 : index
      %get3A_1401 = tpu.vector_load %arg5[%get3A_1399, %get3A_1400] {strides = array<i32>} : memref<200x128xi32, #tpu.memory_space<vmem>>, vector<1x16xi32>,
      %get3A_1402 = vector.shape_cast %get3A_1401 : vector<1x16xi32> to vector<16xi32>
      %dma_wait3A_1403 = arith.constant 2 : i32
      %dma_wait3A_1404 = arith.constant 2 : i32
      %dma_wait3A_1405 = arith.constant 80 : i32
      %dma_wait3A_1406 = arith.constant 0 : i32
      %dma_wait3A_1407 = tpu.memref_slice %arg6[%dma_wait3A_1403, %dma_wait3A_1405, %dma_wait3A_1406] : memref<8x128x64xf32, #tpu.memory_space<vmem>> -> memref<1x16x64xf32, #tpu.memory_space<vmem>>
      %dma_wait3A_1408 = tpu.memref_squeeze %dma_wait3A_1407 : memref<1x16x64xf32, #tpu.memory_space<vmem>> -> memref<16x64xf32, #tpu.memory_space<vmem>>
      %dma_wait3A_1409 = arith.constant 0 : i32
      %dma_wait3A_1410 = arith.constant 0 : i32
      %dma_wait3A_1411 = tpu.memref_slice %arg3[%dma_wait3A_1409, %dma_wait3A_1410] : memref<1000000x64xf32, #tpu.memory_space<hbm>> -> memref<1000000x64xf32, #tpu.memory_space<hbm>>
      %dma_wait3A_1412 = tpu.memref_slice %arg7[%dma_wait3A_1404] : memref<8x!tpu.dma_semaphore, #tpu.memory_space<semaphore_mem>> -> memref<1x!tpu.dma_semaphore, #tpu.memory_space<semaphore_mem>>
      %dma_wait3A_1413 = tpu.memref_squeeze %dma_wait3A_1412 : memref<1x!tpu.dma_semaphore, #tpu.memory_space<semaphore_mem>> -> memref<!tpu.dma_semaphore, #tpu.memory_space<semaphore_mem>>
      tpu.wait_indirect_dma semaphore(%dma_wait3A_1413 : memref<!tpu.dma_semaphore, #tpu.memory_space<semaphore_mem>>) src(%dma_wait3A_1411 : memref<1000000x64xf32, #tpu.memory_space<hbm>>) dst(%dma_wait3A_1408 : memref<16x64xf32, #tpu.memory_space<vmem>>)
      %get3A_1414 = arith.index_cast %add3A_1323 : i32 to index
      %get3A_1415 = arith.constant 96 : index
      %get3A_1416 = tpu.vector_load %arg5[%get3A_1414, %get3A_1415] {strides = array<i32>} : memref<200x128xi32, #tpu.memory_space<vmem>>, vector<1x16xi32>,
      %get3A_1417 = vector.shape_cast %get3A_1416 : vector<1x16xi32> to vector<16xi32>
      %dma_wait3A_1418 = arith.constant 2 : i32
      %dma_wait3A_1419 = arith.constant 2 : i32
      %dma_wait3A_1420 = arith.constant 96 : i32
      %dma_wait3A_1421 = arith.constant 0 : i32
      %dma_wait3A_1422 = tpu.memref_slice %arg6[%dma_wait3A_1418, %dma_wait3A_1420, %dma_wait3A_1421] : memref<8x128x64xf32, #tpu.memory_space<vmem>> -> memref<1x16x64xf32, #tpu.memory_space<vmem>>
      %dma_wait3A_1423 = tpu.memref_squeeze %dma_wait3A_1422 : memref<1x16x64xf32, #tpu.memory_space<vmem>> -> memref<16x64xf32, #tpu.memory_space<vmem>>
      %dma_wait3A_1424 = arith.constant 0 : i32
      %dma_wait3A_1425 = arith.constant 0 : i32
      %dma_wait3A_1426 = tpu.memref_slice %arg3[%dma_wait3A_1424, %dma_wait3A_1425] : memref<1000000x64xf32, #tpu.memory_space<hbm>> -> memref<1000000x64xf32, #tpu.memory_space<hbm>>
      %dma_wait3A_1427 = tpu.memref_slice %arg7[%dma_wait3A_1419] : memref<8x!tpu.dma_semaphore, #tpu.memory_space<semaphore_mem>> -> memref<1x!tpu.dma_semaphore, #tpu.memory_space<semaphore_mem>>
      %dma_wait3A_1428 = tpu.memref_squeeze %dma_wait3A_1427 : memref<1x!tpu.dma_semaphore, #tpu.memory_space<semaphore_mem>> -> memref<!tpu.dma_semaphore, #tpu.memory_space<semaphore_mem>>
      tpu.wait_indirect_dma semaphore(%dma_wait3A_1428 : memref<!tpu.dma_semaphore, #tpu.memory_space<semaphore_mem>>) src(%dma_wait3A_1426 : memref<1000000x64xf32, #tpu.memory_space<hbm>>) dst(%dma_wait3A_1423 : memref<16x64xf32, #tpu.memory_space<vmem>>)
      %get3A_1429 = arith.index_cast %add3A_1323 : i32 to index
      %get3A_1430 = arith.constant 112 : index
      %get3A_1431 = tpu.vector_load %arg5[%get3A_1429, %get3A_1430] {strides = array<i32>} : memref<200x128xi32, #tpu.memory_space<vmem>>, vector<1x16xi32>,
      %get3A_1432 = vector.shape_cast %get3A_1431 : vector<1x16xi32> to vector<16xi32>
      %dma_wait3A_1433 = arith.constant 2 : i32
      %dma_wait3A_1434 = arith.constant 2 : i32
      %dma_wait3A_1435 = arith.constant 112 : i32
      %dma_wait3A_1436 = arith.constant 0 : i32
      %dma_wait3A_1437 = tpu.memref_slice %arg6[%dma_wait3A_1433, %dma_wait3A_1435, %dma_wait3A_1436] : memref<8x128x64xf32, #tpu.memory_space<vmem>> -> memref<1x16x64xf32, #tpu.memory_space<vmem>>
      %dma_wait3A_1438 = tpu.memref_squeeze %dma_wait3A_1437 : memref<1x16x64xf32, #tpu.memory_space<vmem>> -> memref<16x64xf32, #tpu.memory_space<vmem>>
      %dma_wait3A_1439 = arith.constant 0 : i32
      %dma_wait3A_1440 = arith.constant 0 : i32
      %dma_wait3A_1441 = tpu.memref_slice %arg3[%dma_wait3A_1439, %dma_wait3A_1440] : memref<1000000x64xf32, #tpu.memory_space<hbm>> -> memref<1000000x64xf32, #tpu.memory_space<hbm>>
      %dma_wait3A_1442 = tpu.memref_slice %arg7[%dma_wait3A_1434] : memref<8x!tpu.dma_semaphore, #tpu.memory_space<semaphore_mem>> -> memref<1x!tpu.dma_semaphore, #tpu.memory_space<semaphore_mem>>
      %dma_wait3A_1443 = tpu.memref_squeeze %dma_wait3A_1442 : memref<1x!tpu.dma_semaphore, #tpu.memory_space<semaphore_mem>> -> memref<!tpu.dma_semaphore, #tpu.memory_space<semaphore_mem>>
      tpu.wait_indirect_dma semaphore(%dma_wait3A_1443 : memref<!tpu.dma_semaphore, #tpu.memory_space<semaphore_mem>>) src(%dma_wait3A_1441 : memref<1000000x64xf32, #tpu.memory_space<hbm>>) dst(%dma_wait3A_1438 : memref<16x64xf32, #tpu.memory_space<vmem>>)
      %add3A_1444 = arith.constant 2 : i32
      %add3A_1445 = arith.addi %mul3A_1032, %add3A_1444 : i32
      %mul3A_1446 = arith.constant 25600 : i32
      %mul3A_1447 = arith.muli %add3A, %mul3A_1446 : i32
      %mul3A_1448 = arith.constant 128 : i32
      %mul3A_1449 = arith.muli %add3A_1445, %mul3A_1448 : i32
      %add3A_1450 = arith.addi %mul3A_1447, %mul3A_1449 : i32
      %dma_start3A_1451 = arith.constant 2 : i32
      %dma_start3A_1452 = arith.constant 2 : i32
      %dma_start3A_1453 = arith.constant 0 : i32
      %dma_start3A_1454 = arith.constant 0 : i32
      %dma_start3A_1455 = tpu.memref_slice %arg6[%dma_start3A_1451, %dma_start3A_1453, %dma_start3A_1454] : memref<8x128x64xf32, #tpu.memory_space<vmem>> -> memref<1x128x64xf32, #tpu.memory_space<vmem>>
      %dma_start3A_1456 = tpu.memref_squeeze %dma_start3A_1455 : memref<1x128x64xf32, #tpu.memory_space<vmem>> -> memref<128x64xf32, #tpu.memory_space<vmem>>
      %dma_start3A_1457 = arith.constant 0 : i32
      %dma_start3A_1458 = tpu.memref_slice %arg4[%add3A_1450, %dma_start3A_1457] : memref<819200x64xf32, #tpu.memory_space<hbm>> -> memref<128x64xf32, #tpu.memory_space<hbm>>
      %dma_start3A_1459 = tpu.memref_slice %arg8[%dma_start3A_1452] : memref<8x!tpu.dma_semaphore, #tpu.memory_space<semaphore_mem>> -> memref<1x!tpu.dma_semaphore, #tpu.memory_space<semaphore_mem>>
      %dma_start3A_1460 = tpu.memref_squeeze %dma_start3A_1459 : memref<1x!tpu.dma_semaphore, #tpu.memory_space<semaphore_mem>> -> memref<!tpu.dma_semaphore, #tpu.memory_space<semaphore_mem>>
      %dma_start3A_1461 = arith.constant 0 : i32
      %dma_start3A_1462 = tpu.memref_slice %arg4[%add3A_1450, %dma_start3A_1461] : memref<819200x64xf32, #tpu.memory_space<hbm>> -> memref<128x64xf32, #tpu.memory_space<hbm>>
      %dma_start3A_1463 = arith.constant 0 : i32
      %dma_start3A_1464 = arith.constant 0 : i32
      %dma_start3A_1465 = tpu.memref_slice %arg6[%dma_start3A_1451, %dma_start3A_1463, %dma_start3A_1464] : memref<8x128x64xf32, #tpu.memory_space<vmem>> -> memref<1x128x64xf32, #tpu.memory_space<vmem>>
      %dma_start3A_1466 = tpu.memref_squeeze %dma_start3A_1465 : memref<1x128x64xf32, #tpu.memory_space<vmem>> -> memref<128x64xf32, #tpu.memory_space<vmem>>
      tpu.enqueue_dma source(%dma_start3A_1466 : memref<128x64xf32, #tpu.memory_space<vmem>>) target(%dma_start3A_1462 : memref<128x64xf32, #tpu.memory_space<hbm>>) target_semaphore(%dma_start3A_1460 : memref<!tpu.dma_semaphore, #tpu.memory_space<semaphore_mem>>)
      %add3A_1467 = arith.constant 3 : i32
      %add3A_1468 = arith.addi %mul3A_1032, %add3A_1467 : i32
      %get3A_1469 = arith.index_cast %add3A_1468 : i32 to index
      %get3A_1470 = arith.constant 0 : index
      %get3A_1471 = tpu.vector_load %arg5[%get3A_1469, %get3A_1470] {strides = array<i32>} : memref<200x128xi32, #tpu.memory_space<vmem>>, vector<1x16xi32>,
      %get3A_1472 = vector.shape_cast %get3A_1471 : vector<1x16xi32> to vector<16xi32>
      %dma_wait3A_1473 = arith.constant 3 : i32
      %dma_wait3A_1474 = arith.constant 3 : i32
      %dma_wait3A_1475 = arith.constant 0 : i32
      %dma_wait3A_1476 = arith.constant 0 : i32
      %dma_wait3A_1477 = tpu.memref_slice %arg6[%dma_wait3A_1473, %dma_wait3A_1475, %dma_wait3A_1476] : memref<8x128x64xf32, #tpu.memory_space<vmem>> -> memref<1x16x64xf32, #tpu.memory_space<vmem>>
      %dma_wait3A_1478 = tpu.memref_squeeze %dma_wait3A_1477 : memref<1x16x64xf32, #tpu.memory_space<vmem>> -> memref<16x64xf32, #tpu.memory_space<vmem>>
      %dma_wait3A_1479 = arith.constant 0 : i32
      %dma_wait3A_1480 = arith.constant 0 : i32
      %dma_wait3A_1481 = tpu.memref_slice %arg3[%dma_wait3A_1479, %dma_wait3A_1480] : memref<1000000x64xf32, #tpu.memory_space<hbm>> -> memref<1000000x64xf32, #tpu.memory_space<hbm>>
      %dma_wait3A_1482 = tpu.memref_slice %arg7[%dma_wait3A_1474] : memref<8x!tpu.dma_semaphore, #tpu.memory_space<semaphore_mem>> -> memref<1x!tpu.dma_semaphore, #tpu.memory_space<semaphore_mem>>
      %dma_wait3A_1483 = tpu.memref_squeeze %dma_wait3A_1482 : memref<1x!tpu.dma_semaphore, #tpu.memory_space<semaphore_mem>> -> memref<!tpu.dma_semaphore, #tpu.memory_space<semaphore_mem>>
      tpu.wait_indirect_dma semaphore(%dma_wait3A_1483 : memref<!tpu.dma_semaphore, #tpu.memory_space<semaphore_mem>>) src(%dma_wait3A_1481 : memref<1000000x64xf32, #tpu.memory_space<hbm>>) dst(%dma_wait3A_1478 : memref<16x64xf32, #tpu.memory_space<vmem>>)
      %get3A_1484 = arith.index_cast %add3A_1468 : i32 to index
      %get3A_1485 = arith.constant 16 : index
      %get3A_1486 = tpu.vector_load %arg5[%get3A_1484, %get3A_1485] {strides = array<i32>} : memref<200x128xi32, #tpu.memory_space<vmem>>, vector<1x16xi32>,
      %get3A_1487 = vector.shape_cast %get3A_1486 : vector<1x16xi32> to vector<16xi32>
      %dma_wait3A_1488 = arith.constant 3 : i32
      %dma_wait3A_1489 = arith.constant 3 : i32
      %dma_wait3A_1490 = arith.constant 16 : i32
      %dma_wait3A_1491 = arith.constant 0 : i32
      %dma_wait3A_1492 = tpu.memref_slice %arg6[%dma_wait3A_1488, %dma_wait3A_1490, %dma_wait3A_1491] : memref<8x128x64xf32, #tpu.memory_space<vmem>> -> memref<1x16x64xf32, #tpu.memory_space<vmem>>
      %dma_wait3A_1493 = tpu.memref_squeeze %dma_wait3A_1492 : memref<1x16x64xf32, #tpu.memory_space<vmem>> -> memref<16x64xf32, #tpu.memory_space<vmem>>
      %dma_wait3A_1494 = arith.constant 0 : i32
      %dma_wait3A_1495 = arith.constant 0 : i32
      %dma_wait3A_1496 = tpu.memref_slice %arg3[%dma_wait3A_1494, %dma_wait3A_1495] : memref<1000000x64xf32, #tpu.memory_space<hbm>> -> memref<1000000x64xf32, #tpu.memory_space<hbm>>
      %dma_wait3A_1497 = tpu.memref_slice %arg7[%dma_wait3A_1489] : memref<8x!tpu.dma_semaphore, #tpu.memory_space<semaphore_mem>> -> memref<1x!tpu.dma_semaphore, #tpu.memory_space<semaphore_mem>>
      %dma_wait3A_1498 = tpu.memref_squeeze %dma_wait3A_1497 : memref<1x!tpu.dma_semaphore, #tpu.memory_space<semaphore_mem>> -> memref<!tpu.dma_semaphore, #tpu.memory_space<semaphore_mem>>
      tpu.wait_indirect_dma semaphore(%dma_wait3A_1498 : memref<!tpu.dma_semaphore, #tpu.memory_space<semaphore_mem>>) src(%dma_wait3A_1496 : memref<1000000x64xf32, #tpu.memory_space<hbm>>) dst(%dma_wait3A_1493 : memref<16x64xf32, #tpu.memory_space<vmem>>)
      %get3A_1499 = arith.index_cast %add3A_1468 : i32 to index
      %get3A_1500 = arith.constant 32 : index
      %get3A_1501 = tpu.vector_load %arg5[%get3A_1499, %get3A_1500] {strides = array<i32>} : memref<200x128xi32, #tpu.memory_space<vmem>>, vector<1x16xi32>,
      %get3A_1502 = vector.shape_cast %get3A_1501 : vector<1x16xi32> to vector<16xi32>
      %dma_wait3A_1503 = arith.constant 3 : i32
      %dma_wait3A_1504 = arith.constant 3 : i32
      %dma_wait3A_1505 = arith.constant 32 : i32
      %dma_wait3A_1506 = arith.constant 0 : i32
      %dma_wait3A_1507 = tpu.memref_slice %arg6[%dma_wait3A_1503, %dma_wait3A_1505, %dma_wait3A_1506] : memref<8x128x64xf32, #tpu.memory_space<vmem>> -> memref<1x16x64xf32, #tpu.memory_space<vmem>>
      %dma_wait3A_1508 = tpu.memref_squeeze %dma_wait3A_1507 : memref<1x16x64xf32, #tpu.memory_space<vmem>> -> memref<16x64xf32, #tpu.memory_space<vmem>>
      %dma_wait3A_1509 = arith.constant 0 : i32
      %dma_wait3A_1510 = arith.constant 0 : i32
      %dma_wait3A_1511 = tpu.memref_slice %arg3[%dma_wait3A_1509, %dma_wait3A_1510] : memref<1000000x64xf32, #tpu.memory_space<hbm>> -> memref<1000000x64xf32, #tpu.memory_space<hbm>>
      %dma_wait3A_1512 = tpu.memref_slice %arg7[%dma_wait3A_1504] : memref<8x!tpu.dma_semaphore, #tpu.memory_space<semaphore_mem>> -> memref<1x!tpu.dma_semaphore, #tpu.memory_space<semaphore_mem>>
      %dma_wait3A_1513 = tpu.memref_squeeze %dma_wait3A_1512 : memref<1x!tpu.dma_semaphore, #tpu.memory_space<semaphore_mem>> -> memref<!tpu.dma_semaphore, #tpu.memory_space<semaphore_mem>>
      tpu.wait_indirect_dma semaphore(%dma_wait3A_1513 : memref<!tpu.dma_semaphore, #tpu.memory_space<semaphore_mem>>) src(%dma_wait3A_1511 : memref<1000000x64xf32, #tpu.memory_space<hbm>>) dst(%dma_wait3A_1508 : memref<16x64xf32, #tpu.memory_space<vmem>>)
      %get3A_1514 = arith.index_cast %add3A_1468 : i32 to index
      %get3A_1515 = arith.constant 48 : index
      %get3A_1516 = tpu.vector_load %arg5[%get3A_1514, %get3A_1515] {strides = array<i32>} : memref<200x128xi32, #tpu.memory_space<vmem>>, vector<1x16xi32>,
      %get3A_1517 = vector.shape_cast %get3A_1516 : vector<1x16xi32> to vector<16xi32>
      %dma_wait3A_1518 = arith.constant 3 : i32
      %dma_wait3A_1519 = arith.constant 3 : i32
      %dma_wait3A_1520 = arith.constant 48 : i32
      %dma_wait3A_1521 = arith.constant 0 : i32
      %dma_wait3A_1522 = tpu.memref_slice %arg6[%dma_wait3A_1518, %dma_wait3A_1520, %dma_wait3A_1521] : memref<8x128x64xf32, #tpu.memory_space<vmem>> -> memref<1x16x64xf32, #tpu.memory_space<vmem>>
      %dma_wait3A_1523 = tpu.memref_squeeze %dma_wait3A_1522 : memref<1x16x64xf32, #tpu.memory_space<vmem>> -> memref<16x64xf32, #tpu.memory_space<vmem>>
      %dma_wait3A_1524 = arith.constant 0 : i32
      %dma_wait3A_1525 = arith.constant 0 : i32
      %dma_wait3A_1526 = tpu.memref_slice %arg3[%dma_wait3A_1524, %dma_wait3A_1525] : memref<1000000x64xf32, #tpu.memory_space<hbm>> -> memref<1000000x64xf32, #tpu.memory_space<hbm>>
      %dma_wait3A_1527 = tpu.memref_slice %arg7[%dma_wait3A_1519] : memref<8x!tpu.dma_semaphore, #tpu.memory_space<semaphore_mem>> -> memref<1x!tpu.dma_semaphore, #tpu.memory_space<semaphore_mem>>
      %dma_wait3A_1528 = tpu.memref_squeeze %dma_wait3A_1527 : memref<1x!tpu.dma_semaphore, #tpu.memory_space<semaphore_mem>> -> memref<!tpu.dma_semaphore, #tpu.memory_space<semaphore_mem>>
      tpu.wait_indirect_dma semaphore(%dma_wait3A_1528 : memref<!tpu.dma_semaphore, #tpu.memory_space<semaphore_mem>>) src(%dma_wait3A_1526 : memref<1000000x64xf32, #tpu.memory_space<hbm>>) dst(%dma_wait3A_1523 : memref<16x64xf32, #tpu.memory_space<vmem>>)
      %get3A_1529 = arith.index_cast %add3A_1468 : i32 to index
      %get3A_1530 = arith.constant 64 : index
      %get3A_1531 = tpu.vector_load %arg5[%get3A_1529, %get3A_1530] {strides = array<i32>} : memref<200x128xi32, #tpu.memory_space<vmem>>, vector<1x16xi32>,
      %get3A_1532 = vector.shape_cast %get3A_1531 : vector<1x16xi32> to vector<16xi32>
      %dma_wait3A_1533 = arith.constant 3 : i32
      %dma_wait3A_1534 = arith.constant 3 : i32
      %dma_wait3A_1535 = arith.constant 64 : i32
      %dma_wait3A_1536 = arith.constant 0 : i32
      %dma_wait3A_1537 = tpu.memref_slice %arg6[%dma_wait3A_1533, %dma_wait3A_1535, %dma_wait3A_1536] : memref<8x128x64xf32, #tpu.memory_space<vmem>> -> memref<1x16x64xf32, #tpu.memory_space<vmem>>
      %dma_wait3A_1538 = tpu.memref_squeeze %dma_wait3A_1537 : memref<1x16x64xf32, #tpu.memory_space<vmem>> -> memref<16x64xf32, #tpu.memory_space<vmem>>
      %dma_wait3A_1539 = arith.constant 0 : i32
      %dma_wait3A_1540 = arith.constant 0 : i32
      %dma_wait3A_1541 = tpu.memref_slice %arg3[%dma_wait3A_1539, %dma_wait3A_1540] : memref<1000000x64xf32, #tpu.memory_space<hbm>> -> memref<1000000x64xf32, #tpu.memory_space<hbm>>
      %dma_wait3A_1542 = tpu.memref_slice %arg7[%dma_wait3A_1534] : memref<8x!tpu.dma_semaphore, #tpu.memory_space<semaphore_mem>> -> memref<1x!tpu.dma_semaphore, #tpu.memory_space<semaphore_mem>>
      %dma_wait3A_1543 = tpu.memref_squeeze %dma_wait3A_1542 : memref<1x!tpu.dma_semaphore, #tpu.memory_space<semaphore_mem>> -> memref<!tpu.dma_semaphore, #tpu.memory_space<semaphore_mem>>
      tpu.wait_indirect_dma semaphore(%dma_wait3A_1543 : memref<!tpu.dma_semaphore, #tpu.memory_space<semaphore_mem>>) src(%dma_wait3A_1541 : memref<1000000x64xf32, #tpu.memory_space<hbm>>) dst(%dma_wait3A_1538 : memref<16x64xf32, #tpu.memory_space<vmem>>)
      %get3A_1544 = arith.index_cast %add3A_1468 : i32 to index
      %get3A_1545 = arith.constant 80 : index
      %get3A_1546 = tpu.vector_load %arg5[%get3A_1544, %get3A_1545] {strides = array<i32>} : memref<200x128xi32, #tpu.memory_space<vmem>>, vector<1x16xi32>,
      %get3A_1547 = vector.shape_cast %get3A_1546 : vector<1x16xi32> to vector<16xi32>
      %dma_wait3A_1548 = arith.constant 3 : i32
      %dma_wait3A_1549 = arith.constant 3 : i32
      %dma_wait3A_1550 = arith.constant 80 : i32
      %dma_wait3A_1551 = arith.constant 0 : i32
      %dma_wait3A_1552 = tpu.memref_slice %arg6[%dma_wait3A_1548, %dma_wait3A_1550, %dma_wait3A_1551] : memref<8x128x64xf32, #tpu.memory_space<vmem>> -> memref<1x16x64xf32, #tpu.memory_space<vmem>>
      %dma_wait3A_1553 = tpu.memref_squeeze %dma_wait3A_1552 : memref<1x16x64xf32, #tpu.memory_space<vmem>> -> memref<16x64xf32, #tpu.memory_space<vmem>>
      %dma_wait3A_1554 = arith.constant 0 : i32
      %dma_wait3A_1555 = arith.constant 0 : i32
      %dma_wait3A_1556 = tpu.memref_slice %arg3[%dma_wait3A_1554, %dma_wait3A_1555] : memref<1000000x64xf32, #tpu.memory_space<hbm>> -> memref<1000000x64xf32, #tpu.memory_space<hbm>>
      %dma_wait3A_1557 = tpu.memref_slice %arg7[%dma_wait3A_1549] : memref<8x!tpu.dma_semaphore, #tpu.memory_space<semaphore_mem>> -> memref<1x!tpu.dma_semaphore, #tpu.memory_space<semaphore_mem>>
      %dma_wait3A_1558 = tpu.memref_squeeze %dma_wait3A_1557 : memref<1x!tpu.dma_semaphore, #tpu.memory_space<semaphore_mem>> -> memref<!tpu.dma_semaphore, #tpu.memory_space<semaphore_mem>>
      tpu.wait_indirect_dma semaphore(%dma_wait3A_1558 : memref<!tpu.dma_semaphore, #tpu.memory_space<semaphore_mem>>) src(%dma_wait3A_1556 : memref<1000000x64xf32, #tpu.memory_space<hbm>>) dst(%dma_wait3A_1553 : memref<16x64xf32, #tpu.memory_space<vmem>>)
      %get3A_1559 = arith.index_cast %add3A_1468 : i32 to index
      %get3A_1560 = arith.constant 96 : index
      %get3A_1561 = tpu.vector_load %arg5[%get3A_1559, %get3A_1560] {strides = array<i32>} : memref<200x128xi32, #tpu.memory_space<vmem>>, vector<1x16xi32>,
      %get3A_1562 = vector.shape_cast %get3A_1561 : vector<1x16xi32> to vector<16xi32>
      %dma_wait3A_1563 = arith.constant 3 : i32
      %dma_wait3A_1564 = arith.constant 3 : i32
      %dma_wait3A_1565 = arith.constant 96 : i32
      %dma_wait3A_1566 = arith.constant 0 : i32
      %dma_wait3A_1567 = tpu.memref_slice %arg6[%dma_wait3A_1563, %dma_wait3A_1565, %dma_wait3A_1566] : memref<8x128x64xf32, #tpu.memory_space<vmem>> -> memref<1x16x64xf32, #tpu.memory_space<vmem>>
      %dma_wait3A_1568 = tpu.memref_squeeze %dma_wait3A_1567 : memref<1x16x64xf32, #tpu.memory_space<vmem>> -> memref<16x64xf32, #tpu.memory_space<vmem>>
      %dma_wait3A_1569 = arith.constant 0 : i32
      %dma_wait3A_1570 = arith.constant 0 : i32
      %dma_wait3A_1571 = tpu.memref_slice %arg3[%dma_wait3A_1569, %dma_wait3A_1570] : memref<1000000x64xf32, #tpu.memory_space<hbm>> -> memref<1000000x64xf32, #tpu.memory_space<hbm>>
      %dma_wait3A_1572 = tpu.memref_slice %arg7[%dma_wait3A_1564] : memref<8x!tpu.dma_semaphore, #tpu.memory_space<semaphore_mem>> -> memref<1x!tpu.dma_semaphore, #tpu.memory_space<semaphore_mem>>
      %dma_wait3A_1573 = tpu.memref_squeeze %dma_wait3A_1572 : memref<1x!tpu.dma_semaphore, #tpu.memory_space<semaphore_mem>> -> memref<!tpu.dma_semaphore, #tpu.memory_space<semaphore_mem>>
      tpu.wait_indirect_dma semaphore(%dma_wait3A_1573 : memref<!tpu.dma_semaphore, #tpu.memory_space<semaphore_mem>>) src(%dma_wait3A_1571 : memref<1000000x64xf32, #tpu.memory_space<hbm>>) dst(%dma_wait3A_1568 : memref<16x64xf32, #tpu.memory_space<vmem>>)
      %get3A_1574 = arith.index_cast %add3A_1468 : i32 to index
      %get3A_1575 = arith.constant 112 : index
      %get3A_1576 = tpu.vector_load %arg5[%get3A_1574, %get3A_1575] {strides = array<i32>} : memref<200x128xi32, #tpu.memory_space<vmem>>, vector<1x16xi32>,
      %get3A_1577 = vector.shape_cast %get3A_1576 : vector<1x16xi32> to vector<16xi32>
      %dma_wait3A_1578 = arith.constant 3 : i32
      %dma_wait3A_1579 = arith.constant 3 : i32
      %dma_wait3A_1580 = arith.constant 112 : i32
      %dma_wait3A_1581 = arith.constant 0 : i32
      %dma_wait3A_1582 = tpu.memref_slice %arg6[%dma_wait3A_1578, %dma_wait3A_1580, %dma_wait3A_1581] : memref<8x128x64xf32, #tpu.memory_space<vmem>> -> memref<1x16x64xf32, #tpu.memory_space<vmem>>
      %dma_wait3A_1583 = tpu.memref_squeeze %dma_wait3A_1582 : memref<1x16x64xf32, #tpu.memory_space<vmem>> -> memref<16x64xf32, #tpu.memory_space<vmem>>
      %dma_wait3A_1584 = arith.constant 0 : i32
      %dma_wait3A_1585 = arith.constant 0 : i32
      %dma_wait3A_1586 = tpu.memref_slice %arg3[%dma_wait3A_1584, %dma_wait3A_1585] : memref<1000000x64xf32, #tpu.memory_space<hbm>> -> memref<1000000x64xf32, #tpu.memory_space<hbm>>
      %dma_wait3A_1587 = tpu.memref_slice %arg7[%dma_wait3A_1579] : memref<8x!tpu.dma_semaphore, #tpu.memory_space<semaphore_mem>> -> memref<1x!tpu.dma_semaphore, #tpu.memory_space<semaphore_mem>>
      %dma_wait3A_1588 = tpu.memref_squeeze %dma_wait3A_1587 : memref<1x!tpu.dma_semaphore, #tpu.memory_space<semaphore_mem>> -> memref<!tpu.dma_semaphore, #tpu.memory_space<semaphore_mem>>
      tpu.wait_indirect_dma semaphore(%dma_wait3A_1588 : memref<!tpu.dma_semaphore, #tpu.memory_space<semaphore_mem>>) src(%dma_wait3A_1586 : memref<1000000x64xf32, #tpu.memory_space<hbm>>) dst(%dma_wait3A_1583 : memref<16x64xf32, #tpu.memory_space<vmem>>)
      %add3A_1589 = arith.constant 3 : i32
      %add3A_1590 = arith.addi %mul3A_1032, %add3A_1589 : i32
      %mul3A_1591 = arith.constant 25600 : i32
      %mul3A_1592 = arith.muli %add3A, %mul3A_1591 : i32
      %mul3A_1593 = arith.constant 128 : i32
      %mul3A_1594 = arith.muli %add3A_1590, %mul3A_1593 : i32
      %add3A_1595 = arith.addi %mul3A_1592, %mul3A_1594 : i32
      %dma_start3A_1596 = arith.constant 3 : i32
      %dma_start3A_1597 = arith.constant 3 : i32
      %dma_start3A_1598 = arith.constant 0 : i32
      %dma_start3A_1599 = arith.constant 0 : i32
      %dma_start3A_1600 = tpu.memref_slice %arg6[%dma_start3A_1596, %dma_start3A_1598, %dma_start3A_1599] : memref<8x128x64xf32, #tpu.memory_space<vmem>> -> memref<1x128x64xf32, #tpu.memory_space<vmem>>
      %dma_start3A_1601 = tpu.memref_squeeze %dma_start3A_1600 : memref<1x128x64xf32, #tpu.memory_space<vmem>> -> memref<128x64xf32, #tpu.memory_space<vmem>>
      %dma_start3A_1602 = arith.constant 0 : i32
      %dma_start3A_1603 = tpu.memref_slice %arg4[%add3A_1595, %dma_start3A_1602] : memref<819200x64xf32, #tpu.memory_space<hbm>> -> memref<128x64xf32, #tpu.memory_space<hbm>>
      %dma_start3A_1604 = tpu.memref_slice %arg8[%dma_start3A_1597] : memref<8x!tpu.dma_semaphore, #tpu.memory_space<semaphore_mem>> -> memref<1x!tpu.dma_semaphore, #tpu.memory_space<semaphore_mem>>
      %dma_start3A_1605 = tpu.memref_squeeze %dma_start3A_1604 : memref<1x!tpu.dma_semaphore, #tpu.memory_space<semaphore_mem>> -> memref<!tpu.dma_semaphore, #tpu.memory_space<semaphore_mem>>
      %dma_start3A_1606 = arith.constant 0 : i32
      %dma_start3A_1607 = tpu.memref_slice %arg4[%add3A_1595, %dma_start3A_1606] : memref<819200x64xf32, #tpu.memory_space<hbm>> -> memref<128x64xf32, #tpu.memory_space<hbm>>
      %dma_start3A_1608 = arith.constant 0 : i32
      %dma_start3A_1609 = arith.constant 0 : i32
      %dma_start3A_1610 = tpu.memref_slice %arg6[%dma_start3A_1596, %dma_start3A_1608, %dma_start3A_1609] : memref<8x128x64xf32, #tpu.memory_space<vmem>> -> memref<1x128x64xf32, #tpu.memory_space<vmem>>
      %dma_start3A_1611 = tpu.memref_squeeze %dma_start3A_1610 : memref<1x128x64xf32, #tpu.memory_space<vmem>> -> memref<128x64xf32, #tpu.memory_space<vmem>>
      tpu.enqueue_dma source(%dma_start3A_1611 : memref<128x64xf32, #tpu.memory_space<vmem>>) target(%dma_start3A_1607 : memref<128x64xf32, #tpu.memory_space<hbm>>) target_semaphore(%dma_start3A_1605 : memref<!tpu.dma_semaphore, #tpu.memory_space<semaphore_mem>>)
      %add3A_1612 = arith.constant 4 : i32
      %add3A_1613 = arith.addi %mul3A_1032, %add3A_1612 : i32
      %get3A_1614 = arith.index_cast %add3A_1613 : i32 to index
      %get3A_1615 = arith.constant 0 : index
      %get3A_1616 = tpu.vector_load %arg5[%get3A_1614, %get3A_1615] {strides = array<i32>} : memref<200x128xi32, #tpu.memory_space<vmem>>, vector<1x16xi32>,
      %get3A_1617 = vector.shape_cast %get3A_1616 : vector<1x16xi32> to vector<16xi32>
      %dma_wait3A_1618 = arith.constant 4 : i32
      %dma_wait3A_1619 = arith.constant 4 : i32
      %dma_wait3A_1620 = arith.constant 0 : i32
      %dma_wait3A_1621 = arith.constant 0 : i32
      %dma_wait3A_1622 = tpu.memref_slice %arg6[%dma_wait3A_1618, %dma_wait3A_1620, %dma_wait3A_1621] : memref<8x128x64xf32, #tpu.memory_space<vmem>> -> memref<1x16x64xf32, #tpu.memory_space<vmem>>
      %dma_wait3A_1623 = tpu.memref_squeeze %dma_wait3A_1622 : memref<1x16x64xf32, #tpu.memory_space<vmem>> -> memref<16x64xf32, #tpu.memory_space<vmem>>
      %dma_wait3A_1624 = arith.constant 0 : i32
      %dma_wait3A_1625 = arith.constant 0 : i32
      %dma_wait3A_1626 = tpu.memref_slice %arg3[%dma_wait3A_1624, %dma_wait3A_1625] : memref<1000000x64xf32, #tpu.memory_space<hbm>> -> memref<1000000x64xf32, #tpu.memory_space<hbm>>
      %dma_wait3A_1627 = tpu.memref_slice %arg7[%dma_wait3A_1619] : memref<8x!tpu.dma_semaphore, #tpu.memory_space<semaphore_mem>> -> memref<1x!tpu.dma_semaphore, #tpu.memory_space<semaphore_mem>>
      %dma_wait3A_1628 = tpu.memref_squeeze %dma_wait3A_1627 : memref<1x!tpu.dma_semaphore, #tpu.memory_space<semaphore_mem>> -> memref<!tpu.dma_semaphore, #tpu.memory_space<semaphore_mem>>
      tpu.wait_indirect_dma semaphore(%dma_wait3A_1628 : memref<!tpu.dma_semaphore, #tpu.memory_space<semaphore_mem>>) src(%dma_wait3A_1626 : memref<1000000x64xf32, #tpu.memory_space<hbm>>) dst(%dma_wait3A_1623 : memref<16x64xf32, #tpu.memory_space<vmem>>)
      %get3A_1629 = arith.index_cast %add3A_1613 : i32 to index
      %get3A_1630 = arith.constant 16 : index
      %get3A_1631 = tpu.vector_load %arg5[%get3A_1629, %get3A_1630] {strides = array<i32>} : memref<200x128xi32, #tpu.memory_space<vmem>>, vector<1x16xi32>,
      %get3A_1632 = vector.shape_cast %get3A_1631 : vector<1x16xi32> to vector<16xi32>
      %dma_wait3A_1633 = arith.constant 4 : i32
      %dma_wait3A_1634 = arith.constant 4 : i32
      %dma_wait3A_1635 = arith.constant 16 : i32
      %dma_wait3A_1636 = arith.constant 0 : i32
      %dma_wait3A_1637 = tpu.memref_slice %arg6[%dma_wait3A_1633, %dma_wait3A_1635, %dma_wait3A_1636] : memref<8x128x64xf32, #tpu.memory_space<vmem>> -> memref<1x16x64xf32, #tpu.memory_space<vmem>>
      %dma_wait3A_1638 = tpu.memref_squeeze %dma_wait3A_1637 : memref<1x16x64xf32, #tpu.memory_space<vmem>> -> memref<16x64xf32, #tpu.memory_space<vmem>>
      %dma_wait3A_1639 = arith.constant 0 : i32
      %dma_wait3A_1640 = arith.constant 0 : i32
      %dma_wait3A_1641 = tpu.memref_slice %arg3[%dma_wait3A_1639, %dma_wait3A_1640] : memref<1000000x64xf32, #tpu.memory_space<hbm>> -> memref<1000000x64xf32, #tpu.memory_space<hbm>>
      %dma_wait3A_1642 = tpu.memref_slice %arg7[%dma_wait3A_1634] : memref<8x!tpu.dma_semaphore, #tpu.memory_space<semaphore_mem>> -> memref<1x!tpu.dma_semaphore, #tpu.memory_space<semaphore_mem>>
      %dma_wait3A_1643 = tpu.memref_squeeze %dma_wait3A_1642 : memref<1x!tpu.dma_semaphore, #tpu.memory_space<semaphore_mem>> -> memref<!tpu.dma_semaphore, #tpu.memory_space<semaphore_mem>>
      tpu.wait_indirect_dma semaphore(%dma_wait3A_1643 : memref<!tpu.dma_semaphore, #tpu.memory_space<semaphore_mem>>) src(%dma_wait3A_1641 : memref<1000000x64xf32, #tpu.memory_space<hbm>>) dst(%dma_wait3A_1638 : memref<16x64xf32, #tpu.memory_space<vmem>>)
      %get3A_1644 = arith.index_cast %add3A_1613 : i32 to index
      %get3A_1645 = arith.constant 32 : index
      %get3A_1646 = tpu.vector_load %arg5[%get3A_1644, %get3A_1645] {strides = array<i32>} : memref<200x128xi32, #tpu.memory_space<vmem>>, vector<1x16xi32>,
      %get3A_1647 = vector.shape_cast %get3A_1646 : vector<1x16xi32> to vector<16xi32>
      %dma_wait3A_1648 = arith.constant 4 : i32
      %dma_wait3A_1649 = arith.constant 4 : i32
      %dma_wait3A_1650 = arith.constant 32 : i32
      %dma_wait3A_1651 = arith.constant 0 : i32
      %dma_wait3A_1652 = tpu.memref_slice %arg6[%dma_wait3A_1648, %dma_wait3A_1650, %dma_wait3A_1651] : memref<8x128x64xf32, #tpu.memory_space<vmem>> -> memref<1x16x64xf32, #tpu.memory_space<vmem>>
      %dma_wait3A_1653 = tpu.memref_squeeze %dma_wait3A_1652 : memref<1x16x64xf32, #tpu.memory_space<vmem>> -> memref<16x64xf32, #tpu.memory_space<vmem>>
      %dma_wait3A_1654 = arith.constant 0 : i32
      %dma_wait3A_1655 = arith.constant 0 : i32
      %dma_wait3A_1656 = tpu.memref_slice %arg3[%dma_wait3A_1654, %dma_wait3A_1655] : memref<1000000x64xf32, #tpu.memory_space<hbm>> -> memref<1000000x64xf32, #tpu.memory_space<hbm>>
      %dma_wait3A_1657 = tpu.memref_slice %arg7[%dma_wait3A_1649] : memref<8x!tpu.dma_semaphore, #tpu.memory_space<semaphore_mem>> -> memref<1x!tpu.dma_semaphore, #tpu.memory_space<semaphore_mem>>
      %dma_wait3A_1658 = tpu.memref_squeeze %dma_wait3A_1657 : memref<1x!tpu.dma_semaphore, #tpu.memory_space<semaphore_mem>> -> memref<!tpu.dma_semaphore, #tpu.memory_space<semaphore_mem>>
      tpu.wait_indirect_dma semaphore(%dma_wait3A_1658 : memref<!tpu.dma_semaphore, #tpu.memory_space<semaphore_mem>>) src(%dma_wait3A_1656 : memref<1000000x64xf32, #tpu.memory_space<hbm>>) dst(%dma_wait3A_1653 : memref<16x64xf32, #tpu.memory_space<vmem>>)
      %get3A_1659 = arith.index_cast %add3A_1613 : i32 to index
      %get3A_1660 = arith.constant 48 : index
      %get3A_1661 = tpu.vector_load %arg5[%get3A_1659, %get3A_1660] {strides = array<i32>} : memref<200x128xi32, #tpu.memory_space<vmem>>, vector<1x16xi32>,
      %get3A_1662 = vector.shape_cast %get3A_1661 : vector<1x16xi32> to vector<16xi32>
      %dma_wait3A_1663 = arith.constant 4 : i32
      %dma_wait3A_1664 = arith.constant 4 : i32
      %dma_wait3A_1665 = arith.constant 48 : i32
      %dma_wait3A_1666 = arith.constant 0 : i32
      %dma_wait3A_1667 = tpu.memref_slice %arg6[%dma_wait3A_1663, %dma_wait3A_1665, %dma_wait3A_1666] : memref<8x128x64xf32, #tpu.memory_space<vmem>> -> memref<1x16x64xf32, #tpu.memory_space<vmem>>
      %dma_wait3A_1668 = tpu.memref_squeeze %dma_wait3A_1667 : memref<1x16x64xf32, #tpu.memory_space<vmem>> -> memref<16x64xf32, #tpu.memory_space<vmem>>
      %dma_wait3A_1669 = arith.constant 0 : i32
      %dma_wait3A_1670 = arith.constant 0 : i32
      %dma_wait3A_1671 = tpu.memref_slice %arg3[%dma_wait3A_1669, %dma_wait3A_1670] : memref<1000000x64xf32, #tpu.memory_space<hbm>> -> memref<1000000x64xf32, #tpu.memory_space<hbm>>
      %dma_wait3A_1672 = tpu.memref_slice %arg7[%dma_wait3A_1664] : memref<8x!tpu.dma_semaphore, #tpu.memory_space<semaphore_mem>> -> memref<1x!tpu.dma_semaphore, #tpu.memory_space<semaphore_mem>>
      %dma_wait3A_1673 = tpu.memref_squeeze %dma_wait3A_1672 : memref<1x!tpu.dma_semaphore, #tpu.memory_space<semaphore_mem>> -> memref<!tpu.dma_semaphore, #tpu.memory_space<semaphore_mem>>
      tpu.wait_indirect_dma semaphore(%dma_wait3A_1673 : memref<!tpu.dma_semaphore, #tpu.memory_space<semaphore_mem>>) src(%dma_wait3A_1671 : memref<1000000x64xf32, #tpu.memory_space<hbm>>) dst(%dma_wait3A_1668 : memref<16x64xf32, #tpu.memory_space<vmem>>)
      %get3A_1674 = arith.index_cast %add3A_1613 : i32 to index
      %get3A_1675 = arith.constant 64 : index
      %get3A_1676 = tpu.vector_load %arg5[%get3A_1674, %get3A_1675] {strides = array<i32>} : memref<200x128xi32, #tpu.memory_space<vmem>>, vector<1x16xi32>,
      %get3A_1677 = vector.shape_cast %get3A_1676 : vector<1x16xi32> to vector<16xi32>
      %dma_wait3A_1678 = arith.constant 4 : i32
      %dma_wait3A_1679 = arith.constant 4 : i32
      %dma_wait3A_1680 = arith.constant 64 : i32
      %dma_wait3A_1681 = arith.constant 0 : i32
      %dma_wait3A_1682 = tpu.memref_slice %arg6[%dma_wait3A_1678, %dma_wait3A_1680, %dma_wait3A_1681] : memref<8x128x64xf32, #tpu.memory_space<vmem>> -> memref<1x16x64xf32, #tpu.memory_space<vmem>>
      %dma_wait3A_1683 = tpu.memref_squeeze %dma_wait3A_1682 : memref<1x16x64xf32, #tpu.memory_space<vmem>> -> memref<16x64xf32, #tpu.memory_space<vmem>>
      %dma_wait3A_1684 = arith.constant 0 : i32
      %dma_wait3A_1685 = arith.constant 0 : i32
      %dma_wait3A_1686 = tpu.memref_slice %arg3[%dma_wait3A_1684, %dma_wait3A_1685] : memref<1000000x64xf32, #tpu.memory_space<hbm>> -> memref<1000000x64xf32, #tpu.memory_space<hbm>>
      %dma_wait3A_1687 = tpu.memref_slice %arg7[%dma_wait3A_1679] : memref<8x!tpu.dma_semaphore, #tpu.memory_space<semaphore_mem>> -> memref<1x!tpu.dma_semaphore, #tpu.memory_space<semaphore_mem>>
      %dma_wait3A_1688 = tpu.memref_squeeze %dma_wait3A_1687 : memref<1x!tpu.dma_semaphore, #tpu.memory_space<semaphore_mem>> -> memref<!tpu.dma_semaphore, #tpu.memory_space<semaphore_mem>>
      tpu.wait_indirect_dma semaphore(%dma_wait3A_1688 : memref<!tpu.dma_semaphore, #tpu.memory_space<semaphore_mem>>) src(%dma_wait3A_1686 : memref<1000000x64xf32, #tpu.memory_space<hbm>>) dst(%dma_wait3A_1683 : memref<16x64xf32, #tpu.memory_space<vmem>>)
      %get3A_1689 = arith.index_cast %add3A_1613 : i32 to index
      %get3A_1690 = arith.constant 80 : index
      %get3A_1691 = tpu.vector_load %arg5[%get3A_1689, %get3A_1690] {strides = array<i32>} : memref<200x128xi32, #tpu.memory_space<vmem>>, vector<1x16xi32>,
      %get3A_1692 = vector.shape_cast %get3A_1691 : vector<1x16xi32> to vector<16xi32>
      %dma_wait3A_1693 = arith.constant 4 : i32
      %dma_wait3A_1694 = arith.constant 4 : i32
      %dma_wait3A_1695 = arith.constant 80 : i32
      %dma_wait3A_1696 = arith.constant 0 : i32
      %dma_wait3A_1697 = tpu.memref_slice %arg6[%dma_wait3A_1693, %dma_wait3A_1695, %dma_wait3A_1696] : memref<8x128x64xf32, #tpu.memory_space<vmem>> -> memref<1x16x64xf32, #tpu.memory_space<vmem>>
      %dma_wait3A_1698 = tpu.memref_squeeze %dma_wait3A_1697 : memref<1x16x64xf32, #tpu.memory_space<vmem>> -> memref<16x64xf32, #tpu.memory_space<vmem>>
      %dma_wait3A_1699 = arith.constant 0 : i32
      %dma_wait3A_1700 = arith.constant 0 : i32
      %dma_wait3A_1701 = tpu.memref_slice %arg3[%dma_wait3A_1699, %dma_wait3A_1700] : memref<1000000x64xf32, #tpu.memory_space<hbm>> -> memref<1000000x64xf32, #tpu.memory_space<hbm>>
      %dma_wait3A_1702 = tpu.memref_slice %arg7[%dma_wait3A_1694] : memref<8x!tpu.dma_semaphore, #tpu.memory_space<semaphore_mem>> -> memref<1x!tpu.dma_semaphore, #tpu.memory_space<semaphore_mem>>
      %dma_wait3A_1703 = tpu.memref_squeeze %dma_wait3A_1702 : memref<1x!tpu.dma_semaphore, #tpu.memory_space<semaphore_mem>> -> memref<!tpu.dma_semaphore, #tpu.memory_space<semaphore_mem>>
      tpu.wait_indirect_dma semaphore(%dma_wait3A_1703 : memref<!tpu.dma_semaphore, #tpu.memory_space<semaphore_mem>>) src(%dma_wait3A_1701 : memref<1000000x64xf32, #tpu.memory_space<hbm>>) dst(%dma_wait3A_1698 : memref<16x64xf32, #tpu.memory_space<vmem>>)
      %get3A_1704 = arith.index_cast %add3A_1613 : i32 to index
      %get3A_1705 = arith.constant 96 : index
      %get3A_1706 = tpu.vector_load %arg5[%get3A_1704, %get3A_1705] {strides = array<i32>} : memref<200x128xi32, #tpu.memory_space<vmem>>, vector<1x16xi32>,
      %get3A_1707 = vector.shape_cast %get3A_1706 : vector<1x16xi32> to vector<16xi32>
      %dma_wait3A_1708 = arith.constant 4 : i32
      %dma_wait3A_1709 = arith.constant 4 : i32
      %dma_wait3A_1710 = arith.constant 96 : i32
      %dma_wait3A_1711 = arith.constant 0 : i32
      %dma_wait3A_1712 = tpu.memref_slice %arg6[%dma_wait3A_1708, %dma_wait3A_1710, %dma_wait3A_1711] : memref<8x128x64xf32, #tpu.memory_space<vmem>> -> memref<1x16x64xf32, #tpu.memory_space<vmem>>
      %dma_wait3A_1713 = tpu.memref_squeeze %dma_wait3A_1712 : memref<1x16x64xf32, #tpu.memory_space<vmem>> -> memref<16x64xf32, #tpu.memory_space<vmem>>
      %dma_wait3A_1714 = arith.constant 0 : i32
      %dma_wait3A_1715 = arith.constant 0 : i32
      %dma_wait3A_1716 = tpu.memref_slice %arg3[%dma_wait3A_1714, %dma_wait3A_1715] : memref<1000000x64xf32, #tpu.memory_space<hbm>> -> memref<1000000x64xf32, #tpu.memory_space<hbm>>
      %dma_wait3A_1717 = tpu.memref_slice %arg7[%dma_wait3A_1709] : memref<8x!tpu.dma_semaphore, #tpu.memory_space<semaphore_mem>> -> memref<1x!tpu.dma_semaphore, #tpu.memory_space<semaphore_mem>>
      %dma_wait3A_1718 = tpu.memref_squeeze %dma_wait3A_1717 : memref<1x!tpu.dma_semaphore, #tpu.memory_space<semaphore_mem>> -> memref<!tpu.dma_semaphore, #tpu.memory_space<semaphore_mem>>
      tpu.wait_indirect_dma semaphore(%dma_wait3A_1718 : memref<!tpu.dma_semaphore, #tpu.memory_space<semaphore_mem>>) src(%dma_wait3A_1716 : memref<1000000x64xf32, #tpu.memory_space<hbm>>) dst(%dma_wait3A_1713 : memref<16x64xf32, #tpu.memory_space<vmem>>)
      %get3A_1719 = arith.index_cast %add3A_1613 : i32 to index
      %get3A_1720 = arith.constant 112 : index
      %get3A_1721 = tpu.vector_load %arg5[%get3A_1719, %get3A_1720] {strides = array<i32>} : memref<200x128xi32, #tpu.memory_space<vmem>>, vector<1x16xi32>,
      %get3A_1722 = vector.shape_cast %get3A_1721 : vector<1x16xi32> to vector<16xi32>
      %dma_wait3A_1723 = arith.constant 4 : i32
      %dma_wait3A_1724 = arith.constant 4 : i32
      %dma_wait3A_1725 = arith.constant 112 : i32
      %dma_wait3A_1726 = arith.constant 0 : i32
      %dma_wait3A_1727 = tpu.memref_slice %arg6[%dma_wait3A_1723, %dma_wait3A_1725, %dma_wait3A_1726] : memref<8x128x64xf32, #tpu.memory_space<vmem>> -> memref<1x16x64xf32, #tpu.memory_space<vmem>>
      %dma_wait3A_1728 = tpu.memref_squeeze %dma_wait3A_1727 : memref<1x16x64xf32, #tpu.memory_space<vmem>> -> memref<16x64xf32, #tpu.memory_space<vmem>>
      %dma_wait3A_1729 = arith.constant 0 : i32
      %dma_wait3A_1730 = arith.constant 0 : i32
      %dma_wait3A_1731 = tpu.memref_slice %arg3[%dma_wait3A_1729, %dma_wait3A_1730] : memref<1000000x64xf32, #tpu.memory_space<hbm>> -> memref<1000000x64xf32, #tpu.memory_space<hbm>>
      %dma_wait3A_1732 = tpu.memref_slice %arg7[%dma_wait3A_1724] : memref<8x!tpu.dma_semaphore, #tpu.memory_space<semaphore_mem>> -> memref<1x!tpu.dma_semaphore, #tpu.memory_space<semaphore_mem>>
      %dma_wait3A_1733 = tpu.memref_squeeze %dma_wait3A_1732 : memref<1x!tpu.dma_semaphore, #tpu.memory_space<semaphore_mem>> -> memref<!tpu.dma_semaphore, #tpu.memory_space<semaphore_mem>>
      tpu.wait_indirect_dma semaphore(%dma_wait3A_1733 : memref<!tpu.dma_semaphore, #tpu.memory_space<semaphore_mem>>) src(%dma_wait3A_1731 : memref<1000000x64xf32, #tpu.memory_space<hbm>>) dst(%dma_wait3A_1728 : memref<16x64xf32, #tpu.memory_space<vmem>>)
      %add3A_1734 = arith.constant 4 : i32
      %add3A_1735 = arith.addi %mul3A_1032, %add3A_1734 : i32
      %mul3A_1736 = arith.constant 25600 : i32
      %mul3A_1737 = arith.muli %add3A, %mul3A_1736 : i32
      %mul3A_1738 = arith.constant 128 : i32
      %mul3A_1739 = arith.muli %add3A_1735, %mul3A_1738 : i32
      %add3A_1740 = arith.addi %mul3A_1737, %mul3A_1739 : i32
      %dma_start3A_1741 = arith.constant 4 : i32
      %dma_start3A_1742 = arith.constant 4 : i32
      %dma_start3A_1743 = arith.constant 0 : i32
      %dma_start3A_1744 = arith.constant 0 : i32
      %dma_start3A_1745 = tpu.memref_slice %arg6[%dma_start3A_1741, %dma_start3A_1743, %dma_start3A_1744] : memref<8x128x64xf32, #tpu.memory_space<vmem>> -> memref<1x128x64xf32, #tpu.memory_space<vmem>>
      %dma_start3A_1746 = tpu.memref_squeeze %dma_start3A_1745 : memref<1x128x64xf32, #tpu.memory_space<vmem>> -> memref<128x64xf32, #tpu.memory_space<vmem>>
      %dma_start3A_1747 = arith.constant 0 : i32
      %dma_start3A_1748 = tpu.memref_slice %arg4[%add3A_1740, %dma_start3A_1747] : memref<819200x64xf32, #tpu.memory_space<hbm>> -> memref<128x64xf32, #tpu.memory_space<hbm>>
      %dma_start3A_1749 = tpu.memref_slice %arg8[%dma_start3A_1742] : memref<8x!tpu.dma_semaphore, #tpu.memory_space<semaphore_mem>> -> memref<1x!tpu.dma_semaphore, #tpu.memory_space<semaphore_mem>>
      %dma_start3A_1750 = tpu.memref_squeeze %dma_start3A_1749 : memref<1x!tpu.dma_semaphore, #tpu.memory_space<semaphore_mem>> -> memref<!tpu.dma_semaphore, #tpu.memory_space<semaphore_mem>>
      %dma_start3A_1751 = arith.constant 0 : i32
      %dma_start3A_1752 = tpu.memref_slice %arg4[%add3A_1740, %dma_start3A_1751] : memref<819200x64xf32, #tpu.memory_space<hbm>> -> memref<128x64xf32, #tpu.memory_space<hbm>>
      %dma_start3A_1753 = arith.constant 0 : i32
      %dma_start3A_1754 = arith.constant 0 : i32
      %dma_start3A_1755 = tpu.memref_slice %arg6[%dma_start3A_1741, %dma_start3A_1753, %dma_start3A_1754] : memref<8x128x64xf32, #tpu.memory_space<vmem>> -> memref<1x128x64xf32, #tpu.memory_space<vmem>>
      %dma_start3A_1756 = tpu.memref_squeeze %dma_start3A_1755 : memref<1x128x64xf32, #tpu.memory_space<vmem>> -> memref<128x64xf32, #tpu.memory_space<vmem>>
      tpu.enqueue_dma source(%dma_start3A_1756 : memref<128x64xf32, #tpu.memory_space<vmem>>) target(%dma_start3A_1752 : memref<128x64xf32, #tpu.memory_space<hbm>>) target_semaphore(%dma_start3A_1750 : memref<!tpu.dma_semaphore, #tpu.memory_space<semaphore_mem>>)
      %add3A_1757 = arith.constant 5 : i32
      %add3A_1758 = arith.addi %mul3A_1032, %add3A_1757 : i32
      %get3A_1759 = arith.index_cast %add3A_1758 : i32 to index
      %get3A_1760 = arith.constant 0 : index
      %get3A_1761 = tpu.vector_load %arg5[%get3A_1759, %get3A_1760] {strides = array<i32>} : memref<200x128xi32, #tpu.memory_space<vmem>>, vector<1x16xi32>,
      %get3A_1762 = vector.shape_cast %get3A_1761 : vector<1x16xi32> to vector<16xi32>
      %dma_wait3A_1763 = arith.constant 5 : i32
      %dma_wait3A_1764 = arith.constant 5 : i32
      %dma_wait3A_1765 = arith.constant 0 : i32
      %dma_wait3A_1766 = arith.constant 0 : i32
      %dma_wait3A_1767 = tpu.memref_slice %arg6[%dma_wait3A_1763, %dma_wait3A_1765, %dma_wait3A_1766] : memref<8x128x64xf32, #tpu.memory_space<vmem>> -> memref<1x16x64xf32, #tpu.memory_space<vmem>>
      %dma_wait3A_1768 = tpu.memref_squeeze %dma_wait3A_1767 : memref<1x16x64xf32, #tpu.memory_space<vmem>> -> memref<16x64xf32, #tpu.memory_space<vmem>>
      %dma_wait3A_1769 = arith.constant 0 : i32
      %dma_wait3A_1770 = arith.constant 0 : i32
      %dma_wait3A_1771 = tpu.memref_slice %arg3[%dma_wait3A_1769, %dma_wait3A_1770] : memref<1000000x64xf32, #tpu.memory_space<hbm>> -> memref<1000000x64xf32, #tpu.memory_space<hbm>>
      %dma_wait3A_1772 = tpu.memref_slice %arg7[%dma_wait3A_1764] : memref<8x!tpu.dma_semaphore, #tpu.memory_space<semaphore_mem>> -> memref<1x!tpu.dma_semaphore, #tpu.memory_space<semaphore_mem>>
      %dma_wait3A_1773 = tpu.memref_squeeze %dma_wait3A_1772 : memref<1x!tpu.dma_semaphore, #tpu.memory_space<semaphore_mem>> -> memref<!tpu.dma_semaphore, #tpu.memory_space<semaphore_mem>>
      tpu.wait_indirect_dma semaphore(%dma_wait3A_1773 : memref<!tpu.dma_semaphore, #tpu.memory_space<semaphore_mem>>) src(%dma_wait3A_1771 : memref<1000000x64xf32, #tpu.memory_space<hbm>>) dst(%dma_wait3A_1768 : memref<16x64xf32, #tpu.memory_space<vmem>>)
      %get3A_1774 = arith.index_cast %add3A_1758 : i32 to index
      %get3A_1775 = arith.constant 16 : index
      %get3A_1776 = tpu.vector_load %arg5[%get3A_1774, %get3A_1775] {strides = array<i32>} : memref<200x128xi32, #tpu.memory_space<vmem>>, vector<1x16xi32>,
      %get3A_1777 = vector.shape_cast %get3A_1776 : vector<1x16xi32> to vector<16xi32>
      %dma_wait3A_1778 = arith.constant 5 : i32
      %dma_wait3A_1779 = arith.constant 5 : i32
      %dma_wait3A_1780 = arith.constant 16 : i32
      %dma_wait3A_1781 = arith.constant 0 : i32
      %dma_wait3A_1782 = tpu.memref_slice %arg6[%dma_wait3A_1778, %dma_wait3A_1780, %dma_wait3A_1781] : memref<8x128x64xf32, #tpu.memory_space<vmem>> -> memref<1x16x64xf32, #tpu.memory_space<vmem>>
      %dma_wait3A_1783 = tpu.memref_squeeze %dma_wait3A_1782 : memref<1x16x64xf32, #tpu.memory_space<vmem>> -> memref<16x64xf32, #tpu.memory_space<vmem>>
      %dma_wait3A_1784 = arith.constant 0 : i32
      %dma_wait3A_1785 = arith.constant 0 : i32
      %dma_wait3A_1786 = tpu.memref_slice %arg3[%dma_wait3A_1784, %dma_wait3A_1785] : memref<1000000x64xf32, #tpu.memory_space<hbm>> -> memref<1000000x64xf32, #tpu.memory_space<hbm>>
      %dma_wait3A_1787 = tpu.memref_slice %arg7[%dma_wait3A_1779] : memref<8x!tpu.dma_semaphore, #tpu.memory_space<semaphore_mem>> -> memref<1x!tpu.dma_semaphore, #tpu.memory_space<semaphore_mem>>
      %dma_wait3A_1788 = tpu.memref_squeeze %dma_wait3A_1787 : memref<1x!tpu.dma_semaphore, #tpu.memory_space<semaphore_mem>> -> memref<!tpu.dma_semaphore, #tpu.memory_space<semaphore_mem>>
      tpu.wait_indirect_dma semaphore(%dma_wait3A_1788 : memref<!tpu.dma_semaphore, #tpu.memory_space<semaphore_mem>>) src(%dma_wait3A_1786 : memref<1000000x64xf32, #tpu.memory_space<hbm>>) dst(%dma_wait3A_1783 : memref<16x64xf32, #tpu.memory_space<vmem>>)
      %get3A_1789 = arith.index_cast %add3A_1758 : i32 to index
      %get3A_1790 = arith.constant 32 : index
      %get3A_1791 = tpu.vector_load %arg5[%get3A_1789, %get3A_1790] {strides = array<i32>} : memref<200x128xi32, #tpu.memory_space<vmem>>, vector<1x16xi32>,
      %get3A_1792 = vector.shape_cast %get3A_1791 : vector<1x16xi32> to vector<16xi32>
      %dma_wait3A_1793 = arith.constant 5 : i32
      %dma_wait3A_1794 = arith.constant 5 : i32
      %dma_wait3A_1795 = arith.constant 32 : i32
      %dma_wait3A_1796 = arith.constant 0 : i32
      %dma_wait3A_1797 = tpu.memref_slice %arg6[%dma_wait3A_1793, %dma_wait3A_1795, %dma_wait3A_1796] : memref<8x128x64xf32, #tpu.memory_space<vmem>> -> memref<1x16x64xf32, #tpu.memory_space<vmem>>
      %dma_wait3A_1798 = tpu.memref_squeeze %dma_wait3A_1797 : memref<1x16x64xf32, #tpu.memory_space<vmem>> -> memref<16x64xf32, #tpu.memory_space<vmem>>
      %dma_wait3A_1799 = arith.constant 0 : i32
      %dma_wait3A_1800 = arith.constant 0 : i32
      %dma_wait3A_1801 = tpu.memref_slice %arg3[%dma_wait3A_1799, %dma_wait3A_1800] : memref<1000000x64xf32, #tpu.memory_space<hbm>> -> memref<1000000x64xf32, #tpu.memory_space<hbm>>
      %dma_wait3A_1802 = tpu.memref_slice %arg7[%dma_wait3A_1794] : memref<8x!tpu.dma_semaphore, #tpu.memory_space<semaphore_mem>> -> memref<1x!tpu.dma_semaphore, #tpu.memory_space<semaphore_mem>>
      %dma_wait3A_1803 = tpu.memref_squeeze %dma_wait3A_1802 : memref<1x!tpu.dma_semaphore, #tpu.memory_space<semaphore_mem>> -> memref<!tpu.dma_semaphore, #tpu.memory_space<semaphore_mem>>
      tpu.wait_indirect_dma semaphore(%dma_wait3A_1803 : memref<!tpu.dma_semaphore, #tpu.memory_space<semaphore_mem>>) src(%dma_wait3A_1801 : memref<1000000x64xf32, #tpu.memory_space<hbm>>) dst(%dma_wait3A_1798 : memref<16x64xf32, #tpu.memory_space<vmem>>)
      %get3A_1804 = arith.index_cast %add3A_1758 : i32 to index
      %get3A_1805 = arith.constant 48 : index
      %get3A_1806 = tpu.vector_load %arg5[%get3A_1804, %get3A_1805] {strides = array<i32>} : memref<200x128xi32, #tpu.memory_space<vmem>>, vector<1x16xi32>,
      %get3A_1807 = vector.shape_cast %get3A_1806 : vector<1x16xi32> to vector<16xi32>
      %dma_wait3A_1808 = arith.constant 5 : i32
      %dma_wait3A_1809 = arith.constant 5 : i32
      %dma_wait3A_1810 = arith.constant 48 : i32
      %dma_wait3A_1811 = arith.constant 0 : i32
      %dma_wait3A_1812 = tpu.memref_slice %arg6[%dma_wait3A_1808, %dma_wait3A_1810, %dma_wait3A_1811] : memref<8x128x64xf32, #tpu.memory_space<vmem>> -> memref<1x16x64xf32, #tpu.memory_space<vmem>>
      %dma_wait3A_1813 = tpu.memref_squeeze %dma_wait3A_1812 : memref<1x16x64xf32, #tpu.memory_space<vmem>> -> memref<16x64xf32, #tpu.memory_space<vmem>>
      %dma_wait3A_1814 = arith.constant 0 : i32
      %dma_wait3A_1815 = arith.constant 0 : i32
      %dma_wait3A_1816 = tpu.memref_slice %arg3[%dma_wait3A_1814, %dma_wait3A_1815] : memref<1000000x64xf32, #tpu.memory_space<hbm>> -> memref<1000000x64xf32, #tpu.memory_space<hbm>>
      %dma_wait3A_1817 = tpu.memref_slice %arg7[%dma_wait3A_1809] : memref<8x!tpu.dma_semaphore, #tpu.memory_space<semaphore_mem>> -> memref<1x!tpu.dma_semaphore, #tpu.memory_space<semaphore_mem>>
      %dma_wait3A_1818 = tpu.memref_squeeze %dma_wait3A_1817 : memref<1x!tpu.dma_semaphore, #tpu.memory_space<semaphore_mem>> -> memref<!tpu.dma_semaphore, #tpu.memory_space<semaphore_mem>>
      tpu.wait_indirect_dma semaphore(%dma_wait3A_1818 : memref<!tpu.dma_semaphore, #tpu.memory_space<semaphore_mem>>) src(%dma_wait3A_1816 : memref<1000000x64xf32, #tpu.memory_space<hbm>>) dst(%dma_wait3A_1813 : memref<16x64xf32, #tpu.memory_space<vmem>>)
      %get3A_1819 = arith.index_cast %add3A_1758 : i32 to index
      %get3A_1820 = arith.constant 64 : index
      %get3A_1821 = tpu.vector_load %arg5[%get3A_1819, %get3A_1820] {strides = array<i32>} : memref<200x128xi32, #tpu.memory_space<vmem>>, vector<1x16xi32>,
      %get3A_1822 = vector.shape_cast %get3A_1821 : vector<1x16xi32> to vector<16xi32>
      %dma_wait3A_1823 = arith.constant 5 : i32
      %dma_wait3A_1824 = arith.constant 5 : i32
      %dma_wait3A_1825 = arith.constant 64 : i32
      %dma_wait3A_1826 = arith.constant 0 : i32
      %dma_wait3A_1827 = tpu.memref_slice %arg6[%dma_wait3A_1823, %dma_wait3A_1825, %dma_wait3A_1826] : memref<8x128x64xf32, #tpu.memory_space<vmem>> -> memref<1x16x64xf32, #tpu.memory_space<vmem>>
      %dma_wait3A_1828 = tpu.memref_squeeze %dma_wait3A_1827 : memref<1x16x64xf32, #tpu.memory_space<vmem>> -> memref<16x64xf32, #tpu.memory_space<vmem>>
      %dma_wait3A_1829 = arith.constant 0 : i32
      %dma_wait3A_1830 = arith.constant 0 : i32
      %dma_wait3A_1831 = tpu.memref_slice %arg3[%dma_wait3A_1829, %dma_wait3A_1830] : memref<1000000x64xf32, #tpu.memory_space<hbm>> -> memref<1000000x64xf32, #tpu.memory_space<hbm>>
      %dma_wait3A_1832 = tpu.memref_slice %arg7[%dma_wait3A_1824] : memref<8x!tpu.dma_semaphore, #tpu.memory_space<semaphore_mem>> -> memref<1x!tpu.dma_semaphore, #tpu.memory_space<semaphore_mem>>
      %dma_wait3A_1833 = tpu.memref_squeeze %dma_wait3A_1832 : memref<1x!tpu.dma_semaphore, #tpu.memory_space<semaphore_mem>> -> memref<!tpu.dma_semaphore, #tpu.memory_space<semaphore_mem>>
      tpu.wait_indirect_dma semaphore(%dma_wait3A_1833 : memref<!tpu.dma_semaphore, #tpu.memory_space<semaphore_mem>>) src(%dma_wait3A_1831 : memref<1000000x64xf32, #tpu.memory_space<hbm>>) dst(%dma_wait3A_1828 : memref<16x64xf32, #tpu.memory_space<vmem>>)
      %get3A_1834 = arith.index_cast %add3A_1758 : i32 to index
      %get3A_1835 = arith.constant 80 : index
      %get3A_1836 = tpu.vector_load %arg5[%get3A_1834, %get3A_1835] {strides = array<i32>} : memref<200x128xi32, #tpu.memory_space<vmem>>, vector<1x16xi32>,
      %get3A_1837 = vector.shape_cast %get3A_1836 : vector<1x16xi32> to vector<16xi32>
      %dma_wait3A_1838 = arith.constant 5 : i32
      %dma_wait3A_1839 = arith.constant 5 : i32
      %dma_wait3A_1840 = arith.constant 80 : i32
      %dma_wait3A_1841 = arith.constant 0 : i32
      %dma_wait3A_1842 = tpu.memref_slice %arg6[%dma_wait3A_1838, %dma_wait3A_1840, %dma_wait3A_1841] : memref<8x128x64xf32, #tpu.memory_space<vmem>> -> memref<1x16x64xf32, #tpu.memory_space<vmem>>
      %dma_wait3A_1843 = tpu.memref_squeeze %dma_wait3A_1842 : memref<1x16x64xf32, #tpu.memory_space<vmem>> -> memref<16x64xf32, #tpu.memory_space<vmem>>
      %dma_wait3A_1844 = arith.constant 0 : i32
      %dma_wait3A_1845 = arith.constant 0 : i32
      %dma_wait3A_1846 = tpu.memref_slice %arg3[%dma_wait3A_1844, %dma_wait3A_1845] : memref<1000000x64xf32, #tpu.memory_space<hbm>> -> memref<1000000x64xf32, #tpu.memory_space<hbm>>
      %dma_wait3A_1847 = tpu.memref_slice %arg7[%dma_wait3A_1839] : memref<8x!tpu.dma_semaphore, #tpu.memory_space<semaphore_mem>> -> memref<1x!tpu.dma_semaphore, #tpu.memory_space<semaphore_mem>>
      %dma_wait3A_1848 = tpu.memref_squeeze %dma_wait3A_1847 : memref<1x!tpu.dma_semaphore, #tpu.memory_space<semaphore_mem>> -> memref<!tpu.dma_semaphore, #tpu.memory_space<semaphore_mem>>
      tpu.wait_indirect_dma semaphore(%dma_wait3A_1848 : memref<!tpu.dma_semaphore, #tpu.memory_space<semaphore_mem>>) src(%dma_wait3A_1846 : memref<1000000x64xf32, #tpu.memory_space<hbm>>) dst(%dma_wait3A_1843 : memref<16x64xf32, #tpu.memory_space<vmem>>)
      %get3A_1849 = arith.index_cast %add3A_1758 : i32 to index
      %get3A_1850 = arith.constant 96 : index
      %get3A_1851 = tpu.vector_load %arg5[%get3A_1849, %get3A_1850] {strides = array<i32>} : memref<200x128xi32, #tpu.memory_space<vmem>>, vector<1x16xi32>,
      %get3A_1852 = vector.shape_cast %get3A_1851 : vector<1x16xi32> to vector<16xi32>
      %dma_wait3A_1853 = arith.constant 5 : i32
      %dma_wait3A_1854 = arith.constant 5 : i32
      %dma_wait3A_1855 = arith.constant 96 : i32
      %dma_wait3A_1856 = arith.constant 0 : i32
      %dma_wait3A_1857 = tpu.memref_slice %arg6[%dma_wait3A_1853, %dma_wait3A_1855, %dma_wait3A_1856] : memref<8x128x64xf32, #tpu.memory_space<vmem>> -> memref<1x16x64xf32, #tpu.memory_space<vmem>>
      %dma_wait3A_1858 = tpu.memref_squeeze %dma_wait3A_1857 : memref<1x16x64xf32, #tpu.memory_space<vmem>> -> memref<16x64xf32, #tpu.memory_space<vmem>>
      %dma_wait3A_1859 = arith.constant 0 : i32
      %dma_wait3A_1860 = arith.constant 0 : i32
      %dma_wait3A_1861 = tpu.memref_slice %arg3[%dma_wait3A_1859, %dma_wait3A_1860] : memref<1000000x64xf32, #tpu.memory_space<hbm>> -> memref<1000000x64xf32, #tpu.memory_space<hbm>>
      %dma_wait3A_1862 = tpu.memref_slice %arg7[%dma_wait3A_1854] : memref<8x!tpu.dma_semaphore, #tpu.memory_space<semaphore_mem>> -> memref<1x!tpu.dma_semaphore, #tpu.memory_space<semaphore_mem>>
      %dma_wait3A_1863 = tpu.memref_squeeze %dma_wait3A_1862 : memref<1x!tpu.dma_semaphore, #tpu.memory_space<semaphore_mem>> -> memref<!tpu.dma_semaphore, #tpu.memory_space<semaphore_mem>>
      tpu.wait_indirect_dma semaphore(%dma_wait3A_1863 : memref<!tpu.dma_semaphore, #tpu.memory_space<semaphore_mem>>) src(%dma_wait3A_1861 : memref<1000000x64xf32, #tpu.memory_space<hbm>>) dst(%dma_wait3A_1858 : memref<16x64xf32, #tpu.memory_space<vmem>>)
      %get3A_1864 = arith.index_cast %add3A_1758 : i32 to index
      %get3A_1865 = arith.constant 112 : index
      %get3A_1866 = tpu.vector_load %arg5[%get3A_1864, %get3A_1865] {strides = array<i32>} : memref<200x128xi32, #tpu.memory_space<vmem>>, vector<1x16xi32>,
      %get3A_1867 = vector.shape_cast %get3A_1866 : vector<1x16xi32> to vector<16xi32>
      %dma_wait3A_1868 = arith.constant 5 : i32
      %dma_wait3A_1869 = arith.constant 5 : i32
      %dma_wait3A_1870 = arith.constant 112 : i32
      %dma_wait3A_1871 = arith.constant 0 : i32
      %dma_wait3A_1872 = tpu.memref_slice %arg6[%dma_wait3A_1868, %dma_wait3A_1870, %dma_wait3A_1871] : memref<8x128x64xf32, #tpu.memory_space<vmem>> -> memref<1x16x64xf32, #tpu.memory_space<vmem>>
      %dma_wait3A_1873 = tpu.memref_squeeze %dma_wait3A_1872 : memref<1x16x64xf32, #tpu.memory_space<vmem>> -> memref<16x64xf32, #tpu.memory_space<vmem>>
      %dma_wait3A_1874 = arith.constant 0 : i32
      %dma_wait3A_1875 = arith.constant 0 : i32
      %dma_wait3A_1876 = tpu.memref_slice %arg3[%dma_wait3A_1874, %dma_wait3A_1875] : memref<1000000x64xf32, #tpu.memory_space<hbm>> -> memref<1000000x64xf32, #tpu.memory_space<hbm>>
      %dma_wait3A_1877 = tpu.memref_slice %arg7[%dma_wait3A_1869] : memref<8x!tpu.dma_semaphore, #tpu.memory_space<semaphore_mem>> -> memref<1x!tpu.dma_semaphore, #tpu.memory_space<semaphore_mem>>
      %dma_wait3A_1878 = tpu.memref_squeeze %dma_wait3A_1877 : memref<1x!tpu.dma_semaphore, #tpu.memory_space<semaphore_mem>> -> memref<!tpu.dma_semaphore, #tpu.memory_space<semaphore_mem>>
      tpu.wait_indirect_dma semaphore(%dma_wait3A_1878 : memref<!tpu.dma_semaphore, #tpu.memory_space<semaphore_mem>>) src(%dma_wait3A_1876 : memref<1000000x64xf32, #tpu.memory_space<hbm>>) dst(%dma_wait3A_1873 : memref<16x64xf32, #tpu.memory_space<vmem>>)
      %add3A_1879 = arith.constant 5 : i32
      %add3A_1880 = arith.addi %mul3A_1032, %add3A_1879 : i32
      %mul3A_1881 = arith.constant 25600 : i32
      %mul3A_1882 = arith.muli %add3A, %mul3A_1881 : i32
      %mul3A_1883 = arith.constant 128 : i32
      %mul3A_1884 = arith.muli %add3A_1880, %mul3A_1883 : i32
      %add3A_1885 = arith.addi %mul3A_1882, %mul3A_1884 : i32
      %dma_start3A_1886 = arith.constant 5 : i32
      %dma_start3A_1887 = arith.constant 5 : i32
      %dma_start3A_1888 = arith.constant 0 : i32
      %dma_start3A_1889 = arith.constant 0 : i32
      %dma_start3A_1890 = tpu.memref_slice %arg6[%dma_start3A_1886, %dma_start3A_1888, %dma_start3A_1889] : memref<8x128x64xf32, #tpu.memory_space<vmem>> -> memref<1x128x64xf32, #tpu.memory_space<vmem>>
      %dma_start3A_1891 = tpu.memref_squeeze %dma_start3A_1890 : memref<1x128x64xf32, #tpu.memory_space<vmem>> -> memref<128x64xf32, #tpu.memory_space<vmem>>
      %dma_start3A_1892 = arith.constant 0 : i32
      %dma_start3A_1893 = tpu.memref_slice %arg4[%add3A_1885, %dma_start3A_1892] : memref<819200x64xf32, #tpu.memory_space<hbm>> -> memref<128x64xf32, #tpu.memory_space<hbm>>
      %dma_start3A_1894 = tpu.memref_slice %arg8[%dma_start3A_1887] : memref<8x!tpu.dma_semaphore, #tpu.memory_space<semaphore_mem>> -> memref<1x!tpu.dma_semaphore, #tpu.memory_space<semaphore_mem>>
      %dma_start3A_1895 = tpu.memref_squeeze %dma_start3A_1894 : memref<1x!tpu.dma_semaphore, #tpu.memory_space<semaphore_mem>> -> memref<!tpu.dma_semaphore, #tpu.memory_space<semaphore_mem>>
      %dma_start3A_1896 = arith.constant 0 : i32
      %dma_start3A_1897 = tpu.memref_slice %arg4[%add3A_1885, %dma_start3A_1896] : memref<819200x64xf32, #tpu.memory_space<hbm>> -> memref<128x64xf32, #tpu.memory_space<hbm>>
      %dma_start3A_1898 = arith.constant 0 : i32
      %dma_start3A_1899 = arith.constant 0 : i32
      %dma_start3A_1900 = tpu.memref_slice %arg6[%dma_start3A_1886, %dma_start3A_1898, %dma_start3A_1899] : memref<8x128x64xf32, #tpu.memory_space<vmem>> -> memref<1x128x64xf32, #tpu.memory_space<vmem>>
      %dma_start3A_1901 = tpu.memref_squeeze %dma_start3A_1900 : memref<1x128x64xf32, #tpu.memory_space<vmem>> -> memref<128x64xf32, #tpu.memory_space<vmem>>
      tpu.enqueue_dma source(%dma_start3A_1901 : memref<128x64xf32, #tpu.memory_space<vmem>>) target(%dma_start3A_1897 : memref<128x64xf32, #tpu.memory_space<hbm>>) target_semaphore(%dma_start3A_1895 : memref<!tpu.dma_semaphore, #tpu.memory_space<semaphore_mem>>)
      %add3A_1902 = arith.constant 6 : i32
      %add3A_1903 = arith.addi %mul3A_1032, %add3A_1902 : i32
      %get3A_1904 = arith.index_cast %add3A_1903 : i32 to index
      %get3A_1905 = arith.constant 0 : index
      %get3A_1906 = tpu.vector_load %arg5[%get3A_1904, %get3A_1905] {strides = array<i32>} : memref<200x128xi32, #tpu.memory_space<vmem>>, vector<1x16xi32>,
      %get3A_1907 = vector.shape_cast %get3A_1906 : vector<1x16xi32> to vector<16xi32>
      %dma_wait3A_1908 = arith.constant 6 : i32
      %dma_wait3A_1909 = arith.constant 6 : i32
      %dma_wait3A_1910 = arith.constant 0 : i32
      %dma_wait3A_1911 = arith.constant 0 : i32
      %dma_wait3A_1912 = tpu.memref_slice %arg6[%dma_wait3A_1908, %dma_wait3A_1910, %dma_wait3A_1911] : memref<8x128x64xf32, #tpu.memory_space<vmem>> -> memref<1x16x64xf32, #tpu.memory_space<vmem>>
      %dma_wait3A_1913 = tpu.memref_squeeze %dma_wait3A_1912 : memref<1x16x64xf32, #tpu.memory_space<vmem>> -> memref<16x64xf32, #tpu.memory_space<vmem>>
      %dma_wait3A_1914 = arith.constant 0 : i32
      %dma_wait3A_1915 = arith.constant 0 : i32
      %dma_wait3A_1916 = tpu.memref_slice %arg3[%dma_wait3A_1914, %dma_wait3A_1915] : memref<1000000x64xf32, #tpu.memory_space<hbm>> -> memref<1000000x64xf32, #tpu.memory_space<hbm>>
      %dma_wait3A_1917 = tpu.memref_slice %arg7[%dma_wait3A_1909] : memref<8x!tpu.dma_semaphore, #tpu.memory_space<semaphore_mem>> -> memref<1x!tpu.dma_semaphore, #tpu.memory_space<semaphore_mem>>
      %dma_wait3A_1918 = tpu.memref_squeeze %dma_wait3A_1917 : memref<1x!tpu.dma_semaphore, #tpu.memory_space<semaphore_mem>> -> memref<!tpu.dma_semaphore, #tpu.memory_space<semaphore_mem>>
      tpu.wait_indirect_dma semaphore(%dma_wait3A_1918 : memref<!tpu.dma_semaphore, #tpu.memory_space<semaphore_mem>>) src(%dma_wait3A_1916 : memref<1000000x64xf32, #tpu.memory_space<hbm>>) dst(%dma_wait3A_1913 : memref<16x64xf32, #tpu.memory_space<vmem>>)
      %get3A_1919 = arith.index_cast %add3A_1903 : i32 to index
      %get3A_1920 = arith.constant 16 : index
      %get3A_1921 = tpu.vector_load %arg5[%get3A_1919, %get3A_1920] {strides = array<i32>} : memref<200x128xi32, #tpu.memory_space<vmem>>, vector<1x16xi32>,
      %get3A_1922 = vector.shape_cast %get3A_1921 : vector<1x16xi32> to vector<16xi32>
      %dma_wait3A_1923 = arith.constant 6 : i32
      %dma_wait3A_1924 = arith.constant 6 : i32
      %dma_wait3A_1925 = arith.constant 16 : i32
      %dma_wait3A_1926 = arith.constant 0 : i32
      %dma_wait3A_1927 = tpu.memref_slice %arg6[%dma_wait3A_1923, %dma_wait3A_1925, %dma_wait3A_1926] : memref<8x128x64xf32, #tpu.memory_space<vmem>> -> memref<1x16x64xf32, #tpu.memory_space<vmem>>
      %dma_wait3A_1928 = tpu.memref_squeeze %dma_wait3A_1927 : memref<1x16x64xf32, #tpu.memory_space<vmem>> -> memref<16x64xf32, #tpu.memory_space<vmem>>
      %dma_wait3A_1929 = arith.constant 0 : i32
      %dma_wait3A_1930 = arith.constant 0 : i32
      %dma_wait3A_1931 = tpu.memref_slice %arg3[%dma_wait3A_1929, %dma_wait3A_1930] : memref<1000000x64xf32, #tpu.memory_space<hbm>> -> memref<1000000x64xf32, #tpu.memory_space<hbm>>
      %dma_wait3A_1932 = tpu.memref_slice %arg7[%dma_wait3A_1924] : memref<8x!tpu.dma_semaphore, #tpu.memory_space<semaphore_mem>> -> memref<1x!tpu.dma_semaphore, #tpu.memory_space<semaphore_mem>>
      %dma_wait3A_1933 = tpu.memref_squeeze %dma_wait3A_1932 : memref<1x!tpu.dma_semaphore, #tpu.memory_space<semaphore_mem>> -> memref<!tpu.dma_semaphore, #tpu.memory_space<semaphore_mem>>
      tpu.wait_indirect_dma semaphore(%dma_wait3A_1933 : memref<!tpu.dma_semaphore, #tpu.memory_space<semaphore_mem>>) src(%dma_wait3A_1931 : memref<1000000x64xf32, #tpu.memory_space<hbm>>) dst(%dma_wait3A_1928 : memref<16x64xf32, #tpu.memory_space<vmem>>)
      %get3A_1934 = arith.index_cast %add3A_1903 : i32 to index
      %get3A_1935 = arith.constant 32 : index
      %get3A_1936 = tpu.vector_load %arg5[%get3A_1934, %get3A_1935] {strides = array<i32>} : memref<200x128xi32, #tpu.memory_space<vmem>>, vector<1x16xi32>,
      %get3A_1937 = vector.shape_cast %get3A_1936 : vector<1x16xi32> to vector<16xi32>
      %dma_wait3A_1938 = arith.constant 6 : i32
      %dma_wait3A_1939 = arith.constant 6 : i32
      %dma_wait3A_1940 = arith.constant 32 : i32
      %dma_wait3A_1941 = arith.constant 0 : i32
      %dma_wait3A_1942 = tpu.memref_slice %arg6[%dma_wait3A_1938, %dma_wait3A_1940, %dma_wait3A_1941] : memref<8x128x64xf32, #tpu.memory_space<vmem>> -> memref<1x16x64xf32, #tpu.memory_space<vmem>>
      %dma_wait3A_1943 = tpu.memref_squeeze %dma_wait3A_1942 : memref<1x16x64xf32, #tpu.memory_space<vmem>> -> memref<16x64xf32, #tpu.memory_space<vmem>>
      %dma_wait3A_1944 = arith.constant 0 : i32
      %dma_wait3A_1945 = arith.constant 0 : i32
      %dma_wait3A_1946 = tpu.memref_slice %arg3[%dma_wait3A_1944, %dma_wait3A_1945] : memref<1000000x64xf32, #tpu.memory_space<hbm>> -> memref<1000000x64xf32, #tpu.memory_space<hbm>>
      %dma_wait3A_1947 = tpu.memref_slice %arg7[%dma_wait3A_1939] : memref<8x!tpu.dma_semaphore, #tpu.memory_space<semaphore_mem>> -> memref<1x!tpu.dma_semaphore, #tpu.memory_space<semaphore_mem>>
      %dma_wait3A_1948 = tpu.memref_squeeze %dma_wait3A_1947 : memref<1x!tpu.dma_semaphore, #tpu.memory_space<semaphore_mem>> -> memref<!tpu.dma_semaphore, #tpu.memory_space<semaphore_mem>>
      tpu.wait_indirect_dma semaphore(%dma_wait3A_1948 : memref<!tpu.dma_semaphore, #tpu.memory_space<semaphore_mem>>) src(%dma_wait3A_1946 : memref<1000000x64xf32, #tpu.memory_space<hbm>>) dst(%dma_wait3A_1943 : memref<16x64xf32, #tpu.memory_space<vmem>>)
      %get3A_1949 = arith.index_cast %add3A_1903 : i32 to index
      %get3A_1950 = arith.constant 48 : index
      %get3A_1951 = tpu.vector_load %arg5[%get3A_1949, %get3A_1950] {strides = array<i32>} : memref<200x128xi32, #tpu.memory_space<vmem>>, vector<1x16xi32>,
      %get3A_1952 = vector.shape_cast %get3A_1951 : vector<1x16xi32> to vector<16xi32>
      %dma_wait3A_1953 = arith.constant 6 : i32
      %dma_wait3A_1954 = arith.constant 6 : i32
      %dma_wait3A_1955 = arith.constant 48 : i32
      %dma_wait3A_1956 = arith.constant 0 : i32
      %dma_wait3A_1957 = tpu.memref_slice %arg6[%dma_wait3A_1953, %dma_wait3A_1955, %dma_wait3A_1956] : memref<8x128x64xf32, #tpu.memory_space<vmem>> -> memref<1x16x64xf32, #tpu.memory_space<vmem>>
      %dma_wait3A_1958 = tpu.memref_squeeze %dma_wait3A_1957 : memref<1x16x64xf32, #tpu.memory_space<vmem>> -> memref<16x64xf32, #tpu.memory_space<vmem>>
      %dma_wait3A_1959 = arith.constant 0 : i32
      %dma_wait3A_1960 = arith.constant 0 : i32
      %dma_wait3A_1961 = tpu.memref_slice %arg3[%dma_wait3A_1959, %dma_wait3A_1960] : memref<1000000x64xf32, #tpu.memory_space<hbm>> -> memref<1000000x64xf32, #tpu.memory_space<hbm>>
      %dma_wait3A_1962 = tpu.memref_slice %arg7[%dma_wait3A_1954] : memref<8x!tpu.dma_semaphore, #tpu.memory_space<semaphore_mem>> -> memref<1x!tpu.dma_semaphore, #tpu.memory_space<semaphore_mem>>
      %dma_wait3A_1963 = tpu.memref_squeeze %dma_wait3A_1962 : memref<1x!tpu.dma_semaphore, #tpu.memory_space<semaphore_mem>> -> memref<!tpu.dma_semaphore, #tpu.memory_space<semaphore_mem>>
      tpu.wait_indirect_dma semaphore(%dma_wait3A_1963 : memref<!tpu.dma_semaphore, #tpu.memory_space<semaphore_mem>>) src(%dma_wait3A_1961 : memref<1000000x64xf32, #tpu.memory_space<hbm>>) dst(%dma_wait3A_1958 : memref<16x64xf32, #tpu.memory_space<vmem>>)
      %get3A_1964 = arith.index_cast %add3A_1903 : i32 to index
      %get3A_1965 = arith.constant 64 : index
      %get3A_1966 = tpu.vector_load %arg5[%get3A_1964, %get3A_1965] {strides = array<i32>} : memref<200x128xi32, #tpu.memory_space<vmem>>, vector<1x16xi32>,
      %get3A_1967 = vector.shape_cast %get3A_1966 : vector<1x16xi32> to vector<16xi32>
      %dma_wait3A_1968 = arith.constant 6 : i32
      %dma_wait3A_1969 = arith.constant 6 : i32
      %dma_wait3A_1970 = arith.constant 64 : i32
      %dma_wait3A_1971 = arith.constant 0 : i32
      %dma_wait3A_1972 = tpu.memref_slice %arg6[%dma_wait3A_1968, %dma_wait3A_1970, %dma_wait3A_1971] : memref<8x128x64xf32, #tpu.memory_space<vmem>> -> memref<1x16x64xf32, #tpu.memory_space<vmem>>
      %dma_wait3A_1973 = tpu.memref_squeeze %dma_wait3A_1972 : memref<1x16x64xf32, #tpu.memory_space<vmem>> -> memref<16x64xf32, #tpu.memory_space<vmem>>
      %dma_wait3A_1974 = arith.constant 0 : i32
      %dma_wait3A_1975 = arith.constant 0 : i32
      %dma_wait3A_1976 = tpu.memref_slice %arg3[%dma_wait3A_1974, %dma_wait3A_1975] : memref<1000000x64xf32, #tpu.memory_space<hbm>> -> memref<1000000x64xf32, #tpu.memory_space<hbm>>
      %dma_wait3A_1977 = tpu.memref_slice %arg7[%dma_wait3A_1969] : memref<8x!tpu.dma_semaphore, #tpu.memory_space<semaphore_mem>> -> memref<1x!tpu.dma_semaphore, #tpu.memory_space<semaphore_mem>>
      %dma_wait3A_1978 = tpu.memref_squeeze %dma_wait3A_1977 : memref<1x!tpu.dma_semaphore, #tpu.memory_space<semaphore_mem>> -> memref<!tpu.dma_semaphore, #tpu.memory_space<semaphore_mem>>
      tpu.wait_indirect_dma semaphore(%dma_wait3A_1978 : memref<!tpu.dma_semaphore, #tpu.memory_space<semaphore_mem>>) src(%dma_wait3A_1976 : memref<1000000x64xf32, #tpu.memory_space<hbm>>) dst(%dma_wait3A_1973 : memref<16x64xf32, #tpu.memory_space<vmem>>)
      %get3A_1979 = arith.index_cast %add3A_1903 : i32 to index
      %get3A_1980 = arith.constant 80 : index
      %get3A_1981 = tpu.vector_load %arg5[%get3A_1979, %get3A_1980] {strides = array<i32>} : memref<200x128xi32, #tpu.memory_space<vmem>>, vector<1x16xi32>,
      %get3A_1982 = vector.shape_cast %get3A_1981 : vector<1x16xi32> to vector<16xi32>
      %dma_wait3A_1983 = arith.constant 6 : i32
      %dma_wait3A_1984 = arith.constant 6 : i32
      %dma_wait3A_1985 = arith.constant 80 : i32
      %dma_wait3A_1986 = arith.constant 0 : i32
      %dma_wait3A_1987 = tpu.memref_slice %arg6[%dma_wait3A_1983, %dma_wait3A_1985, %dma_wait3A_1986] : memref<8x128x64xf32, #tpu.memory_space<vmem>> -> memref<1x16x64xf32, #tpu.memory_space<vmem>>
      %dma_wait3A_1988 = tpu.memref_squeeze %dma_wait3A_1987 : memref<1x16x64xf32, #tpu.memory_space<vmem>> -> memref<16x64xf32, #tpu.memory_space<vmem>>
      %dma_wait3A_1989 = arith.constant 0 : i32
      %dma_wait3A_1990 = arith.constant 0 : i32
      %dma_wait3A_1991 = tpu.memref_slice %arg3[%dma_wait3A_1989, %dma_wait3A_1990] : memref<1000000x64xf32, #tpu.memory_space<hbm>> -> memref<1000000x64xf32, #tpu.memory_space<hbm>>
      %dma_wait3A_1992 = tpu.memref_slice %arg7[%dma_wait3A_1984] : memref<8x!tpu.dma_semaphore, #tpu.memory_space<semaphore_mem>> -> memref<1x!tpu.dma_semaphore, #tpu.memory_space<semaphore_mem>>
      %dma_wait3A_1993 = tpu.memref_squeeze %dma_wait3A_1992 : memref<1x!tpu.dma_semaphore, #tpu.memory_space<semaphore_mem>> -> memref<!tpu.dma_semaphore, #tpu.memory_space<semaphore_mem>>
      tpu.wait_indirect_dma semaphore(%dma_wait3A_1993 : memref<!tpu.dma_semaphore, #tpu.memory_space<semaphore_mem>>) src(%dma_wait3A_1991 : memref<1000000x64xf32, #tpu.memory_space<hbm>>) dst(%dma_wait3A_1988 : memref<16x64xf32, #tpu.memory_space<vmem>>)
      %get3A_1994 = arith.index_cast %add3A_1903 : i32 to index
      %get3A_1995 = arith.constant 96 : index
      %get3A_1996 = tpu.vector_load %arg5[%get3A_1994, %get3A_1995] {strides = array<i32>} : memref<200x128xi32, #tpu.memory_space<vmem>>, vector<1x16xi32>,
      %get3A_1997 = vector.shape_cast %get3A_1996 : vector<1x16xi32> to vector<16xi32>
      %dma_wait3A_1998 = arith.constant 6 : i32
      %dma_wait3A_1999 = arith.constant 6 : i32
      %dma_wait3A_2000 = arith.constant 96 : i32
      %dma_wait3A_2001 = arith.constant 0 : i32
      %dma_wait3A_2002 = tpu.memref_slice %arg6[%dma_wait3A_1998, %dma_wait3A_2000, %dma_wait3A_2001] : memref<8x128x64xf32, #tpu.memory_space<vmem>> -> memref<1x16x64xf32, #tpu.memory_space<vmem>>
      %dma_wait3A_2003 = tpu.memref_squeeze %dma_wait3A_2002 : memref<1x16x64xf32, #tpu.memory_space<vmem>> -> memref<16x64xf32, #tpu.memory_space<vmem>>
      %dma_wait3A_2004 = arith.constant 0 : i32
      %dma_wait3A_2005 = arith.constant 0 : i32
      %dma_wait3A_2006 = tpu.memref_slice %arg3[%dma_wait3A_2004, %dma_wait3A_2005] : memref<1000000x64xf32, #tpu.memory_space<hbm>> -> memref<1000000x64xf32, #tpu.memory_space<hbm>>
      %dma_wait3A_2007 = tpu.memref_slice %arg7[%dma_wait3A_1999] : memref<8x!tpu.dma_semaphore, #tpu.memory_space<semaphore_mem>> -> memref<1x!tpu.dma_semaphore, #tpu.memory_space<semaphore_mem>>
      %dma_wait3A_2008 = tpu.memref_squeeze %dma_wait3A_2007 : memref<1x!tpu.dma_semaphore, #tpu.memory_space<semaphore_mem>> -> memref<!tpu.dma_semaphore, #tpu.memory_space<semaphore_mem>>
      tpu.wait_indirect_dma semaphore(%dma_wait3A_2008 : memref<!tpu.dma_semaphore, #tpu.memory_space<semaphore_mem>>) src(%dma_wait3A_2006 : memref<1000000x64xf32, #tpu.memory_space<hbm>>) dst(%dma_wait3A_2003 : memref<16x64xf32, #tpu.memory_space<vmem>>)
      %get3A_2009 = arith.index_cast %add3A_1903 : i32 to index
      %get3A_2010 = arith.constant 112 : index
      %get3A_2011 = tpu.vector_load %arg5[%get3A_2009, %get3A_2010] {strides = array<i32>} : memref<200x128xi32, #tpu.memory_space<vmem>>, vector<1x16xi32>,
      %get3A_2012 = vector.shape_cast %get3A_2011 : vector<1x16xi32> to vector<16xi32>
      %dma_wait3A_2013 = arith.constant 6 : i32
      %dma_wait3A_2014 = arith.constant 6 : i32
      %dma_wait3A_2015 = arith.constant 112 : i32
      %dma_wait3A_2016 = arith.constant 0 : i32
      %dma_wait3A_2017 = tpu.memref_slice %arg6[%dma_wait3A_2013, %dma_wait3A_2015, %dma_wait3A_2016] : memref<8x128x64xf32, #tpu.memory_space<vmem>> -> memref<1x16x64xf32, #tpu.memory_space<vmem>>
      %dma_wait3A_2018 = tpu.memref_squeeze %dma_wait3A_2017 : memref<1x16x64xf32, #tpu.memory_space<vmem>> -> memref<16x64xf32, #tpu.memory_space<vmem>>
      %dma_wait3A_2019 = arith.constant 0 : i32
      %dma_wait3A_2020 = arith.constant 0 : i32
      %dma_wait3A_2021 = tpu.memref_slice %arg3[%dma_wait3A_2019, %dma_wait3A_2020] : memref<1000000x64xf32, #tpu.memory_space<hbm>> -> memref<1000000x64xf32, #tpu.memory_space<hbm>>
      %dma_wait3A_2022 = tpu.memref_slice %arg7[%dma_wait3A_2014] : memref<8x!tpu.dma_semaphore, #tpu.memory_space<semaphore_mem>> -> memref<1x!tpu.dma_semaphore, #tpu.memory_space<semaphore_mem>>
      %dma_wait3A_2023 = tpu.memref_squeeze %dma_wait3A_2022 : memref<1x!tpu.dma_semaphore, #tpu.memory_space<semaphore_mem>> -> memref<!tpu.dma_semaphore, #tpu.memory_space<semaphore_mem>>
      tpu.wait_indirect_dma semaphore(%dma_wait3A_2023 : memref<!tpu.dma_semaphore, #tpu.memory_space<semaphore_mem>>) src(%dma_wait3A_2021 : memref<1000000x64xf32, #tpu.memory_space<hbm>>) dst(%dma_wait3A_2018 : memref<16x64xf32, #tpu.memory_space<vmem>>)
      %add3A_2024 = arith.constant 6 : i32
      %add3A_2025 = arith.addi %mul3A_1032, %add3A_2024 : i32
      %mul3A_2026 = arith.constant 25600 : i32
      %mul3A_2027 = arith.muli %add3A, %mul3A_2026 : i32
      %mul3A_2028 = arith.constant 128 : i32
      %mul3A_2029 = arith.muli %add3A_2025, %mul3A_2028 : i32
      %add3A_2030 = arith.addi %mul3A_2027, %mul3A_2029 : i32
      %dma_start3A_2031 = arith.constant 6 : i32
      %dma_start3A_2032 = arith.constant 6 : i32
      %dma_start3A_2033 = arith.constant 0 : i32
      %dma_start3A_2034 = arith.constant 0 : i32
      %dma_start3A_2035 = tpu.memref_slice %arg6[%dma_start3A_2031, %dma_start3A_2033, %dma_start3A_2034] : memref<8x128x64xf32, #tpu.memory_space<vmem>> -> memref<1x128x64xf32, #tpu.memory_space<vmem>>
      %dma_start3A_2036 = tpu.memref_squeeze %dma_start3A_2035 : memref<1x128x64xf32, #tpu.memory_space<vmem>> -> memref<128x64xf32, #tpu.memory_space<vmem>>
      %dma_start3A_2037 = arith.constant 0 : i32
      %dma_start3A_2038 = tpu.memref_slice %arg4[%add3A_2030, %dma_start3A_2037] : memref<819200x64xf32, #tpu.memory_space<hbm>> -> memref<128x64xf32, #tpu.memory_space<hbm>>
      %dma_start3A_2039 = tpu.memref_slice %arg8[%dma_start3A_2032] : memref<8x!tpu.dma_semaphore, #tpu.memory_space<semaphore_mem>> -> memref<1x!tpu.dma_semaphore, #tpu.memory_space<semaphore_mem>>
      %dma_start3A_2040 = tpu.memref_squeeze %dma_start3A_2039 : memref<1x!tpu.dma_semaphore, #tpu.memory_space<semaphore_mem>> -> memref<!tpu.dma_semaphore, #tpu.memory_space<semaphore_mem>>
      %dma_start3A_2041 = arith.constant 0 : i32
      %dma_start3A_2042 = tpu.memref_slice %arg4[%add3A_2030, %dma_start3A_2041] : memref<819200x64xf32, #tpu.memory_space<hbm>> -> memref<128x64xf32, #tpu.memory_space<hbm>>
      %dma_start3A_2043 = arith.constant 0 : i32
      %dma_start3A_2044 = arith.constant 0 : i32
      %dma_start3A_2045 = tpu.memref_slice %arg6[%dma_start3A_2031, %dma_start3A_2043, %dma_start3A_2044] : memref<8x128x64xf32, #tpu.memory_space<vmem>> -> memref<1x128x64xf32, #tpu.memory_space<vmem>>
      %dma_start3A_2046 = tpu.memref_squeeze %dma_start3A_2045 : memref<1x128x64xf32, #tpu.memory_space<vmem>> -> memref<128x64xf32, #tpu.memory_space<vmem>>
      tpu.enqueue_dma source(%dma_start3A_2046 : memref<128x64xf32, #tpu.memory_space<vmem>>) target(%dma_start3A_2042 : memref<128x64xf32, #tpu.memory_space<hbm>>) target_semaphore(%dma_start3A_2040 : memref<!tpu.dma_semaphore, #tpu.memory_space<semaphore_mem>>)
      %add3A_2047 = arith.constant 7 : i32
      %add3A_2048 = arith.addi %mul3A_1032, %add3A_2047 : i32
      %get3A_2049 = arith.index_cast %add3A_2048 : i32 to index
      %get3A_2050 = arith.constant 0 : index
      %get3A_2051 = tpu.vector_load %arg5[%get3A_2049, %get3A_2050] {strides = array<i32>} : memref<200x128xi32, #tpu.memory_space<vmem>>, vector<1x16xi32>,
      %get3A_2052 = vector.shape_cast %get3A_2051 : vector<1x16xi32> to vector<16xi32>
      %dma_wait3A_2053 = arith.constant 7 : i32
      %dma_wait3A_2054 = arith.constant 7 : i32
      %dma_wait3A_2055 = arith.constant 0 : i32
      %dma_wait3A_2056 = arith.constant 0 : i32
      %dma_wait3A_2057 = tpu.memref_slice %arg6[%dma_wait3A_2053, %dma_wait3A_2055, %dma_wait3A_2056] : memref<8x128x64xf32, #tpu.memory_space<vmem>> -> memref<1x16x64xf32, #tpu.memory_space<vmem>>
      %dma_wait3A_2058 = tpu.memref_squeeze %dma_wait3A_2057 : memref<1x16x64xf32, #tpu.memory_space<vmem>> -> memref<16x64xf32, #tpu.memory_space<vmem>>
      %dma_wait3A_2059 = arith.constant 0 : i32
      %dma_wait3A_2060 = arith.constant 0 : i32
      %dma_wait3A_2061 = tpu.memref_slice %arg3[%dma_wait3A_2059, %dma_wait3A_2060] : memref<1000000x64xf32, #tpu.memory_space<hbm>> -> memref<1000000x64xf32, #tpu.memory_space<hbm>>
      %dma_wait3A_2062 = tpu.memref_slice %arg7[%dma_wait3A_2054] : memref<8x!tpu.dma_semaphore, #tpu.memory_space<semaphore_mem>> -> memref<1x!tpu.dma_semaphore, #tpu.memory_space<semaphore_mem>>
      %dma_wait3A_2063 = tpu.memref_squeeze %dma_wait3A_2062 : memref<1x!tpu.dma_semaphore, #tpu.memory_space<semaphore_mem>> -> memref<!tpu.dma_semaphore, #tpu.memory_space<semaphore_mem>>
      tpu.wait_indirect_dma semaphore(%dma_wait3A_2063 : memref<!tpu.dma_semaphore, #tpu.memory_space<semaphore_mem>>) src(%dma_wait3A_2061 : memref<1000000x64xf32, #tpu.memory_space<hbm>>) dst(%dma_wait3A_2058 : memref<16x64xf32, #tpu.memory_space<vmem>>)
      %get3A_2064 = arith.index_cast %add3A_2048 : i32 to index
      %get3A_2065 = arith.constant 16 : index
      %get3A_2066 = tpu.vector_load %arg5[%get3A_2064, %get3A_2065] {strides = array<i32>} : memref<200x128xi32, #tpu.memory_space<vmem>>, vector<1x16xi32>,
      %get3A_2067 = vector.shape_cast %get3A_2066 : vector<1x16xi32> to vector<16xi32>
      %dma_wait3A_2068 = arith.constant 7 : i32
      %dma_wait3A_2069 = arith.constant 7 : i32
      %dma_wait3A_2070 = arith.constant 16 : i32
      %dma_wait3A_2071 = arith.constant 0 : i32
      %dma_wait3A_2072 = tpu.memref_slice %arg6[%dma_wait3A_2068, %dma_wait3A_2070, %dma_wait3A_2071] : memref<8x128x64xf32, #tpu.memory_space<vmem>> -> memref<1x16x64xf32, #tpu.memory_space<vmem>>
      %dma_wait3A_2073 = tpu.memref_squeeze %dma_wait3A_2072 : memref<1x16x64xf32, #tpu.memory_space<vmem>> -> memref<16x64xf32, #tpu.memory_space<vmem>>
      %dma_wait3A_2074 = arith.constant 0 : i32
      %dma_wait3A_2075 = arith.constant 0 : i32
      %dma_wait3A_2076 = tpu.memref_slice %arg3[%dma_wait3A_2074, %dma_wait3A_2075] : memref<1000000x64xf32, #tpu.memory_space<hbm>> -> memref<1000000x64xf32, #tpu.memory_space<hbm>>
      %dma_wait3A_2077 = tpu.memref_slice %arg7[%dma_wait3A_2069] : memref<8x!tpu.dma_semaphore, #tpu.memory_space<semaphore_mem>> -> memref<1x!tpu.dma_semaphore, #tpu.memory_space<semaphore_mem>>
      %dma_wait3A_2078 = tpu.memref_squeeze %dma_wait3A_2077 : memref<1x!tpu.dma_semaphore, #tpu.memory_space<semaphore_mem>> -> memref<!tpu.dma_semaphore, #tpu.memory_space<semaphore_mem>>
      tpu.wait_indirect_dma semaphore(%dma_wait3A_2078 : memref<!tpu.dma_semaphore, #tpu.memory_space<semaphore_mem>>) src(%dma_wait3A_2076 : memref<1000000x64xf32, #tpu.memory_space<hbm>>) dst(%dma_wait3A_2073 : memref<16x64xf32, #tpu.memory_space<vmem>>)
      %get3A_2079 = arith.index_cast %add3A_2048 : i32 to index
      %get3A_2080 = arith.constant 32 : index
      %get3A_2081 = tpu.vector_load %arg5[%get3A_2079, %get3A_2080] {strides = array<i32>} : memref<200x128xi32, #tpu.memory_space<vmem>>, vector<1x16xi32>,
      %get3A_2082 = vector.shape_cast %get3A_2081 : vector<1x16xi32> to vector<16xi32>
      %dma_wait3A_2083 = arith.constant 7 : i32
      %dma_wait3A_2084 = arith.constant 7 : i32
      %dma_wait3A_2085 = arith.constant 32 : i32
      %dma_wait3A_2086 = arith.constant 0 : i32
      %dma_wait3A_2087 = tpu.memref_slice %arg6[%dma_wait3A_2083, %dma_wait3A_2085, %dma_wait3A_2086] : memref<8x128x64xf32, #tpu.memory_space<vmem>> -> memref<1x16x64xf32, #tpu.memory_space<vmem>>
      %dma_wait3A_2088 = tpu.memref_squeeze %dma_wait3A_2087 : memref<1x16x64xf32, #tpu.memory_space<vmem>> -> memref<16x64xf32, #tpu.memory_space<vmem>>
      %dma_wait3A_2089 = arith.constant 0 : i32
      %dma_wait3A_2090 = arith.constant 0 : i32
      %dma_wait3A_2091 = tpu.memref_slice %arg3[%dma_wait3A_2089, %dma_wait3A_2090] : memref<1000000x64xf32, #tpu.memory_space<hbm>> -> memref<1000000x64xf32, #tpu.memory_space<hbm>>
      %dma_wait3A_2092 = tpu.memref_slice %arg7[%dma_wait3A_2084] : memref<8x!tpu.dma_semaphore, #tpu.memory_space<semaphore_mem>> -> memref<1x!tpu.dma_semaphore, #tpu.memory_space<semaphore_mem>>
      %dma_wait3A_2093 = tpu.memref_squeeze %dma_wait3A_2092 : memref<1x!tpu.dma_semaphore, #tpu.memory_space<semaphore_mem>> -> memref<!tpu.dma_semaphore, #tpu.memory_space<semaphore_mem>>
      tpu.wait_indirect_dma semaphore(%dma_wait3A_2093 : memref<!tpu.dma_semaphore, #tpu.memory_space<semaphore_mem>>) src(%dma_wait3A_2091 : memref<1000000x64xf32, #tpu.memory_space<hbm>>) dst(%dma_wait3A_2088 : memref<16x64xf32, #tpu.memory_space<vmem>>)
      %get3A_2094 = arith.index_cast %add3A_2048 : i32 to index
      %get3A_2095 = arith.constant 48 : index
      %get3A_2096 = tpu.vector_load %arg5[%get3A_2094, %get3A_2095] {strides = array<i32>} : memref<200x128xi32, #tpu.memory_space<vmem>>, vector<1x16xi32>,
      %get3A_2097 = vector.shape_cast %get3A_2096 : vector<1x16xi32> to vector<16xi32>
      %dma_wait3A_2098 = arith.constant 7 : i32
      %dma_wait3A_2099 = arith.constant 7 : i32
      %dma_wait3A_2100 = arith.constant 48 : i32
      %dma_wait3A_2101 = arith.constant 0 : i32
      %dma_wait3A_2102 = tpu.memref_slice %arg6[%dma_wait3A_2098, %dma_wait3A_2100, %dma_wait3A_2101] : memref<8x128x64xf32, #tpu.memory_space<vmem>> -> memref<1x16x64xf32, #tpu.memory_space<vmem>>
      %dma_wait3A_2103 = tpu.memref_squeeze %dma_wait3A_2102 : memref<1x16x64xf32, #tpu.memory_space<vmem>> -> memref<16x64xf32, #tpu.memory_space<vmem>>
      %dma_wait3A_2104 = arith.constant 0 : i32
      %dma_wait3A_2105 = arith.constant 0 : i32
      %dma_wait3A_2106 = tpu.memref_slice %arg3[%dma_wait3A_2104, %dma_wait3A_2105] : memref<1000000x64xf32, #tpu.memory_space<hbm>> -> memref<1000000x64xf32, #tpu.memory_space<hbm>>
      %dma_wait3A_2107 = tpu.memref_slice %arg7[%dma_wait3A_2099] : memref<8x!tpu.dma_semaphore, #tpu.memory_space<semaphore_mem>> -> memref<1x!tpu.dma_semaphore, #tpu.memory_space<semaphore_mem>>
      %dma_wait3A_2108 = tpu.memref_squeeze %dma_wait3A_2107 : memref<1x!tpu.dma_semaphore, #tpu.memory_space<semaphore_mem>> -> memref<!tpu.dma_semaphore, #tpu.memory_space<semaphore_mem>>
      tpu.wait_indirect_dma semaphore(%dma_wait3A_2108 : memref<!tpu.dma_semaphore, #tpu.memory_space<semaphore_mem>>) src(%dma_wait3A_2106 : memref<1000000x64xf32, #tpu.memory_space<hbm>>) dst(%dma_wait3A_2103 : memref<16x64xf32, #tpu.memory_space<vmem>>)
      %get3A_2109 = arith.index_cast %add3A_2048 : i32 to index
      %get3A_2110 = arith.constant 64 : index
      %get3A_2111 = tpu.vector_load %arg5[%get3A_2109, %get3A_2110] {strides = array<i32>} : memref<200x128xi32, #tpu.memory_space<vmem>>, vector<1x16xi32>,
      %get3A_2112 = vector.shape_cast %get3A_2111 : vector<1x16xi32> to vector<16xi32>
      %dma_wait3A_2113 = arith.constant 7 : i32
      %dma_wait3A_2114 = arith.constant 7 : i32
      %dma_wait3A_2115 = arith.constant 64 : i32
      %dma_wait3A_2116 = arith.constant 0 : i32
      %dma_wait3A_2117 = tpu.memref_slice %arg6[%dma_wait3A_2113, %dma_wait3A_2115, %dma_wait3A_2116] : memref<8x128x64xf32, #tpu.memory_space<vmem>> -> memref<1x16x64xf32, #tpu.memory_space<vmem>>
      %dma_wait3A_2118 = tpu.memref_squeeze %dma_wait3A_2117 : memref<1x16x64xf32, #tpu.memory_space<vmem>> -> memref<16x64xf32, #tpu.memory_space<vmem>>
      %dma_wait3A_2119 = arith.constant 0 : i32
      %dma_wait3A_2120 = arith.constant 0 : i32
      %dma_wait3A_2121 = tpu.memref_slice %arg3[%dma_wait3A_2119, %dma_wait3A_2120] : memref<1000000x64xf32, #tpu.memory_space<hbm>> -> memref<1000000x64xf32, #tpu.memory_space<hbm>>
      %dma_wait3A_2122 = tpu.memref_slice %arg7[%dma_wait3A_2114] : memref<8x!tpu.dma_semaphore, #tpu.memory_space<semaphore_mem>> -> memref<1x!tpu.dma_semaphore, #tpu.memory_space<semaphore_mem>>
      %dma_wait3A_2123 = tpu.memref_squeeze %dma_wait3A_2122 : memref<1x!tpu.dma_semaphore, #tpu.memory_space<semaphore_mem>> -> memref<!tpu.dma_semaphore, #tpu.memory_space<semaphore_mem>>
      tpu.wait_indirect_dma semaphore(%dma_wait3A_2123 : memref<!tpu.dma_semaphore, #tpu.memory_space<semaphore_mem>>) src(%dma_wait3A_2121 : memref<1000000x64xf32, #tpu.memory_space<hbm>>) dst(%dma_wait3A_2118 : memref<16x64xf32, #tpu.memory_space<vmem>>)
      %get3A_2124 = arith.index_cast %add3A_2048 : i32 to index
      %get3A_2125 = arith.constant 80 : index
      %get3A_2126 = tpu.vector_load %arg5[%get3A_2124, %get3A_2125] {strides = array<i32>} : memref<200x128xi32, #tpu.memory_space<vmem>>, vector<1x16xi32>,
      %get3A_2127 = vector.shape_cast %get3A_2126 : vector<1x16xi32> to vector<16xi32>
      %dma_wait3A_2128 = arith.constant 7 : i32
      %dma_wait3A_2129 = arith.constant 7 : i32
      %dma_wait3A_2130 = arith.constant 80 : i32
      %dma_wait3A_2131 = arith.constant 0 : i32
      %dma_wait3A_2132 = tpu.memref_slice %arg6[%dma_wait3A_2128, %dma_wait3A_2130, %dma_wait3A_2131] : memref<8x128x64xf32, #tpu.memory_space<vmem>> -> memref<1x16x64xf32, #tpu.memory_space<vmem>>
      %dma_wait3A_2133 = tpu.memref_squeeze %dma_wait3A_2132 : memref<1x16x64xf32, #tpu.memory_space<vmem>> -> memref<16x64xf32, #tpu.memory_space<vmem>>
      %dma_wait3A_2134 = arith.constant 0 : i32
      %dma_wait3A_2135 = arith.constant 0 : i32
      %dma_wait3A_2136 = tpu.memref_slice %arg3[%dma_wait3A_2134, %dma_wait3A_2135] : memref<1000000x64xf32, #tpu.memory_space<hbm>> -> memref<1000000x64xf32, #tpu.memory_space<hbm>>
      %dma_wait3A_2137 = tpu.memref_slice %arg7[%dma_wait3A_2129] : memref<8x!tpu.dma_semaphore, #tpu.memory_space<semaphore_mem>> -> memref<1x!tpu.dma_semaphore, #tpu.memory_space<semaphore_mem>>
      %dma_wait3A_2138 = tpu.memref_squeeze %dma_wait3A_2137 : memref<1x!tpu.dma_semaphore, #tpu.memory_space<semaphore_mem>> -> memref<!tpu.dma_semaphore, #tpu.memory_space<semaphore_mem>>
      tpu.wait_indirect_dma semaphore(%dma_wait3A_2138 : memref<!tpu.dma_semaphore, #tpu.memory_space<semaphore_mem>>) src(%dma_wait3A_2136 : memref<1000000x64xf32, #tpu.memory_space<hbm>>) dst(%dma_wait3A_2133 : memref<16x64xf32, #tpu.memory_space<vmem>>)
      %get3A_2139 = arith.index_cast %add3A_2048 : i32 to index
      %get3A_2140 = arith.constant 96 : index
      %get3A_2141 = tpu.vector_load %arg5[%get3A_2139, %get3A_2140] {strides = array<i32>} : memref<200x128xi32, #tpu.memory_space<vmem>>, vector<1x16xi32>,
      %get3A_2142 = vector.shape_cast %get3A_2141 : vector<1x16xi32> to vector<16xi32>
      %dma_wait3A_2143 = arith.constant 7 : i32
      %dma_wait3A_2144 = arith.constant 7 : i32
      %dma_wait3A_2145 = arith.constant 96 : i32
      %dma_wait3A_2146 = arith.constant 0 : i32
      %dma_wait3A_2147 = tpu.memref_slice %arg6[%dma_wait3A_2143, %dma_wait3A_2145, %dma_wait3A_2146] : memref<8x128x64xf32, #tpu.memory_space<vmem>> -> memref<1x16x64xf32, #tpu.memory_space<vmem>>
      %dma_wait3A_2148 = tpu.memref_squeeze %dma_wait3A_2147 : memref<1x16x64xf32, #tpu.memory_space<vmem>> -> memref<16x64xf32, #tpu.memory_space<vmem>>
      %dma_wait3A_2149 = arith.constant 0 : i32
      %dma_wait3A_2150 = arith.constant 0 : i32
      %dma_wait3A_2151 = tpu.memref_slice %arg3[%dma_wait3A_2149, %dma_wait3A_2150] : memref<1000000x64xf32, #tpu.memory_space<hbm>> -> memref<1000000x64xf32, #tpu.memory_space<hbm>>
      %dma_wait3A_2152 = tpu.memref_slice %arg7[%dma_wait3A_2144] : memref<8x!tpu.dma_semaphore, #tpu.memory_space<semaphore_mem>> -> memref<1x!tpu.dma_semaphore, #tpu.memory_space<semaphore_mem>>
      %dma_wait3A_2153 = tpu.memref_squeeze %dma_wait3A_2152 : memref<1x!tpu.dma_semaphore, #tpu.memory_space<semaphore_mem>> -> memref<!tpu.dma_semaphore, #tpu.memory_space<semaphore_mem>>
      tpu.wait_indirect_dma semaphore(%dma_wait3A_2153 : memref<!tpu.dma_semaphore, #tpu.memory_space<semaphore_mem>>) src(%dma_wait3A_2151 : memref<1000000x64xf32, #tpu.memory_space<hbm>>) dst(%dma_wait3A_2148 : memref<16x64xf32, #tpu.memory_space<vmem>>)
      %get3A_2154 = arith.index_cast %add3A_2048 : i32 to index
      %get3A_2155 = arith.constant 112 : index
      %get3A_2156 = tpu.vector_load %arg5[%get3A_2154, %get3A_2155] {strides = array<i32>} : memref<200x128xi32, #tpu.memory_space<vmem>>, vector<1x16xi32>,
      %get3A_2157 = vector.shape_cast %get3A_2156 : vector<1x16xi32> to vector<16xi32>
      %dma_wait3A_2158 = arith.constant 7 : i32
      %dma_wait3A_2159 = arith.constant 7 : i32
      %dma_wait3A_2160 = arith.constant 112 : i32
      %dma_wait3A_2161 = arith.constant 0 : i32
      %dma_wait3A_2162 = tpu.memref_slice %arg6[%dma_wait3A_2158, %dma_wait3A_2160, %dma_wait3A_2161] : memref<8x128x64xf32, #tpu.memory_space<vmem>> -> memref<1x16x64xf32, #tpu.memory_space<vmem>>
      %dma_wait3A_2163 = tpu.memref_squeeze %dma_wait3A_2162 : memref<1x16x64xf32, #tpu.memory_space<vmem>> -> memref<16x64xf32, #tpu.memory_space<vmem>>
      %dma_wait3A_2164 = arith.constant 0 : i32
      %dma_wait3A_2165 = arith.constant 0 : i32
      %dma_wait3A_2166 = tpu.memref_slice %arg3[%dma_wait3A_2164, %dma_wait3A_2165] : memref<1000000x64xf32, #tpu.memory_space<hbm>> -> memref<1000000x64xf32, #tpu.memory_space<hbm>>
      %dma_wait3A_2167 = tpu.memref_slice %arg7[%dma_wait3A_2159] : memref<8x!tpu.dma_semaphore, #tpu.memory_space<semaphore_mem>> -> memref<1x!tpu.dma_semaphore, #tpu.memory_space<semaphore_mem>>
      %dma_wait3A_2168 = tpu.memref_squeeze %dma_wait3A_2167 : memref<1x!tpu.dma_semaphore, #tpu.memory_space<semaphore_mem>> -> memref<!tpu.dma_semaphore, #tpu.memory_space<semaphore_mem>>
      tpu.wait_indirect_dma semaphore(%dma_wait3A_2168 : memref<!tpu.dma_semaphore, #tpu.memory_space<semaphore_mem>>) src(%dma_wait3A_2166 : memref<1000000x64xf32, #tpu.memory_space<hbm>>) dst(%dma_wait3A_2163 : memref<16x64xf32, #tpu.memory_space<vmem>>)
      %add3A_2169 = arith.constant 7 : i32
      %add3A_2170 = arith.addi %mul3A_1032, %add3A_2169 : i32
      %mul3A_2171 = arith.constant 25600 : i32
      %mul3A_2172 = arith.muli %add3A, %mul3A_2171 : i32
      %mul3A_2173 = arith.constant 128 : i32
      %mul3A_2174 = arith.muli %add3A_2170, %mul3A_2173 : i32
      %add3A_2175 = arith.addi %mul3A_2172, %mul3A_2174 : i32
      %dma_start3A_2176 = arith.constant 7 : i32
      %dma_start3A_2177 = arith.constant 7 : i32
      %dma_start3A_2178 = arith.constant 0 : i32
      %dma_start3A_2179 = arith.constant 0 : i32
      %dma_start3A_2180 = tpu.memref_slice %arg6[%dma_start3A_2176, %dma_start3A_2178, %dma_start3A_2179] : memref<8x128x64xf32, #tpu.memory_space<vmem>> -> memref<1x128x64xf32, #tpu.memory_space<vmem>>
      %dma_start3A_2181 = tpu.memref_squeeze %dma_start3A_2180 : memref<1x128x64xf32, #tpu.memory_space<vmem>> -> memref<128x64xf32, #tpu.memory_space<vmem>>
      %dma_start3A_2182 = arith.constant 0 : i32
      %dma_start3A_2183 = tpu.memref_slice %arg4[%add3A_2175, %dma_start3A_2182] : memref<819200x64xf32, #tpu.memory_space<hbm>> -> memref<128x64xf32, #tpu.memory_space<hbm>>
      %dma_start3A_2184 = tpu.memref_slice %arg8[%dma_start3A_2177] : memref<8x!tpu.dma_semaphore, #tpu.memory_space<semaphore_mem>> -> memref<1x!tpu.dma_semaphore, #tpu.memory_space<semaphore_mem>>
      %dma_start3A_2185 = tpu.memref_squeeze %dma_start3A_2184 : memref<1x!tpu.dma_semaphore, #tpu.memory_space<semaphore_mem>> -> memref<!tpu.dma_semaphore, #tpu.memory_space<semaphore_mem>>
      %dma_start3A_2186 = arith.constant 0 : i32
      %dma_start3A_2187 = tpu.memref_slice %arg4[%add3A_2175, %dma_start3A_2186] : memref<819200x64xf32, #tpu.memory_space<hbm>> -> memref<128x64xf32, #tpu.memory_space<hbm>>
      %dma_start3A_2188 = arith.constant 0 : i32
      %dma_start3A_2189 = arith.constant 0 : i32
      %dma_start3A_2190 = tpu.memref_slice %arg6[%dma_start3A_2176, %dma_start3A_2188, %dma_start3A_2189] : memref<8x128x64xf32, #tpu.memory_space<vmem>> -> memref<1x128x64xf32, #tpu.memory_space<vmem>>
      %dma_start3A_2191 = tpu.memref_squeeze %dma_start3A_2190 : memref<1x128x64xf32, #tpu.memory_space<vmem>> -> memref<128x64xf32, #tpu.memory_space<vmem>>
      tpu.enqueue_dma source(%dma_start3A_2191 : memref<128x64xf32, #tpu.memory_space<vmem>>) target(%dma_start3A_2187 : memref<128x64xf32, #tpu.memory_space<hbm>>) target_semaphore(%dma_start3A_2185 : memref<!tpu.dma_semaphore, #tpu.memory_space<semaphore_mem>>)
      %add3A_2192 = arith.constant 0 : i32
      %add3A_2193 = arith.addi %mul3A_1032, %add3A_2192 : i32
      %mul3A_2194 = arith.constant 25600 : i32
      %mul3A_2195 = arith.muli %add3A, %mul3A_2194 : i32
      %mul3A_2196 = arith.constant 128 : i32
      %mul3A_2197 = arith.muli %add3A_2193, %mul3A_2196 : i32
      %add3A_2198 = arith.addi %mul3A_2195, %mul3A_2197 : i32
      %dma_wait3A_2199 = arith.constant 0 : i32
      %dma_wait3A_2200 = arith.constant 0 : i32
      %dma_wait3A_2201 = arith.constant 0 : i32
      %dma_wait3A_2202 = arith.constant 0 : i32
      %dma_wait3A_2203 = tpu.memref_slice %arg6[%dma_wait3A_2199, %dma_wait3A_2201, %dma_wait3A_2202] : memref<8x128x64xf32, #tpu.memory_space<vmem>> -> memref<1x128x64xf32, #tpu.memory_space<vmem>>
      %dma_wait3A_2204 = tpu.memref_squeeze %dma_wait3A_2203 : memref<1x128x64xf32, #tpu.memory_space<vmem>> -> memref<128x64xf32, #tpu.memory_space<vmem>>
      %dma_wait3A_2205 = arith.constant 0 : i32
      %dma_wait3A_2206 = tpu.memref_slice %arg4[%add3A_2198, %dma_wait3A_2205] : memref<819200x64xf32, #tpu.memory_space<hbm>> -> memref<128x64xf32, #tpu.memory_space<hbm>>
      %dma_wait3A_2207 = tpu.memref_slice %arg8[%dma_wait3A_2200] : memref<8x!tpu.dma_semaphore, #tpu.memory_space<semaphore_mem>> -> memref<1x!tpu.dma_semaphore, #tpu.memory_space<semaphore_mem>>
      %dma_wait3A_2208 = tpu.memref_squeeze %dma_wait3A_2207 : memref<1x!tpu.dma_semaphore, #tpu.memory_space<semaphore_mem>> -> memref<!tpu.dma_semaphore, #tpu.memory_space<semaphore_mem>>
      %dma_wait3A_2209 = arith.constant 0 : i32
      %dma_wait3A_2210 = tpu.memref_slice %arg4[%add3A_2198, %dma_wait3A_2209] : memref<819200x64xf32, #tpu.memory_space<hbm>> -> memref<128x64xf32, #tpu.memory_space<hbm>>
      %dma_wait3A_2211 = arith.constant 0 : i32
      %dma_wait3A_2212 = arith.constant 0 : i32
      %dma_wait3A_2213 = tpu.memref_slice %arg6[%dma_wait3A_2199, %dma_wait3A_2211, %dma_wait3A_2212] : memref<8x128x64xf32, #tpu.memory_space<vmem>> -> memref<1x128x64xf32, #tpu.memory_space<vmem>>
      %dma_wait3A_2214 = tpu.memref_squeeze %dma_wait3A_2213 : memref<1x128x64xf32, #tpu.memory_space<vmem>> -> memref<128x64xf32, #tpu.memory_space<vmem>>
      tpu.wait_dma2 semaphore(%dma_wait3A_2208 : memref<!tpu.dma_semaphore, #tpu.memory_space<semaphore_mem>>) src(%dma_wait3A_2214 : memref<128x64xf32, #tpu.memory_space<vmem>>) dst(%dma_wait3A_2210 : memref<128x64xf32, #tpu.memory_space<hbm>>)
      %add3A_2215 = arith.constant 1 : i32
      %add3A_2216 = arith.addi %scan3A_1030, %add3A_2215 : i32
      %lt3A = arith.constant 25 : i32
      %lt3A_2217 = arith.cmpi slt, %add3A_2216, %lt3A : i32
      %convert_element_type3A = arith.extui %lt3A_2217 : i1 to i32
      %cond3A = arith.constant 0 : i32
      %cond3A_2218 = arith.cmpi ne, %convert_element_type3A, %cond3A : i32
      scf.if %cond3A_2218 {
        %add3A_2429 = arith.constant 0 : i32
        %add3A_2430 = arith.addi %mul3A_1032, %add3A_2429 : i32
        %add3A_2431 = arith.constant 8 : i32
        %add3A_2432 = arith.addi %add3A_2430, %add3A_2431 : i32
        %get3A_2433 = arith.index_cast %add3A_2432 : i32 to index
        %get3A_2434 = arith.constant 0 : index
        %get3A_2435 = tpu.vector_load %arg5[%get3A_2433, %get3A_2434] {strides = array<i32>} : memref<200x128xi32, #tpu.memory_space<vmem>>, vector<1x16xi32>,
        %get3A_2436 = vector.shape_cast %get3A_2435 : vector<1x16xi32> to vector<16xi32>
        %dma_start3A_2437 = arith.constant 0 : i32
        %dma_start3A_2438 = arith.constant 0 : i32
        %dma_start3A_2439 = arith.constant 0 : i32
        %dma_start3A_2440 = arith.constant 0 : i32
        %dma_start3A_2441 = tpu.memref_slice %arg6[%dma_start3A_2437, %dma_start3A_2439, %dma_start3A_2440] : memref<8x128x64xf32, #tpu.memory_space<vmem>> -> memref<1x16x64xf32, #tpu.memory_space<vmem>>
        %dma_start3A_2442 = tpu.memref_squeeze %dma_start3A_2441 : memref<1x16x64xf32, #tpu.memory_space<vmem>> -> memref<16x64xf32, #tpu.memory_space<vmem>>
        %dma_start3A_2443 = arith.constant 0 : i32
        %dma_start3A_2444 = arith.constant 0 : i32
        %dma_start3A_2445 = tpu.memref_slice %arg3[%dma_start3A_2443, %dma_start3A_2444] : memref<1000000x64xf32, #tpu.memory_space<hbm>> -> memref<1000000x64xf32, #tpu.memory_space<hbm>>
        %dma_start3A_2446 = tpu.memref_slice %arg7[%dma_start3A_2438] : memref<8x!tpu.dma_semaphore, #tpu.memory_space<semaphore_mem>> -> memref<1x!tpu.dma_semaphore, #tpu.memory_space<semaphore_mem>>
        %dma_start3A_2447 = tpu.memref_squeeze %dma_start3A_2446 : memref<1x!tpu.dma_semaphore, #tpu.memory_space<semaphore_mem>> -> memref<!tpu.dma_semaphore, #tpu.memory_space<semaphore_mem>>
        tpu.enqueue_indirect_dma source(%dma_start3A_2445 : memref<1000000x64xf32, #tpu.memory_space<hbm>>) target(%dma_start3A_2442 : memref<16x64xf32, #tpu.memory_space<vmem>>) offsets(%get3A_2436 : vector<16xi32>) semaphore(%dma_start3A_2447 : memref<!tpu.dma_semaphore, #tpu.memory_space<semaphore_mem>>)
        %get3A_2448 = arith.index_cast %add3A_2432 : i32 to index
        %get3A_2449 = arith.constant 16 : index
        %get3A_2450 = tpu.vector_load %arg5[%get3A_2448, %get3A_2449] {strides = array<i32>} : memref<200x128xi32, #tpu.memory_space<vmem>>, vector<1x16xi32>,
        %get3A_2451 = vector.shape_cast %get3A_2450 : vector<1x16xi32> to vector<16xi32>
        %dma_start3A_2452 = arith.constant 0 : i32
        %dma_start3A_2453 = arith.constant 0 : i32
        %dma_start3A_2454 = arith.constant 16 : i32
        %dma_start3A_2455 = arith.constant 0 : i32
        %dma_start3A_2456 = tpu.memref_slice %arg6[%dma_start3A_2452, %dma_start3A_2454, %dma_start3A_2455] : memref<8x128x64xf32, #tpu.memory_space<vmem>> -> memref<1x16x64xf32, #tpu.memory_space<vmem>>
        %dma_start3A_2457 = tpu.memref_squeeze %dma_start3A_2456 : memref<1x16x64xf32, #tpu.memory_space<vmem>> -> memref<16x64xf32, #tpu.memory_space<vmem>>
        %dma_start3A_2458 = arith.constant 0 : i32
        %dma_start3A_2459 = arith.constant 0 : i32
        %dma_start3A_2460 = tpu.memref_slice %arg3[%dma_start3A_2458, %dma_start3A_2459] : memref<1000000x64xf32, #tpu.memory_space<hbm>> -> memref<1000000x64xf32, #tpu.memory_space<hbm>>
        %dma_start3A_2461 = tpu.memref_slice %arg7[%dma_start3A_2453] : memref<8x!tpu.dma_semaphore, #tpu.memory_space<semaphore_mem>> -> memref<1x!tpu.dma_semaphore, #tpu.memory_space<semaphore_mem>>
        %dma_start3A_2462 = tpu.memref_squeeze %dma_start3A_2461 : memref<1x!tpu.dma_semaphore, #tpu.memory_space<semaphore_mem>> -> memref<!tpu.dma_semaphore, #tpu.memory_space<semaphore_mem>>
        tpu.enqueue_indirect_dma source(%dma_start3A_2460 : memref<1000000x64xf32, #tpu.memory_space<hbm>>) target(%dma_start3A_2457 : memref<16x64xf32, #tpu.memory_space<vmem>>) offsets(%get3A_2451 : vector<16xi32>) semaphore(%dma_start3A_2462 : memref<!tpu.dma_semaphore, #tpu.memory_space<semaphore_mem>>)
        %get3A_2463 = arith.index_cast %add3A_2432 : i32 to index
        %get3A_2464 = arith.constant 32 : index
        %get3A_2465 = tpu.vector_load %arg5[%get3A_2463, %get3A_2464] {strides = array<i32>} : memref<200x128xi32, #tpu.memory_space<vmem>>, vector<1x16xi32>,
        %get3A_2466 = vector.shape_cast %get3A_2465 : vector<1x16xi32> to vector<16xi32>
        %dma_start3A_2467 = arith.constant 0 : i32
        %dma_start3A_2468 = arith.constant 0 : i32
        %dma_start3A_2469 = arith.constant 32 : i32
        %dma_start3A_2470 = arith.constant 0 : i32
        %dma_start3A_2471 = tpu.memref_slice %arg6[%dma_start3A_2467, %dma_start3A_2469, %dma_start3A_2470] : memref<8x128x64xf32, #tpu.memory_space<vmem>> -> memref<1x16x64xf32, #tpu.memory_space<vmem>>
        %dma_start3A_2472 = tpu.memref_squeeze %dma_start3A_2471 : memref<1x16x64xf32, #tpu.memory_space<vmem>> -> memref<16x64xf32, #tpu.memory_space<vmem>>
        %dma_start3A_2473 = arith.constant 0 : i32
        %dma_start3A_2474 = arith.constant 0 : i32
        %dma_start3A_2475 = tpu.memref_slice %arg3[%dma_start3A_2473, %dma_start3A_2474] : memref<1000000x64xf32, #tpu.memory_space<hbm>> -> memref<1000000x64xf32, #tpu.memory_space<hbm>>
        %dma_start3A_2476 = tpu.memref_slice %arg7[%dma_start3A_2468] : memref<8x!tpu.dma_semaphore, #tpu.memory_space<semaphore_mem>> -> memref<1x!tpu.dma_semaphore, #tpu.memory_space<semaphore_mem>>
        %dma_start3A_2477 = tpu.memref_squeeze %dma_start3A_2476 : memref<1x!tpu.dma_semaphore, #tpu.memory_space<semaphore_mem>> -> memref<!tpu.dma_semaphore, #tpu.memory_space<semaphore_mem>>
        tpu.enqueue_indirect_dma source(%dma_start3A_2475 : memref<1000000x64xf32, #tpu.memory_space<hbm>>) target(%dma_start3A_2472 : memref<16x64xf32, #tpu.memory_space<vmem>>) offsets(%get3A_2466 : vector<16xi32>) semaphore(%dma_start3A_2477 : memref<!tpu.dma_semaphore, #tpu.memory_space<semaphore_mem>>)
        %get3A_2478 = arith.index_cast %add3A_2432 : i32 to index
        %get3A_2479 = arith.constant 48 : index
        %get3A_2480 = tpu.vector_load %arg5[%get3A_2478, %get3A_2479] {strides = array<i32>} : memref<200x128xi32, #tpu.memory_space<vmem>>, vector<1x16xi32>,
        %get3A_2481 = vector.shape_cast %get3A_2480 : vector<1x16xi32> to vector<16xi32>
        %dma_start3A_2482 = arith.constant 0 : i32
        %dma_start3A_2483 = arith.constant 0 : i32
        %dma_start3A_2484 = arith.constant 48 : i32
        %dma_start3A_2485 = arith.constant 0 : i32
        %dma_start3A_2486 = tpu.memref_slice %arg6[%dma_start3A_2482, %dma_start3A_2484, %dma_start3A_2485] : memref<8x128x64xf32, #tpu.memory_space<vmem>> -> memref<1x16x64xf32, #tpu.memory_space<vmem>>
        %dma_start3A_2487 = tpu.memref_squeeze %dma_start3A_2486 : memref<1x16x64xf32, #tpu.memory_space<vmem>> -> memref<16x64xf32, #tpu.memory_space<vmem>>
        %dma_start3A_2488 = arith.constant 0 : i32
        %dma_start3A_2489 = arith.constant 0 : i32
        %dma_start3A_2490 = tpu.memref_slice %arg3[%dma_start3A_2488, %dma_start3A_2489] : memref<1000000x64xf32, #tpu.memory_space<hbm>> -> memref<1000000x64xf32, #tpu.memory_space<hbm>>
        %dma_start3A_2491 = tpu.memref_slice %arg7[%dma_start3A_2483] : memref<8x!tpu.dma_semaphore, #tpu.memory_space<semaphore_mem>> -> memref<1x!tpu.dma_semaphore, #tpu.memory_space<semaphore_mem>>
        %dma_start3A_2492 = tpu.memref_squeeze %dma_start3A_2491 : memref<1x!tpu.dma_semaphore, #tpu.memory_space<semaphore_mem>> -> memref<!tpu.dma_semaphore, #tpu.memory_space<semaphore_mem>>
        tpu.enqueue_indirect_dma source(%dma_start3A_2490 : memref<1000000x64xf32, #tpu.memory_space<hbm>>) target(%dma_start3A_2487 : memref<16x64xf32, #tpu.memory_space<vmem>>) offsets(%get3A_2481 : vector<16xi32>) semaphore(%dma_start3A_2492 : memref<!tpu.dma_semaphore, #tpu.memory_space<semaphore_mem>>)
        %get3A_2493 = arith.index_cast %add3A_2432 : i32 to index
        %get3A_2494 = arith.constant 64 : index
        %get3A_2495 = tpu.vector_load %arg5[%get3A_2493, %get3A_2494] {strides = array<i32>} : memref<200x128xi32, #tpu.memory_space<vmem>>, vector<1x16xi32>,
        %get3A_2496 = vector.shape_cast %get3A_2495 : vector<1x16xi32> to vector<16xi32>
        %dma_start3A_2497 = arith.constant 0 : i32
        %dma_start3A_2498 = arith.constant 0 : i32
        %dma_start3A_2499 = arith.constant 64 : i32
        %dma_start3A_2500 = arith.constant 0 : i32
        %dma_start3A_2501 = tpu.memref_slice %arg6[%dma_start3A_2497, %dma_start3A_2499, %dma_start3A_2500] : memref<8x128x64xf32, #tpu.memory_space<vmem>> -> memref<1x16x64xf32, #tpu.memory_space<vmem>>
        %dma_start3A_2502 = tpu.memref_squeeze %dma_start3A_2501 : memref<1x16x64xf32, #tpu.memory_space<vmem>> -> memref<16x64xf32, #tpu.memory_space<vmem>>
        %dma_start3A_2503 = arith.constant 0 : i32
        %dma_start3A_2504 = arith.constant 0 : i32
        %dma_start3A_2505 = tpu.memref_slice %arg3[%dma_start3A_2503, %dma_start3A_2504] : memref<1000000x64xf32, #tpu.memory_space<hbm>> -> memref<1000000x64xf32, #tpu.memory_space<hbm>>
        %dma_start3A_2506 = tpu.memref_slice %arg7[%dma_start3A_2498] : memref<8x!tpu.dma_semaphore, #tpu.memory_space<semaphore_mem>> -> memref<1x!tpu.dma_semaphore, #tpu.memory_space<semaphore_mem>>
        %dma_start3A_2507 = tpu.memref_squeeze %dma_start3A_2506 : memref<1x!tpu.dma_semaphore, #tpu.memory_space<semaphore_mem>> -> memref<!tpu.dma_semaphore, #tpu.memory_space<semaphore_mem>>
        tpu.enqueue_indirect_dma source(%dma_start3A_2505 : memref<1000000x64xf32, #tpu.memory_space<hbm>>) target(%dma_start3A_2502 : memref<16x64xf32, #tpu.memory_space<vmem>>) offsets(%get3A_2496 : vector<16xi32>) semaphore(%dma_start3A_2507 : memref<!tpu.dma_semaphore, #tpu.memory_space<semaphore_mem>>)
        %get3A_2508 = arith.index_cast %add3A_2432 : i32 to index
        %get3A_2509 = arith.constant 80 : index
        %get3A_2510 = tpu.vector_load %arg5[%get3A_2508, %get3A_2509] {strides = array<i32>} : memref<200x128xi32, #tpu.memory_space<vmem>>, vector<1x16xi32>,
        %get3A_2511 = vector.shape_cast %get3A_2510 : vector<1x16xi32> to vector<16xi32>
        %dma_start3A_2512 = arith.constant 0 : i32
        %dma_start3A_2513 = arith.constant 0 : i32
        %dma_start3A_2514 = arith.constant 80 : i32
        %dma_start3A_2515 = arith.constant 0 : i32
        %dma_start3A_2516 = tpu.memref_slice %arg6[%dma_start3A_2512, %dma_start3A_2514, %dma_start3A_2515] : memref<8x128x64xf32, #tpu.memory_space<vmem>> -> memref<1x16x64xf32, #tpu.memory_space<vmem>>
        %dma_start3A_2517 = tpu.memref_squeeze %dma_start3A_2516 : memref<1x16x64xf32, #tpu.memory_space<vmem>> -> memref<16x64xf32, #tpu.memory_space<vmem>>
        %dma_start3A_2518 = arith.constant 0 : i32
        %dma_start3A_2519 = arith.constant 0 : i32
        %dma_start3A_2520 = tpu.memref_slice %arg3[%dma_start3A_2518, %dma_start3A_2519] : memref<1000000x64xf32, #tpu.memory_space<hbm>> -> memref<1000000x64xf32, #tpu.memory_space<hbm>>
        %dma_start3A_2521 = tpu.memref_slice %arg7[%dma_start3A_2513] : memref<8x!tpu.dma_semaphore, #tpu.memory_space<semaphore_mem>> -> memref<1x!tpu.dma_semaphore, #tpu.memory_space<semaphore_mem>>
        %dma_start3A_2522 = tpu.memref_squeeze %dma_start3A_2521 : memref<1x!tpu.dma_semaphore, #tpu.memory_space<semaphore_mem>> -> memref<!tpu.dma_semaphore, #tpu.memory_space<semaphore_mem>>
        tpu.enqueue_indirect_dma source(%dma_start3A_2520 : memref<1000000x64xf32, #tpu.memory_space<hbm>>) target(%dma_start3A_2517 : memref<16x64xf32, #tpu.memory_space<vmem>>) offsets(%get3A_2511 : vector<16xi32>) semaphore(%dma_start3A_2522 : memref<!tpu.dma_semaphore, #tpu.memory_space<semaphore_mem>>)
        %get3A_2523 = arith.index_cast %add3A_2432 : i32 to index
        %get3A_2524 = arith.constant 96 : index
        %get3A_2525 = tpu.vector_load %arg5[%get3A_2523, %get3A_2524] {strides = array<i32>} : memref<200x128xi32, #tpu.memory_space<vmem>>, vector<1x16xi32>,
        %get3A_2526 = vector.shape_cast %get3A_2525 : vector<1x16xi32> to vector<16xi32>
        %dma_start3A_2527 = arith.constant 0 : i32
        %dma_start3A_2528 = arith.constant 0 : i32
        %dma_start3A_2529 = arith.constant 96 : i32
        %dma_start3A_2530 = arith.constant 0 : i32
        %dma_start3A_2531 = tpu.memref_slice %arg6[%dma_start3A_2527, %dma_start3A_2529, %dma_start3A_2530] : memref<8x128x64xf32, #tpu.memory_space<vmem>> -> memref<1x16x64xf32, #tpu.memory_space<vmem>>
        %dma_start3A_2532 = tpu.memref_squeeze %dma_start3A_2531 : memref<1x16x64xf32, #tpu.memory_space<vmem>> -> memref<16x64xf32, #tpu.memory_space<vmem>>
        %dma_start3A_2533 = arith.constant 0 : i32
        %dma_start3A_2534 = arith.constant 0 : i32
        %dma_start3A_2535 = tpu.memref_slice %arg3[%dma_start3A_2533, %dma_start3A_2534] : memref<1000000x64xf32, #tpu.memory_space<hbm>> -> memref<1000000x64xf32, #tpu.memory_space<hbm>>
        %dma_start3A_2536 = tpu.memref_slice %arg7[%dma_start3A_2528] : memref<8x!tpu.dma_semaphore, #tpu.memory_space<semaphore_mem>> -> memref<1x!tpu.dma_semaphore, #tpu.memory_space<semaphore_mem>>
        %dma_start3A_2537 = tpu.memref_squeeze %dma_start3A_2536 : memref<1x!tpu.dma_semaphore, #tpu.memory_space<semaphore_mem>> -> memref<!tpu.dma_semaphore, #tpu.memory_space<semaphore_mem>>
        tpu.enqueue_indirect_dma source(%dma_start3A_2535 : memref<1000000x64xf32, #tpu.memory_space<hbm>>) target(%dma_start3A_2532 : memref<16x64xf32, #tpu.memory_space<vmem>>) offsets(%get3A_2526 : vector<16xi32>) semaphore(%dma_start3A_2537 : memref<!tpu.dma_semaphore, #tpu.memory_space<semaphore_mem>>)
        %get3A_2538 = arith.index_cast %add3A_2432 : i32 to index
        %get3A_2539 = arith.constant 112 : index
        %get3A_2540 = tpu.vector_load %arg5[%get3A_2538, %get3A_2539] {strides = array<i32>} : memref<200x128xi32, #tpu.memory_space<vmem>>, vector<1x16xi32>,
        %get3A_2541 = vector.shape_cast %get3A_2540 : vector<1x16xi32> to vector<16xi32>
        %dma_start3A_2542 = arith.constant 0 : i32
        %dma_start3A_2543 = arith.constant 0 : i32
        %dma_start3A_2544 = arith.constant 112 : i32
        %dma_start3A_2545 = arith.constant 0 : i32
        %dma_start3A_2546 = tpu.memref_slice %arg6[%dma_start3A_2542, %dma_start3A_2544, %dma_start3A_2545] : memref<8x128x64xf32, #tpu.memory_space<vmem>> -> memref<1x16x64xf32, #tpu.memory_space<vmem>>
        %dma_start3A_2547 = tpu.memref_squeeze %dma_start3A_2546 : memref<1x16x64xf32, #tpu.memory_space<vmem>> -> memref<16x64xf32, #tpu.memory_space<vmem>>
        %dma_start3A_2548 = arith.constant 0 : i32
        %dma_start3A_2549 = arith.constant 0 : i32
        %dma_start3A_2550 = tpu.memref_slice %arg3[%dma_start3A_2548, %dma_start3A_2549] : memref<1000000x64xf32, #tpu.memory_space<hbm>> -> memref<1000000x64xf32, #tpu.memory_space<hbm>>
        %dma_start3A_2551 = tpu.memref_slice %arg7[%dma_start3A_2543] : memref<8x!tpu.dma_semaphore, #tpu.memory_space<semaphore_mem>> -> memref<1x!tpu.dma_semaphore, #tpu.memory_space<semaphore_mem>>
        %dma_start3A_2552 = tpu.memref_squeeze %dma_start3A_2551 : memref<1x!tpu.dma_semaphore, #tpu.memory_space<semaphore_mem>> -> memref<!tpu.dma_semaphore, #tpu.memory_space<semaphore_mem>>
        tpu.enqueue_indirect_dma source(%dma_start3A_2550 : memref<1000000x64xf32, #tpu.memory_space<hbm>>) target(%dma_start3A_2547 : memref<16x64xf32, #tpu.memory_space<vmem>>) offsets(%get3A_2541 : vector<16xi32>) semaphore(%dma_start3A_2552 : memref<!tpu.dma_semaphore, #tpu.memory_space<semaphore_mem>>)
      } else {
      }
      %add3A_2219 = arith.constant 1 : i32
      %add3A_2220 = arith.addi %mul3A_1032, %add3A_2219 : i32
      %mul3A_2221 = arith.constant 25600 : i32
      %mul3A_2222 = arith.muli %add3A, %mul3A_2221 : i32
      %mul3A_2223 = arith.constant 128 : i32
      %mul3A_2224 = arith.muli %add3A_2220, %mul3A_2223 : i32
      %add3A_2225 = arith.addi %mul3A_2222, %mul3A_2224 : i32
      %dma_wait3A_2226 = arith.constant 1 : i32
      %dma_wait3A_2227 = arith.constant 1 : i32
      %dma_wait3A_2228 = arith.constant 0 : i32
      %dma_wait3A_2229 = arith.constant 0 : i32
      %dma_wait3A_2230 = tpu.memref_slice %arg6[%dma_wait3A_2226, %dma_wait3A_2228, %dma_wait3A_2229] : memref<8x128x64xf32, #tpu.memory_space<vmem>> -> memref<1x128x64xf32, #tpu.memory_space<vmem>>
      %dma_wait3A_2231 = tpu.memref_squeeze %dma_wait3A_2230 : memref<1x128x64xf32, #tpu.memory_space<vmem>> -> memref<128x64xf32, #tpu.memory_space<vmem>>
      %dma_wait3A_2232 = arith.constant 0 : i32
      %dma_wait3A_2233 = tpu.memref_slice %arg4[%add3A_2225, %dma_wait3A_2232] : memref<819200x64xf32, #tpu.memory_space<hbm>> -> memref<128x64xf32, #tpu.memory_space<hbm>>
      %dma_wait3A_2234 = tpu.memref_slice %arg8[%dma_wait3A_2227] : memref<8x!tpu.dma_semaphore, #tpu.memory_space<semaphore_mem>> -> memref<1x!tpu.dma_semaphore, #tpu.memory_space<semaphore_mem>>
      %dma_wait3A_2235 = tpu.memref_squeeze %dma_wait3A_2234 : memref<1x!tpu.dma_semaphore, #tpu.memory_space<semaphore_mem>> -> memref<!tpu.dma_semaphore, #tpu.memory_space<semaphore_mem>>
      %dma_wait3A_2236 = arith.constant 0 : i32
      %dma_wait3A_2237 = tpu.memref_slice %arg4[%add3A_2225, %dma_wait3A_2236] : memref<819200x64xf32, #tpu.memory_space<hbm>> -> memref<128x64xf32, #tpu.memory_space<hbm>>
      %dma_wait3A_2238 = arith.constant 0 : i32
      %dma_wait3A_2239 = arith.constant 0 : i32
      %dma_wait3A_2240 = tpu.memref_slice %arg6[%dma_wait3A_2226, %dma_wait3A_2238, %dma_wait3A_2239] : memref<8x128x64xf32, #tpu.memory_space<vmem>> -> memref<1x128x64xf32, #tpu.memory_space<vmem>>
      %dma_wait3A_2241 = tpu.memref_squeeze %dma_wait3A_2240 : memref<1x128x64xf32, #tpu.memory_space<vmem>> -> memref<128x64xf32, #tpu.memory_space<vmem>>
      tpu.wait_dma2 semaphore(%dma_wait3A_2235 : memref<!tpu.dma_semaphore, #tpu.memory_space<semaphore_mem>>) src(%dma_wait3A_2241 : memref<128x64xf32, #tpu.memory_space<vmem>>) dst(%dma_wait3A_2237 : memref<128x64xf32, #tpu.memory_space<hbm>>)
      %add3A_2242 = arith.constant 1 : i32
      %add3A_2243 = arith.addi %scan3A_1030, %add3A_2242 : i32
      %lt3A_2244 = arith.constant 25 : i32
      %lt3A_2245 = arith.cmpi slt, %add3A_2243, %lt3A_2244 : i32
      %convert_element_type3A_2246 = arith.extui %lt3A_2245 : i1 to i32
      %cond3A_2247 = arith.constant 0 : i32
      %cond3A_2248 = arith.cmpi ne, %convert_element_type3A_2246, %cond3A_2247 : i32
      scf.if %cond3A_2248 {
        %add3A_2429 = arith.constant 1 : i32
        %add3A_2430 = arith.addi %mul3A_1032, %add3A_2429 : i32
        %add3A_2431 = arith.constant 8 : i32
        %add3A_2432 = arith.addi %add3A_2430, %add3A_2431 : i32
        %get3A_2433 = arith.index_cast %add3A_2432 : i32 to index
        %get3A_2434 = arith.constant 0 : index
        %get3A_2435 = tpu.vector_load %arg5[%get3A_2433, %get3A_2434] {strides = array<i32>} : memref<200x128xi32, #tpu.memory_space<vmem>>, vector<1x16xi32>,
        %get3A_2436 = vector.shape_cast %get3A_2435 : vector<1x16xi32> to vector<16xi32>
        %dma_start3A_2437 = arith.constant 1 : i32
        %dma_start3A_2438 = arith.constant 1 : i32
        %dma_start3A_2439 = arith.constant 0 : i32
        %dma_start3A_2440 = arith.constant 0 : i32
        %dma_start3A_2441 = tpu.memref_slice %arg6[%dma_start3A_2437, %dma_start3A_2439, %dma_start3A_2440] : memref<8x128x64xf32, #tpu.memory_space<vmem>> -> memref<1x16x64xf32, #tpu.memory_space<vmem>>
        %dma_start3A_2442 = tpu.memref_squeeze %dma_start3A_2441 : memref<1x16x64xf32, #tpu.memory_space<vmem>> -> memref<16x64xf32, #tpu.memory_space<vmem>>
        %dma_start3A_2443 = arith.constant 0 : i32
        %dma_start3A_2444 = arith.constant 0 : i32
        %dma_start3A_2445 = tpu.memref_slice %arg3[%dma_start3A_2443, %dma_start3A_2444] : memref<1000000x64xf32, #tpu.memory_space<hbm>> -> memref<1000000x64xf32, #tpu.memory_space<hbm>>
        %dma_start3A_2446 = tpu.memref_slice %arg7[%dma_start3A_2438] : memref<8x!tpu.dma_semaphore, #tpu.memory_space<semaphore_mem>> -> memref<1x!tpu.dma_semaphore, #tpu.memory_space<semaphore_mem>>
        %dma_start3A_2447 = tpu.memref_squeeze %dma_start3A_2446 : memref<1x!tpu.dma_semaphore, #tpu.memory_space<semaphore_mem>> -> memref<!tpu.dma_semaphore, #tpu.memory_space<semaphore_mem>>
        tpu.enqueue_indirect_dma source(%dma_start3A_2445 : memref<1000000x64xf32, #tpu.memory_space<hbm>>) target(%dma_start3A_2442 : memref<16x64xf32, #tpu.memory_space<vmem>>) offsets(%get3A_2436 : vector<16xi32>) semaphore(%dma_start3A_2447 : memref<!tpu.dma_semaphore, #tpu.memory_space<semaphore_mem>>)
        %get3A_2448 = arith.index_cast %add3A_2432 : i32 to index
        %get3A_2449 = arith.constant 16 : index
        %get3A_2450 = tpu.vector_load %arg5[%get3A_2448, %get3A_2449] {strides = array<i32>} : memref<200x128xi32, #tpu.memory_space<vmem>>, vector<1x16xi32>,
        %get3A_2451 = vector.shape_cast %get3A_2450 : vector<1x16xi32> to vector<16xi32>
        %dma_start3A_2452 = arith.constant 1 : i32
        %dma_start3A_2453 = arith.constant 1 : i32
        %dma_start3A_2454 = arith.constant 16 : i32
        %dma_start3A_2455 = arith.constant 0 : i32
        %dma_start3A_2456 = tpu.memref_slice %arg6[%dma_start3A_2452, %dma_start3A_2454, %dma_start3A_2455] : memref<8x128x64xf32, #tpu.memory_space<vmem>> -> memref<1x16x64xf32, #tpu.memory_space<vmem>>
        %dma_start3A_2457 = tpu.memref_squeeze %dma_start3A_2456 : memref<1x16x64xf32, #tpu.memory_space<vmem>> -> memref<16x64xf32, #tpu.memory_space<vmem>>
        %dma_start3A_2458 = arith.constant 0 : i32
        %dma_start3A_2459 = arith.constant 0 : i32
        %dma_start3A_2460 = tpu.memref_slice %arg3[%dma_start3A_2458, %dma_start3A_2459] : memref<1000000x64xf32, #tpu.memory_space<hbm>> -> memref<1000000x64xf32, #tpu.memory_space<hbm>>
        %dma_start3A_2461 = tpu.memref_slice %arg7[%dma_start3A_2453] : memref<8x!tpu.dma_semaphore, #tpu.memory_space<semaphore_mem>> -> memref<1x!tpu.dma_semaphore, #tpu.memory_space<semaphore_mem>>
        %dma_start3A_2462 = tpu.memref_squeeze %dma_start3A_2461 : memref<1x!tpu.dma_semaphore, #tpu.memory_space<semaphore_mem>> -> memref<!tpu.dma_semaphore, #tpu.memory_space<semaphore_mem>>
        tpu.enqueue_indirect_dma source(%dma_start3A_2460 : memref<1000000x64xf32, #tpu.memory_space<hbm>>) target(%dma_start3A_2457 : memref<16x64xf32, #tpu.memory_space<vmem>>) offsets(%get3A_2451 : vector<16xi32>) semaphore(%dma_start3A_2462 : memref<!tpu.dma_semaphore, #tpu.memory_space<semaphore_mem>>)
        %get3A_2463 = arith.index_cast %add3A_2432 : i32 to index
        %get3A_2464 = arith.constant 32 : index
        %get3A_2465 = tpu.vector_load %arg5[%get3A_2463, %get3A_2464] {strides = array<i32>} : memref<200x128xi32, #tpu.memory_space<vmem>>, vector<1x16xi32>,
        %get3A_2466 = vector.shape_cast %get3A_2465 : vector<1x16xi32> to vector<16xi32>
        %dma_start3A_2467 = arith.constant 1 : i32
        %dma_start3A_2468 = arith.constant 1 : i32
        %dma_start3A_2469 = arith.constant 32 : i32
        %dma_start3A_2470 = arith.constant 0 : i32
        %dma_start3A_2471 = tpu.memref_slice %arg6[%dma_start3A_2467, %dma_start3A_2469, %dma_start3A_2470] : memref<8x128x64xf32, #tpu.memory_space<vmem>> -> memref<1x16x64xf32, #tpu.memory_space<vmem>>
        %dma_start3A_2472 = tpu.memref_squeeze %dma_start3A_2471 : memref<1x16x64xf32, #tpu.memory_space<vmem>> -> memref<16x64xf32, #tpu.memory_space<vmem>>
        %dma_start3A_2473 = arith.constant 0 : i32
        %dma_start3A_2474 = arith.constant 0 : i32
        %dma_start3A_2475 = tpu.memref_slice %arg3[%dma_start3A_2473, %dma_start3A_2474] : memref<1000000x64xf32, #tpu.memory_space<hbm>> -> memref<1000000x64xf32, #tpu.memory_space<hbm>>
        %dma_start3A_2476 = tpu.memref_slice %arg7[%dma_start3A_2468] : memref<8x!tpu.dma_semaphore, #tpu.memory_space<semaphore_mem>> -> memref<1x!tpu.dma_semaphore, #tpu.memory_space<semaphore_mem>>
        %dma_start3A_2477 = tpu.memref_squeeze %dma_start3A_2476 : memref<1x!tpu.dma_semaphore, #tpu.memory_space<semaphore_mem>> -> memref<!tpu.dma_semaphore, #tpu.memory_space<semaphore_mem>>
        tpu.enqueue_indirect_dma source(%dma_start3A_2475 : memref<1000000x64xf32, #tpu.memory_space<hbm>>) target(%dma_start3A_2472 : memref<16x64xf32, #tpu.memory_space<vmem>>) offsets(%get3A_2466 : vector<16xi32>) semaphore(%dma_start3A_2477 : memref<!tpu.dma_semaphore, #tpu.memory_space<semaphore_mem>>)
        %get3A_2478 = arith.index_cast %add3A_2432 : i32 to index
        %get3A_2479 = arith.constant 48 : index
        %get3A_2480 = tpu.vector_load %arg5[%get3A_2478, %get3A_2479] {strides = array<i32>} : memref<200x128xi32, #tpu.memory_space<vmem>>, vector<1x16xi32>,
        %get3A_2481 = vector.shape_cast %get3A_2480 : vector<1x16xi32> to vector<16xi32>
        %dma_start3A_2482 = arith.constant 1 : i32
        %dma_start3A_2483 = arith.constant 1 : i32
        %dma_start3A_2484 = arith.constant 48 : i32
        %dma_start3A_2485 = arith.constant 0 : i32
        %dma_start3A_2486 = tpu.memref_slice %arg6[%dma_start3A_2482, %dma_start3A_2484, %dma_start3A_2485] : memref<8x128x64xf32, #tpu.memory_space<vmem>> -> memref<1x16x64xf32, #tpu.memory_space<vmem>>
        %dma_start3A_2487 = tpu.memref_squeeze %dma_start3A_2486 : memref<1x16x64xf32, #tpu.memory_space<vmem>> -> memref<16x64xf32, #tpu.memory_space<vmem>>
        %dma_start3A_2488 = arith.constant 0 : i32
        %dma_start3A_2489 = arith.constant 0 : i32
        %dma_start3A_2490 = tpu.memref_slice %arg3[%dma_start3A_2488, %dma_start3A_2489] : memref<1000000x64xf32, #tpu.memory_space<hbm>> -> memref<1000000x64xf32, #tpu.memory_space<hbm>>
        %dma_start3A_2491 = tpu.memref_slice %arg7[%dma_start3A_2483] : memref<8x!tpu.dma_semaphore, #tpu.memory_space<semaphore_mem>> -> memref<1x!tpu.dma_semaphore, #tpu.memory_space<semaphore_mem>>
        %dma_start3A_2492 = tpu.memref_squeeze %dma_start3A_2491 : memref<1x!tpu.dma_semaphore, #tpu.memory_space<semaphore_mem>> -> memref<!tpu.dma_semaphore, #tpu.memory_space<semaphore_mem>>
        tpu.enqueue_indirect_dma source(%dma_start3A_2490 : memref<1000000x64xf32, #tpu.memory_space<hbm>>) target(%dma_start3A_2487 : memref<16x64xf32, #tpu.memory_space<vmem>>) offsets(%get3A_2481 : vector<16xi32>) semaphore(%dma_start3A_2492 : memref<!tpu.dma_semaphore, #tpu.memory_space<semaphore_mem>>)
        %get3A_2493 = arith.index_cast %add3A_2432 : i32 to index
        %get3A_2494 = arith.constant 64 : index
        %get3A_2495 = tpu.vector_load %arg5[%get3A_2493, %get3A_2494] {strides = array<i32>} : memref<200x128xi32, #tpu.memory_space<vmem>>, vector<1x16xi32>,
        %get3A_2496 = vector.shape_cast %get3A_2495 : vector<1x16xi32> to vector<16xi32>
        %dma_start3A_2497 = arith.constant 1 : i32
        %dma_start3A_2498 = arith.constant 1 : i32
        %dma_start3A_2499 = arith.constant 64 : i32
        %dma_start3A_2500 = arith.constant 0 : i32
        %dma_start3A_2501 = tpu.memref_slice %arg6[%dma_start3A_2497, %dma_start3A_2499, %dma_start3A_2500] : memref<8x128x64xf32, #tpu.memory_space<vmem>> -> memref<1x16x64xf32, #tpu.memory_space<vmem>>
        %dma_start3A_2502 = tpu.memref_squeeze %dma_start3A_2501 : memref<1x16x64xf32, #tpu.memory_space<vmem>> -> memref<16x64xf32, #tpu.memory_space<vmem>>
        %dma_start3A_2503 = arith.constant 0 : i32
        %dma_start3A_2504 = arith.constant 0 : i32
        %dma_start3A_2505 = tpu.memref_slice %arg3[%dma_start3A_2503, %dma_start3A_2504] : memref<1000000x64xf32, #tpu.memory_space<hbm>> -> memref<1000000x64xf32, #tpu.memory_space<hbm>>
        %dma_start3A_2506 = tpu.memref_slice %arg7[%dma_start3A_2498] : memref<8x!tpu.dma_semaphore, #tpu.memory_space<semaphore_mem>> -> memref<1x!tpu.dma_semaphore, #tpu.memory_space<semaphore_mem>>
        %dma_start3A_2507 = tpu.memref_squeeze %dma_start3A_2506 : memref<1x!tpu.dma_semaphore, #tpu.memory_space<semaphore_mem>> -> memref<!tpu.dma_semaphore, #tpu.memory_space<semaphore_mem>>
        tpu.enqueue_indirect_dma source(%dma_start3A_2505 : memref<1000000x64xf32, #tpu.memory_space<hbm>>) target(%dma_start3A_2502 : memref<16x64xf32, #tpu.memory_space<vmem>>) offsets(%get3A_2496 : vector<16xi32>) semaphore(%dma_start3A_2507 : memref<!tpu.dma_semaphore, #tpu.memory_space<semaphore_mem>>)
        %get3A_2508 = arith.index_cast %add3A_2432 : i32 to index
        %get3A_2509 = arith.constant 80 : index
        %get3A_2510 = tpu.vector_load %arg5[%get3A_2508, %get3A_2509] {strides = array<i32>} : memref<200x128xi32, #tpu.memory_space<vmem>>, vector<1x16xi32>,
        %get3A_2511 = vector.shape_cast %get3A_2510 : vector<1x16xi32> to vector<16xi32>
        %dma_start3A_2512 = arith.constant 1 : i32
        %dma_start3A_2513 = arith.constant 1 : i32
        %dma_start3A_2514 = arith.constant 80 : i32
        %dma_start3A_2515 = arith.constant 0 : i32
        %dma_start3A_2516 = tpu.memref_slice %arg6[%dma_start3A_2512, %dma_start3A_2514, %dma_start3A_2515] : memref<8x128x64xf32, #tpu.memory_space<vmem>> -> memref<1x16x64xf32, #tpu.memory_space<vmem>>
        %dma_start3A_2517 = tpu.memref_squeeze %dma_start3A_2516 : memref<1x16x64xf32, #tpu.memory_space<vmem>> -> memref<16x64xf32, #tpu.memory_space<vmem>>
        %dma_start3A_2518 = arith.constant 0 : i32
        %dma_start3A_2519 = arith.constant 0 : i32
        %dma_start3A_2520 = tpu.memref_slice %arg3[%dma_start3A_2518, %dma_start3A_2519] : memref<1000000x64xf32, #tpu.memory_space<hbm>> -> memref<1000000x64xf32, #tpu.memory_space<hbm>>
        %dma_start3A_2521 = tpu.memref_slice %arg7[%dma_start3A_2513] : memref<8x!tpu.dma_semaphore, #tpu.memory_space<semaphore_mem>> -> memref<1x!tpu.dma_semaphore, #tpu.memory_space<semaphore_mem>>
        %dma_start3A_2522 = tpu.memref_squeeze %dma_start3A_2521 : memref<1x!tpu.dma_semaphore, #tpu.memory_space<semaphore_mem>> -> memref<!tpu.dma_semaphore, #tpu.memory_space<semaphore_mem>>
        tpu.enqueue_indirect_dma source(%dma_start3A_2520 : memref<1000000x64xf32, #tpu.memory_space<hbm>>) target(%dma_start3A_2517 : memref<16x64xf32, #tpu.memory_space<vmem>>) offsets(%get3A_2511 : vector<16xi32>) semaphore(%dma_start3A_2522 : memref<!tpu.dma_semaphore, #tpu.memory_space<semaphore_mem>>)
        %get3A_2523 = arith.index_cast %add3A_2432 : i32 to index
        %get3A_2524 = arith.constant 96 : index
        %get3A_2525 = tpu.vector_load %arg5[%get3A_2523, %get3A_2524] {strides = array<i32>} : memref<200x128xi32, #tpu.memory_space<vmem>>, vector<1x16xi32>,
        %get3A_2526 = vector.shape_cast %get3A_2525 : vector<1x16xi32> to vector<16xi32>
        %dma_start3A_2527 = arith.constant 1 : i32
        %dma_start3A_2528 = arith.constant 1 : i32
        %dma_start3A_2529 = arith.constant 96 : i32
        %dma_start3A_2530 = arith.constant 0 : i32
        %dma_start3A_2531 = tpu.memref_slice %arg6[%dma_start3A_2527, %dma_start3A_2529, %dma_start3A_2530] : memref<8x128x64xf32, #tpu.memory_space<vmem>> -> memref<1x16x64xf32, #tpu.memory_space<vmem>>
        %dma_start3A_2532 = tpu.memref_squeeze %dma_start3A_2531 : memref<1x16x64xf32, #tpu.memory_space<vmem>> -> memref<16x64xf32, #tpu.memory_space<vmem>>
        %dma_start3A_2533 = arith.constant 0 : i32
        %dma_start3A_2534 = arith.constant 0 : i32
        %dma_start3A_2535 = tpu.memref_slice %arg3[%dma_start3A_2533, %dma_start3A_2534] : memref<1000000x64xf32, #tpu.memory_space<hbm>> -> memref<1000000x64xf32, #tpu.memory_space<hbm>>
        %dma_start3A_2536 = tpu.memref_slice %arg7[%dma_start3A_2528] : memref<8x!tpu.dma_semaphore, #tpu.memory_space<semaphore_mem>> -> memref<1x!tpu.dma_semaphore, #tpu.memory_space<semaphore_mem>>
        %dma_start3A_2537 = tpu.memref_squeeze %dma_start3A_2536 : memref<1x!tpu.dma_semaphore, #tpu.memory_space<semaphore_mem>> -> memref<!tpu.dma_semaphore, #tpu.memory_space<semaphore_mem>>
        tpu.enqueue_indirect_dma source(%dma_start3A_2535 : memref<1000000x64xf32, #tpu.memory_space<hbm>>) target(%dma_start3A_2532 : memref<16x64xf32, #tpu.memory_space<vmem>>) offsets(%get3A_2526 : vector<16xi32>) semaphore(%dma_start3A_2537 : memref<!tpu.dma_semaphore, #tpu.memory_space<semaphore_mem>>)
        %get3A_2538 = arith.index_cast %add3A_2432 : i32 to index
        %get3A_2539 = arith.constant 112 : index
        %get3A_2540 = tpu.vector_load %arg5[%get3A_2538, %get3A_2539] {strides = array<i32>} : memref<200x128xi32, #tpu.memory_space<vmem>>, vector<1x16xi32>,
        %get3A_2541 = vector.shape_cast %get3A_2540 : vector<1x16xi32> to vector<16xi32>
        %dma_start3A_2542 = arith.constant 1 : i32
        %dma_start3A_2543 = arith.constant 1 : i32
        %dma_start3A_2544 = arith.constant 112 : i32
        %dma_start3A_2545 = arith.constant 0 : i32
        %dma_start3A_2546 = tpu.memref_slice %arg6[%dma_start3A_2542, %dma_start3A_2544, %dma_start3A_2545] : memref<8x128x64xf32, #tpu.memory_space<vmem>> -> memref<1x16x64xf32, #tpu.memory_space<vmem>>
        %dma_start3A_2547 = tpu.memref_squeeze %dma_start3A_2546 : memref<1x16x64xf32, #tpu.memory_space<vmem>> -> memref<16x64xf32, #tpu.memory_space<vmem>>
        %dma_start3A_2548 = arith.constant 0 : i32
        %dma_start3A_2549 = arith.constant 0 : i32
        %dma_start3A_2550 = tpu.memref_slice %arg3[%dma_start3A_2548, %dma_start3A_2549] : memref<1000000x64xf32, #tpu.memory_space<hbm>> -> memref<1000000x64xf32, #tpu.memory_space<hbm>>
        %dma_start3A_2551 = tpu.memref_slice %arg7[%dma_start3A_2543] : memref<8x!tpu.dma_semaphore, #tpu.memory_space<semaphore_mem>> -> memref<1x!tpu.dma_semaphore, #tpu.memory_space<semaphore_mem>>
        %dma_start3A_2552 = tpu.memref_squeeze %dma_start3A_2551 : memref<1x!tpu.dma_semaphore, #tpu.memory_space<semaphore_mem>> -> memref<!tpu.dma_semaphore, #tpu.memory_space<semaphore_mem>>
        tpu.enqueue_indirect_dma source(%dma_start3A_2550 : memref<1000000x64xf32, #tpu.memory_space<hbm>>) target(%dma_start3A_2547 : memref<16x64xf32, #tpu.memory_space<vmem>>) offsets(%get3A_2541 : vector<16xi32>) semaphore(%dma_start3A_2552 : memref<!tpu.dma_semaphore, #tpu.memory_space<semaphore_mem>>)
      } else {
      }
      %add3A_2249 = arith.constant 2 : i32
      %add3A_2250 = arith.addi %mul3A_1032, %add3A_2249 : i32
      %mul3A_2251 = arith.constant 25600 : i32
      %mul3A_2252 = arith.muli %add3A, %mul3A_2251 : i32
      %mul3A_2253 = arith.constant 128 : i32
      %mul3A_2254 = arith.muli %add3A_2250, %mul3A_2253 : i32
      %add3A_2255 = arith.addi %mul3A_2252, %mul3A_2254 : i32
      %dma_wait3A_2256 = arith.constant 2 : i32
      %dma_wait3A_2257 = arith.constant 2 : i32
      %dma_wait3A_2258 = arith.constant 0 : i32
      %dma_wait3A_2259 = arith.constant 0 : i32
      %dma_wait3A_2260 = tpu.memref_slice %arg6[%dma_wait3A_2256, %dma_wait3A_2258, %dma_wait3A_2259] : memref<8x128x64xf32, #tpu.memory_space<vmem>> -> memref<1x128x64xf32, #tpu.memory_space<vmem>>
      %dma_wait3A_2261 = tpu.memref_squeeze %dma_wait3A_2260 : memref<1x128x64xf32, #tpu.memory_space<vmem>> -> memref<128x64xf32, #tpu.memory_space<vmem>>
      %dma_wait3A_2262 = arith.constant 0 : i32
      %dma_wait3A_2263 = tpu.memref_slice %arg4[%add3A_2255, %dma_wait3A_2262] : memref<819200x64xf32, #tpu.memory_space<hbm>> -> memref<128x64xf32, #tpu.memory_space<hbm>>
      %dma_wait3A_2264 = tpu.memref_slice %arg8[%dma_wait3A_2257] : memref<8x!tpu.dma_semaphore, #tpu.memory_space<semaphore_mem>> -> memref<1x!tpu.dma_semaphore, #tpu.memory_space<semaphore_mem>>
      %dma_wait3A_2265 = tpu.memref_squeeze %dma_wait3A_2264 : memref<1x!tpu.dma_semaphore, #tpu.memory_space<semaphore_mem>> -> memref<!tpu.dma_semaphore, #tpu.memory_space<semaphore_mem>>
      %dma_wait3A_2266 = arith.constant 0 : i32
      %dma_wait3A_2267 = tpu.memref_slice %arg4[%add3A_2255, %dma_wait3A_2266] : memref<819200x64xf32, #tpu.memory_space<hbm>> -> memref<128x64xf32, #tpu.memory_space<hbm>>
      %dma_wait3A_2268 = arith.constant 0 : i32
      %dma_wait3A_2269 = arith.constant 0 : i32
      %dma_wait3A_2270 = tpu.memref_slice %arg6[%dma_wait3A_2256, %dma_wait3A_2268, %dma_wait3A_2269] : memref<8x128x64xf32, #tpu.memory_space<vmem>> -> memref<1x128x64xf32, #tpu.memory_space<vmem>>
      %dma_wait3A_2271 = tpu.memref_squeeze %dma_wait3A_2270 : memref<1x128x64xf32, #tpu.memory_space<vmem>> -> memref<128x64xf32, #tpu.memory_space<vmem>>
      tpu.wait_dma2 semaphore(%dma_wait3A_2265 : memref<!tpu.dma_semaphore, #tpu.memory_space<semaphore_mem>>) src(%dma_wait3A_2271 : memref<128x64xf32, #tpu.memory_space<vmem>>) dst(%dma_wait3A_2267 : memref<128x64xf32, #tpu.memory_space<hbm>>)
      %add3A_2272 = arith.constant 1 : i32
      %add3A_2273 = arith.addi %scan3A_1030, %add3A_2272 : i32
      %lt3A_2274 = arith.constant 25 : i32
      %lt3A_2275 = arith.cmpi slt, %add3A_2273, %lt3A_2274 : i32
      %convert_element_type3A_2276 = arith.extui %lt3A_2275 : i1 to i32
      %cond3A_2277 = arith.constant 0 : i32
      %cond3A_2278 = arith.cmpi ne, %convert_element_type3A_2276, %cond3A_2277 : i32
      scf.if %cond3A_2278 {
        %add3A_2429 = arith.constant 2 : i32
        %add3A_2430 = arith.addi %mul3A_1032, %add3A_2429 : i32
        %add3A_2431 = arith.constant 8 : i32
        %add3A_2432 = arith.addi %add3A_2430, %add3A_2431 : i32
        %get3A_2433 = arith.index_cast %add3A_2432 : i32 to index
        %get3A_2434 = arith.constant 0 : index
        %get3A_2435 = tpu.vector_load %arg5[%get3A_2433, %get3A_2434] {strides = array<i32>} : memref<200x128xi32, #tpu.memory_space<vmem>>, vector<1x16xi32>,
        %get3A_2436 = vector.shape_cast %get3A_2435 : vector<1x16xi32> to vector<16xi32>
        %dma_start3A_2437 = arith.constant 2 : i32
        %dma_start3A_2438 = arith.constant 2 : i32
        %dma_start3A_2439 = arith.constant 0 : i32
        %dma_start3A_2440 = arith.constant 0 : i32
        %dma_start3A_2441 = tpu.memref_slice %arg6[%dma_start3A_2437, %dma_start3A_2439, %dma_start3A_2440] : memref<8x128x64xf32, #tpu.memory_space<vmem>> -> memref<1x16x64xf32, #tpu.memory_space<vmem>>
        %dma_start3A_2442 = tpu.memref_squeeze %dma_start3A_2441 : memref<1x16x64xf32, #tpu.memory_space<vmem>> -> memref<16x64xf32, #tpu.memory_space<vmem>>
        %dma_start3A_2443 = arith.constant 0 : i32
        %dma_start3A_2444 = arith.constant 0 : i32
        %dma_start3A_2445 = tpu.memref_slice %arg3[%dma_start3A_2443, %dma_start3A_2444] : memref<1000000x64xf32, #tpu.memory_space<hbm>> -> memref<1000000x64xf32, #tpu.memory_space<hbm>>
        %dma_start3A_2446 = tpu.memref_slice %arg7[%dma_start3A_2438] : memref<8x!tpu.dma_semaphore, #tpu.memory_space<semaphore_mem>> -> memref<1x!tpu.dma_semaphore, #tpu.memory_space<semaphore_mem>>
        %dma_start3A_2447 = tpu.memref_squeeze %dma_start3A_2446 : memref<1x!tpu.dma_semaphore, #tpu.memory_space<semaphore_mem>> -> memref<!tpu.dma_semaphore, #tpu.memory_space<semaphore_mem>>
        tpu.enqueue_indirect_dma source(%dma_start3A_2445 : memref<1000000x64xf32, #tpu.memory_space<hbm>>) target(%dma_start3A_2442 : memref<16x64xf32, #tpu.memory_space<vmem>>) offsets(%get3A_2436 : vector<16xi32>) semaphore(%dma_start3A_2447 : memref<!tpu.dma_semaphore, #tpu.memory_space<semaphore_mem>>)
        %get3A_2448 = arith.index_cast %add3A_2432 : i32 to index
        %get3A_2449 = arith.constant 16 : index
        %get3A_2450 = tpu.vector_load %arg5[%get3A_2448, %get3A_2449] {strides = array<i32>} : memref<200x128xi32, #tpu.memory_space<vmem>>, vector<1x16xi32>,
        %get3A_2451 = vector.shape_cast %get3A_2450 : vector<1x16xi32> to vector<16xi32>
        %dma_start3A_2452 = arith.constant 2 : i32
        %dma_start3A_2453 = arith.constant 2 : i32
        %dma_start3A_2454 = arith.constant 16 : i32
        %dma_start3A_2455 = arith.constant 0 : i32
        %dma_start3A_2456 = tpu.memref_slice %arg6[%dma_start3A_2452, %dma_start3A_2454, %dma_start3A_2455] : memref<8x128x64xf32, #tpu.memory_space<vmem>> -> memref<1x16x64xf32, #tpu.memory_space<vmem>>
        %dma_start3A_2457 = tpu.memref_squeeze %dma_start3A_2456 : memref<1x16x64xf32, #tpu.memory_space<vmem>> -> memref<16x64xf32, #tpu.memory_space<vmem>>
        %dma_start3A_2458 = arith.constant 0 : i32
        %dma_start3A_2459 = arith.constant 0 : i32
        %dma_start3A_2460 = tpu.memref_slice %arg3[%dma_start3A_2458, %dma_start3A_2459] : memref<1000000x64xf32, #tpu.memory_space<hbm>> -> memref<1000000x64xf32, #tpu.memory_space<hbm>>
        %dma_start3A_2461 = tpu.memref_slice %arg7[%dma_start3A_2453] : memref<8x!tpu.dma_semaphore, #tpu.memory_space<semaphore_mem>> -> memref<1x!tpu.dma_semaphore, #tpu.memory_space<semaphore_mem>>
        %dma_start3A_2462 = tpu.memref_squeeze %dma_start3A_2461 : memref<1x!tpu.dma_semaphore, #tpu.memory_space<semaphore_mem>> -> memref<!tpu.dma_semaphore, #tpu.memory_space<semaphore_mem>>
        tpu.enqueue_indirect_dma source(%dma_start3A_2460 : memref<1000000x64xf32, #tpu.memory_space<hbm>>) target(%dma_start3A_2457 : memref<16x64xf32, #tpu.memory_space<vmem>>) offsets(%get3A_2451 : vector<16xi32>) semaphore(%dma_start3A_2462 : memref<!tpu.dma_semaphore, #tpu.memory_space<semaphore_mem>>)
        %get3A_2463 = arith.index_cast %add3A_2432 : i32 to index
        %get3A_2464 = arith.constant 32 : index
        %get3A_2465 = tpu.vector_load %arg5[%get3A_2463, %get3A_2464] {strides = array<i32>} : memref<200x128xi32, #tpu.memory_space<vmem>>, vector<1x16xi32>,
        %get3A_2466 = vector.shape_cast %get3A_2465 : vector<1x16xi32> to vector<16xi32>
        %dma_start3A_2467 = arith.constant 2 : i32
        %dma_start3A_2468 = arith.constant 2 : i32
        %dma_start3A_2469 = arith.constant 32 : i32
        %dma_start3A_2470 = arith.constant 0 : i32
        %dma_start3A_2471 = tpu.memref_slice %arg6[%dma_start3A_2467, %dma_start3A_2469, %dma_start3A_2470] : memref<8x128x64xf32, #tpu.memory_space<vmem>> -> memref<1x16x64xf32, #tpu.memory_space<vmem>>
        %dma_start3A_2472 = tpu.memref_squeeze %dma_start3A_2471 : memref<1x16x64xf32, #tpu.memory_space<vmem>> -> memref<16x64xf32, #tpu.memory_space<vmem>>
        %dma_start3A_2473 = arith.constant 0 : i32
        %dma_start3A_2474 = arith.constant 0 : i32
        %dma_start3A_2475 = tpu.memref_slice %arg3[%dma_start3A_2473, %dma_start3A_2474] : memref<1000000x64xf32, #tpu.memory_space<hbm>> -> memref<1000000x64xf32, #tpu.memory_space<hbm>>
        %dma_start3A_2476 = tpu.memref_slice %arg7[%dma_start3A_2468] : memref<8x!tpu.dma_semaphore, #tpu.memory_space<semaphore_mem>> -> memref<1x!tpu.dma_semaphore, #tpu.memory_space<semaphore_mem>>
        %dma_start3A_2477 = tpu.memref_squeeze %dma_start3A_2476 : memref<1x!tpu.dma_semaphore, #tpu.memory_space<semaphore_mem>> -> memref<!tpu.dma_semaphore, #tpu.memory_space<semaphore_mem>>
        tpu.enqueue_indirect_dma source(%dma_start3A_2475 : memref<1000000x64xf32, #tpu.memory_space<hbm>>) target(%dma_start3A_2472 : memref<16x64xf32, #tpu.memory_space<vmem>>) offsets(%get3A_2466 : vector<16xi32>) semaphore(%dma_start3A_2477 : memref<!tpu.dma_semaphore, #tpu.memory_space<semaphore_mem>>)
        %get3A_2478 = arith.index_cast %add3A_2432 : i32 to index
        %get3A_2479 = arith.constant 48 : index
        %get3A_2480 = tpu.vector_load %arg5[%get3A_2478, %get3A_2479] {strides = array<i32>} : memref<200x128xi32, #tpu.memory_space<vmem>>, vector<1x16xi32>,
        %get3A_2481 = vector.shape_cast %get3A_2480 : vector<1x16xi32> to vector<16xi32>
        %dma_start3A_2482 = arith.constant 2 : i32
        %dma_start3A_2483 = arith.constant 2 : i32
        %dma_start3A_2484 = arith.constant 48 : i32
        %dma_start3A_2485 = arith.constant 0 : i32
        %dma_start3A_2486 = tpu.memref_slice %arg6[%dma_start3A_2482, %dma_start3A_2484, %dma_start3A_2485] : memref<8x128x64xf32, #tpu.memory_space<vmem>> -> memref<1x16x64xf32, #tpu.memory_space<vmem>>
        %dma_start3A_2487 = tpu.memref_squeeze %dma_start3A_2486 : memref<1x16x64xf32, #tpu.memory_space<vmem>> -> memref<16x64xf32, #tpu.memory_space<vmem>>
        %dma_start3A_2488 = arith.constant 0 : i32
        %dma_start3A_2489 = arith.constant 0 : i32
        %dma_start3A_2490 = tpu.memref_slice %arg3[%dma_start3A_2488, %dma_start3A_2489] : memref<1000000x64xf32, #tpu.memory_space<hbm>> -> memref<1000000x64xf32, #tpu.memory_space<hbm>>
        %dma_start3A_2491 = tpu.memref_slice %arg7[%dma_start3A_2483] : memref<8x!tpu.dma_semaphore, #tpu.memory_space<semaphore_mem>> -> memref<1x!tpu.dma_semaphore, #tpu.memory_space<semaphore_mem>>
        %dma_start3A_2492 = tpu.memref_squeeze %dma_start3A_2491 : memref<1x!tpu.dma_semaphore, #tpu.memory_space<semaphore_mem>> -> memref<!tpu.dma_semaphore, #tpu.memory_space<semaphore_mem>>
        tpu.enqueue_indirect_dma source(%dma_start3A_2490 : memref<1000000x64xf32, #tpu.memory_space<hbm>>) target(%dma_start3A_2487 : memref<16x64xf32, #tpu.memory_space<vmem>>) offsets(%get3A_2481 : vector<16xi32>) semaphore(%dma_start3A_2492 : memref<!tpu.dma_semaphore, #tpu.memory_space<semaphore_mem>>)
        %get3A_2493 = arith.index_cast %add3A_2432 : i32 to index
        %get3A_2494 = arith.constant 64 : index
        %get3A_2495 = tpu.vector_load %arg5[%get3A_2493, %get3A_2494] {strides = array<i32>} : memref<200x128xi32, #tpu.memory_space<vmem>>, vector<1x16xi32>,
        %get3A_2496 = vector.shape_cast %get3A_2495 : vector<1x16xi32> to vector<16xi32>
        %dma_start3A_2497 = arith.constant 2 : i32
        %dma_start3A_2498 = arith.constant 2 : i32
        %dma_start3A_2499 = arith.constant 64 : i32
        %dma_start3A_2500 = arith.constant 0 : i32
        %dma_start3A_2501 = tpu.memref_slice %arg6[%dma_start3A_2497, %dma_start3A_2499, %dma_start3A_2500] : memref<8x128x64xf32, #tpu.memory_space<vmem>> -> memref<1x16x64xf32, #tpu.memory_space<vmem>>
        %dma_start3A_2502 = tpu.memref_squeeze %dma_start3A_2501 : memref<1x16x64xf32, #tpu.memory_space<vmem>> -> memref<16x64xf32, #tpu.memory_space<vmem>>
        %dma_start3A_2503 = arith.constant 0 : i32
        %dma_start3A_2504 = arith.constant 0 : i32
        %dma_start3A_2505 = tpu.memref_slice %arg3[%dma_start3A_2503, %dma_start3A_2504] : memref<1000000x64xf32, #tpu.memory_space<hbm>> -> memref<1000000x64xf32, #tpu.memory_space<hbm>>
        %dma_start3A_2506 = tpu.memref_slice %arg7[%dma_start3A_2498] : memref<8x!tpu.dma_semaphore, #tpu.memory_space<semaphore_mem>> -> memref<1x!tpu.dma_semaphore, #tpu.memory_space<semaphore_mem>>
        %dma_start3A_2507 = tpu.memref_squeeze %dma_start3A_2506 : memref<1x!tpu.dma_semaphore, #tpu.memory_space<semaphore_mem>> -> memref<!tpu.dma_semaphore, #tpu.memory_space<semaphore_mem>>
        tpu.enqueue_indirect_dma source(%dma_start3A_2505 : memref<1000000x64xf32, #tpu.memory_space<hbm>>) target(%dma_start3A_2502 : memref<16x64xf32, #tpu.memory_space<vmem>>) offsets(%get3A_2496 : vector<16xi32>) semaphore(%dma_start3A_2507 : memref<!tpu.dma_semaphore, #tpu.memory_space<semaphore_mem>>)
        %get3A_2508 = arith.index_cast %add3A_2432 : i32 to index
        %get3A_2509 = arith.constant 80 : index
        %get3A_2510 = tpu.vector_load %arg5[%get3A_2508, %get3A_2509] {strides = array<i32>} : memref<200x128xi32, #tpu.memory_space<vmem>>, vector<1x16xi32>,
        %get3A_2511 = vector.shape_cast %get3A_2510 : vector<1x16xi32> to vector<16xi32>
        %dma_start3A_2512 = arith.constant 2 : i32
        %dma_start3A_2513 = arith.constant 2 : i32
        %dma_start3A_2514 = arith.constant 80 : i32
        %dma_start3A_2515 = arith.constant 0 : i32
        %dma_start3A_2516 = tpu.memref_slice %arg6[%dma_start3A_2512, %dma_start3A_2514, %dma_start3A_2515] : memref<8x128x64xf32, #tpu.memory_space<vmem>> -> memref<1x16x64xf32, #tpu.memory_space<vmem>>
        %dma_start3A_2517 = tpu.memref_squeeze %dma_start3A_2516 : memref<1x16x64xf32, #tpu.memory_space<vmem>> -> memref<16x64xf32, #tpu.memory_space<vmem>>
        %dma_start3A_2518 = arith.constant 0 : i32
        %dma_start3A_2519 = arith.constant 0 : i32
        %dma_start3A_2520 = tpu.memref_slice %arg3[%dma_start3A_2518, %dma_start3A_2519] : memref<1000000x64xf32, #tpu.memory_space<hbm>> -> memref<1000000x64xf32, #tpu.memory_space<hbm>>
        %dma_start3A_2521 = tpu.memref_slice %arg7[%dma_start3A_2513] : memref<8x!tpu.dma_semaphore, #tpu.memory_space<semaphore_mem>> -> memref<1x!tpu.dma_semaphore, #tpu.memory_space<semaphore_mem>>
        %dma_start3A_2522 = tpu.memref_squeeze %dma_start3A_2521 : memref<1x!tpu.dma_semaphore, #tpu.memory_space<semaphore_mem>> -> memref<!tpu.dma_semaphore, #tpu.memory_space<semaphore_mem>>
        tpu.enqueue_indirect_dma source(%dma_start3A_2520 : memref<1000000x64xf32, #tpu.memory_space<hbm>>) target(%dma_start3A_2517 : memref<16x64xf32, #tpu.memory_space<vmem>>) offsets(%get3A_2511 : vector<16xi32>) semaphore(%dma_start3A_2522 : memref<!tpu.dma_semaphore, #tpu.memory_space<semaphore_mem>>)
        %get3A_2523 = arith.index_cast %add3A_2432 : i32 to index
        %get3A_2524 = arith.constant 96 : index
        %get3A_2525 = tpu.vector_load %arg5[%get3A_2523, %get3A_2524] {strides = array<i32>} : memref<200x128xi32, #tpu.memory_space<vmem>>, vector<1x16xi32>,
        %get3A_2526 = vector.shape_cast %get3A_2525 : vector<1x16xi32> to vector<16xi32>
        %dma_start3A_2527 = arith.constant 2 : i32
        %dma_start3A_2528 = arith.constant 2 : i32
        %dma_start3A_2529 = arith.constant 96 : i32
        %dma_start3A_2530 = arith.constant 0 : i32
        %dma_start3A_2531 = tpu.memref_slice %arg6[%dma_start3A_2527, %dma_start3A_2529, %dma_start3A_2530] : memref<8x128x64xf32, #tpu.memory_space<vmem>> -> memref<1x16x64xf32, #tpu.memory_space<vmem>>
        %dma_start3A_2532 = tpu.memref_squeeze %dma_start3A_2531 : memref<1x16x64xf32, #tpu.memory_space<vmem>> -> memref<16x64xf32, #tpu.memory_space<vmem>>
        %dma_start3A_2533 = arith.constant 0 : i32
        %dma_start3A_2534 = arith.constant 0 : i32
        %dma_start3A_2535 = tpu.memref_slice %arg3[%dma_start3A_2533, %dma_start3A_2534] : memref<1000000x64xf32, #tpu.memory_space<hbm>> -> memref<1000000x64xf32, #tpu.memory_space<hbm>>
        %dma_start3A_2536 = tpu.memref_slice %arg7[%dma_start3A_2528] : memref<8x!tpu.dma_semaphore, #tpu.memory_space<semaphore_mem>> -> memref<1x!tpu.dma_semaphore, #tpu.memory_space<semaphore_mem>>
        %dma_start3A_2537 = tpu.memref_squeeze %dma_start3A_2536 : memref<1x!tpu.dma_semaphore, #tpu.memory_space<semaphore_mem>> -> memref<!tpu.dma_semaphore, #tpu.memory_space<semaphore_mem>>
        tpu.enqueue_indirect_dma source(%dma_start3A_2535 : memref<1000000x64xf32, #tpu.memory_space<hbm>>) target(%dma_start3A_2532 : memref<16x64xf32, #tpu.memory_space<vmem>>) offsets(%get3A_2526 : vector<16xi32>) semaphore(%dma_start3A_2537 : memref<!tpu.dma_semaphore, #tpu.memory_space<semaphore_mem>>)
        %get3A_2538 = arith.index_cast %add3A_2432 : i32 to index
        %get3A_2539 = arith.constant 112 : index
        %get3A_2540 = tpu.vector_load %arg5[%get3A_2538, %get3A_2539] {strides = array<i32>} : memref<200x128xi32, #tpu.memory_space<vmem>>, vector<1x16xi32>,
        %get3A_2541 = vector.shape_cast %get3A_2540 : vector<1x16xi32> to vector<16xi32>
        %dma_start3A_2542 = arith.constant 2 : i32
        %dma_start3A_2543 = arith.constant 2 : i32
        %dma_start3A_2544 = arith.constant 112 : i32
        %dma_start3A_2545 = arith.constant 0 : i32
        %dma_start3A_2546 = tpu.memref_slice %arg6[%dma_start3A_2542, %dma_start3A_2544, %dma_start3A_2545] : memref<8x128x64xf32, #tpu.memory_space<vmem>> -> memref<1x16x64xf32, #tpu.memory_space<vmem>>
        %dma_start3A_2547 = tpu.memref_squeeze %dma_start3A_2546 : memref<1x16x64xf32, #tpu.memory_space<vmem>> -> memref<16x64xf32, #tpu.memory_space<vmem>>
        %dma_start3A_2548 = arith.constant 0 : i32
        %dma_start3A_2549 = arith.constant 0 : i32
        %dma_start3A_2550 = tpu.memref_slice %arg3[%dma_start3A_2548, %dma_start3A_2549] : memref<1000000x64xf32, #tpu.memory_space<hbm>> -> memref<1000000x64xf32, #tpu.memory_space<hbm>>
        %dma_start3A_2551 = tpu.memref_slice %arg7[%dma_start3A_2543] : memref<8x!tpu.dma_semaphore, #tpu.memory_space<semaphore_mem>> -> memref<1x!tpu.dma_semaphore, #tpu.memory_space<semaphore_mem>>
        %dma_start3A_2552 = tpu.memref_squeeze %dma_start3A_2551 : memref<1x!tpu.dma_semaphore, #tpu.memory_space<semaphore_mem>> -> memref<!tpu.dma_semaphore, #tpu.memory_space<semaphore_mem>>
        tpu.enqueue_indirect_dma source(%dma_start3A_2550 : memref<1000000x64xf32, #tpu.memory_space<hbm>>) target(%dma_start3A_2547 : memref<16x64xf32, #tpu.memory_space<vmem>>) offsets(%get3A_2541 : vector<16xi32>) semaphore(%dma_start3A_2552 : memref<!tpu.dma_semaphore, #tpu.memory_space<semaphore_mem>>)
      } else {
      }
      %add3A_2279 = arith.constant 3 : i32
      %add3A_2280 = arith.addi %mul3A_1032, %add3A_2279 : i32
      %mul3A_2281 = arith.constant 25600 : i32
      %mul3A_2282 = arith.muli %add3A, %mul3A_2281 : i32
      %mul3A_2283 = arith.constant 128 : i32
      %mul3A_2284 = arith.muli %add3A_2280, %mul3A_2283 : i32
      %add3A_2285 = arith.addi %mul3A_2282, %mul3A_2284 : i32
      %dma_wait3A_2286 = arith.constant 3 : i32
      %dma_wait3A_2287 = arith.constant 3 : i32
      %dma_wait3A_2288 = arith.constant 0 : i32
      %dma_wait3A_2289 = arith.constant 0 : i32
      %dma_wait3A_2290 = tpu.memref_slice %arg6[%dma_wait3A_2286, %dma_wait3A_2288, %dma_wait3A_2289] : memref<8x128x64xf32, #tpu.memory_space<vmem>> -> memref<1x128x64xf32, #tpu.memory_space<vmem>>
      %dma_wait3A_2291 = tpu.memref_squeeze %dma_wait3A_2290 : memref<1x128x64xf32, #tpu.memory_space<vmem>> -> memref<128x64xf32, #tpu.memory_space<vmem>>
      %dma_wait3A_2292 = arith.constant 0 : i32
      %dma_wait3A_2293 = tpu.memref_slice %arg4[%add3A_2285, %dma_wait3A_2292] : memref<819200x64xf32, #tpu.memory_space<hbm>> -> memref<128x64xf32, #tpu.memory_space<hbm>>
      %dma_wait3A_2294 = tpu.memref_slice %arg8[%dma_wait3A_2287] : memref<8x!tpu.dma_semaphore, #tpu.memory_space<semaphore_mem>> -> memref<1x!tpu.dma_semaphore, #tpu.memory_space<semaphore_mem>>
      %dma_wait3A_2295 = tpu.memref_squeeze %dma_wait3A_2294 : memref<1x!tpu.dma_semaphore, #tpu.memory_space<semaphore_mem>> -> memref<!tpu.dma_semaphore, #tpu.memory_space<semaphore_mem>>
      %dma_wait3A_2296 = arith.constant 0 : i32
      %dma_wait3A_2297 = tpu.memref_slice %arg4[%add3A_2285, %dma_wait3A_2296] : memref<819200x64xf32, #tpu.memory_space<hbm>> -> memref<128x64xf32, #tpu.memory_space<hbm>>
      %dma_wait3A_2298 = arith.constant 0 : i32
      %dma_wait3A_2299 = arith.constant 0 : i32
      %dma_wait3A_2300 = tpu.memref_slice %arg6[%dma_wait3A_2286, %dma_wait3A_2298, %dma_wait3A_2299] : memref<8x128x64xf32, #tpu.memory_space<vmem>> -> memref<1x128x64xf32, #tpu.memory_space<vmem>>
      %dma_wait3A_2301 = tpu.memref_squeeze %dma_wait3A_2300 : memref<1x128x64xf32, #tpu.memory_space<vmem>> -> memref<128x64xf32, #tpu.memory_space<vmem>>
      tpu.wait_dma2 semaphore(%dma_wait3A_2295 : memref<!tpu.dma_semaphore, #tpu.memory_space<semaphore_mem>>) src(%dma_wait3A_2301 : memref<128x64xf32, #tpu.memory_space<vmem>>) dst(%dma_wait3A_2297 : memref<128x64xf32, #tpu.memory_space<hbm>>)
      %add3A_2302 = arith.constant 1 : i32
      %add3A_2303 = arith.addi %scan3A_1030, %add3A_2302 : i32
      %lt3A_2304 = arith.constant 25 : i32
      %lt3A_2305 = arith.cmpi slt, %add3A_2303, %lt3A_2304 : i32
      %convert_element_type3A_2306 = arith.extui %lt3A_2305 : i1 to i32
      %cond3A_2307 = arith.constant 0 : i32
      %cond3A_2308 = arith.cmpi ne, %convert_element_type3A_2306, %cond3A_2307 : i32
      scf.if %cond3A_2308 {
        %add3A_2429 = arith.constant 3 : i32
        %add3A_2430 = arith.addi %mul3A_1032, %add3A_2429 : i32
        %add3A_2431 = arith.constant 8 : i32
        %add3A_2432 = arith.addi %add3A_2430, %add3A_2431 : i32
        %get3A_2433 = arith.index_cast %add3A_2432 : i32 to index
        %get3A_2434 = arith.constant 0 : index
        %get3A_2435 = tpu.vector_load %arg5[%get3A_2433, %get3A_2434] {strides = array<i32>} : memref<200x128xi32, #tpu.memory_space<vmem>>, vector<1x16xi32>,
        %get3A_2436 = vector.shape_cast %get3A_2435 : vector<1x16xi32> to vector<16xi32>
        %dma_start3A_2437 = arith.constant 3 : i32
        %dma_start3A_2438 = arith.constant 3 : i32
        %dma_start3A_2439 = arith.constant 0 : i32
        %dma_start3A_2440 = arith.constant 0 : i32
        %dma_start3A_2441 = tpu.memref_slice %arg6[%dma_start3A_2437, %dma_start3A_2439, %dma_start3A_2440] : memref<8x128x64xf32, #tpu.memory_space<vmem>> -> memref<1x16x64xf32, #tpu.memory_space<vmem>>
        %dma_start3A_2442 = tpu.memref_squeeze %dma_start3A_2441 : memref<1x16x64xf32, #tpu.memory_space<vmem>> -> memref<16x64xf32, #tpu.memory_space<vmem>>
        %dma_start3A_2443 = arith.constant 0 : i32
        %dma_start3A_2444 = arith.constant 0 : i32
        %dma_start3A_2445 = tpu.memref_slice %arg3[%dma_start3A_2443, %dma_start3A_2444] : memref<1000000x64xf32, #tpu.memory_space<hbm>> -> memref<1000000x64xf32, #tpu.memory_space<hbm>>
        %dma_start3A_2446 = tpu.memref_slice %arg7[%dma_start3A_2438] : memref<8x!tpu.dma_semaphore, #tpu.memory_space<semaphore_mem>> -> memref<1x!tpu.dma_semaphore, #tpu.memory_space<semaphore_mem>>
        %dma_start3A_2447 = tpu.memref_squeeze %dma_start3A_2446 : memref<1x!tpu.dma_semaphore, #tpu.memory_space<semaphore_mem>> -> memref<!tpu.dma_semaphore, #tpu.memory_space<semaphore_mem>>
        tpu.enqueue_indirect_dma source(%dma_start3A_2445 : memref<1000000x64xf32, #tpu.memory_space<hbm>>) target(%dma_start3A_2442 : memref<16x64xf32, #tpu.memory_space<vmem>>) offsets(%get3A_2436 : vector<16xi32>) semaphore(%dma_start3A_2447 : memref<!tpu.dma_semaphore, #tpu.memory_space<semaphore_mem>>)
        %get3A_2448 = arith.index_cast %add3A_2432 : i32 to index
        %get3A_2449 = arith.constant 16 : index
        %get3A_2450 = tpu.vector_load %arg5[%get3A_2448, %get3A_2449] {strides = array<i32>} : memref<200x128xi32, #tpu.memory_space<vmem>>, vector<1x16xi32>,
        %get3A_2451 = vector.shape_cast %get3A_2450 : vector<1x16xi32> to vector<16xi32>
        %dma_start3A_2452 = arith.constant 3 : i32
        %dma_start3A_2453 = arith.constant 3 : i32
        %dma_start3A_2454 = arith.constant 16 : i32
        %dma_start3A_2455 = arith.constant 0 : i32
        %dma_start3A_2456 = tpu.memref_slice %arg6[%dma_start3A_2452, %dma_start3A_2454, %dma_start3A_2455] : memref<8x128x64xf32, #tpu.memory_space<vmem>> -> memref<1x16x64xf32, #tpu.memory_space<vmem>>
        %dma_start3A_2457 = tpu.memref_squeeze %dma_start3A_2456 : memref<1x16x64xf32, #tpu.memory_space<vmem>> -> memref<16x64xf32, #tpu.memory_space<vmem>>
        %dma_start3A_2458 = arith.constant 0 : i32
        %dma_start3A_2459 = arith.constant 0 : i32
        %dma_start3A_2460 = tpu.memref_slice %arg3[%dma_start3A_2458, %dma_start3A_2459] : memref<1000000x64xf32, #tpu.memory_space<hbm>> -> memref<1000000x64xf32, #tpu.memory_space<hbm>>
        %dma_start3A_2461 = tpu.memref_slice %arg7[%dma_start3A_2453] : memref<8x!tpu.dma_semaphore, #tpu.memory_space<semaphore_mem>> -> memref<1x!tpu.dma_semaphore, #tpu.memory_space<semaphore_mem>>
        %dma_start3A_2462 = tpu.memref_squeeze %dma_start3A_2461 : memref<1x!tpu.dma_semaphore, #tpu.memory_space<semaphore_mem>> -> memref<!tpu.dma_semaphore, #tpu.memory_space<semaphore_mem>>
        tpu.enqueue_indirect_dma source(%dma_start3A_2460 : memref<1000000x64xf32, #tpu.memory_space<hbm>>) target(%dma_start3A_2457 : memref<16x64xf32, #tpu.memory_space<vmem>>) offsets(%get3A_2451 : vector<16xi32>) semaphore(%dma_start3A_2462 : memref<!tpu.dma_semaphore, #tpu.memory_space<semaphore_mem>>)
        %get3A_2463 = arith.index_cast %add3A_2432 : i32 to index
        %get3A_2464 = arith.constant 32 : index
        %get3A_2465 = tpu.vector_load %arg5[%get3A_2463, %get3A_2464] {strides = array<i32>} : memref<200x128xi32, #tpu.memory_space<vmem>>, vector<1x16xi32>,
        %get3A_2466 = vector.shape_cast %get3A_2465 : vector<1x16xi32> to vector<16xi32>
        %dma_start3A_2467 = arith.constant 3 : i32
        %dma_start3A_2468 = arith.constant 3 : i32
        %dma_start3A_2469 = arith.constant 32 : i32
        %dma_start3A_2470 = arith.constant 0 : i32
        %dma_start3A_2471 = tpu.memref_slice %arg6[%dma_start3A_2467, %dma_start3A_2469, %dma_start3A_2470] : memref<8x128x64xf32, #tpu.memory_space<vmem>> -> memref<1x16x64xf32, #tpu.memory_space<vmem>>
        %dma_start3A_2472 = tpu.memref_squeeze %dma_start3A_2471 : memref<1x16x64xf32, #tpu.memory_space<vmem>> -> memref<16x64xf32, #tpu.memory_space<vmem>>
        %dma_start3A_2473 = arith.constant 0 : i32
        %dma_start3A_2474 = arith.constant 0 : i32
        %dma_start3A_2475 = tpu.memref_slice %arg3[%dma_start3A_2473, %dma_start3A_2474] : memref<1000000x64xf32, #tpu.memory_space<hbm>> -> memref<1000000x64xf32, #tpu.memory_space<hbm>>
        %dma_start3A_2476 = tpu.memref_slice %arg7[%dma_start3A_2468] : memref<8x!tpu.dma_semaphore, #tpu.memory_space<semaphore_mem>> -> memref<1x!tpu.dma_semaphore, #tpu.memory_space<semaphore_mem>>
        %dma_start3A_2477 = tpu.memref_squeeze %dma_start3A_2476 : memref<1x!tpu.dma_semaphore, #tpu.memory_space<semaphore_mem>> -> memref<!tpu.dma_semaphore, #tpu.memory_space<semaphore_mem>>
        tpu.enqueue_indirect_dma source(%dma_start3A_2475 : memref<1000000x64xf32, #tpu.memory_space<hbm>>) target(%dma_start3A_2472 : memref<16x64xf32, #tpu.memory_space<vmem>>) offsets(%get3A_2466 : vector<16xi32>) semaphore(%dma_start3A_2477 : memref<!tpu.dma_semaphore, #tpu.memory_space<semaphore_mem>>)
        %get3A_2478 = arith.index_cast %add3A_2432 : i32 to index
        %get3A_2479 = arith.constant 48 : index
        %get3A_2480 = tpu.vector_load %arg5[%get3A_2478, %get3A_2479] {strides = array<i32>} : memref<200x128xi32, #tpu.memory_space<vmem>>, vector<1x16xi32>,
        %get3A_2481 = vector.shape_cast %get3A_2480 : vector<1x16xi32> to vector<16xi32>
        %dma_start3A_2482 = arith.constant 3 : i32
        %dma_start3A_2483 = arith.constant 3 : i32
        %dma_start3A_2484 = arith.constant 48 : i32
        %dma_start3A_2485 = arith.constant 0 : i32
        %dma_start3A_2486 = tpu.memref_slice %arg6[%dma_start3A_2482, %dma_start3A_2484, %dma_start3A_2485] : memref<8x128x64xf32, #tpu.memory_space<vmem>> -> memref<1x16x64xf32, #tpu.memory_space<vmem>>
        %dma_start3A_2487 = tpu.memref_squeeze %dma_start3A_2486 : memref<1x16x64xf32, #tpu.memory_space<vmem>> -> memref<16x64xf32, #tpu.memory_space<vmem>>
        %dma_start3A_2488 = arith.constant 0 : i32
        %dma_start3A_2489 = arith.constant 0 : i32
        %dma_start3A_2490 = tpu.memref_slice %arg3[%dma_start3A_2488, %dma_start3A_2489] : memref<1000000x64xf32, #tpu.memory_space<hbm>> -> memref<1000000x64xf32, #tpu.memory_space<hbm>>
        %dma_start3A_2491 = tpu.memref_slice %arg7[%dma_start3A_2483] : memref<8x!tpu.dma_semaphore, #tpu.memory_space<semaphore_mem>> -> memref<1x!tpu.dma_semaphore, #tpu.memory_space<semaphore_mem>>
        %dma_start3A_2492 = tpu.memref_squeeze %dma_start3A_2491 : memref<1x!tpu.dma_semaphore, #tpu.memory_space<semaphore_mem>> -> memref<!tpu.dma_semaphore, #tpu.memory_space<semaphore_mem>>
        tpu.enqueue_indirect_dma source(%dma_start3A_2490 : memref<1000000x64xf32, #tpu.memory_space<hbm>>) target(%dma_start3A_2487 : memref<16x64xf32, #tpu.memory_space<vmem>>) offsets(%get3A_2481 : vector<16xi32>) semaphore(%dma_start3A_2492 : memref<!tpu.dma_semaphore, #tpu.memory_space<semaphore_mem>>)
        %get3A_2493 = arith.index_cast %add3A_2432 : i32 to index
        %get3A_2494 = arith.constant 64 : index
        %get3A_2495 = tpu.vector_load %arg5[%get3A_2493, %get3A_2494] {strides = array<i32>} : memref<200x128xi32, #tpu.memory_space<vmem>>, vector<1x16xi32>,
        %get3A_2496 = vector.shape_cast %get3A_2495 : vector<1x16xi32> to vector<16xi32>
        %dma_start3A_2497 = arith.constant 3 : i32
        %dma_start3A_2498 = arith.constant 3 : i32
        %dma_start3A_2499 = arith.constant 64 : i32
        %dma_start3A_2500 = arith.constant 0 : i32
        %dma_start3A_2501 = tpu.memref_slice %arg6[%dma_start3A_2497, %dma_start3A_2499, %dma_start3A_2500] : memref<8x128x64xf32, #tpu.memory_space<vmem>> -> memref<1x16x64xf32, #tpu.memory_space<vmem>>
        %dma_start3A_2502 = tpu.memref_squeeze %dma_start3A_2501 : memref<1x16x64xf32, #tpu.memory_space<vmem>> -> memref<16x64xf32, #tpu.memory_space<vmem>>
        %dma_start3A_2503 = arith.constant 0 : i32
        %dma_start3A_2504 = arith.constant 0 : i32
        %dma_start3A_2505 = tpu.memref_slice %arg3[%dma_start3A_2503, %dma_start3A_2504] : memref<1000000x64xf32, #tpu.memory_space<hbm>> -> memref<1000000x64xf32, #tpu.memory_space<hbm>>
        %dma_start3A_2506 = tpu.memref_slice %arg7[%dma_start3A_2498] : memref<8x!tpu.dma_semaphore, #tpu.memory_space<semaphore_mem>> -> memref<1x!tpu.dma_semaphore, #tpu.memory_space<semaphore_mem>>
        %dma_start3A_2507 = tpu.memref_squeeze %dma_start3A_2506 : memref<1x!tpu.dma_semaphore, #tpu.memory_space<semaphore_mem>> -> memref<!tpu.dma_semaphore, #tpu.memory_space<semaphore_mem>>
        tpu.enqueue_indirect_dma source(%dma_start3A_2505 : memref<1000000x64xf32, #tpu.memory_space<hbm>>) target(%dma_start3A_2502 : memref<16x64xf32, #tpu.memory_space<vmem>>) offsets(%get3A_2496 : vector<16xi32>) semaphore(%dma_start3A_2507 : memref<!tpu.dma_semaphore, #tpu.memory_space<semaphore_mem>>)
        %get3A_2508 = arith.index_cast %add3A_2432 : i32 to index
        %get3A_2509 = arith.constant 80 : index
        %get3A_2510 = tpu.vector_load %arg5[%get3A_2508, %get3A_2509] {strides = array<i32>} : memref<200x128xi32, #tpu.memory_space<vmem>>, vector<1x16xi32>,
        %get3A_2511 = vector.shape_cast %get3A_2510 : vector<1x16xi32> to vector<16xi32>
        %dma_start3A_2512 = arith.constant 3 : i32
        %dma_start3A_2513 = arith.constant 3 : i32
        %dma_start3A_2514 = arith.constant 80 : i32
        %dma_start3A_2515 = arith.constant 0 : i32
        %dma_start3A_2516 = tpu.memref_slice %arg6[%dma_start3A_2512, %dma_start3A_2514, %dma_start3A_2515] : memref<8x128x64xf32, #tpu.memory_space<vmem>> -> memref<1x16x64xf32, #tpu.memory_space<vmem>>
        %dma_start3A_2517 = tpu.memref_squeeze %dma_start3A_2516 : memref<1x16x64xf32, #tpu.memory_space<vmem>> -> memref<16x64xf32, #tpu.memory_space<vmem>>
        %dma_start3A_2518 = arith.constant 0 : i32
        %dma_start3A_2519 = arith.constant 0 : i32
        %dma_start3A_2520 = tpu.memref_slice %arg3[%dma_start3A_2518, %dma_start3A_2519] : memref<1000000x64xf32, #tpu.memory_space<hbm>> -> memref<1000000x64xf32, #tpu.memory_space<hbm>>
        %dma_start3A_2521 = tpu.memref_slice %arg7[%dma_start3A_2513] : memref<8x!tpu.dma_semaphore, #tpu.memory_space<semaphore_mem>> -> memref<1x!tpu.dma_semaphore, #tpu.memory_space<semaphore_mem>>
        %dma_start3A_2522 = tpu.memref_squeeze %dma_start3A_2521 : memref<1x!tpu.dma_semaphore, #tpu.memory_space<semaphore_mem>> -> memref<!tpu.dma_semaphore, #tpu.memory_space<semaphore_mem>>
        tpu.enqueue_indirect_dma source(%dma_start3A_2520 : memref<1000000x64xf32, #tpu.memory_space<hbm>>) target(%dma_start3A_2517 : memref<16x64xf32, #tpu.memory_space<vmem>>) offsets(%get3A_2511 : vector<16xi32>) semaphore(%dma_start3A_2522 : memref<!tpu.dma_semaphore, #tpu.memory_space<semaphore_mem>>)
        %get3A_2523 = arith.index_cast %add3A_2432 : i32 to index
        %get3A_2524 = arith.constant 96 : index
        %get3A_2525 = tpu.vector_load %arg5[%get3A_2523, %get3A_2524] {strides = array<i32>} : memref<200x128xi32, #tpu.memory_space<vmem>>, vector<1x16xi32>,
        %get3A_2526 = vector.shape_cast %get3A_2525 : vector<1x16xi32> to vector<16xi32>
        %dma_start3A_2527 = arith.constant 3 : i32
        %dma_start3A_2528 = arith.constant 3 : i32
        %dma_start3A_2529 = arith.constant 96 : i32
        %dma_start3A_2530 = arith.constant 0 : i32
        %dma_start3A_2531 = tpu.memref_slice %arg6[%dma_start3A_2527, %dma_start3A_2529, %dma_start3A_2530] : memref<8x128x64xf32, #tpu.memory_space<vmem>> -> memref<1x16x64xf32, #tpu.memory_space<vmem>>
        %dma_start3A_2532 = tpu.memref_squeeze %dma_start3A_2531 : memref<1x16x64xf32, #tpu.memory_space<vmem>> -> memref<16x64xf32, #tpu.memory_space<vmem>>
        %dma_start3A_2533 = arith.constant 0 : i32
        %dma_start3A_2534 = arith.constant 0 : i32
        %dma_start3A_2535 = tpu.memref_slice %arg3[%dma_start3A_2533, %dma_start3A_2534] : memref<1000000x64xf32, #tpu.memory_space<hbm>> -> memref<1000000x64xf32, #tpu.memory_space<hbm>>
        %dma_start3A_2536 = tpu.memref_slice %arg7[%dma_start3A_2528] : memref<8x!tpu.dma_semaphore, #tpu.memory_space<semaphore_mem>> -> memref<1x!tpu.dma_semaphore, #tpu.memory_space<semaphore_mem>>
        %dma_start3A_2537 = tpu.memref_squeeze %dma_start3A_2536 : memref<1x!tpu.dma_semaphore, #tpu.memory_space<semaphore_mem>> -> memref<!tpu.dma_semaphore, #tpu.memory_space<semaphore_mem>>
        tpu.enqueue_indirect_dma source(%dma_start3A_2535 : memref<1000000x64xf32, #tpu.memory_space<hbm>>) target(%dma_start3A_2532 : memref<16x64xf32, #tpu.memory_space<vmem>>) offsets(%get3A_2526 : vector<16xi32>) semaphore(%dma_start3A_2537 : memref<!tpu.dma_semaphore, #tpu.memory_space<semaphore_mem>>)
        %get3A_2538 = arith.index_cast %add3A_2432 : i32 to index
        %get3A_2539 = arith.constant 112 : index
        %get3A_2540 = tpu.vector_load %arg5[%get3A_2538, %get3A_2539] {strides = array<i32>} : memref<200x128xi32, #tpu.memory_space<vmem>>, vector<1x16xi32>,
        %get3A_2541 = vector.shape_cast %get3A_2540 : vector<1x16xi32> to vector<16xi32>
        %dma_start3A_2542 = arith.constant 3 : i32
        %dma_start3A_2543 = arith.constant 3 : i32
        %dma_start3A_2544 = arith.constant 112 : i32
        %dma_start3A_2545 = arith.constant 0 : i32
        %dma_start3A_2546 = tpu.memref_slice %arg6[%dma_start3A_2542, %dma_start3A_2544, %dma_start3A_2545] : memref<8x128x64xf32, #tpu.memory_space<vmem>> -> memref<1x16x64xf32, #tpu.memory_space<vmem>>
        %dma_start3A_2547 = tpu.memref_squeeze %dma_start3A_2546 : memref<1x16x64xf32, #tpu.memory_space<vmem>> -> memref<16x64xf32, #tpu.memory_space<vmem>>
        %dma_start3A_2548 = arith.constant 0 : i32
        %dma_start3A_2549 = arith.constant 0 : i32
        %dma_start3A_2550 = tpu.memref_slice %arg3[%dma_start3A_2548, %dma_start3A_2549] : memref<1000000x64xf32, #tpu.memory_space<hbm>> -> memref<1000000x64xf32, #tpu.memory_space<hbm>>
        %dma_start3A_2551 = tpu.memref_slice %arg7[%dma_start3A_2543] : memref<8x!tpu.dma_semaphore, #tpu.memory_space<semaphore_mem>> -> memref<1x!tpu.dma_semaphore, #tpu.memory_space<semaphore_mem>>
        %dma_start3A_2552 = tpu.memref_squeeze %dma_start3A_2551 : memref<1x!tpu.dma_semaphore, #tpu.memory_space<semaphore_mem>> -> memref<!tpu.dma_semaphore, #tpu.memory_space<semaphore_mem>>
        tpu.enqueue_indirect_dma source(%dma_start3A_2550 : memref<1000000x64xf32, #tpu.memory_space<hbm>>) target(%dma_start3A_2547 : memref<16x64xf32, #tpu.memory_space<vmem>>) offsets(%get3A_2541 : vector<16xi32>) semaphore(%dma_start3A_2552 : memref<!tpu.dma_semaphore, #tpu.memory_space<semaphore_mem>>)
      } else {
      }
      %add3A_2309 = arith.constant 4 : i32
      %add3A_2310 = arith.addi %mul3A_1032, %add3A_2309 : i32
      %mul3A_2311 = arith.constant 25600 : i32
      %mul3A_2312 = arith.muli %add3A, %mul3A_2311 : i32
      %mul3A_2313 = arith.constant 128 : i32
      %mul3A_2314 = arith.muli %add3A_2310, %mul3A_2313 : i32
      %add3A_2315 = arith.addi %mul3A_2312, %mul3A_2314 : i32
      %dma_wait3A_2316 = arith.constant 4 : i32
      %dma_wait3A_2317 = arith.constant 4 : i32
      %dma_wait3A_2318 = arith.constant 0 : i32
      %dma_wait3A_2319 = arith.constant 0 : i32
      %dma_wait3A_2320 = tpu.memref_slice %arg6[%dma_wait3A_2316, %dma_wait3A_2318, %dma_wait3A_2319] : memref<8x128x64xf32, #tpu.memory_space<vmem>> -> memref<1x128x64xf32, #tpu.memory_space<vmem>>
      %dma_wait3A_2321 = tpu.memref_squeeze %dma_wait3A_2320 : memref<1x128x64xf32, #tpu.memory_space<vmem>> -> memref<128x64xf32, #tpu.memory_space<vmem>>
      %dma_wait3A_2322 = arith.constant 0 : i32
      %dma_wait3A_2323 = tpu.memref_slice %arg4[%add3A_2315, %dma_wait3A_2322] : memref<819200x64xf32, #tpu.memory_space<hbm>> -> memref<128x64xf32, #tpu.memory_space<hbm>>
      %dma_wait3A_2324 = tpu.memref_slice %arg8[%dma_wait3A_2317] : memref<8x!tpu.dma_semaphore, #tpu.memory_space<semaphore_mem>> -> memref<1x!tpu.dma_semaphore, #tpu.memory_space<semaphore_mem>>
      %dma_wait3A_2325 = tpu.memref_squeeze %dma_wait3A_2324 : memref<1x!tpu.dma_semaphore, #tpu.memory_space<semaphore_mem>> -> memref<!tpu.dma_semaphore, #tpu.memory_space<semaphore_mem>>
      %dma_wait3A_2326 = arith.constant 0 : i32
      %dma_wait3A_2327 = tpu.memref_slice %arg4[%add3A_2315, %dma_wait3A_2326] : memref<819200x64xf32, #tpu.memory_space<hbm>> -> memref<128x64xf32, #tpu.memory_space<hbm>>
      %dma_wait3A_2328 = arith.constant 0 : i32
      %dma_wait3A_2329 = arith.constant 0 : i32
      %dma_wait3A_2330 = tpu.memref_slice %arg6[%dma_wait3A_2316, %dma_wait3A_2328, %dma_wait3A_2329] : memref<8x128x64xf32, #tpu.memory_space<vmem>> -> memref<1x128x64xf32, #tpu.memory_space<vmem>>
      %dma_wait3A_2331 = tpu.memref_squeeze %dma_wait3A_2330 : memref<1x128x64xf32, #tpu.memory_space<vmem>> -> memref<128x64xf32, #tpu.memory_space<vmem>>
      tpu.wait_dma2 semaphore(%dma_wait3A_2325 : memref<!tpu.dma_semaphore, #tpu.memory_space<semaphore_mem>>) src(%dma_wait3A_2331 : memref<128x64xf32, #tpu.memory_space<vmem>>) dst(%dma_wait3A_2327 : memref<128x64xf32, #tpu.memory_space<hbm>>)
      %add3A_2332 = arith.constant 1 : i32
      %add3A_2333 = arith.addi %scan3A_1030, %add3A_2332 : i32
      %lt3A_2334 = arith.constant 25 : i32
      %lt3A_2335 = arith.cmpi slt, %add3A_2333, %lt3A_2334 : i32
      %convert_element_type3A_2336 = arith.extui %lt3A_2335 : i1 to i32
      %cond3A_2337 = arith.constant 0 : i32
      %cond3A_2338 = arith.cmpi ne, %convert_element_type3A_2336, %cond3A_2337 : i32
      scf.if %cond3A_2338 {
        %add3A_2429 = arith.constant 4 : i32
        %add3A_2430 = arith.addi %mul3A_1032, %add3A_2429 : i32
        %add3A_2431 = arith.constant 8 : i32
        %add3A_2432 = arith.addi %add3A_2430, %add3A_2431 : i32
        %get3A_2433 = arith.index_cast %add3A_2432 : i32 to index
        %get3A_2434 = arith.constant 0 : index
        %get3A_2435 = tpu.vector_load %arg5[%get3A_2433, %get3A_2434] {strides = array<i32>} : memref<200x128xi32, #tpu.memory_space<vmem>>, vector<1x16xi32>,
        %get3A_2436 = vector.shape_cast %get3A_2435 : vector<1x16xi32> to vector<16xi32>
        %dma_start3A_2437 = arith.constant 4 : i32
        %dma_start3A_2438 = arith.constant 4 : i32
        %dma_start3A_2439 = arith.constant 0 : i32
        %dma_start3A_2440 = arith.constant 0 : i32
        %dma_start3A_2441 = tpu.memref_slice %arg6[%dma_start3A_2437, %dma_start3A_2439, %dma_start3A_2440] : memref<8x128x64xf32, #tpu.memory_space<vmem>> -> memref<1x16x64xf32, #tpu.memory_space<vmem>>
        %dma_start3A_2442 = tpu.memref_squeeze %dma_start3A_2441 : memref<1x16x64xf32, #tpu.memory_space<vmem>> -> memref<16x64xf32, #tpu.memory_space<vmem>>
        %dma_start3A_2443 = arith.constant 0 : i32
        %dma_start3A_2444 = arith.constant 0 : i32
        %dma_start3A_2445 = tpu.memref_slice %arg3[%dma_start3A_2443, %dma_start3A_2444] : memref<1000000x64xf32, #tpu.memory_space<hbm>> -> memref<1000000x64xf32, #tpu.memory_space<hbm>>
        %dma_start3A_2446 = tpu.memref_slice %arg7[%dma_start3A_2438] : memref<8x!tpu.dma_semaphore, #tpu.memory_space<semaphore_mem>> -> memref<1x!tpu.dma_semaphore, #tpu.memory_space<semaphore_mem>>
        %dma_start3A_2447 = tpu.memref_squeeze %dma_start3A_2446 : memref<1x!tpu.dma_semaphore, #tpu.memory_space<semaphore_mem>> -> memref<!tpu.dma_semaphore, #tpu.memory_space<semaphore_mem>>
        tpu.enqueue_indirect_dma source(%dma_start3A_2445 : memref<1000000x64xf32, #tpu.memory_space<hbm>>) target(%dma_start3A_2442 : memref<16x64xf32, #tpu.memory_space<vmem>>) offsets(%get3A_2436 : vector<16xi32>) semaphore(%dma_start3A_2447 : memref<!tpu.dma_semaphore, #tpu.memory_space<semaphore_mem>>)
        %get3A_2448 = arith.index_cast %add3A_2432 : i32 to index
        %get3A_2449 = arith.constant 16 : index
        %get3A_2450 = tpu.vector_load %arg5[%get3A_2448, %get3A_2449] {strides = array<i32>} : memref<200x128xi32, #tpu.memory_space<vmem>>, vector<1x16xi32>,
        %get3A_2451 = vector.shape_cast %get3A_2450 : vector<1x16xi32> to vector<16xi32>
        %dma_start3A_2452 = arith.constant 4 : i32
        %dma_start3A_2453 = arith.constant 4 : i32
        %dma_start3A_2454 = arith.constant 16 : i32
        %dma_start3A_2455 = arith.constant 0 : i32
        %dma_start3A_2456 = tpu.memref_slice %arg6[%dma_start3A_2452, %dma_start3A_2454, %dma_start3A_2455] : memref<8x128x64xf32, #tpu.memory_space<vmem>> -> memref<1x16x64xf32, #tpu.memory_space<vmem>>
        %dma_start3A_2457 = tpu.memref_squeeze %dma_start3A_2456 : memref<1x16x64xf32, #tpu.memory_space<vmem>> -> memref<16x64xf32, #tpu.memory_space<vmem>>
        %dma_start3A_2458 = arith.constant 0 : i32
        %dma_start3A_2459 = arith.constant 0 : i32
        %dma_start3A_2460 = tpu.memref_slice %arg3[%dma_start3A_2458, %dma_start3A_2459] : memref<1000000x64xf32, #tpu.memory_space<hbm>> -> memref<1000000x64xf32, #tpu.memory_space<hbm>>
        %dma_start3A_2461 = tpu.memref_slice %arg7[%dma_start3A_2453] : memref<8x!tpu.dma_semaphore, #tpu.memory_space<semaphore_mem>> -> memref<1x!tpu.dma_semaphore, #tpu.memory_space<semaphore_mem>>
        %dma_start3A_2462 = tpu.memref_squeeze %dma_start3A_2461 : memref<1x!tpu.dma_semaphore, #tpu.memory_space<semaphore_mem>> -> memref<!tpu.dma_semaphore, #tpu.memory_space<semaphore_mem>>
        tpu.enqueue_indirect_dma source(%dma_start3A_2460 : memref<1000000x64xf32, #tpu.memory_space<hbm>>) target(%dma_start3A_2457 : memref<16x64xf32, #tpu.memory_space<vmem>>) offsets(%get3A_2451 : vector<16xi32>) semaphore(%dma_start3A_2462 : memref<!tpu.dma_semaphore, #tpu.memory_space<semaphore_mem>>)
        %get3A_2463 = arith.index_cast %add3A_2432 : i32 to index
        %get3A_2464 = arith.constant 32 : index
        %get3A_2465 = tpu.vector_load %arg5[%get3A_2463, %get3A_2464] {strides = array<i32>} : memref<200x128xi32, #tpu.memory_space<vmem>>, vector<1x16xi32>,
        %get3A_2466 = vector.shape_cast %get3A_2465 : vector<1x16xi32> to vector<16xi32>
        %dma_start3A_2467 = arith.constant 4 : i32
        %dma_start3A_2468 = arith.constant 4 : i32
        %dma_start3A_2469 = arith.constant 32 : i32
        %dma_start3A_2470 = arith.constant 0 : i32
        %dma_start3A_2471 = tpu.memref_slice %arg6[%dma_start3A_2467, %dma_start3A_2469, %dma_start3A_2470] : memref<8x128x64xf32, #tpu.memory_space<vmem>> -> memref<1x16x64xf32, #tpu.memory_space<vmem>>
        %dma_start3A_2472 = tpu.memref_squeeze %dma_start3A_2471 : memref<1x16x64xf32, #tpu.memory_space<vmem>> -> memref<16x64xf32, #tpu.memory_space<vmem>>
        %dma_start3A_2473 = arith.constant 0 : i32
        %dma_start3A_2474 = arith.constant 0 : i32
        %dma_start3A_2475 = tpu.memref_slice %arg3[%dma_start3A_2473, %dma_start3A_2474] : memref<1000000x64xf32, #tpu.memory_space<hbm>> -> memref<1000000x64xf32, #tpu.memory_space<hbm>>
        %dma_start3A_2476 = tpu.memref_slice %arg7[%dma_start3A_2468] : memref<8x!tpu.dma_semaphore, #tpu.memory_space<semaphore_mem>> -> memref<1x!tpu.dma_semaphore, #tpu.memory_space<semaphore_mem>>
        %dma_start3A_2477 = tpu.memref_squeeze %dma_start3A_2476 : memref<1x!tpu.dma_semaphore, #tpu.memory_space<semaphore_mem>> -> memref<!tpu.dma_semaphore, #tpu.memory_space<semaphore_mem>>
        tpu.enqueue_indirect_dma source(%dma_start3A_2475 : memref<1000000x64xf32, #tpu.memory_space<hbm>>) target(%dma_start3A_2472 : memref<16x64xf32, #tpu.memory_space<vmem>>) offsets(%get3A_2466 : vector<16xi32>) semaphore(%dma_start3A_2477 : memref<!tpu.dma_semaphore, #tpu.memory_space<semaphore_mem>>)
        %get3A_2478 = arith.index_cast %add3A_2432 : i32 to index
        %get3A_2479 = arith.constant 48 : index
        %get3A_2480 = tpu.vector_load %arg5[%get3A_2478, %get3A_2479] {strides = array<i32>} : memref<200x128xi32, #tpu.memory_space<vmem>>, vector<1x16xi32>,
        %get3A_2481 = vector.shape_cast %get3A_2480 : vector<1x16xi32> to vector<16xi32>
        %dma_start3A_2482 = arith.constant 4 : i32
        %dma_start3A_2483 = arith.constant 4 : i32
        %dma_start3A_2484 = arith.constant 48 : i32
        %dma_start3A_2485 = arith.constant 0 : i32
        %dma_start3A_2486 = tpu.memref_slice %arg6[%dma_start3A_2482, %dma_start3A_2484, %dma_start3A_2485] : memref<8x128x64xf32, #tpu.memory_space<vmem>> -> memref<1x16x64xf32, #tpu.memory_space<vmem>>
        %dma_start3A_2487 = tpu.memref_squeeze %dma_start3A_2486 : memref<1x16x64xf32, #tpu.memory_space<vmem>> -> memref<16x64xf32, #tpu.memory_space<vmem>>
        %dma_start3A_2488 = arith.constant 0 : i32
        %dma_start3A_2489 = arith.constant 0 : i32
        %dma_start3A_2490 = tpu.memref_slice %arg3[%dma_start3A_2488, %dma_start3A_2489] : memref<1000000x64xf32, #tpu.memory_space<hbm>> -> memref<1000000x64xf32, #tpu.memory_space<hbm>>
        %dma_start3A_2491 = tpu.memref_slice %arg7[%dma_start3A_2483] : memref<8x!tpu.dma_semaphore, #tpu.memory_space<semaphore_mem>> -> memref<1x!tpu.dma_semaphore, #tpu.memory_space<semaphore_mem>>
        %dma_start3A_2492 = tpu.memref_squeeze %dma_start3A_2491 : memref<1x!tpu.dma_semaphore, #tpu.memory_space<semaphore_mem>> -> memref<!tpu.dma_semaphore, #tpu.memory_space<semaphore_mem>>
        tpu.enqueue_indirect_dma source(%dma_start3A_2490 : memref<1000000x64xf32, #tpu.memory_space<hbm>>) target(%dma_start3A_2487 : memref<16x64xf32, #tpu.memory_space<vmem>>) offsets(%get3A_2481 : vector<16xi32>) semaphore(%dma_start3A_2492 : memref<!tpu.dma_semaphore, #tpu.memory_space<semaphore_mem>>)
        %get3A_2493 = arith.index_cast %add3A_2432 : i32 to index
        %get3A_2494 = arith.constant 64 : index
        %get3A_2495 = tpu.vector_load %arg5[%get3A_2493, %get3A_2494] {strides = array<i32>} : memref<200x128xi32, #tpu.memory_space<vmem>>, vector<1x16xi32>,
        %get3A_2496 = vector.shape_cast %get3A_2495 : vector<1x16xi32> to vector<16xi32>
        %dma_start3A_2497 = arith.constant 4 : i32
        %dma_start3A_2498 = arith.constant 4 : i32
        %dma_start3A_2499 = arith.constant 64 : i32
        %dma_start3A_2500 = arith.constant 0 : i32
        %dma_start3A_2501 = tpu.memref_slice %arg6[%dma_start3A_2497, %dma_start3A_2499, %dma_start3A_2500] : memref<8x128x64xf32, #tpu.memory_space<vmem>> -> memref<1x16x64xf32, #tpu.memory_space<vmem>>
        %dma_start3A_2502 = tpu.memref_squeeze %dma_start3A_2501 : memref<1x16x64xf32, #tpu.memory_space<vmem>> -> memref<16x64xf32, #tpu.memory_space<vmem>>
        %dma_start3A_2503 = arith.constant 0 : i32
        %dma_start3A_2504 = arith.constant 0 : i32
        %dma_start3A_2505 = tpu.memref_slice %arg3[%dma_start3A_2503, %dma_start3A_2504] : memref<1000000x64xf32, #tpu.memory_space<hbm>> -> memref<1000000x64xf32, #tpu.memory_space<hbm>>
        %dma_start3A_2506 = tpu.memref_slice %arg7[%dma_start3A_2498] : memref<8x!tpu.dma_semaphore, #tpu.memory_space<semaphore_mem>> -> memref<1x!tpu.dma_semaphore, #tpu.memory_space<semaphore_mem>>
        %dma_start3A_2507 = tpu.memref_squeeze %dma_start3A_2506 : memref<1x!tpu.dma_semaphore, #tpu.memory_space<semaphore_mem>> -> memref<!tpu.dma_semaphore, #tpu.memory_space<semaphore_mem>>
        tpu.enqueue_indirect_dma source(%dma_start3A_2505 : memref<1000000x64xf32, #tpu.memory_space<hbm>>) target(%dma_start3A_2502 : memref<16x64xf32, #tpu.memory_space<vmem>>) offsets(%get3A_2496 : vector<16xi32>) semaphore(%dma_start3A_2507 : memref<!tpu.dma_semaphore, #tpu.memory_space<semaphore_mem>>)
        %get3A_2508 = arith.index_cast %add3A_2432 : i32 to index
        %get3A_2509 = arith.constant 80 : index
        %get3A_2510 = tpu.vector_load %arg5[%get3A_2508, %get3A_2509] {strides = array<i32>} : memref<200x128xi32, #tpu.memory_space<vmem>>, vector<1x16xi32>,
        %get3A_2511 = vector.shape_cast %get3A_2510 : vector<1x16xi32> to vector<16xi32>
        %dma_start3A_2512 = arith.constant 4 : i32
        %dma_start3A_2513 = arith.constant 4 : i32
        %dma_start3A_2514 = arith.constant 80 : i32
        %dma_start3A_2515 = arith.constant 0 : i32
        %dma_start3A_2516 = tpu.memref_slice %arg6[%dma_start3A_2512, %dma_start3A_2514, %dma_start3A_2515] : memref<8x128x64xf32, #tpu.memory_space<vmem>> -> memref<1x16x64xf32, #tpu.memory_space<vmem>>
        %dma_start3A_2517 = tpu.memref_squeeze %dma_start3A_2516 : memref<1x16x64xf32, #tpu.memory_space<vmem>> -> memref<16x64xf32, #tpu.memory_space<vmem>>
        %dma_start3A_2518 = arith.constant 0 : i32
        %dma_start3A_2519 = arith.constant 0 : i32
        %dma_start3A_2520 = tpu.memref_slice %arg3[%dma_start3A_2518, %dma_start3A_2519] : memref<1000000x64xf32, #tpu.memory_space<hbm>> -> memref<1000000x64xf32, #tpu.memory_space<hbm>>
        %dma_start3A_2521 = tpu.memref_slice %arg7[%dma_start3A_2513] : memref<8x!tpu.dma_semaphore, #tpu.memory_space<semaphore_mem>> -> memref<1x!tpu.dma_semaphore, #tpu.memory_space<semaphore_mem>>
        %dma_start3A_2522 = tpu.memref_squeeze %dma_start3A_2521 : memref<1x!tpu.dma_semaphore, #tpu.memory_space<semaphore_mem>> -> memref<!tpu.dma_semaphore, #tpu.memory_space<semaphore_mem>>
        tpu.enqueue_indirect_dma source(%dma_start3A_2520 : memref<1000000x64xf32, #tpu.memory_space<hbm>>) target(%dma_start3A_2517 : memref<16x64xf32, #tpu.memory_space<vmem>>) offsets(%get3A_2511 : vector<16xi32>) semaphore(%dma_start3A_2522 : memref<!tpu.dma_semaphore, #tpu.memory_space<semaphore_mem>>)
        %get3A_2523 = arith.index_cast %add3A_2432 : i32 to index
        %get3A_2524 = arith.constant 96 : index
        %get3A_2525 = tpu.vector_load %arg5[%get3A_2523, %get3A_2524] {strides = array<i32>} : memref<200x128xi32, #tpu.memory_space<vmem>>, vector<1x16xi32>,
        %get3A_2526 = vector.shape_cast %get3A_2525 : vector<1x16xi32> to vector<16xi32>
        %dma_start3A_2527 = arith.constant 4 : i32
        %dma_start3A_2528 = arith.constant 4 : i32
        %dma_start3A_2529 = arith.constant 96 : i32
        %dma_start3A_2530 = arith.constant 0 : i32
        %dma_start3A_2531 = tpu.memref_slice %arg6[%dma_start3A_2527, %dma_start3A_2529, %dma_start3A_2530] : memref<8x128x64xf32, #tpu.memory_space<vmem>> -> memref<1x16x64xf32, #tpu.memory_space<vmem>>
        %dma_start3A_2532 = tpu.memref_squeeze %dma_start3A_2531 : memref<1x16x64xf32, #tpu.memory_space<vmem>> -> memref<16x64xf32, #tpu.memory_space<vmem>>
        %dma_start3A_2533 = arith.constant 0 : i32
        %dma_start3A_2534 = arith.constant 0 : i32
        %dma_start3A_2535 = tpu.memref_slice %arg3[%dma_start3A_2533, %dma_start3A_2534] : memref<1000000x64xf32, #tpu.memory_space<hbm>> -> memref<1000000x64xf32, #tpu.memory_space<hbm>>
        %dma_start3A_2536 = tpu.memref_slice %arg7[%dma_start3A_2528] : memref<8x!tpu.dma_semaphore, #tpu.memory_space<semaphore_mem>> -> memref<1x!tpu.dma_semaphore, #tpu.memory_space<semaphore_mem>>
        %dma_start3A_2537 = tpu.memref_squeeze %dma_start3A_2536 : memref<1x!tpu.dma_semaphore, #tpu.memory_space<semaphore_mem>> -> memref<!tpu.dma_semaphore, #tpu.memory_space<semaphore_mem>>
        tpu.enqueue_indirect_dma source(%dma_start3A_2535 : memref<1000000x64xf32, #tpu.memory_space<hbm>>) target(%dma_start3A_2532 : memref<16x64xf32, #tpu.memory_space<vmem>>) offsets(%get3A_2526 : vector<16xi32>) semaphore(%dma_start3A_2537 : memref<!tpu.dma_semaphore, #tpu.memory_space<semaphore_mem>>)
        %get3A_2538 = arith.index_cast %add3A_2432 : i32 to index
        %get3A_2539 = arith.constant 112 : index
        %get3A_2540 = tpu.vector_load %arg5[%get3A_2538, %get3A_2539] {strides = array<i32>} : memref<200x128xi32, #tpu.memory_space<vmem>>, vector<1x16xi32>,
        %get3A_2541 = vector.shape_cast %get3A_2540 : vector<1x16xi32> to vector<16xi32>
        %dma_start3A_2542 = arith.constant 4 : i32
        %dma_start3A_2543 = arith.constant 4 : i32
        %dma_start3A_2544 = arith.constant 112 : i32
        %dma_start3A_2545 = arith.constant 0 : i32
        %dma_start3A_2546 = tpu.memref_slice %arg6[%dma_start3A_2542, %dma_start3A_2544, %dma_start3A_2545] : memref<8x128x64xf32, #tpu.memory_space<vmem>> -> memref<1x16x64xf32, #tpu.memory_space<vmem>>
        %dma_start3A_2547 = tpu.memref_squeeze %dma_start3A_2546 : memref<1x16x64xf32, #tpu.memory_space<vmem>> -> memref<16x64xf32, #tpu.memory_space<vmem>>
        %dma_start3A_2548 = arith.constant 0 : i32
        %dma_start3A_2549 = arith.constant 0 : i32
        %dma_start3A_2550 = tpu.memref_slice %arg3[%dma_start3A_2548, %dma_start3A_2549] : memref<1000000x64xf32, #tpu.memory_space<hbm>> -> memref<1000000x64xf32, #tpu.memory_space<hbm>>
        %dma_start3A_2551 = tpu.memref_slice %arg7[%dma_start3A_2543] : memref<8x!tpu.dma_semaphore, #tpu.memory_space<semaphore_mem>> -> memref<1x!tpu.dma_semaphore, #tpu.memory_space<semaphore_mem>>
        %dma_start3A_2552 = tpu.memref_squeeze %dma_start3A_2551 : memref<1x!tpu.dma_semaphore, #tpu.memory_space<semaphore_mem>> -> memref<!tpu.dma_semaphore, #tpu.memory_space<semaphore_mem>>
        tpu.enqueue_indirect_dma source(%dma_start3A_2550 : memref<1000000x64xf32, #tpu.memory_space<hbm>>) target(%dma_start3A_2547 : memref<16x64xf32, #tpu.memory_space<vmem>>) offsets(%get3A_2541 : vector<16xi32>) semaphore(%dma_start3A_2552 : memref<!tpu.dma_semaphore, #tpu.memory_space<semaphore_mem>>)
      } else {
      }
      %add3A_2339 = arith.constant 5 : i32
      %add3A_2340 = arith.addi %mul3A_1032, %add3A_2339 : i32
      %mul3A_2341 = arith.constant 25600 : i32
      %mul3A_2342 = arith.muli %add3A, %mul3A_2341 : i32
      %mul3A_2343 = arith.constant 128 : i32
      %mul3A_2344 = arith.muli %add3A_2340, %mul3A_2343 : i32
      %add3A_2345 = arith.addi %mul3A_2342, %mul3A_2344 : i32
      %dma_wait3A_2346 = arith.constant 5 : i32
      %dma_wait3A_2347 = arith.constant 5 : i32
      %dma_wait3A_2348 = arith.constant 0 : i32
      %dma_wait3A_2349 = arith.constant 0 : i32
      %dma_wait3A_2350 = tpu.memref_slice %arg6[%dma_wait3A_2346, %dma_wait3A_2348, %dma_wait3A_2349] : memref<8x128x64xf32, #tpu.memory_space<vmem>> -> memref<1x128x64xf32, #tpu.memory_space<vmem>>
      %dma_wait3A_2351 = tpu.memref_squeeze %dma_wait3A_2350 : memref<1x128x64xf32, #tpu.memory_space<vmem>> -> memref<128x64xf32, #tpu.memory_space<vmem>>
      %dma_wait3A_2352 = arith.constant 0 : i32
      %dma_wait3A_2353 = tpu.memref_slice %arg4[%add3A_2345, %dma_wait3A_2352] : memref<819200x64xf32, #tpu.memory_space<hbm>> -> memref<128x64xf32, #tpu.memory_space<hbm>>
      %dma_wait3A_2354 = tpu.memref_slice %arg8[%dma_wait3A_2347] : memref<8x!tpu.dma_semaphore, #tpu.memory_space<semaphore_mem>> -> memref<1x!tpu.dma_semaphore, #tpu.memory_space<semaphore_mem>>
      %dma_wait3A_2355 = tpu.memref_squeeze %dma_wait3A_2354 : memref<1x!tpu.dma_semaphore, #tpu.memory_space<semaphore_mem>> -> memref<!tpu.dma_semaphore, #tpu.memory_space<semaphore_mem>>
      %dma_wait3A_2356 = arith.constant 0 : i32
      %dma_wait3A_2357 = tpu.memref_slice %arg4[%add3A_2345, %dma_wait3A_2356] : memref<819200x64xf32, #tpu.memory_space<hbm>> -> memref<128x64xf32, #tpu.memory_space<hbm>>
      %dma_wait3A_2358 = arith.constant 0 : i32
      %dma_wait3A_2359 = arith.constant 0 : i32
      %dma_wait3A_2360 = tpu.memref_slice %arg6[%dma_wait3A_2346, %dma_wait3A_2358, %dma_wait3A_2359] : memref<8x128x64xf32, #tpu.memory_space<vmem>> -> memref<1x128x64xf32, #tpu.memory_space<vmem>>
      %dma_wait3A_2361 = tpu.memref_squeeze %dma_wait3A_2360 : memref<1x128x64xf32, #tpu.memory_space<vmem>> -> memref<128x64xf32, #tpu.memory_space<vmem>>
      tpu.wait_dma2 semaphore(%dma_wait3A_2355 : memref<!tpu.dma_semaphore, #tpu.memory_space<semaphore_mem>>) src(%dma_wait3A_2361 : memref<128x64xf32, #tpu.memory_space<vmem>>) dst(%dma_wait3A_2357 : memref<128x64xf32, #tpu.memory_space<hbm>>)
      %add3A_2362 = arith.constant 1 : i32
      %add3A_2363 = arith.addi %scan3A_1030, %add3A_2362 : i32
      %lt3A_2364 = arith.constant 25 : i32
      %lt3A_2365 = arith.cmpi slt, %add3A_2363, %lt3A_2364 : i32
      %convert_element_type3A_2366 = arith.extui %lt3A_2365 : i1 to i32
      %cond3A_2367 = arith.constant 0 : i32
      %cond3A_2368 = arith.cmpi ne, %convert_element_type3A_2366, %cond3A_2367 : i32
      scf.if %cond3A_2368 {
        %add3A_2429 = arith.constant 5 : i32
        %add3A_2430 = arith.addi %mul3A_1032, %add3A_2429 : i32
        %add3A_2431 = arith.constant 8 : i32
        %add3A_2432 = arith.addi %add3A_2430, %add3A_2431 : i32
        %get3A_2433 = arith.index_cast %add3A_2432 : i32 to index
        %get3A_2434 = arith.constant 0 : index
        %get3A_2435 = tpu.vector_load %arg5[%get3A_2433, %get3A_2434] {strides = array<i32>} : memref<200x128xi32, #tpu.memory_space<vmem>>, vector<1x16xi32>,
        %get3A_2436 = vector.shape_cast %get3A_2435 : vector<1x16xi32> to vector<16xi32>
        %dma_start3A_2437 = arith.constant 5 : i32
        %dma_start3A_2438 = arith.constant 5 : i32
        %dma_start3A_2439 = arith.constant 0 : i32
        %dma_start3A_2440 = arith.constant 0 : i32
        %dma_start3A_2441 = tpu.memref_slice %arg6[%dma_start3A_2437, %dma_start3A_2439, %dma_start3A_2440] : memref<8x128x64xf32, #tpu.memory_space<vmem>> -> memref<1x16x64xf32, #tpu.memory_space<vmem>>
        %dma_start3A_2442 = tpu.memref_squeeze %dma_start3A_2441 : memref<1x16x64xf32, #tpu.memory_space<vmem>> -> memref<16x64xf32, #tpu.memory_space<vmem>>
        %dma_start3A_2443 = arith.constant 0 : i32
        %dma_start3A_2444 = arith.constant 0 : i32
        %dma_start3A_2445 = tpu.memref_slice %arg3[%dma_start3A_2443, %dma_start3A_2444] : memref<1000000x64xf32, #tpu.memory_space<hbm>> -> memref<1000000x64xf32, #tpu.memory_space<hbm>>
        %dma_start3A_2446 = tpu.memref_slice %arg7[%dma_start3A_2438] : memref<8x!tpu.dma_semaphore, #tpu.memory_space<semaphore_mem>> -> memref<1x!tpu.dma_semaphore, #tpu.memory_space<semaphore_mem>>
        %dma_start3A_2447 = tpu.memref_squeeze %dma_start3A_2446 : memref<1x!tpu.dma_semaphore, #tpu.memory_space<semaphore_mem>> -> memref<!tpu.dma_semaphore, #tpu.memory_space<semaphore_mem>>
        tpu.enqueue_indirect_dma source(%dma_start3A_2445 : memref<1000000x64xf32, #tpu.memory_space<hbm>>) target(%dma_start3A_2442 : memref<16x64xf32, #tpu.memory_space<vmem>>) offsets(%get3A_2436 : vector<16xi32>) semaphore(%dma_start3A_2447 : memref<!tpu.dma_semaphore, #tpu.memory_space<semaphore_mem>>)
        %get3A_2448 = arith.index_cast %add3A_2432 : i32 to index
        %get3A_2449 = arith.constant 16 : index
        %get3A_2450 = tpu.vector_load %arg5[%get3A_2448, %get3A_2449] {strides = array<i32>} : memref<200x128xi32, #tpu.memory_space<vmem>>, vector<1x16xi32>,
        %get3A_2451 = vector.shape_cast %get3A_2450 : vector<1x16xi32> to vector<16xi32>
        %dma_start3A_2452 = arith.constant 5 : i32
        %dma_start3A_2453 = arith.constant 5 : i32
        %dma_start3A_2454 = arith.constant 16 : i32
        %dma_start3A_2455 = arith.constant 0 : i32
        %dma_start3A_2456 = tpu.memref_slice %arg6[%dma_start3A_2452, %dma_start3A_2454, %dma_start3A_2455] : memref<8x128x64xf32, #tpu.memory_space<vmem>> -> memref<1x16x64xf32, #tpu.memory_space<vmem>>
        %dma_start3A_2457 = tpu.memref_squeeze %dma_start3A_2456 : memref<1x16x64xf32, #tpu.memory_space<vmem>> -> memref<16x64xf32, #tpu.memory_space<vmem>>
        %dma_start3A_2458 = arith.constant 0 : i32
        %dma_start3A_2459 = arith.constant 0 : i32
        %dma_start3A_2460 = tpu.memref_slice %arg3[%dma_start3A_2458, %dma_start3A_2459] : memref<1000000x64xf32, #tpu.memory_space<hbm>> -> memref<1000000x64xf32, #tpu.memory_space<hbm>>
        %dma_start3A_2461 = tpu.memref_slice %arg7[%dma_start3A_2453] : memref<8x!tpu.dma_semaphore, #tpu.memory_space<semaphore_mem>> -> memref<1x!tpu.dma_semaphore, #tpu.memory_space<semaphore_mem>>
        %dma_start3A_2462 = tpu.memref_squeeze %dma_start3A_2461 : memref<1x!tpu.dma_semaphore, #tpu.memory_space<semaphore_mem>> -> memref<!tpu.dma_semaphore, #tpu.memory_space<semaphore_mem>>
        tpu.enqueue_indirect_dma source(%dma_start3A_2460 : memref<1000000x64xf32, #tpu.memory_space<hbm>>) target(%dma_start3A_2457 : memref<16x64xf32, #tpu.memory_space<vmem>>) offsets(%get3A_2451 : vector<16xi32>) semaphore(%dma_start3A_2462 : memref<!tpu.dma_semaphore, #tpu.memory_space<semaphore_mem>>)
        %get3A_2463 = arith.index_cast %add3A_2432 : i32 to index
        %get3A_2464 = arith.constant 32 : index
        %get3A_2465 = tpu.vector_load %arg5[%get3A_2463, %get3A_2464] {strides = array<i32>} : memref<200x128xi32, #tpu.memory_space<vmem>>, vector<1x16xi32>,
        %get3A_2466 = vector.shape_cast %get3A_2465 : vector<1x16xi32> to vector<16xi32>
        %dma_start3A_2467 = arith.constant 5 : i32
        %dma_start3A_2468 = arith.constant 5 : i32
        %dma_start3A_2469 = arith.constant 32 : i32
        %dma_start3A_2470 = arith.constant 0 : i32
        %dma_start3A_2471 = tpu.memref_slice %arg6[%dma_start3A_2467, %dma_start3A_2469, %dma_start3A_2470] : memref<8x128x64xf32, #tpu.memory_space<vmem>> -> memref<1x16x64xf32, #tpu.memory_space<vmem>>
        %dma_start3A_2472 = tpu.memref_squeeze %dma_start3A_2471 : memref<1x16x64xf32, #tpu.memory_space<vmem>> -> memref<16x64xf32, #tpu.memory_space<vmem>>
        %dma_start3A_2473 = arith.constant 0 : i32
        %dma_start3A_2474 = arith.constant 0 : i32
        %dma_start3A_2475 = tpu.memref_slice %arg3[%dma_start3A_2473, %dma_start3A_2474] : memref<1000000x64xf32, #tpu.memory_space<hbm>> -> memref<1000000x64xf32, #tpu.memory_space<hbm>>
        %dma_start3A_2476 = tpu.memref_slice %arg7[%dma_start3A_2468] : memref<8x!tpu.dma_semaphore, #tpu.memory_space<semaphore_mem>> -> memref<1x!tpu.dma_semaphore, #tpu.memory_space<semaphore_mem>>
        %dma_start3A_2477 = tpu.memref_squeeze %dma_start3A_2476 : memref<1x!tpu.dma_semaphore, #tpu.memory_space<semaphore_mem>> -> memref<!tpu.dma_semaphore, #tpu.memory_space<semaphore_mem>>
        tpu.enqueue_indirect_dma source(%dma_start3A_2475 : memref<1000000x64xf32, #tpu.memory_space<hbm>>) target(%dma_start3A_2472 : memref<16x64xf32, #tpu.memory_space<vmem>>) offsets(%get3A_2466 : vector<16xi32>) semaphore(%dma_start3A_2477 : memref<!tpu.dma_semaphore, #tpu.memory_space<semaphore_mem>>)
        %get3A_2478 = arith.index_cast %add3A_2432 : i32 to index
        %get3A_2479 = arith.constant 48 : index
        %get3A_2480 = tpu.vector_load %arg5[%get3A_2478, %get3A_2479] {strides = array<i32>} : memref<200x128xi32, #tpu.memory_space<vmem>>, vector<1x16xi32>,
        %get3A_2481 = vector.shape_cast %get3A_2480 : vector<1x16xi32> to vector<16xi32>
        %dma_start3A_2482 = arith.constant 5 : i32
        %dma_start3A_2483 = arith.constant 5 : i32
        %dma_start3A_2484 = arith.constant 48 : i32
        %dma_start3A_2485 = arith.constant 0 : i32
        %dma_start3A_2486 = tpu.memref_slice %arg6[%dma_start3A_2482, %dma_start3A_2484, %dma_start3A_2485] : memref<8x128x64xf32, #tpu.memory_space<vmem>> -> memref<1x16x64xf32, #tpu.memory_space<vmem>>
        %dma_start3A_2487 = tpu.memref_squeeze %dma_start3A_2486 : memref<1x16x64xf32, #tpu.memory_space<vmem>> -> memref<16x64xf32, #tpu.memory_space<vmem>>
        %dma_start3A_2488 = arith.constant 0 : i32
        %dma_start3A_2489 = arith.constant 0 : i32
        %dma_start3A_2490 = tpu.memref_slice %arg3[%dma_start3A_2488, %dma_start3A_2489] : memref<1000000x64xf32, #tpu.memory_space<hbm>> -> memref<1000000x64xf32, #tpu.memory_space<hbm>>
        %dma_start3A_2491 = tpu.memref_slice %arg7[%dma_start3A_2483] : memref<8x!tpu.dma_semaphore, #tpu.memory_space<semaphore_mem>> -> memref<1x!tpu.dma_semaphore, #tpu.memory_space<semaphore_mem>>
        %dma_start3A_2492 = tpu.memref_squeeze %dma_start3A_2491 : memref<1x!tpu.dma_semaphore, #tpu.memory_space<semaphore_mem>> -> memref<!tpu.dma_semaphore, #tpu.memory_space<semaphore_mem>>
        tpu.enqueue_indirect_dma source(%dma_start3A_2490 : memref<1000000x64xf32, #tpu.memory_space<hbm>>) target(%dma_start3A_2487 : memref<16x64xf32, #tpu.memory_space<vmem>>) offsets(%get3A_2481 : vector<16xi32>) semaphore(%dma_start3A_2492 : memref<!tpu.dma_semaphore, #tpu.memory_space<semaphore_mem>>)
        %get3A_2493 = arith.index_cast %add3A_2432 : i32 to index
        %get3A_2494 = arith.constant 64 : index
        %get3A_2495 = tpu.vector_load %arg5[%get3A_2493, %get3A_2494] {strides = array<i32>} : memref<200x128xi32, #tpu.memory_space<vmem>>, vector<1x16xi32>,
        %get3A_2496 = vector.shape_cast %get3A_2495 : vector<1x16xi32> to vector<16xi32>
        %dma_start3A_2497 = arith.constant 5 : i32
        %dma_start3A_2498 = arith.constant 5 : i32
        %dma_start3A_2499 = arith.constant 64 : i32
        %dma_start3A_2500 = arith.constant 0 : i32
        %dma_start3A_2501 = tpu.memref_slice %arg6[%dma_start3A_2497, %dma_start3A_2499, %dma_start3A_2500] : memref<8x128x64xf32, #tpu.memory_space<vmem>> -> memref<1x16x64xf32, #tpu.memory_space<vmem>>
        %dma_start3A_2502 = tpu.memref_squeeze %dma_start3A_2501 : memref<1x16x64xf32, #tpu.memory_space<vmem>> -> memref<16x64xf32, #tpu.memory_space<vmem>>
        %dma_start3A_2503 = arith.constant 0 : i32
        %dma_start3A_2504 = arith.constant 0 : i32
        %dma_start3A_2505 = tpu.memref_slice %arg3[%dma_start3A_2503, %dma_start3A_2504] : memref<1000000x64xf32, #tpu.memory_space<hbm>> -> memref<1000000x64xf32, #tpu.memory_space<hbm>>
        %dma_start3A_2506 = tpu.memref_slice %arg7[%dma_start3A_2498] : memref<8x!tpu.dma_semaphore, #tpu.memory_space<semaphore_mem>> -> memref<1x!tpu.dma_semaphore, #tpu.memory_space<semaphore_mem>>
        %dma_start3A_2507 = tpu.memref_squeeze %dma_start3A_2506 : memref<1x!tpu.dma_semaphore, #tpu.memory_space<semaphore_mem>> -> memref<!tpu.dma_semaphore, #tpu.memory_space<semaphore_mem>>
        tpu.enqueue_indirect_dma source(%dma_start3A_2505 : memref<1000000x64xf32, #tpu.memory_space<hbm>>) target(%dma_start3A_2502 : memref<16x64xf32, #tpu.memory_space<vmem>>) offsets(%get3A_2496 : vector<16xi32>) semaphore(%dma_start3A_2507 : memref<!tpu.dma_semaphore, #tpu.memory_space<semaphore_mem>>)
        %get3A_2508 = arith.index_cast %add3A_2432 : i32 to index
        %get3A_2509 = arith.constant 80 : index
        %get3A_2510 = tpu.vector_load %arg5[%get3A_2508, %get3A_2509] {strides = array<i32>} : memref<200x128xi32, #tpu.memory_space<vmem>>, vector<1x16xi32>,
        %get3A_2511 = vector.shape_cast %get3A_2510 : vector<1x16xi32> to vector<16xi32>
        %dma_start3A_2512 = arith.constant 5 : i32
        %dma_start3A_2513 = arith.constant 5 : i32
        %dma_start3A_2514 = arith.constant 80 : i32
        %dma_start3A_2515 = arith.constant 0 : i32
        %dma_start3A_2516 = tpu.memref_slice %arg6[%dma_start3A_2512, %dma_start3A_2514, %dma_start3A_2515] : memref<8x128x64xf32, #tpu.memory_space<vmem>> -> memref<1x16x64xf32, #tpu.memory_space<vmem>>
        %dma_start3A_2517 = tpu.memref_squeeze %dma_start3A_2516 : memref<1x16x64xf32, #tpu.memory_space<vmem>> -> memref<16x64xf32, #tpu.memory_space<vmem>>
        %dma_start3A_2518 = arith.constant 0 : i32
        %dma_start3A_2519 = arith.constant 0 : i32
        %dma_start3A_2520 = tpu.memref_slice %arg3[%dma_start3A_2518, %dma_start3A_2519] : memref<1000000x64xf32, #tpu.memory_space<hbm>> -> memref<1000000x64xf32, #tpu.memory_space<hbm>>
        %dma_start3A_2521 = tpu.memref_slice %arg7[%dma_start3A_2513] : memref<8x!tpu.dma_semaphore, #tpu.memory_space<semaphore_mem>> -> memref<1x!tpu.dma_semaphore, #tpu.memory_space<semaphore_mem>>
        %dma_start3A_2522 = tpu.memref_squeeze %dma_start3A_2521 : memref<1x!tpu.dma_semaphore, #tpu.memory_space<semaphore_mem>> -> memref<!tpu.dma_semaphore, #tpu.memory_space<semaphore_mem>>
        tpu.enqueue_indirect_dma source(%dma_start3A_2520 : memref<1000000x64xf32, #tpu.memory_space<hbm>>) target(%dma_start3A_2517 : memref<16x64xf32, #tpu.memory_space<vmem>>) offsets(%get3A_2511 : vector<16xi32>) semaphore(%dma_start3A_2522 : memref<!tpu.dma_semaphore, #tpu.memory_space<semaphore_mem>>)
        %get3A_2523 = arith.index_cast %add3A_2432 : i32 to index
        %get3A_2524 = arith.constant 96 : index
        %get3A_2525 = tpu.vector_load %arg5[%get3A_2523, %get3A_2524] {strides = array<i32>} : memref<200x128xi32, #tpu.memory_space<vmem>>, vector<1x16xi32>,
        %get3A_2526 = vector.shape_cast %get3A_2525 : vector<1x16xi32> to vector<16xi32>
        %dma_start3A_2527 = arith.constant 5 : i32
        %dma_start3A_2528 = arith.constant 5 : i32
        %dma_start3A_2529 = arith.constant 96 : i32
        %dma_start3A_2530 = arith.constant 0 : i32
        %dma_start3A_2531 = tpu.memref_slice %arg6[%dma_start3A_2527, %dma_start3A_2529, %dma_start3A_2530] : memref<8x128x64xf32, #tpu.memory_space<vmem>> -> memref<1x16x64xf32, #tpu.memory_space<vmem>>
        %dma_start3A_2532 = tpu.memref_squeeze %dma_start3A_2531 : memref<1x16x64xf32, #tpu.memory_space<vmem>> -> memref<16x64xf32, #tpu.memory_space<vmem>>
        %dma_start3A_2533 = arith.constant 0 : i32
        %dma_start3A_2534 = arith.constant 0 : i32
        %dma_start3A_2535 = tpu.memref_slice %arg3[%dma_start3A_2533, %dma_start3A_2534] : memref<1000000x64xf32, #tpu.memory_space<hbm>> -> memref<1000000x64xf32, #tpu.memory_space<hbm>>
        %dma_start3A_2536 = tpu.memref_slice %arg7[%dma_start3A_2528] : memref<8x!tpu.dma_semaphore, #tpu.memory_space<semaphore_mem>> -> memref<1x!tpu.dma_semaphore, #tpu.memory_space<semaphore_mem>>
        %dma_start3A_2537 = tpu.memref_squeeze %dma_start3A_2536 : memref<1x!tpu.dma_semaphore, #tpu.memory_space<semaphore_mem>> -> memref<!tpu.dma_semaphore, #tpu.memory_space<semaphore_mem>>
        tpu.enqueue_indirect_dma source(%dma_start3A_2535 : memref<1000000x64xf32, #tpu.memory_space<hbm>>) target(%dma_start3A_2532 : memref<16x64xf32, #tpu.memory_space<vmem>>) offsets(%get3A_2526 : vector<16xi32>) semaphore(%dma_start3A_2537 : memref<!tpu.dma_semaphore, #tpu.memory_space<semaphore_mem>>)
        %get3A_2538 = arith.index_cast %add3A_2432 : i32 to index
        %get3A_2539 = arith.constant 112 : index
        %get3A_2540 = tpu.vector_load %arg5[%get3A_2538, %get3A_2539] {strides = array<i32>} : memref<200x128xi32, #tpu.memory_space<vmem>>, vector<1x16xi32>,
        %get3A_2541 = vector.shape_cast %get3A_2540 : vector<1x16xi32> to vector<16xi32>
        %dma_start3A_2542 = arith.constant 5 : i32
        %dma_start3A_2543 = arith.constant 5 : i32
        %dma_start3A_2544 = arith.constant 112 : i32
        %dma_start3A_2545 = arith.constant 0 : i32
        %dma_start3A_2546 = tpu.memref_slice %arg6[%dma_start3A_2542, %dma_start3A_2544, %dma_start3A_2545] : memref<8x128x64xf32, #tpu.memory_space<vmem>> -> memref<1x16x64xf32, #tpu.memory_space<vmem>>
        %dma_start3A_2547 = tpu.memref_squeeze %dma_start3A_2546 : memref<1x16x64xf32, #tpu.memory_space<vmem>> -> memref<16x64xf32, #tpu.memory_space<vmem>>
        %dma_start3A_2548 = arith.constant 0 : i32
        %dma_start3A_2549 = arith.constant 0 : i32
        %dma_start3A_2550 = tpu.memref_slice %arg3[%dma_start3A_2548, %dma_start3A_2549] : memref<1000000x64xf32, #tpu.memory_space<hbm>> -> memref<1000000x64xf32, #tpu.memory_space<hbm>>
        %dma_start3A_2551 = tpu.memref_slice %arg7[%dma_start3A_2543] : memref<8x!tpu.dma_semaphore, #tpu.memory_space<semaphore_mem>> -> memref<1x!tpu.dma_semaphore, #tpu.memory_space<semaphore_mem>>
        %dma_start3A_2552 = tpu.memref_squeeze %dma_start3A_2551 : memref<1x!tpu.dma_semaphore, #tpu.memory_space<semaphore_mem>> -> memref<!tpu.dma_semaphore, #tpu.memory_space<semaphore_mem>>
        tpu.enqueue_indirect_dma source(%dma_start3A_2550 : memref<1000000x64xf32, #tpu.memory_space<hbm>>) target(%dma_start3A_2547 : memref<16x64xf32, #tpu.memory_space<vmem>>) offsets(%get3A_2541 : vector<16xi32>) semaphore(%dma_start3A_2552 : memref<!tpu.dma_semaphore, #tpu.memory_space<semaphore_mem>>)
      } else {
      }
      %add3A_2369 = arith.constant 6 : i32
      %add3A_2370 = arith.addi %mul3A_1032, %add3A_2369 : i32
      %mul3A_2371 = arith.constant 25600 : i32
      %mul3A_2372 = arith.muli %add3A, %mul3A_2371 : i32
      %mul3A_2373 = arith.constant 128 : i32
      %mul3A_2374 = arith.muli %add3A_2370, %mul3A_2373 : i32
      %add3A_2375 = arith.addi %mul3A_2372, %mul3A_2374 : i32
      %dma_wait3A_2376 = arith.constant 6 : i32
      %dma_wait3A_2377 = arith.constant 6 : i32
      %dma_wait3A_2378 = arith.constant 0 : i32
      %dma_wait3A_2379 = arith.constant 0 : i32
      %dma_wait3A_2380 = tpu.memref_slice %arg6[%dma_wait3A_2376, %dma_wait3A_2378, %dma_wait3A_2379] : memref<8x128x64xf32, #tpu.memory_space<vmem>> -> memref<1x128x64xf32, #tpu.memory_space<vmem>>
      %dma_wait3A_2381 = tpu.memref_squeeze %dma_wait3A_2380 : memref<1x128x64xf32, #tpu.memory_space<vmem>> -> memref<128x64xf32, #tpu.memory_space<vmem>>
      %dma_wait3A_2382 = arith.constant 0 : i32
      %dma_wait3A_2383 = tpu.memref_slice %arg4[%add3A_2375, %dma_wait3A_2382] : memref<819200x64xf32, #tpu.memory_space<hbm>> -> memref<128x64xf32, #tpu.memory_space<hbm>>
      %dma_wait3A_2384 = tpu.memref_slice %arg8[%dma_wait3A_2377] : memref<8x!tpu.dma_semaphore, #tpu.memory_space<semaphore_mem>> -> memref<1x!tpu.dma_semaphore, #tpu.memory_space<semaphore_mem>>
      %dma_wait3A_2385 = tpu.memref_squeeze %dma_wait3A_2384 : memref<1x!tpu.dma_semaphore, #tpu.memory_space<semaphore_mem>> -> memref<!tpu.dma_semaphore, #tpu.memory_space<semaphore_mem>>
      %dma_wait3A_2386 = arith.constant 0 : i32
      %dma_wait3A_2387 = tpu.memref_slice %arg4[%add3A_2375, %dma_wait3A_2386] : memref<819200x64xf32, #tpu.memory_space<hbm>> -> memref<128x64xf32, #tpu.memory_space<hbm>>
      %dma_wait3A_2388 = arith.constant 0 : i32
      %dma_wait3A_2389 = arith.constant 0 : i32
      %dma_wait3A_2390 = tpu.memref_slice %arg6[%dma_wait3A_2376, %dma_wait3A_2388, %dma_wait3A_2389] : memref<8x128x64xf32, #tpu.memory_space<vmem>> -> memref<1x128x64xf32, #tpu.memory_space<vmem>>
      %dma_wait3A_2391 = tpu.memref_squeeze %dma_wait3A_2390 : memref<1x128x64xf32, #tpu.memory_space<vmem>> -> memref<128x64xf32, #tpu.memory_space<vmem>>
      tpu.wait_dma2 semaphore(%dma_wait3A_2385 : memref<!tpu.dma_semaphore, #tpu.memory_space<semaphore_mem>>) src(%dma_wait3A_2391 : memref<128x64xf32, #tpu.memory_space<vmem>>) dst(%dma_wait3A_2387 : memref<128x64xf32, #tpu.memory_space<hbm>>)
      %add3A_2392 = arith.constant 1 : i32
      %add3A_2393 = arith.addi %scan3A_1030, %add3A_2392 : i32
      %lt3A_2394 = arith.constant 25 : i32
      %lt3A_2395 = arith.cmpi slt, %add3A_2393, %lt3A_2394 : i32
      %convert_element_type3A_2396 = arith.extui %lt3A_2395 : i1 to i32
      %cond3A_2397 = arith.constant 0 : i32
      %cond3A_2398 = arith.cmpi ne, %convert_element_type3A_2396, %cond3A_2397 : i32
      scf.if %cond3A_2398 {
        %add3A_2429 = arith.constant 6 : i32
        %add3A_2430 = arith.addi %mul3A_1032, %add3A_2429 : i32
        %add3A_2431 = arith.constant 8 : i32
        %add3A_2432 = arith.addi %add3A_2430, %add3A_2431 : i32
        %get3A_2433 = arith.index_cast %add3A_2432 : i32 to index
        %get3A_2434 = arith.constant 0 : index
        %get3A_2435 = tpu.vector_load %arg5[%get3A_2433, %get3A_2434] {strides = array<i32>} : memref<200x128xi32, #tpu.memory_space<vmem>>, vector<1x16xi32>,
        %get3A_2436 = vector.shape_cast %get3A_2435 : vector<1x16xi32> to vector<16xi32>
        %dma_start3A_2437 = arith.constant 6 : i32
        %dma_start3A_2438 = arith.constant 6 : i32
        %dma_start3A_2439 = arith.constant 0 : i32
        %dma_start3A_2440 = arith.constant 0 : i32
        %dma_start3A_2441 = tpu.memref_slice %arg6[%dma_start3A_2437, %dma_start3A_2439, %dma_start3A_2440] : memref<8x128x64xf32, #tpu.memory_space<vmem>> -> memref<1x16x64xf32, #tpu.memory_space<vmem>>
        %dma_start3A_2442 = tpu.memref_squeeze %dma_start3A_2441 : memref<1x16x64xf32, #tpu.memory_space<vmem>> -> memref<16x64xf32, #tpu.memory_space<vmem>>
        %dma_start3A_2443 = arith.constant 0 : i32
        %dma_start3A_2444 = arith.constant 0 : i32
        %dma_start3A_2445 = tpu.memref_slice %arg3[%dma_start3A_2443, %dma_start3A_2444] : memref<1000000x64xf32, #tpu.memory_space<hbm>> -> memref<1000000x64xf32, #tpu.memory_space<hbm>>
        %dma_start3A_2446 = tpu.memref_slice %arg7[%dma_start3A_2438] : memref<8x!tpu.dma_semaphore, #tpu.memory_space<semaphore_mem>> -> memref<1x!tpu.dma_semaphore, #tpu.memory_space<semaphore_mem>>
        %dma_start3A_2447 = tpu.memref_squeeze %dma_start3A_2446 : memref<1x!tpu.dma_semaphore, #tpu.memory_space<semaphore_mem>> -> memref<!tpu.dma_semaphore, #tpu.memory_space<semaphore_mem>>
        tpu.enqueue_indirect_dma source(%dma_start3A_2445 : memref<1000000x64xf32, #tpu.memory_space<hbm>>) target(%dma_start3A_2442 : memref<16x64xf32, #tpu.memory_space<vmem>>) offsets(%get3A_2436 : vector<16xi32>) semaphore(%dma_start3A_2447 : memref<!tpu.dma_semaphore, #tpu.memory_space<semaphore_mem>>)
        %get3A_2448 = arith.index_cast %add3A_2432 : i32 to index
        %get3A_2449 = arith.constant 16 : index
        %get3A_2450 = tpu.vector_load %arg5[%get3A_2448, %get3A_2449] {strides = array<i32>} : memref<200x128xi32, #tpu.memory_space<vmem>>, vector<1x16xi32>,
        %get3A_2451 = vector.shape_cast %get3A_2450 : vector<1x16xi32> to vector<16xi32>
        %dma_start3A_2452 = arith.constant 6 : i32
        %dma_start3A_2453 = arith.constant 6 : i32
        %dma_start3A_2454 = arith.constant 16 : i32
        %dma_start3A_2455 = arith.constant 0 : i32
        %dma_start3A_2456 = tpu.memref_slice %arg6[%dma_start3A_2452, %dma_start3A_2454, %dma_start3A_2455] : memref<8x128x64xf32, #tpu.memory_space<vmem>> -> memref<1x16x64xf32, #tpu.memory_space<vmem>>
        %dma_start3A_2457 = tpu.memref_squeeze %dma_start3A_2456 : memref<1x16x64xf32, #tpu.memory_space<vmem>> -> memref<16x64xf32, #tpu.memory_space<vmem>>
        %dma_start3A_2458 = arith.constant 0 : i32
        %dma_start3A_2459 = arith.constant 0 : i32
        %dma_start3A_2460 = tpu.memref_slice %arg3[%dma_start3A_2458, %dma_start3A_2459] : memref<1000000x64xf32, #tpu.memory_space<hbm>> -> memref<1000000x64xf32, #tpu.memory_space<hbm>>
        %dma_start3A_2461 = tpu.memref_slice %arg7[%dma_start3A_2453] : memref<8x!tpu.dma_semaphore, #tpu.memory_space<semaphore_mem>> -> memref<1x!tpu.dma_semaphore, #tpu.memory_space<semaphore_mem>>
        %dma_start3A_2462 = tpu.memref_squeeze %dma_start3A_2461 : memref<1x!tpu.dma_semaphore, #tpu.memory_space<semaphore_mem>> -> memref<!tpu.dma_semaphore, #tpu.memory_space<semaphore_mem>>
        tpu.enqueue_indirect_dma source(%dma_start3A_2460 : memref<1000000x64xf32, #tpu.memory_space<hbm>>) target(%dma_start3A_2457 : memref<16x64xf32, #tpu.memory_space<vmem>>) offsets(%get3A_2451 : vector<16xi32>) semaphore(%dma_start3A_2462 : memref<!tpu.dma_semaphore, #tpu.memory_space<semaphore_mem>>)
        %get3A_2463 = arith.index_cast %add3A_2432 : i32 to index
        %get3A_2464 = arith.constant 32 : index
        %get3A_2465 = tpu.vector_load %arg5[%get3A_2463, %get3A_2464] {strides = array<i32>} : memref<200x128xi32, #tpu.memory_space<vmem>>, vector<1x16xi32>,
        %get3A_2466 = vector.shape_cast %get3A_2465 : vector<1x16xi32> to vector<16xi32>
        %dma_start3A_2467 = arith.constant 6 : i32
        %dma_start3A_2468 = arith.constant 6 : i32
        %dma_start3A_2469 = arith.constant 32 : i32
        %dma_start3A_2470 = arith.constant 0 : i32
        %dma_start3A_2471 = tpu.memref_slice %arg6[%dma_start3A_2467, %dma_start3A_2469, %dma_start3A_2470] : memref<8x128x64xf32, #tpu.memory_space<vmem>> -> memref<1x16x64xf32, #tpu.memory_space<vmem>>
        %dma_start3A_2472 = tpu.memref_squeeze %dma_start3A_2471 : memref<1x16x64xf32, #tpu.memory_space<vmem>> -> memref<16x64xf32, #tpu.memory_space<vmem>>
        %dma_start3A_2473 = arith.constant 0 : i32
        %dma_start3A_2474 = arith.constant 0 : i32
        %dma_start3A_2475 = tpu.memref_slice %arg3[%dma_start3A_2473, %dma_start3A_2474] : memref<1000000x64xf32, #tpu.memory_space<hbm>> -> memref<1000000x64xf32, #tpu.memory_space<hbm>>
        %dma_start3A_2476 = tpu.memref_slice %arg7[%dma_start3A_2468] : memref<8x!tpu.dma_semaphore, #tpu.memory_space<semaphore_mem>> -> memref<1x!tpu.dma_semaphore, #tpu.memory_space<semaphore_mem>>
        %dma_start3A_2477 = tpu.memref_squeeze %dma_start3A_2476 : memref<1x!tpu.dma_semaphore, #tpu.memory_space<semaphore_mem>> -> memref<!tpu.dma_semaphore, #tpu.memory_space<semaphore_mem>>
        tpu.enqueue_indirect_dma source(%dma_start3A_2475 : memref<1000000x64xf32, #tpu.memory_space<hbm>>) target(%dma_start3A_2472 : memref<16x64xf32, #tpu.memory_space<vmem>>) offsets(%get3A_2466 : vector<16xi32>) semaphore(%dma_start3A_2477 : memref<!tpu.dma_semaphore, #tpu.memory_space<semaphore_mem>>)
        %get3A_2478 = arith.index_cast %add3A_2432 : i32 to index
        %get3A_2479 = arith.constant 48 : index
        %get3A_2480 = tpu.vector_load %arg5[%get3A_2478, %get3A_2479] {strides = array<i32>} : memref<200x128xi32, #tpu.memory_space<vmem>>, vector<1x16xi32>,
        %get3A_2481 = vector.shape_cast %get3A_2480 : vector<1x16xi32> to vector<16xi32>
        %dma_start3A_2482 = arith.constant 6 : i32
        %dma_start3A_2483 = arith.constant 6 : i32
        %dma_start3A_2484 = arith.constant 48 : i32
        %dma_start3A_2485 = arith.constant 0 : i32
        %dma_start3A_2486 = tpu.memref_slice %arg6[%dma_start3A_2482, %dma_start3A_2484, %dma_start3A_2485] : memref<8x128x64xf32, #tpu.memory_space<vmem>> -> memref<1x16x64xf32, #tpu.memory_space<vmem>>
        %dma_start3A_2487 = tpu.memref_squeeze %dma_start3A_2486 : memref<1x16x64xf32, #tpu.memory_space<vmem>> -> memref<16x64xf32, #tpu.memory_space<vmem>>
        %dma_start3A_2488 = arith.constant 0 : i32
        %dma_start3A_2489 = arith.constant 0 : i32
        %dma_start3A_2490 = tpu.memref_slice %arg3[%dma_start3A_2488, %dma_start3A_2489] : memref<1000000x64xf32, #tpu.memory_space<hbm>> -> memref<1000000x64xf32, #tpu.memory_space<hbm>>
        %dma_start3A_2491 = tpu.memref_slice %arg7[%dma_start3A_2483] : memref<8x!tpu.dma_semaphore, #tpu.memory_space<semaphore_mem>> -> memref<1x!tpu.dma_semaphore, #tpu.memory_space<semaphore_mem>>
        %dma_start3A_2492 = tpu.memref_squeeze %dma_start3A_2491 : memref<1x!tpu.dma_semaphore, #tpu.memory_space<semaphore_mem>> -> memref<!tpu.dma_semaphore, #tpu.memory_space<semaphore_mem>>
        tpu.enqueue_indirect_dma source(%dma_start3A_2490 : memref<1000000x64xf32, #tpu.memory_space<hbm>>) target(%dma_start3A_2487 : memref<16x64xf32, #tpu.memory_space<vmem>>) offsets(%get3A_2481 : vector<16xi32>) semaphore(%dma_start3A_2492 : memref<!tpu.dma_semaphore, #tpu.memory_space<semaphore_mem>>)
        %get3A_2493 = arith.index_cast %add3A_2432 : i32 to index
        %get3A_2494 = arith.constant 64 : index
        %get3A_2495 = tpu.vector_load %arg5[%get3A_2493, %get3A_2494] {strides = array<i32>} : memref<200x128xi32, #tpu.memory_space<vmem>>, vector<1x16xi32>,
        %get3A_2496 = vector.shape_cast %get3A_2495 : vector<1x16xi32> to vector<16xi32>
        %dma_start3A_2497 = arith.constant 6 : i32
        %dma_start3A_2498 = arith.constant 6 : i32
        %dma_start3A_2499 = arith.constant 64 : i32
        %dma_start3A_2500 = arith.constant 0 : i32
        %dma_start3A_2501 = tpu.memref_slice %arg6[%dma_start3A_2497, %dma_start3A_2499, %dma_start3A_2500] : memref<8x128x64xf32, #tpu.memory_space<vmem>> -> memref<1x16x64xf32, #tpu.memory_space<vmem>>
        %dma_start3A_2502 = tpu.memref_squeeze %dma_start3A_2501 : memref<1x16x64xf32, #tpu.memory_space<vmem>> -> memref<16x64xf32, #tpu.memory_space<vmem>>
        %dma_start3A_2503 = arith.constant 0 : i32
        %dma_start3A_2504 = arith.constant 0 : i32
        %dma_start3A_2505 = tpu.memref_slice %arg3[%dma_start3A_2503, %dma_start3A_2504] : memref<1000000x64xf32, #tpu.memory_space<hbm>> -> memref<1000000x64xf32, #tpu.memory_space<hbm>>
        %dma_start3A_2506 = tpu.memref_slice %arg7[%dma_start3A_2498] : memref<8x!tpu.dma_semaphore, #tpu.memory_space<semaphore_mem>> -> memref<1x!tpu.dma_semaphore, #tpu.memory_space<semaphore_mem>>
        %dma_start3A_2507 = tpu.memref_squeeze %dma_start3A_2506 : memref<1x!tpu.dma_semaphore, #tpu.memory_space<semaphore_mem>> -> memref<!tpu.dma_semaphore, #tpu.memory_space<semaphore_mem>>
        tpu.enqueue_indirect_dma source(%dma_start3A_2505 : memref<1000000x64xf32, #tpu.memory_space<hbm>>) target(%dma_start3A_2502 : memref<16x64xf32, #tpu.memory_space<vmem>>) offsets(%get3A_2496 : vector<16xi32>) semaphore(%dma_start3A_2507 : memref<!tpu.dma_semaphore, #tpu.memory_space<semaphore_mem>>)
        %get3A_2508 = arith.index_cast %add3A_2432 : i32 to index
        %get3A_2509 = arith.constant 80 : index
        %get3A_2510 = tpu.vector_load %arg5[%get3A_2508, %get3A_2509] {strides = array<i32>} : memref<200x128xi32, #tpu.memory_space<vmem>>, vector<1x16xi32>,
        %get3A_2511 = vector.shape_cast %get3A_2510 : vector<1x16xi32> to vector<16xi32>
        %dma_start3A_2512 = arith.constant 6 : i32
        %dma_start3A_2513 = arith.constant 6 : i32
        %dma_start3A_2514 = arith.constant 80 : i32
        %dma_start3A_2515 = arith.constant 0 : i32
        %dma_start3A_2516 = tpu.memref_slice %arg6[%dma_start3A_2512, %dma_start3A_2514, %dma_start3A_2515] : memref<8x128x64xf32, #tpu.memory_space<vmem>> -> memref<1x16x64xf32, #tpu.memory_space<vmem>>
        %dma_start3A_2517 = tpu.memref_squeeze %dma_start3A_2516 : memref<1x16x64xf32, #tpu.memory_space<vmem>> -> memref<16x64xf32, #tpu.memory_space<vmem>>
        %dma_start3A_2518 = arith.constant 0 : i32
        %dma_start3A_2519 = arith.constant 0 : i32
        %dma_start3A_2520 = tpu.memref_slice %arg3[%dma_start3A_2518, %dma_start3A_2519] : memref<1000000x64xf32, #tpu.memory_space<hbm>> -> memref<1000000x64xf32, #tpu.memory_space<hbm>>
        %dma_start3A_2521 = tpu.memref_slice %arg7[%dma_start3A_2513] : memref<8x!tpu.dma_semaphore, #tpu.memory_space<semaphore_mem>> -> memref<1x!tpu.dma_semaphore, #tpu.memory_space<semaphore_mem>>
        %dma_start3A_2522 = tpu.memref_squeeze %dma_start3A_2521 : memref<1x!tpu.dma_semaphore, #tpu.memory_space<semaphore_mem>> -> memref<!tpu.dma_semaphore, #tpu.memory_space<semaphore_mem>>
        tpu.enqueue_indirect_dma source(%dma_start3A_2520 : memref<1000000x64xf32, #tpu.memory_space<hbm>>) target(%dma_start3A_2517 : memref<16x64xf32, #tpu.memory_space<vmem>>) offsets(%get3A_2511 : vector<16xi32>) semaphore(%dma_start3A_2522 : memref<!tpu.dma_semaphore, #tpu.memory_space<semaphore_mem>>)
        %get3A_2523 = arith.index_cast %add3A_2432 : i32 to index
        %get3A_2524 = arith.constant 96 : index
        %get3A_2525 = tpu.vector_load %arg5[%get3A_2523, %get3A_2524] {strides = array<i32>} : memref<200x128xi32, #tpu.memory_space<vmem>>, vector<1x16xi32>,
        %get3A_2526 = vector.shape_cast %get3A_2525 : vector<1x16xi32> to vector<16xi32>
        %dma_start3A_2527 = arith.constant 6 : i32
        %dma_start3A_2528 = arith.constant 6 : i32
        %dma_start3A_2529 = arith.constant 96 : i32
        %dma_start3A_2530 = arith.constant 0 : i32
        %dma_start3A_2531 = tpu.memref_slice %arg6[%dma_start3A_2527, %dma_start3A_2529, %dma_start3A_2530] : memref<8x128x64xf32, #tpu.memory_space<vmem>> -> memref<1x16x64xf32, #tpu.memory_space<vmem>>
        %dma_start3A_2532 = tpu.memref_squeeze %dma_start3A_2531 : memref<1x16x64xf32, #tpu.memory_space<vmem>> -> memref<16x64xf32, #tpu.memory_space<vmem>>
        %dma_start3A_2533 = arith.constant 0 : i32
        %dma_start3A_2534 = arith.constant 0 : i32
        %dma_start3A_2535 = tpu.memref_slice %arg3[%dma_start3A_2533, %dma_start3A_2534] : memref<1000000x64xf32, #tpu.memory_space<hbm>> -> memref<1000000x64xf32, #tpu.memory_space<hbm>>
        %dma_start3A_2536 = tpu.memref_slice %arg7[%dma_start3A_2528] : memref<8x!tpu.dma_semaphore, #tpu.memory_space<semaphore_mem>> -> memref<1x!tpu.dma_semaphore, #tpu.memory_space<semaphore_mem>>
        %dma_start3A_2537 = tpu.memref_squeeze %dma_start3A_2536 : memref<1x!tpu.dma_semaphore, #tpu.memory_space<semaphore_mem>> -> memref<!tpu.dma_semaphore, #tpu.memory_space<semaphore_mem>>
        tpu.enqueue_indirect_dma source(%dma_start3A_2535 : memref<1000000x64xf32, #tpu.memory_space<hbm>>) target(%dma_start3A_2532 : memref<16x64xf32, #tpu.memory_space<vmem>>) offsets(%get3A_2526 : vector<16xi32>) semaphore(%dma_start3A_2537 : memref<!tpu.dma_semaphore, #tpu.memory_space<semaphore_mem>>)
        %get3A_2538 = arith.index_cast %add3A_2432 : i32 to index
        %get3A_2539 = arith.constant 112 : index
        %get3A_2540 = tpu.vector_load %arg5[%get3A_2538, %get3A_2539] {strides = array<i32>} : memref<200x128xi32, #tpu.memory_space<vmem>>, vector<1x16xi32>,
        %get3A_2541 = vector.shape_cast %get3A_2540 : vector<1x16xi32> to vector<16xi32>
        %dma_start3A_2542 = arith.constant 6 : i32
        %dma_start3A_2543 = arith.constant 6 : i32
        %dma_start3A_2544 = arith.constant 112 : i32
        %dma_start3A_2545 = arith.constant 0 : i32
        %dma_start3A_2546 = tpu.memref_slice %arg6[%dma_start3A_2542, %dma_start3A_2544, %dma_start3A_2545] : memref<8x128x64xf32, #tpu.memory_space<vmem>> -> memref<1x16x64xf32, #tpu.memory_space<vmem>>
        %dma_start3A_2547 = tpu.memref_squeeze %dma_start3A_2546 : memref<1x16x64xf32, #tpu.memory_space<vmem>> -> memref<16x64xf32, #tpu.memory_space<vmem>>
        %dma_start3A_2548 = arith.constant 0 : i32
        %dma_start3A_2549 = arith.constant 0 : i32
        %dma_start3A_2550 = tpu.memref_slice %arg3[%dma_start3A_2548, %dma_start3A_2549] : memref<1000000x64xf32, #tpu.memory_space<hbm>> -> memref<1000000x64xf32, #tpu.memory_space<hbm>>
        %dma_start3A_2551 = tpu.memref_slice %arg7[%dma_start3A_2543] : memref<8x!tpu.dma_semaphore, #tpu.memory_space<semaphore_mem>> -> memref<1x!tpu.dma_semaphore, #tpu.memory_space<semaphore_mem>>
        %dma_start3A_2552 = tpu.memref_squeeze %dma_start3A_2551 : memref<1x!tpu.dma_semaphore, #tpu.memory_space<semaphore_mem>> -> memref<!tpu.dma_semaphore, #tpu.memory_space<semaphore_mem>>
        tpu.enqueue_indirect_dma source(%dma_start3A_2550 : memref<1000000x64xf32, #tpu.memory_space<hbm>>) target(%dma_start3A_2547 : memref<16x64xf32, #tpu.memory_space<vmem>>) offsets(%get3A_2541 : vector<16xi32>) semaphore(%dma_start3A_2552 : memref<!tpu.dma_semaphore, #tpu.memory_space<semaphore_mem>>)
      } else {
      }
      %add3A_2399 = arith.constant 7 : i32
      %add3A_2400 = arith.addi %mul3A_1032, %add3A_2399 : i32
      %mul3A_2401 = arith.constant 25600 : i32
      %mul3A_2402 = arith.muli %add3A, %mul3A_2401 : i32
      %mul3A_2403 = arith.constant 128 : i32
      %mul3A_2404 = arith.muli %add3A_2400, %mul3A_2403 : i32
      %add3A_2405 = arith.addi %mul3A_2402, %mul3A_2404 : i32
      %dma_wait3A_2406 = arith.constant 7 : i32
      %dma_wait3A_2407 = arith.constant 7 : i32
      %dma_wait3A_2408 = arith.constant 0 : i32
      %dma_wait3A_2409 = arith.constant 0 : i32
      %dma_wait3A_2410 = tpu.memref_slice %arg6[%dma_wait3A_2406, %dma_wait3A_2408, %dma_wait3A_2409] : memref<8x128x64xf32, #tpu.memory_space<vmem>> -> memref<1x128x64xf32, #tpu.memory_space<vmem>>
      %dma_wait3A_2411 = tpu.memref_squeeze %dma_wait3A_2410 : memref<1x128x64xf32, #tpu.memory_space<vmem>> -> memref<128x64xf32, #tpu.memory_space<vmem>>
      %dma_wait3A_2412 = arith.constant 0 : i32
      %dma_wait3A_2413 = tpu.memref_slice %arg4[%add3A_2405, %dma_wait3A_2412] : memref<819200x64xf32, #tpu.memory_space<hbm>> -> memref<128x64xf32, #tpu.memory_space<hbm>>
      %dma_wait3A_2414 = tpu.memref_slice %arg8[%dma_wait3A_2407] : memref<8x!tpu.dma_semaphore, #tpu.memory_space<semaphore_mem>> -> memref<1x!tpu.dma_semaphore, #tpu.memory_space<semaphore_mem>>
      %dma_wait3A_2415 = tpu.memref_squeeze %dma_wait3A_2414 : memref<1x!tpu.dma_semaphore, #tpu.memory_space<semaphore_mem>> -> memref<!tpu.dma_semaphore, #tpu.memory_space<semaphore_mem>>
      %dma_wait3A_2416 = arith.constant 0 : i32
      %dma_wait3A_2417 = tpu.memref_slice %arg4[%add3A_2405, %dma_wait3A_2416] : memref<819200x64xf32, #tpu.memory_space<hbm>> -> memref<128x64xf32, #tpu.memory_space<hbm>>
      %dma_wait3A_2418 = arith.constant 0 : i32
      %dma_wait3A_2419 = arith.constant 0 : i32
      %dma_wait3A_2420 = tpu.memref_slice %arg6[%dma_wait3A_2406, %dma_wait3A_2418, %dma_wait3A_2419] : memref<8x128x64xf32, #tpu.memory_space<vmem>> -> memref<1x128x64xf32, #tpu.memory_space<vmem>>
      %dma_wait3A_2421 = tpu.memref_squeeze %dma_wait3A_2420 : memref<1x128x64xf32, #tpu.memory_space<vmem>> -> memref<128x64xf32, #tpu.memory_space<vmem>>
      tpu.wait_dma2 semaphore(%dma_wait3A_2415 : memref<!tpu.dma_semaphore, #tpu.memory_space<semaphore_mem>>) src(%dma_wait3A_2421 : memref<128x64xf32, #tpu.memory_space<vmem>>) dst(%dma_wait3A_2417 : memref<128x64xf32, #tpu.memory_space<hbm>>)
      %add3A_2422 = arith.constant 1 : i32
      %add3A_2423 = arith.addi %scan3A_1030, %add3A_2422 : i32
      %lt3A_2424 = arith.constant 25 : i32
      %lt3A_2425 = arith.cmpi slt, %add3A_2423, %lt3A_2424 : i32
      %convert_element_type3A_2426 = arith.extui %lt3A_2425 : i1 to i32
      %cond3A_2427 = arith.constant 0 : i32
      %cond3A_2428 = arith.cmpi ne, %convert_element_type3A_2426, %cond3A_2427 : i32
      scf.if %cond3A_2428 {
        %add3A_2429 = arith.constant 7 : i32
        %add3A_2430 = arith.addi %mul3A_1032, %add3A_2429 : i32
        %add3A_2431 = arith.constant 8 : i32
        %add3A_2432 = arith.addi %add3A_2430, %add3A_2431 : i32
        %get3A_2433 = arith.index_cast %add3A_2432 : i32 to index
        %get3A_2434 = arith.constant 0 : index
        %get3A_2435 = tpu.vector_load %arg5[%get3A_2433, %get3A_2434] {strides = array<i32>} : memref<200x128xi32, #tpu.memory_space<vmem>>, vector<1x16xi32>,
        %get3A_2436 = vector.shape_cast %get3A_2435 : vector<1x16xi32> to vector<16xi32>
        %dma_start3A_2437 = arith.constant 7 : i32
        %dma_start3A_2438 = arith.constant 7 : i32
        %dma_start3A_2439 = arith.constant 0 : i32
        %dma_start3A_2440 = arith.constant 0 : i32
        %dma_start3A_2441 = tpu.memref_slice %arg6[%dma_start3A_2437, %dma_start3A_2439, %dma_start3A_2440] : memref<8x128x64xf32, #tpu.memory_space<vmem>> -> memref<1x16x64xf32, #tpu.memory_space<vmem>>
        %dma_start3A_2442 = tpu.memref_squeeze %dma_start3A_2441 : memref<1x16x64xf32, #tpu.memory_space<vmem>> -> memref<16x64xf32, #tpu.memory_space<vmem>>
        %dma_start3A_2443 = arith.constant 0 : i32
        %dma_start3A_2444 = arith.constant 0 : i32
        %dma_start3A_2445 = tpu.memref_slice %arg3[%dma_start3A_2443, %dma_start3A_2444] : memref<1000000x64xf32, #tpu.memory_space<hbm>> -> memref<1000000x64xf32, #tpu.memory_space<hbm>>
        %dma_start3A_2446 = tpu.memref_slice %arg7[%dma_start3A_2438] : memref<8x!tpu.dma_semaphore, #tpu.memory_space<semaphore_mem>> -> memref<1x!tpu.dma_semaphore, #tpu.memory_space<semaphore_mem>>
        %dma_start3A_2447 = tpu.memref_squeeze %dma_start3A_2446 : memref<1x!tpu.dma_semaphore, #tpu.memory_space<semaphore_mem>> -> memref<!tpu.dma_semaphore, #tpu.memory_space<semaphore_mem>>
        tpu.enqueue_indirect_dma source(%dma_start3A_2445 : memref<1000000x64xf32, #tpu.memory_space<hbm>>) target(%dma_start3A_2442 : memref<16x64xf32, #tpu.memory_space<vmem>>) offsets(%get3A_2436 : vector<16xi32>) semaphore(%dma_start3A_2447 : memref<!tpu.dma_semaphore, #tpu.memory_space<semaphore_mem>>)
        %get3A_2448 = arith.index_cast %add3A_2432 : i32 to index
        %get3A_2449 = arith.constant 16 : index
        %get3A_2450 = tpu.vector_load %arg5[%get3A_2448, %get3A_2449] {strides = array<i32>} : memref<200x128xi32, #tpu.memory_space<vmem>>, vector<1x16xi32>,
        %get3A_2451 = vector.shape_cast %get3A_2450 : vector<1x16xi32> to vector<16xi32>
        %dma_start3A_2452 = arith.constant 7 : i32
        %dma_start3A_2453 = arith.constant 7 : i32
        %dma_start3A_2454 = arith.constant 16 : i32
        %dma_start3A_2455 = arith.constant 0 : i32
        %dma_start3A_2456 = tpu.memref_slice %arg6[%dma_start3A_2452, %dma_start3A_2454, %dma_start3A_2455] : memref<8x128x64xf32, #tpu.memory_space<vmem>> -> memref<1x16x64xf32, #tpu.memory_space<vmem>>
        %dma_start3A_2457 = tpu.memref_squeeze %dma_start3A_2456 : memref<1x16x64xf32, #tpu.memory_space<vmem>> -> memref<16x64xf32, #tpu.memory_space<vmem>>
        %dma_start3A_2458 = arith.constant 0 : i32
        %dma_start3A_2459 = arith.constant 0 : i32
        %dma_start3A_2460 = tpu.memref_slice %arg3[%dma_start3A_2458, %dma_start3A_2459] : memref<1000000x64xf32, #tpu.memory_space<hbm>> -> memref<1000000x64xf32, #tpu.memory_space<hbm>>
        %dma_start3A_2461 = tpu.memref_slice %arg7[%dma_start3A_2453] : memref<8x!tpu.dma_semaphore, #tpu.memory_space<semaphore_mem>> -> memref<1x!tpu.dma_semaphore, #tpu.memory_space<semaphore_mem>>
        %dma_start3A_2462 = tpu.memref_squeeze %dma_start3A_2461 : memref<1x!tpu.dma_semaphore, #tpu.memory_space<semaphore_mem>> -> memref<!tpu.dma_semaphore, #tpu.memory_space<semaphore_mem>>
        tpu.enqueue_indirect_dma source(%dma_start3A_2460 : memref<1000000x64xf32, #tpu.memory_space<hbm>>) target(%dma_start3A_2457 : memref<16x64xf32, #tpu.memory_space<vmem>>) offsets(%get3A_2451 : vector<16xi32>) semaphore(%dma_start3A_2462 : memref<!tpu.dma_semaphore, #tpu.memory_space<semaphore_mem>>)
        %get3A_2463 = arith.index_cast %add3A_2432 : i32 to index
        %get3A_2464 = arith.constant 32 : index
        %get3A_2465 = tpu.vector_load %arg5[%get3A_2463, %get3A_2464] {strides = array<i32>} : memref<200x128xi32, #tpu.memory_space<vmem>>, vector<1x16xi32>,
        %get3A_2466 = vector.shape_cast %get3A_2465 : vector<1x16xi32> to vector<16xi32>
        %dma_start3A_2467 = arith.constant 7 : i32
        %dma_start3A_2468 = arith.constant 7 : i32
        %dma_start3A_2469 = arith.constant 32 : i32
        %dma_start3A_2470 = arith.constant 0 : i32
        %dma_start3A_2471 = tpu.memref_slice %arg6[%dma_start3A_2467, %dma_start3A_2469, %dma_start3A_2470] : memref<8x128x64xf32, #tpu.memory_space<vmem>> -> memref<1x16x64xf32, #tpu.memory_space<vmem>>
        %dma_start3A_2472 = tpu.memref_squeeze %dma_start3A_2471 : memref<1x16x64xf32, #tpu.memory_space<vmem>> -> memref<16x64xf32, #tpu.memory_space<vmem>>
        %dma_start3A_2473 = arith.constant 0 : i32
        %dma_start3A_2474 = arith.constant 0 : i32
        %dma_start3A_2475 = tpu.memref_slice %arg3[%dma_start3A_2473, %dma_start3A_2474] : memref<1000000x64xf32, #tpu.memory_space<hbm>> -> memref<1000000x64xf32, #tpu.memory_space<hbm>>
        %dma_start3A_2476 = tpu.memref_slice %arg7[%dma_start3A_2468] : memref<8x!tpu.dma_semaphore, #tpu.memory_space<semaphore_mem>> -> memref<1x!tpu.dma_semaphore, #tpu.memory_space<semaphore_mem>>
        %dma_start3A_2477 = tpu.memref_squeeze %dma_start3A_2476 : memref<1x!tpu.dma_semaphore, #tpu.memory_space<semaphore_mem>> -> memref<!tpu.dma_semaphore, #tpu.memory_space<semaphore_mem>>
        tpu.enqueue_indirect_dma source(%dma_start3A_2475 : memref<1000000x64xf32, #tpu.memory_space<hbm>>) target(%dma_start3A_2472 : memref<16x64xf32, #tpu.memory_space<vmem>>) offsets(%get3A_2466 : vector<16xi32>) semaphore(%dma_start3A_2477 : memref<!tpu.dma_semaphore, #tpu.memory_space<semaphore_mem>>)
        %get3A_2478 = arith.index_cast %add3A_2432 : i32 to index
        %get3A_2479 = arith.constant 48 : index
        %get3A_2480 = tpu.vector_load %arg5[%get3A_2478, %get3A_2479] {strides = array<i32>} : memref<200x128xi32, #tpu.memory_space<vmem>>, vector<1x16xi32>,
        %get3A_2481 = vector.shape_cast %get3A_2480 : vector<1x16xi32> to vector<16xi32>
        %dma_start3A_2482 = arith.constant 7 : i32
        %dma_start3A_2483 = arith.constant 7 : i32
        %dma_start3A_2484 = arith.constant 48 : i32
        %dma_start3A_2485 = arith.constant 0 : i32
        %dma_start3A_2486 = tpu.memref_slice %arg6[%dma_start3A_2482, %dma_start3A_2484, %dma_start3A_2485] : memref<8x128x64xf32, #tpu.memory_space<vmem>> -> memref<1x16x64xf32, #tpu.memory_space<vmem>>
        %dma_start3A_2487 = tpu.memref_squeeze %dma_start3A_2486 : memref<1x16x64xf32, #tpu.memory_space<vmem>> -> memref<16x64xf32, #tpu.memory_space<vmem>>
        %dma_start3A_2488 = arith.constant 0 : i32
        %dma_start3A_2489 = arith.constant 0 : i32
        %dma_start3A_2490 = tpu.memref_slice %arg3[%dma_start3A_2488, %dma_start3A_2489] : memref<1000000x64xf32, #tpu.memory_space<hbm>> -> memref<1000000x64xf32, #tpu.memory_space<hbm>>
        %dma_start3A_2491 = tpu.memref_slice %arg7[%dma_start3A_2483] : memref<8x!tpu.dma_semaphore, #tpu.memory_space<semaphore_mem>> -> memref<1x!tpu.dma_semaphore, #tpu.memory_space<semaphore_mem>>
        %dma_start3A_2492 = tpu.memref_squeeze %dma_start3A_2491 : memref<1x!tpu.dma_semaphore, #tpu.memory_space<semaphore_mem>> -> memref<!tpu.dma_semaphore, #tpu.memory_space<semaphore_mem>>
        tpu.enqueue_indirect_dma source(%dma_start3A_2490 : memref<1000000x64xf32, #tpu.memory_space<hbm>>) target(%dma_start3A_2487 : memref<16x64xf32, #tpu.memory_space<vmem>>) offsets(%get3A_2481 : vector<16xi32>) semaphore(%dma_start3A_2492 : memref<!tpu.dma_semaphore, #tpu.memory_space<semaphore_mem>>)
        %get3A_2493 = arith.index_cast %add3A_2432 : i32 to index
        %get3A_2494 = arith.constant 64 : index
        %get3A_2495 = tpu.vector_load %arg5[%get3A_2493, %get3A_2494] {strides = array<i32>} : memref<200x128xi32, #tpu.memory_space<vmem>>, vector<1x16xi32>,
        %get3A_2496 = vector.shape_cast %get3A_2495 : vector<1x16xi32> to vector<16xi32>
        %dma_start3A_2497 = arith.constant 7 : i32
        %dma_start3A_2498 = arith.constant 7 : i32
        %dma_start3A_2499 = arith.constant 64 : i32
        %dma_start3A_2500 = arith.constant 0 : i32
        %dma_start3A_2501 = tpu.memref_slice %arg6[%dma_start3A_2497, %dma_start3A_2499, %dma_start3A_2500] : memref<8x128x64xf32, #tpu.memory_space<vmem>> -> memref<1x16x64xf32, #tpu.memory_space<vmem>>
        %dma_start3A_2502 = tpu.memref_squeeze %dma_start3A_2501 : memref<1x16x64xf32, #tpu.memory_space<vmem>> -> memref<16x64xf32, #tpu.memory_space<vmem>>
        %dma_start3A_2503 = arith.constant 0 : i32
        %dma_start3A_2504 = arith.constant 0 : i32
        %dma_start3A_2505 = tpu.memref_slice %arg3[%dma_start3A_2503, %dma_start3A_2504] : memref<1000000x64xf32, #tpu.memory_space<hbm>> -> memref<1000000x64xf32, #tpu.memory_space<hbm>>
        %dma_start3A_2506 = tpu.memref_slice %arg7[%dma_start3A_2498] : memref<8x!tpu.dma_semaphore, #tpu.memory_space<semaphore_mem>> -> memref<1x!tpu.dma_semaphore, #tpu.memory_space<semaphore_mem>>
        %dma_start3A_2507 = tpu.memref_squeeze %dma_start3A_2506 : memref<1x!tpu.dma_semaphore, #tpu.memory_space<semaphore_mem>> -> memref<!tpu.dma_semaphore, #tpu.memory_space<semaphore_mem>>
        tpu.enqueue_indirect_dma source(%dma_start3A_2505 : memref<1000000x64xf32, #tpu.memory_space<hbm>>) target(%dma_start3A_2502 : memref<16x64xf32, #tpu.memory_space<vmem>>) offsets(%get3A_2496 : vector<16xi32>) semaphore(%dma_start3A_2507 : memref<!tpu.dma_semaphore, #tpu.memory_space<semaphore_mem>>)
        %get3A_2508 = arith.index_cast %add3A_2432 : i32 to index
        %get3A_2509 = arith.constant 80 : index
        %get3A_2510 = tpu.vector_load %arg5[%get3A_2508, %get3A_2509] {strides = array<i32>} : memref<200x128xi32, #tpu.memory_space<vmem>>, vector<1x16xi32>,
        %get3A_2511 = vector.shape_cast %get3A_2510 : vector<1x16xi32> to vector<16xi32>
        %dma_start3A_2512 = arith.constant 7 : i32
        %dma_start3A_2513 = arith.constant 7 : i32
        %dma_start3A_2514 = arith.constant 80 : i32
        %dma_start3A_2515 = arith.constant 0 : i32
        %dma_start3A_2516 = tpu.memref_slice %arg6[%dma_start3A_2512, %dma_start3A_2514, %dma_start3A_2515] : memref<8x128x64xf32, #tpu.memory_space<vmem>> -> memref<1x16x64xf32, #tpu.memory_space<vmem>>
        %dma_start3A_2517 = tpu.memref_squeeze %dma_start3A_2516 : memref<1x16x64xf32, #tpu.memory_space<vmem>> -> memref<16x64xf32, #tpu.memory_space<vmem>>
        %dma_start3A_2518 = arith.constant 0 : i32
        %dma_start3A_2519 = arith.constant 0 : i32
        %dma_start3A_2520 = tpu.memref_slice %arg3[%dma_start3A_2518, %dma_start3A_2519] : memref<1000000x64xf32, #tpu.memory_space<hbm>> -> memref<1000000x64xf32, #tpu.memory_space<hbm>>
        %dma_start3A_2521 = tpu.memref_slice %arg7[%dma_start3A_2513] : memref<8x!tpu.dma_semaphore, #tpu.memory_space<semaphore_mem>> -> memref<1x!tpu.dma_semaphore, #tpu.memory_space<semaphore_mem>>
        %dma_start3A_2522 = tpu.memref_squeeze %dma_start3A_2521 : memref<1x!tpu.dma_semaphore, #tpu.memory_space<semaphore_mem>> -> memref<!tpu.dma_semaphore, #tpu.memory_space<semaphore_mem>>
        tpu.enqueue_indirect_dma source(%dma_start3A_2520 : memref<1000000x64xf32, #tpu.memory_space<hbm>>) target(%dma_start3A_2517 : memref<16x64xf32, #tpu.memory_space<vmem>>) offsets(%get3A_2511 : vector<16xi32>) semaphore(%dma_start3A_2522 : memref<!tpu.dma_semaphore, #tpu.memory_space<semaphore_mem>>)
        %get3A_2523 = arith.index_cast %add3A_2432 : i32 to index
        %get3A_2524 = arith.constant 96 : index
        %get3A_2525 = tpu.vector_load %arg5[%get3A_2523, %get3A_2524] {strides = array<i32>} : memref<200x128xi32, #tpu.memory_space<vmem>>, vector<1x16xi32>,
        %get3A_2526 = vector.shape_cast %get3A_2525 : vector<1x16xi32> to vector<16xi32>
        %dma_start3A_2527 = arith.constant 7 : i32
        %dma_start3A_2528 = arith.constant 7 : i32
        %dma_start3A_2529 = arith.constant 96 : i32
        %dma_start3A_2530 = arith.constant 0 : i32
        %dma_start3A_2531 = tpu.memref_slice %arg6[%dma_start3A_2527, %dma_start3A_2529, %dma_start3A_2530] : memref<8x128x64xf32, #tpu.memory_space<vmem>> -> memref<1x16x64xf32, #tpu.memory_space<vmem>>
        %dma_start3A_2532 = tpu.memref_squeeze %dma_start3A_2531 : memref<1x16x64xf32, #tpu.memory_space<vmem>> -> memref<16x64xf32, #tpu.memory_space<vmem>>
        %dma_start3A_2533 = arith.constant 0 : i32
        %dma_start3A_2534 = arith.constant 0 : i32
        %dma_start3A_2535 = tpu.memref_slice %arg3[%dma_start3A_2533, %dma_start3A_2534] : memref<1000000x64xf32, #tpu.memory_space<hbm>> -> memref<1000000x64xf32, #tpu.memory_space<hbm>>
        %dma_start3A_2536 = tpu.memref_slice %arg7[%dma_start3A_2528] : memref<8x!tpu.dma_semaphore, #tpu.memory_space<semaphore_mem>> -> memref<1x!tpu.dma_semaphore, #tpu.memory_space<semaphore_mem>>
        %dma_start3A_2537 = tpu.memref_squeeze %dma_start3A_2536 : memref<1x!tpu.dma_semaphore, #tpu.memory_space<semaphore_mem>> -> memref<!tpu.dma_semaphore, #tpu.memory_space<semaphore_mem>>
        tpu.enqueue_indirect_dma source(%dma_start3A_2535 : memref<1000000x64xf32, #tpu.memory_space<hbm>>) target(%dma_start3A_2532 : memref<16x64xf32, #tpu.memory_space<vmem>>) offsets(%get3A_2526 : vector<16xi32>) semaphore(%dma_start3A_2537 : memref<!tpu.dma_semaphore, #tpu.memory_space<semaphore_mem>>)
        %get3A_2538 = arith.index_cast %add3A_2432 : i32 to index
        %get3A_2539 = arith.constant 112 : index
        %get3A_2540 = tpu.vector_load %arg5[%get3A_2538, %get3A_2539] {strides = array<i32>} : memref<200x128xi32, #tpu.memory_space<vmem>>, vector<1x16xi32>,
        %get3A_2541 = vector.shape_cast %get3A_2540 : vector<1x16xi32> to vector<16xi32>
        %dma_start3A_2542 = arith.constant 7 : i32
        %dma_start3A_2543 = arith.constant 7 : i32
        %dma_start3A_2544 = arith.constant 112 : i32
        %dma_start3A_2545 = arith.constant 0 : i32
        %dma_start3A_2546 = tpu.memref_slice %arg6[%dma_start3A_2542, %dma_start3A_2544, %dma_start3A_2545] : memref<8x128x64xf32, #tpu.memory_space<vmem>> -> memref<1x16x64xf32, #tpu.memory_space<vmem>>
        %dma_start3A_2547 = tpu.memref_squeeze %dma_start3A_2546 : memref<1x16x64xf32, #tpu.memory_space<vmem>> -> memref<16x64xf32, #tpu.memory_space<vmem>>
        %dma_start3A_2548 = arith.constant 0 : i32
        %dma_start3A_2549 = arith.constant 0 : i32
        %dma_start3A_2550 = tpu.memref_slice %arg3[%dma_start3A_2548, %dma_start3A_2549] : memref<1000000x64xf32, #tpu.memory_space<hbm>> -> memref<1000000x64xf32, #tpu.memory_space<hbm>>
        %dma_start3A_2551 = tpu.memref_slice %arg7[%dma_start3A_2543] : memref<8x!tpu.dma_semaphore, #tpu.memory_space<semaphore_mem>> -> memref<1x!tpu.dma_semaphore, #tpu.memory_space<semaphore_mem>>
        %dma_start3A_2552 = tpu.memref_squeeze %dma_start3A_2551 : memref<1x!tpu.dma_semaphore, #tpu.memory_space<semaphore_mem>> -> memref<!tpu.dma_semaphore, #tpu.memory_space<semaphore_mem>>
        tpu.enqueue_indirect_dma source(%dma_start3A_2550 : memref<1000000x64xf32, #tpu.memory_space<hbm>>) target(%dma_start3A_2547 : memref<16x64xf32, #tpu.memory_space<vmem>>) offsets(%get3A_2541 : vector<16xi32>) semaphore(%dma_start3A_2552 : memref<!tpu.dma_semaphore, #tpu.memory_space<semaphore_mem>>)
      } else {
      }
    }
    %scan3A_1029 = arith.constant 25 : i32
    return
  }
}

</mosaic_0001>

<sc_bundles>
// kernel: _embed.3.cloned.1.call-start
scs
__scs_entry_jumppad:
0x0: {  	(pc) =	sbr.rel $0x88, $3  }
0x1: {  	(tag) =	ssettag $0x0;
	lr =	simm.s32 $0x1  }
0x2: {  	[smem:$0x3F9F] =	sst lr;
	_ =	strace $0xD0000000  }
0x3: {  	_ = 	snop  }
0x4: {  	_ = 	snop  }
0x5: {  	_ = 	snop  }
0x6: {  	_ = 	snop  }
0x7: {  	_ = 	snop  }
__scs_overlays_trampoline_lowered:
0x8: {  	[smem:$0x3FAE] =	sst s0  }
0x9: {  	[smem:$0x3FAF] =	sst s1  }
0xa: {  	[smem:$0x3FB0] =	sst s2  }
0xb: {  	[smem:$0x3FB1] =	sst s3  }
0xc: {  	[smem:$0x3FB2] =	sst s4  }
0xd: {  	[smem:$0x3FB3] =	sst s5  }
0xe: {  	[smem:$0x3FB4] =	sst s6  }
0xf: {  	[smem:$0x3FB5] =	sst s7  }
0x10: {  	[smem:$0x3FB6] =	sst s8  }
0x11: {  	[smem:$0x3FB7] =	sst s9;
	s0 =	simm.s32 @!p0 $0x0  }
0x12: {  	s1 =	sld [smem:$0x3F9D];
	s0 =	simm.s32 @p0 $0x1  }
0x13: {  	[smem:$0x3FB8] =	sst s0;
	s0 =	simm.s32 @!p1 $0x0  }
0x14: {  	s2 =	sld [smem:$0x3F9C];
	s0 =	simm.s32 @p1 $0x1  }
0x15: {  	[smem:$0x3FB9] =	sst s0;
	s0 =	simm.s32 @!p2 $0x0  }
0x16: {  	s3 =	sld [smem:$0x3FDB];
	s0 =	simm.s32 @p2 $0x1  }
0x17: {  	s4 =	simm.s32 $0x1BF5;
	[smem:$0x3FBB] =	sst s0  }
0x18: {  	s0 =	sld [smem:$0x3F9E];
	_ =	swait.ge [sflag:s4], $0x0  }
0x19: {  	s7 =	sld [smem:$0x3F9F]  }
0x1a: {  	s8 =	sadd.s32 $0xFFFFE003, lr  }
0x1b: {  	s9 =	sadd.s32 $0xFFFFFEF7, lr;
	s5 =	simm.s32 $0xFFFFFFFF;
	p2 =	slt.u32 s8, $0xFFFFF086  }
0x1c: {  	p1 =	slt.u32 s9, $0xF7A;
	s5 =	simm.s32 @!p2 $0x0  }
0x1d: {  	s5 =	simm.s32 @p1 $0x1;
	p0 =	seq.s32 s7, s2  }
0x1e: {  	s7 =	smul.u32 @!p0 $0xF7A, s2;
	p2 =	seq.s32 @!p0 s5, $0x0  }
0x1f: {  	s9 =	smul.u32 $0xF7A, s1;
	s8 =	simm.s32 @!p0 $0x1BF5;
	p2 =	por !p2, p0  }
0x20: {  	[sflag:s8] =	ssyncset.s32 @!p0 $0xFFFFF086;
	s6 =	sadd.s32 @!p0 s3, s7;
	s7 =	simm.s32 @!p0 $0x108  }
0x21: {  	s3 =	sadd.s32 s3, s9;
	s6 =	sadd.s32 @!p0 $0x88, s6;
	s7 =	simm.s32 @p2 $0x1082  }
0x22: {  	[simem:s7], [sflag:s8] =	dma.local @!p0 [hbm:s6], $0xF7A  }
0x23: {  	s9 =	sor.u32 $0xD0000000, s2;
	s6 =	simm.s32 $0x108;
	_ =	swait.ge @!p0 [sflag:s8], $0x0  }
0x24: {  	s3 =	sadd.s32 $0x88, s3;
	s6 =	simm.s32 @!p1 $0x1082;
	[sflag:s4] =	ssyncset.s32 $0xFFFFF086  }
0x25: {  	[simem:s6], [sflag:s4] =	dma.local [hbm:s3], $0xF7A  }
0x26: {  	[smem:$0x3F9F] =	sst s1;
	(tag) =	ssettag s2;
	_ =	strace s9  }
0x27: {  	s1 =	sld [smem:$0x3FAF]  }
0x28: {  	s2 =	sld [smem:$0x3FB0]  }
0x29: {  	s4 =	sld [smem:$0x3FB2]  }
0x2a: {  	p0 =	seq.s32 s5, $0x0;
	s5 =	sld [smem:$0x3FB3]  }
0x2b: {  	s6 =	sld [smem:$0x3FB4]  }
0x2c: {  	s7 =	sld [smem:$0x3FB5]  }
0x2d: {  	s3 =	simm.s32 $0x108;
	s8 =	sld [smem:$0x3FB6]  }
0x2e: {  	s3 =	simm.s32 @!p0 $0x1082;
	s9 =	sld [smem:$0x3FB7]  }
0x2f: {  	lr =	sadd.s32 s0, s3;
	s0 =	sld [smem:$0x3FAE]  }
0x30: {  	s3 =	sld [smem:$0x3FB1]  }
0x31: {  	[smem:$0x3FBA] =	sst s10  }
0x32: {  	s10 =	sld [smem:$0x3FB8];
	_ =	sdelay $0x3  }
0x33: {  	p0 =	seq.s32 s10, $0x1;
	s10 =	sld [smem:$0x3FBA];
	_ =	sdelay $0x3  }
0x34: {  	[smem:$0x3FBA] =	sst s10  }
0x35: {  	s10 =	sld [smem:$0x3FB9];
	_ =	sdelay $0x3  }
0x36: {  	p1 =	seq.s32 s10, $0x1;
	s10 =	sld [smem:$0x3FBA];
	_ =	sdelay $0x3  }
0x37: {  	[smem:$0x3FBA] =	sst s10  }
0x38: {  	s10 =	sld [smem:$0x3FBB]  }
0x39: {  	_ = 	snop;
	(pc) =	sbr.ind lr, $3  }
0x3a: {  	_ = 	snop  }
0x3b: {  	_ = 	snop  }
0x3c: {  	p2 =	seq.s32 s10, $0x1;
	s10 =	sld [smem:$0x3FBA]  }
0x3d: {  	_ =	shalt  }
0x3e: {  	_ =	shalt  }
0x3f: {  	_ =	shalt  }
0x40: {  	_ =	shalt  }
0x41: {  	_ =	shalt  }
0x42: {  	_ =	shalt  }
0x43: {  	_ =	shalt  }
0x44: {  	_ =	shalt  }
0x45: {  	_ =	shalt  }
0x46: {  	_ =	shalt  }
0x47: {  	_ =	shalt  }
0x48: {  	_ =	shalt  }
0x49: {  	_ =	shalt  }
0x4a: {  	_ =	shalt  }
0x4b: {  	_ =	shalt  }
0x4c: {  	_ =	shalt  }
0x4d: {  	_ =	shalt  }
0x4e: {  	_ =	shalt  }
0x4f: {  	_ =	shalt  }
0x50: {  	_ =	shalt  }
0x51: {  	_ =	shalt  }
0x52: {  	_ =	shalt  }
0x53: {  	_ =	shalt  }
0x54: {  	_ =	shalt  }
0x55: {  	_ =	shalt  }
0x56: {  	_ =	shalt  }
0x57: {  	_ =	shalt  }
0x58: {  	_ =	shalt  }
0x59: {  	_ =	shalt  }
0x5a: {  	_ =	shalt  }
0x5b: {  	_ =	shalt  }
0x5c: {  	_ =	shalt  }
0x5d: {  	_ =	shalt  }
0x5e: {  	_ =	shalt  }
0x5f: {  	_ =	shalt  }
0x60: {  	_ =	shalt  }
0x61: {  	_ =	shalt  }
0x62: {  	_ =	shalt  }
0x63: {  	_ =	shalt  }
0x64: {  	_ =	shalt  }
0x65: {  	_ =	shalt  }
0x66: {  	_ =	shalt  }
0x67: {  	_ =	shalt  }
0x68: {  	_ =	shalt  }
0x69: {  	_ =	shalt  }
0x6a: {  	_ =	shalt  }
0x6b: {  	_ =	shalt  }
0x6c: {  	_ =	shalt  }
0x6d: {  	_ =	shalt  }
0x6e: {  	_ =	shalt  }
0x6f: {  	_ =	shalt  }
0x70: {  	_ =	shalt  }
0x71: {  	_ =	shalt  }
0x72: {  	_ =	shalt  }
0x73: {  	_ =	shalt  }
0x74: {  	_ =	shalt  }
0x75: {  	_ =	shalt  }
0x76: {  	_ =	shalt  }
0x77: {  	_ =	shalt  }
0x78: {  	_ =	shalt  }
0x79: {  	_ =	shalt  }
0x7a: {  	_ =	shalt  }
0x7b: {  	_ =	shalt  }
0x7c: {  	_ =	shalt  }
0x7d: {  	_ =	shalt  }
0x7e: {  	_ =	shalt  }
0x7f: {  	_ =	shalt  }
0x80: {  	_ =	shalt  }
0x81: {  	_ =	shalt  }
0x82: {  	_ =	shalt  }
0x83: {  	_ =	shalt  }
0x84: {  	_ =	shalt  }
0x85: {  	_ =	shalt  }
0x86: {  	_ =	shalt  }
0x87: {  	_ =	shalt  }
.Lfunc_end0:
.L_simem_size_0:
called_computation.1_lowered:
.L_overlay_start_0:
0x88: {  	s2 =	sld [smem:$0x3FD9]  }
0x89: {  	s3 =	sld [smem:$0x3FFE];
	_ =	sdelay $0x1  }
0x8a: {  	s1 =	srdreg.scid  }
0x8b: {  	s0 =	sand.u32 $0x1, s1  }
0x8c: {  	s17 =	sshll.u32 s0, $0xA;
	s2 =	sadd.s32 s3, s2  }
0x8d: {  	s2 =	sadd.s32 s2, s17  }
0x8e: {  	[smem:$0x3FC6] =	sst s2  }
0x8f: {  	_ = 	snop  }
0x90: {  	s2 =	sld [smem:$0x3FD0];
	(tm) =	ssettm $0x1  }
0x91: {  	s18 =	sld [smem:$0x3FFB];
	_ =	sdelay $0x3  }
0x92: {  	_ =	strace s18  }
0x93: {  	s3 =	sld [smem:$0x3FFC];
	_ =	sdelay $0x3  }
0x94: {  	_ =	strace s3  }
0x95: {  	s3 =	sld [smem:$0x3FFD];
	_ =	sdelay $0x3  }
0x96: {  	_ =	strace s3  }
0x97: {  	_ =	strace $0x8FFFFFFF  }
0x98: {  	s19 =	sld [smem:$0x3FDB];
	_ =	sdelay $0x1  }
0x99: {  	s4 =	simm.s32 $_scs_section_size  }
0x9a: {  	s5 =	simm.s32 $_size__tile_overlayer_lowered;
	s6 =	simm.s32 $_tile_overlayer_lowered  }
0x9b: {  	s22 =	simm.s32 $0x1BFF;
	s21 =	sshll.u32 s6, $0x1;
	s3 =	sadd.s32 s4, s19  }
0x9c: {  	s7 =	simm.s32 $0x0;
	s20 =	sshll.u32 s5, $0x1;
	s5 =	sadd.s32 s21, s3  }
0x9d: {  	[timem:s7], [sflag:s22] =	dma.local [hbm:s5], s20  }
0x9e: {  	_ =	swait.ge [sflag:s22], s20  }
0x9f: {  	s4 =	ssub.s32 $0x0, s20;
	[sflag:s22] =	ssyncset.done $0x0  }
0xa0: {  	[sflag:s22] =	ssyncadd.s32 s4;
	_ =	sdelay $0x1  }
0xa1: {  	s23 =	simm.s32 $0x1B8B  }
0xa2: {  	_ =	swait.ge [sflag:s23], $0x1  }
0xa3: {  	[sflag:s23] =	ssyncset.done $0x0  }
0xa4: {  	s25 =	simm.s32 $0x1B8E;
	s24 =	sld [smem:$0x3FFE];
	[sflag:s23] =	ssyncadd.s32 $0xFFFFFFFF  }
0xa5: {  	s26 =	simm.s32 $execute0_lowered;
	[smem:$0x3FD2] =	sst s25  }
0xa6: {  	s5 =	sshll.u32 s26, $0x1;
	_ =	strace $0x80000046;
	[dreg:$0x1] =	wrdreg $0xFFFFFFFF  }
0xa7: {  	s28 =	simm.s32 $_size_execute0_lowered;
	s3 =	sadd.s32 s3, s5;
	[dreg:$0x0] =	wrdreg $0x0  }
0xa8: {  	s5 =	sshll.u32 s28, $0x1;
	[dreg:$0x2] =	wrdreg s3  }
0xa9: {  	[dreg:$0x3] =	wrdreg s5  }
0xaa: {  	[dreg:$0x4] =	wrdreg $0xC0  }
0xab: {  	_ =	task [dreg:s7], $0x5FFFF  }
0xac: {  	[dreg:$0x1] =	wrdreg $0xFFFFFFFF  }
0xad: {  	[dreg:$0x0] =	wrdreg $0x60  }
0xae: {  	[dreg:$0x2] =	wrdreg s24  }
0xaf: {  	[dreg:$0x3] =	wrdreg s2  }
0xb0: {  	[dreg:$0x4] =	wrdreg $0x9  }
0xb1: {  	_ =	task.clear_ibuf [dreg:s7], $0x5FFFF;
	_ =	strace $0x90000046  }
0xb2: {  	s29 =	simm.s32 $0x9;
	_ =	strace $0x80000048  }
0xb3: {  	_ =	swait.ge [sflag:s29], $0x1  }
0xb4: {  	[sflag:s29] =	ssyncadd.s32 $0xFFFFFFFF  }
0xb5: {  	_ =	strace $0x90000048  }
0xb6: {  	_ =	sfence  }
0xb7: {  	s30 =	sld [smem:$0x0];
	_ =	sdelay $0x2  }
0xb8: {  	s31 =	sshll.u32 s1, $0xD;
	s1 =	sshrl.u32 s1, $0x2  }
0xb9: {  	s3 =	sand.u32 $0x4000, s31;
	s1 =	sadd.s32 s1, s30  }
0xba: {  	s0 =	sor.u32 s3, s0;
	s1 =	sshll.u32 s1, $0x11  }
0xbb: {  	s0 =	sor.u32 s1, s0  }
0xbc: {  	s0 =	sadd.s32 $0x8F2B, s0  }
0xbd: {  	[sflag:s0] =	ssyncadd.remote.s32 $0x1  }
0xbe: {  	_ =	sfence.sel $0xFFFF  }
0xbf: {  	[dreg:$0x0] =	wrdreg $0xFFFFFFFF;
	(pc) =	sbr.abs _section_cstart, $3  }
0xc0: {  	[dreg:$0x1] =	wrdreg $0xFFFFFFFF  }
0xc1: {  	_ =	task.clear_ibuf [dreg:s7], $0x2FFFF;
	_ =	strace $0x9FFFFFFF  }
0xc2: {  	(tm) =	ssettm $0x7FFFFFFF  }
0xc3: {  	_ =	shalt  }
tec
execute0_lowered:
.L_overlay_start_1:
0x0: {  	(tag) =	ssettag $0x1  }
0x1: {  	s0 =	srdreg.scid  }
0x2: {  	s6 =	stileid.u32;
	s3 =	rddreg [dreg:$0x0]  }
0x3: {  	s4 =	rddreg [dreg:$0x1];
	s2 =	simm.s32 $0x0;
	s15 =	simm.s32 $0x6400  }
0x4: {  	s19 =	simm.s32 $0xC400;
	s29 =	simm.s32 $0xE400;
	s17 =	simm.s32 $0x10400  }
0x5: {  	s28 =	simm.s32 $0x12400;
	s18 =	simm.s32 $0x14400;
	s31 =	simm.s32 $0x1  }
0x6: {  	s14 =	simm.s32 $0x5;
	s16 =	simm.s32 $0x6;
	s30 =	simm.s32 $0xD  }
0x7: {  	s10 =	simm.s32 $0x0;
	s0 =	sand.u32 $0x1, s0;
	s5 =	smul.u32 $0x320000, s6  }
0x8: {  	s1 =	sshll.u32 s6, $0x1;
	[smem:$0x7FF] =	sst s2;
	s6 =	smul.u32 $0xC800, s6  }
0x9: {  	s1 =	sor.u32 s0, s1;
	s7 =	ssub.s32 $0x2, s0;
	s8 =	smul.u32 $0x6400, s0  }
0xa: {  	_ =	strace $0x80000047;
	s0 =	smul.u32 $0x190000, s0;
	s9 =	sshrl.u32 s7, $0x1  }
0xb: {  	s1 =	smul.u32 $0xC80, s1;
	s7 =	ssub.s32 s7, s9;
	s6 =	sadd.s32 s8, s6  }
0xc: {  	s0 =	sadd.s32 s0, s5;
	s5 =	simm.s32 $0x4;
	s8 =	simm.s32 $0x10  }
0xd: {  	s1 =	sadd.s32 s1, s3;
	s3 =	sadd.s32 $0xF42E00, s3;
	s20 =	sshll.u32 s6, $0x3  }
0xe: {  	s21 =	smax.u32 s7, $0x1;
	s0 =	sshrl.u32 s0, $0x3;
	s6 =	simm.s32 $0xE  }
0xf: {  	s7 =	simm.s32 $0xF;
	s1 =	sadd.s32 $0xA00, s1;
	[dreg:$0x4] =	wrdreg s21  }
0x10: {  	s0 =	sadd.s32 s0, s4;
	s21 =	simm.s32 $0x8;
	[dreg:$0x3] =	wrdreg s1  }
0x11: {  	s1 =	sadd.s32 s20, s4;
	[dreg:$0x5] =	wrdreg s0;
	s0 =	simm.s32 $0x2  }
0x12: {  	s4 =	simm.s32 $0x3;
	s20 =	simm.s32 $0x7;
	s22 =	sadd.s32 $0x1C00, s1  }
0x13: {  	s23 =	sadd.s32 $0x1800, s1;
	s24 =	sadd.s32 $0x1400, s1;
	[dreg:$0x6] =	wrdreg s22  }
.Ltmp0:
0x14: {  	s25 =	sadd.s32 $0x1000, s1;
	[dreg:$0x7] =	wrdreg s23;
	(pc) =	sbr.rel .LBB2_1-.Ltmp0, $4  }
0x15: {  	s26 =	sadd.s32 $0xC00, s1;
	s12 =	sadd.s32 $0x800, s1;
	[dreg:$0x8] =	wrdreg s24  }
0x16: {  	s13 =	sadd.s32 $0x400, s1;
	s1 =	simm.s32 $0xA400;
	[dreg:$0x9] =	wrdreg s25  }
0x17: {  	[dreg:$0xa] =	wrdreg s26;
	s23 =	simm.s32 $0x8400;
	s22 =	simm.s32 $0x9  }
0x18: {  	vm0 =	vmmov $0xffff;
	s24 =	simm.s32 $0xA;
	s25 =	simm.s32 $0xB;
	s26 =	simm.s32 $0xC  }
.LBB2_3:
0x19: {  	_ =	swait.ge [sflag:s24], $0x2000  }
0x1a: {  	[sflag:s24] =	ssyncset.done $0x0  }
0x1b: {  	[sflag:s24] =	ssyncadd.s32 $0xFFFFE000  }
0x1c: {  	_ =	swait.ge [sflag:s25], $0x2000  }
0x1d: {  	[sflag:s25] =	ssyncset.done $0x0  }
0x1e: {  	[sflag:s25] =	ssyncadd.s32 $0xFFFFE000  }
0x1f: {  	_ =	swait.ge [sflag:s26], $0x2000  }
0x20: {  	[sflag:s26] =	ssyncset.done $0x0  }
0x21: {  	[sflag:s26] =	ssyncadd.s32 $0xFFFFE000  }
0x22: {  	_ =	swait.ge [sflag:s30], $0x2000  }
0x23: {  	[sflag:s30] =	ssyncset.done $0x0  }
0x24: {  	[sflag:s30] =	ssyncadd.s32 $0xFFFFE000  }
0x25: {  	_ =	swait.ge [sflag:s6], $0x2000  }
0x26: {  	[sflag:s6] =	ssyncset.done $0x0  }
0x27: {  	[sflag:s6] =	ssyncadd.s32 $0xFFFFE000  }
0x28: {  	_ =	swait.ge [sflag:s7], $0x2000  }
0x29: {  	[sflag:s7] =	ssyncset.done $0x0  }
0x2a: {  	[sflag:s7] =	ssyncadd.s32 $0xFFFFE000  }
0x2b: {  	_ =	swait.ge [sflag:s8], $0x2000  }
0x2c: {  	[sflag:s8] =	ssyncset.done $0x0  }
0x2d: {  	[sflag:s8] =	ssyncadd.s32 $0xFFFFE000  }
.LBB2_5:
0x2e: {  	s10 =	rddreg [dreg:$0xb]  }
0x2f: {  	s9 =	rddreg [dreg:$0x4];
	s10 =	sadd.s32 $0x1, s10  }
0x30: {  	p0 =	sne.s32 s10, s9  }
.Ltmp1:
0x31: {  	_ = 	snop;
	(pc) =	sbr.rel @!p0 .LBB2_6-.Ltmp1, $1  }
0x32: {  	_ =	sdelay $0x3  }
.LBB2_1:
0x33: {  	[dreg:$0xb] =	wrdreg s10  }
0x34: {  	s9 =	rddreg [dreg:$0x3];
	s11 =	simm.s32 $0x11  }
0x35: {  	[tilespmem:s2], [sflag:$0x11] =	stream.linear.gather [hbm4b:s9+s2], $0x6400, $0x38;
	[tilespmem:$0x16400] =	vst v63  }
0x36: {  	_ =	swait.ge [sflag:s11], $0x6400  }
0x37: {  	[sflag:s11] =	ssyncset.done $0x0  }
0x38: {  	[sflag:s11] =	ssyncadd.s32 $0xFFFF9C00  }
0x39: {  	v0 =	vld [tilespmem:$0x0];
	_ =	sdelay $0x7  }
0x3a: {  	[tilespmem:s15], [sflag:$0x1] =	stream.indirect_vreg.gather [hbm4b:s3+s2], $0x40, v0, vm0, $0xb8;
	[tilespmem:$0x16400] =	vst v63  }
0x3b: {  	v0 =	vld [tilespmem:$0x10];
	_ =	sdelay $0x6  }
0x3c: {  	s10 =	simm.s32 $0x6800  }
0x3d: {  	[tilespmem:s10], [sflag:$0x1] =	stream.indirect_vreg.gather [hbm4b:s3+s2], $0x40, v0, vm0, $0xb8;
	[tilespmem:$0x16400] =	vst v63  }
0x3e: {  	v0 =	vld [tilespmem:$0x20];
	_ =	sdelay $0x6  }
0x3f: {  	s11 =	simm.s32 $0x6C00  }
0x40: {  	[tilespmem:s11], [sflag:$0x1] =	stream.indirect_vreg.gather [hbm4b:s3+s2], $0x40, v0, vm0, $0xb8;
	[tilespmem:$0x16400] =	vst v63  }
0x41: {  	v0 =	vld [tilespmem:$0x30];
	_ =	sdelay $0x6  }
0x42: {  	s10 =	simm.s32 $0x7000  }
0x43: {  	[tilespmem:s10], [sflag:$0x1] =	stream.indirect_vreg.gather [hbm4b:s3+s2], $0x40, v0, vm0, $0xb8;
	[tilespmem:$0x16400] =	vst v63  }
0x44: {  	v0 =	vld [tilespmem:$0x40];
	_ =	sdelay $0x6  }
0x45: {  	s11 =	simm.s32 $0x7400  }
0x46: {  	[tilespmem:s11], [sflag:$0x1] =	stream.indirect_vreg.gather [hbm4b:s3+s2], $0x40, v0, vm0, $0xb8;
	[tilespmem:$0x16400] =	vst v63  }
0x47: {  	v0 =	vld [tilespmem:$0x50];
	_ =	sdelay $0x6  }
0x48: {  	s10 =	simm.s32 $0x7800  }
0x49: {  	[tilespmem:s10], [sflag:$0x1] =	stream.indirect_vreg.gather [hbm4b:s3+s2], $0x40, v0, vm0, $0xb8;
	[tilespmem:$0x16400] =	vst v63  }
0x4a: {  	v0 =	vld [tilespmem:$0x60];
	_ =	sdelay $0x6  }
0x4b: {  	s11 =	simm.s32 $0x7C00  }
0x4c: {  	[tilespmem:s11], [sflag:$0x1] =	stream.indirect_vreg.gather [hbm4b:s3+s2], $0x40, v0, vm0, $0xb8;
	[tilespmem:$0x16400] =	vst v63  }
0x4d: {  	v0 =	vld [tilespmem:$0x70];
	_ =	sdelay $0x6  }
0x4e: {  	s10 =	simm.s32 $0x8000  }
0x4f: {  	[tilespmem:s10], [sflag:$0x1] =	stream.indirect_vreg.gather [hbm4b:s3+s2], $0x40, v0, vm0, $0xb8;
	[tilespmem:$0x16400] =	vst v63  }
0x50: {  	v0 =	vld [tilespmem:$0x80];
	_ =	sdelay $0x7  }
0x51: {  	[tilespmem:s23], [sflag:$0x2] =	stream.indirect_vreg.gather [hbm4b:s3+s2], $0x40, v0, vm0, $0xb8;
	[tilespmem:$0x16400] =	vst v63  }
0x52: {  	v0 =	vld [tilespmem:$0x90];
	_ =	sdelay $0x6  }
0x53: {  	s11 =	simm.s32 $0x8800  }
0x54: {  	[tilespmem:s11], [sflag:$0x2] =	stream.indirect_vreg.gather [hbm4b:s3+s2], $0x40, v0, vm0, $0xb8;
	[tilespmem:$0x16400] =	vst v63  }
0x55: {  	v0 =	vld [tilespmem:$0xA0];
	_ =	sdelay $0x6  }
0x56: {  	s10 =	simm.s32 $0x8C00  }
0x57: {  	[tilespmem:s10], [sflag:$0x2] =	stream.indirect_vreg.gather [hbm4b:s3+s2], $0x40, v0, vm0, $0xb8;
	[tilespmem:$0x16400] =	vst v63  }
0x58: {  	v0 =	vld [tilespmem:$0xB0];
	_ =	sdelay $0x6  }
0x59: {  	s11 =	simm.s32 $0x9000  }
0x5a: {  	[tilespmem:s11], [sflag:$0x2] =	stream.indirect_vreg.gather [hbm4b:s3+s2], $0x40, v0, vm0, $0xb8;
	[tilespmem:$0x16400] =	vst v63  }
0x5b: {  	v0 =	vld [tilespmem:$0xC0];
	_ =	sdelay $0x6  }
0x5c: {  	s10 =	simm.s32 $0x9400  }
0x5d: {  	[tilespmem:s10], [sflag:$0x2] =	stream.indirect_vreg.gather [hbm4b:s3+s2], $0x40, v0, vm0, $0xb8;
	[tilespmem:$0x16400] =	vst v63  }
0x5e: {  	v0 =	vld [tilespmem:$0xD0];
	_ =	sdelay $0x6  }
0x5f: {  	s11 =	simm.s32 $0x9800  }
0x60: {  	[tilespmem:s11], [sflag:$0x2] =	stream.indirect_vreg.gather [hbm4b:s3+s2], $0x40, v0, vm0, $0xb8;
	[tilespmem:$0x16400] =	vst v63  }
0x61: {  	v0 =	vld [tilespmem:$0xE0];
	_ =	sdelay $0x6  }
0x62: {  	s10 =	simm.s32 $0x9C00  }
0x63: {  	[tilespmem:s10], [sflag:$0x2] =	stream.indirect_vreg.gather [hbm4b:s3+s2], $0x40, v0, vm0, $0xb8;
	[tilespmem:$0x16400] =	vst v63  }
0x64: {  	v0 =	vld [tilespmem:$0xF0];
	_ =	sdelay $0x6  }
0x65: {  	s11 =	simm.s32 $0xA000  }
0x66: {  	[tilespmem:s11], [sflag:$0x2] =	stream.indirect_vreg.gather [hbm4b:s3+s2], $0x40, v0, vm0, $0xb8;
	[tilespmem:$0x16400] =	vst v63  }
0x67: {  	v0 =	vld [tilespmem:$0x100];
	_ =	sdelay $0x7  }
0x68: {  	[tilespmem:s1], [sflag:$0x3] =	stream.indirect_vreg.gather [hbm4b:s3+s2], $0x40, v0, vm0, $0xb8;
	[tilespmem:$0x16400] =	vst v63  }
0x69: {  	v0 =	vld [tilespmem:$0x110];
	_ =	sdelay $0x6  }
0x6a: {  	s10 =	simm.s32 $0xA800  }
0x6b: {  	[tilespmem:s10], [sflag:$0x3] =	stream.indirect_vreg.gather [hbm4b:s3+s2], $0x40, v0, vm0, $0xb8;
	[tilespmem:$0x16400] =	vst v63  }
0x6c: {  	v0 =	vld [tilespmem:$0x120];
	_ =	sdelay $0x6  }
0x6d: {  	s11 =	simm.s32 $0xAC00  }
0x6e: {  	[tilespmem:s11], [sflag:$0x3] =	stream.indirect_vreg.gather [hbm4b:s3+s2], $0x40, v0, vm0, $0xb8;
	[tilespmem:$0x16400] =	vst v63  }
0x6f: {  	v0 =	vld [tilespmem:$0x130];
	_ =	sdelay $0x6  }
0x70: {  	s10 =	simm.s32 $0xB000  }
0x71: {  	[tilespmem:s10], [sflag:$0x3] =	stream.indirect_vreg.gather [hbm4b:s3+s2], $0x40, v0, vm0, $0xb8;
	[tilespmem:$0x16400] =	vst v63  }
0x72: {  	v0 =	vld [tilespmem:$0x140];
	_ =	sdelay $0x6  }
0x73: {  	s11 =	simm.s32 $0xB400  }
0x74: {  	[tilespmem:s11], [sflag:$0x3] =	stream.indirect_vreg.gather [hbm4b:s3+s2], $0x40, v0, vm0, $0xb8;
	[tilespmem:$0x16400] =	vst v63  }
0x75: {  	v0 =	vld [tilespmem:$0x150];
	_ =	sdelay $0x6  }
0x76: {  	s10 =	simm.s32 $0xB800  }
0x77: {  	[tilespmem:s10], [sflag:$0x3] =	stream.indirect_vreg.gather [hbm4b:s3+s2], $0x40, v0, vm0, $0xb8;
	[tilespmem:$0x16400] =	vst v63  }
0x78: {  	v0 =	vld [tilespmem:$0x160];
	_ =	sdelay $0x6  }
0x79: {  	s11 =	simm.s32 $0xBC00  }
0x7a: {  	[tilespmem:s11], [sflag:$0x3] =	stream.indirect_vreg.gather [hbm4b:s3+s2], $0x40, v0, vm0, $0xb8;
	[tilespmem:$0x16400] =	vst v63  }
0x7b: {  	v0 =	vld [tilespmem:$0x170];
	_ =	sdelay $0x6  }
0x7c: {  	s10 =	simm.s32 $0xC000  }
0x7d: {  	[tilespmem:s10], [sflag:$0x3] =	stream.indirect_vreg.gather [hbm4b:s3+s2], $0x40, v0, vm0, $0xb8;
	[tilespmem:$0x16400] =	vst v63  }
0x7e: {  	v0 =	vld [tilespmem:$0x180];
	_ =	sdelay $0x7  }
0x7f: {  	[tilespmem:s19], [sflag:$0x4] =	stream.indirect_vreg.gather [hbm4b:s3+s2], $0x40, v0, vm0, $0xb8;
	[tilespmem:$0x16400] =	vst v63  }
0x80: {  	v0 =	vld [tilespmem:$0x190];
	_ =	sdelay $0x6  }
0x81: {  	s11 =	simm.s32 $0xC800  }
0x82: {  	[tilespmem:s11], [sflag:$0x4] =	stream.indirect_vreg.gather [hbm4b:s3+s2], $0x40, v0, vm0, $0xb8;
	[tilespmem:$0x16400] =	vst v63  }
0x83: {  	v0 =	vld [tilespmem:$0x1A0];
	_ =	sdelay $0x6  }
0x84: {  	s10 =	simm.s32 $0xCC00  }
0x85: {  	[tilespmem:s10], [sflag:$0x4] =	stream.indirect_vreg.gather [hbm4b:s3+s2], $0x40, v0, vm0, $0xb8;
	[tilespmem:$0x16400] =	vst v63  }
0x86: {  	v0 =	vld [tilespmem:$0x1B0];
	_ =	sdelay $0x6  }
0x87: {  	s11 =	simm.s32 $0xD000  }
0x88: {  	[tilespmem:s11], [sflag:$0x4] =	stream.indirect_vreg.gather [hbm4b:s3+s2], $0x40, v0, vm0, $0xb8;
	[tilespmem:$0x16400] =	vst v63  }
0x89: {  	v0 =	vld [tilespmem:$0x1C0];
	_ =	sdelay $0x6  }
0x8a: {  	s10 =	simm.s32 $0xD400  }
0x8b: {  	[tilespmem:s10], [sflag:$0x4] =	stream.indirect_vreg.gather [hbm4b:s3+s2], $0x40, v0, vm0, $0xb8;
	[tilespmem:$0x16400] =	vst v63  }
0x8c: {  	v0 =	vld [tilespmem:$0x1D0];
	_ =	sdelay $0x6  }
0x8d: {  	s11 =	simm.s32 $0xD800  }
0x8e: {  	[tilespmem:s11], [sflag:$0x4] =	stream.indirect_vreg.gather [hbm4b:s3+s2], $0x40, v0, vm0, $0xb8;
	[tilespmem:$0x16400] =	vst v63  }
0x8f: {  	v0 =	vld [tilespmem:$0x1E0];
	_ =	sdelay $0x6  }
0x90: {  	s10 =	simm.s32 $0xDC00  }
0x91: {  	[tilespmem:s10], [sflag:$0x4] =	stream.indirect_vreg.gather [hbm4b:s3+s2], $0x40, v0, vm0, $0xb8;
	[tilespmem:$0x16400] =	vst v63  }
0x92: {  	v0 =	vld [tilespmem:$0x1F0];
	_ =	sdelay $0x6  }
0x93: {  	s11 =	simm.s32 $0xE000  }
0x94: {  	[tilespmem:s11], [sflag:$0x4] =	stream.indirect_vreg.gather [hbm4b:s3+s2], $0x40, v0, vm0, $0xb8;
	[tilespmem:$0x16400] =	vst v63  }
0x95: {  	v0 =	vld [tilespmem:$0x200];
	_ =	sdelay $0x7  }
0x96: {  	[tilespmem:s29], [sflag:$0x5] =	stream.indirect_vreg.gather [hbm4b:s3+s2], $0x40, v0, vm0, $0xb8;
	[tilespmem:$0x16400] =	vst v63  }
0x97: {  	v0 =	vld [tilespmem:$0x210];
	_ =	sdelay $0x6  }
0x98: {  	s10 =	simm.s32 $0xE800  }
0x99: {  	[tilespmem:s10], [sflag:$0x5] =	stream.indirect_vreg.gather [hbm4b:s3+s2], $0x40, v0, vm0, $0xb8;
	[tilespmem:$0x16400] =	vst v63  }
0x9a: {  	v0 =	vld [tilespmem:$0x220];
	_ =	sdelay $0x6  }
0x9b: {  	s11 =	simm.s32 $0xEC00  }
0x9c: {  	[tilespmem:s11], [sflag:$0x5] =	stream.indirect_vreg.gather [hbm4b:s3+s2], $0x40, v0, vm0, $0xb8;
	[tilespmem:$0x16400] =	vst v63  }
0x9d: {  	v0 =	vld [tilespmem:$0x230];
	_ =	sdelay $0x6  }
0x9e: {  	s10 =	simm.s32 $0xF000  }
0x9f: {  	[tilespmem:s10], [sflag:$0x5] =	stream.indirect_vreg.gather [hbm4b:s3+s2], $0x40, v0, vm0, $0xb8;
	[tilespmem:$0x16400] =	vst v63  }
0xa0: {  	v0 =	vld [tilespmem:$0x240];
	_ =	sdelay $0x6  }
0xa1: {  	s11 =	simm.s32 $0xF400  }
0xa2: {  	[tilespmem:s11], [sflag:$0x5] =	stream.indirect_vreg.gather [hbm4b:s3+s2], $0x40, v0, vm0, $0xb8;
	[tilespmem:$0x16400] =	vst v63  }
0xa3: {  	v0 =	vld [tilespmem:$0x250];
	_ =	sdelay $0x6  }
0xa4: {  	s10 =	simm.s32 $0xF800  }
0xa5: {  	[tilespmem:s10], [sflag:$0x5] =	stream.indirect_vreg.gather [hbm4b:s3+s2], $0x40, v0, vm0, $0xb8;
	[tilespmem:$0x16400] =	vst v63  }
0xa6: {  	v0 =	vld [tilespmem:$0x260];
	_ =	sdelay $0x6  }
0xa7: {  	s11 =	simm.s32 $0xFC00  }
0xa8: {  	[tilespmem:s11], [sflag:$0x5] =	stream.indirect_vreg.gather [hbm4b:s3+s2], $0x40, v0, vm0, $0xb8;
	[tilespmem:$0x16400] =	vst v63  }
0xa9: {  	v0 =	vld [tilespmem:$0x270];
	_ =	sdelay $0x6  }
0xaa: {  	s10 =	simm.s32 $0x10000  }
0xab: {  	[tilespmem:s10], [sflag:$0x5] =	stream.indirect_vreg.gather [hbm4b:s3+s2], $0x40, v0, vm0, $0xb8;
	[tilespmem:$0x16400] =	vst v63  }
0xac: {  	v0 =	vld [tilespmem:$0x280];
	_ =	sdelay $0x7  }
0xad: {  	[tilespmem:s17], [sflag:$0x6] =	stream.indirect_vreg.gather [hbm4b:s3+s2], $0x40, v0, vm0, $0xb8;
	[tilespmem:$0x16400] =	vst v63  }
0xae: {  	v0 =	vld [tilespmem:$0x290];
	_ =	sdelay $0x6  }
0xaf: {  	s11 =	simm.s32 $0x10800  }
0xb0: {  	[tilespmem:s11], [sflag:$0x6] =	stream.indirect_vreg.gather [hbm4b:s3+s2], $0x40, v0, vm0, $0xb8;
	[tilespmem:$0x16400] =	vst v63  }
0xb1: {  	v0 =	vld [tilespmem:$0x2A0];
	_ =	sdelay $0x6  }
0xb2: {  	s10 =	simm.s32 $0x10C00  }
0xb3: {  	[tilespmem:s10], [sflag:$0x6] =	stream.indirect_vreg.gather [hbm4b:s3+s2], $0x40, v0, vm0, $0xb8;
	[tilespmem:$0x16400] =	vst v63  }
0xb4: {  	v0 =	vld [tilespmem:$0x2B0];
	_ =	sdelay $0x6  }
0xb5: {  	s11 =	simm.s32 $0x11000  }
0xb6: {  	[tilespmem:s11], [sflag:$0x6] =	stream.indirect_vreg.gather [hbm4b:s3+s2], $0x40, v0, vm0, $0xb8;
	[tilespmem:$0x16400] =	vst v63  }
0xb7: {  	v0 =	vld [tilespmem:$0x2C0];
	_ =	sdelay $0x6  }
0xb8: {  	s10 =	simm.s32 $0x11400  }
0xb9: {  	[tilespmem:s10], [sflag:$0x6] =	stream.indirect_vreg.gather [hbm4b:s3+s2], $0x40, v0, vm0, $0xb8;
	[tilespmem:$0x16400] =	vst v63  }
0xba: {  	v0 =	vld [tilespmem:$0x2D0];
	_ =	sdelay $0x6  }
0xbb: {  	s11 =	simm.s32 $0x11800  }
0xbc: {  	[tilespmem:s11], [sflag:$0x6] =	stream.indirect_vreg.gather [hbm4b:s3+s2], $0x40, v0, vm0, $0xb8;
	[tilespmem:$0x16400] =	vst v63  }
0xbd: {  	v0 =	vld [tilespmem:$0x2E0];
	_ =	sdelay $0x6  }
0xbe: {  	s10 =	simm.s32 $0x11C00  }
0xbf: {  	[tilespmem:s10], [sflag:$0x6] =	stream.indirect_vreg.gather [hbm4b:s3+s2], $0x40, v0, vm0, $0xb8;
	[tilespmem:$0x16400] =	vst v63  }
0xc0: {  	v0 =	vld [tilespmem:$0x2F0];
	_ =	sdelay $0x6  }
0xc1: {  	s11 =	simm.s32 $0x12000  }
0xc2: {  	[tilespmem:s11], [sflag:$0x6] =	stream.indirect_vreg.gather [hbm4b:s3+s2], $0x40, v0, vm0, $0xb8;
	[tilespmem:$0x16400] =	vst v63  }
0xc3: {  	v0 =	vld [tilespmem:$0x300];
	_ =	sdelay $0x7  }
0xc4: {  	[tilespmem:s28], [sflag:$0x7] =	stream.indirect_vreg.gather [hbm4b:s3+s2], $0x40, v0, vm0, $0xb8;
	[tilespmem:$0x16400] =	vst v63  }
0xc5: {  	v0 =	vld [tilespmem:$0x310];
	_ =	sdelay $0x6  }
0xc6: {  	s10 =	simm.s32 $0x12800  }
0xc7: {  	[tilespmem:s10], [sflag:$0x7] =	stream.indirect_vreg.gather [hbm4b:s3+s2], $0x40, v0, vm0, $0xb8;
	[tilespmem:$0x16400] =	vst v63  }
0xc8: {  	v0 =	vld [tilespmem:$0x320];
	_ =	sdelay $0x6  }
0xc9: {  	s11 =	simm.s32 $0x12C00  }
0xca: {  	[tilespmem:s11], [sflag:$0x7] =	stream.indirect_vreg.gather [hbm4b:s3+s2], $0x40, v0, vm0, $0xb8;
	[tilespmem:$0x16400] =	vst v63  }
0xcb: {  	v0 =	vld [tilespmem:$0x330];
	_ =	sdelay $0x6  }
0xcc: {  	s10 =	simm.s32 $0x13000  }
0xcd: {  	[tilespmem:s10], [sflag:$0x7] =	stream.indirect_vreg.gather [hbm4b:s3+s2], $0x40, v0, vm0, $0xb8;
	[tilespmem:$0x16400] =	vst v63  }
0xce: {  	v0 =	vld [tilespmem:$0x340];
	_ =	sdelay $0x6  }
0xcf: {  	s11 =	simm.s32 $0x13400  }
0xd0: {  	[tilespmem:s11], [sflag:$0x7] =	stream.indirect_vreg.gather [hbm4b:s3+s2], $0x40, v0, vm0, $0xb8;
	[tilespmem:$0x16400] =	vst v63  }
0xd1: {  	v0 =	vld [tilespmem:$0x350];
	_ =	sdelay $0x6  }
0xd2: {  	s10 =	simm.s32 $0x13800  }
0xd3: {  	[tilespmem:s10], [sflag:$0x7] =	stream.indirect_vreg.gather [hbm4b:s3+s2], $0x40, v0, vm0, $0xb8;
	[tilespmem:$0x16400] =	vst v63  }
0xd4: {  	v0 =	vld [tilespmem:$0x360];
	_ =	sdelay $0x6  }
0xd5: {  	s11 =	simm.s32 $0x13C00  }
0xd6: {  	[tilespmem:s11], [sflag:$0x7] =	stream.indirect_vreg.gather [hbm4b:s3+s2], $0x40, v0, vm0, $0xb8;
	[tilespmem:$0x16400] =	vst v63  }
0xd7: {  	v0 =	vld [tilespmem:$0x370];
	_ =	sdelay $0x6  }
0xd8: {  	s10 =	simm.s32 $0x14000  }
0xd9: {  	[tilespmem:s10], [sflag:$0x7] =	stream.indirect_vreg.gather [hbm4b:s3+s2], $0x40, v0, vm0, $0xb8;
	[tilespmem:$0x16400] =	vst v63  }
0xda: {  	v0 =	vld [tilespmem:$0x380];
	_ =	sdelay $0x7  }
0xdb: {  	[tilespmem:s18], [sflag:$0x8] =	stream.indirect_vreg.gather [hbm4b:s3+s2], $0x40, v0, vm0, $0xb8;
	[tilespmem:$0x16400] =	vst v63  }
0xdc: {  	v0 =	vld [tilespmem:$0x390];
	_ =	sdelay $0x6  }
0xdd: {  	s11 =	simm.s32 $0x14800  }
0xde: {  	[tilespmem:s11], [sflag:$0x8] =	stream.indirect_vreg.gather [hbm4b:s3+s2], $0x40, v0, vm0, $0xb8;
	[tilespmem:$0x16400] =	vst v63  }
0xdf: {  	v0 =	vld [tilespmem:$0x3A0];
	_ =	sdelay $0x6  }
0xe0: {  	s10 =	simm.s32 $0x14C00  }
0xe1: {  	[tilespmem:s10], [sflag:$0x8] =	stream.indirect_vreg.gather [hbm4b:s3+s2], $0x40, v0, vm0, $0xb8;
	[tilespmem:$0x16400] =	vst v63  }
0xe2: {  	v0 =	vld [tilespmem:$0x3B0];
	_ =	sdelay $0x6  }
0xe3: {  	s11 =	simm.s32 $0x15000  }
0xe4: {  	[tilespmem:s11], [sflag:$0x8] =	stream.indirect_vreg.gather [hbm4b:s3+s2], $0x40, v0, vm0, $0xb8;
	[tilespmem:$0x16400] =	vst v63  }
0xe5: {  	v0 =	vld [tilespmem:$0x3C0];
	_ =	sdelay $0x6  }
0xe6: {  	s10 =	simm.s32 $0x15400  }
0xe7: {  	[tilespmem:s10], [sflag:$0x8] =	stream.indirect_vreg.gather [hbm4b:s3+s2], $0x40, v0, vm0, $0xb8;
	[tilespmem:$0x16400] =	vst v63  }
0xe8: {  	v0 =	vld [tilespmem:$0x3D0];
	_ =	sdelay $0x6  }
0xe9: {  	s11 =	simm.s32 $0x15800  }
0xea: {  	[tilespmem:s11], [sflag:$0x8] =	stream.indirect_vreg.gather [hbm4b:s3+s2], $0x40, v0, vm0, $0xb8;
	[tilespmem:$0x16400] =	vst v63  }
0xeb: {  	v0 =	vld [tilespmem:$0x3E0];
	_ =	sdelay $0x6  }
0xec: {  	s10 =	simm.s32 $0x15C00  }
0xed: {  	[tilespmem:s10], [sflag:$0x8] =	stream.indirect_vreg.gather [hbm4b:s3+s2], $0x40, v0, vm0, $0xb8;
	[tilespmem:$0x16400] =	vst v63  }
0xee: {  	v0 =	vld [tilespmem:$0x3F0];
	_ =	sdelay $0x6  }
0xef: {  	s9 =	simm.s32 $0x7F0;
	s11 =	simm.s32 $0x16000;
	s10 =	simm.s32 $0x0  }
0xf0: {  	[tilespmem:s11], [sflag:$0x8] =	stream.indirect_vreg.gather [hbm4b:s3+s2], $0x40, v0, vm0, $0xb8;
	[tilespmem:$0x16400] =	vst v63  }
.LBB2_2:
0xf1: {  	_ =	swait.ge [sflag:s31], $0x400  }
0xf2: {  	[sflag:s31] =	ssyncset.done $0x0  }
0xf3: {  	[sflag:s31] =	ssyncadd.s32 $0xFFFFFC00  }
0xf4: {  	_ =	swait.ge [sflag:s31], $0x400  }
0xf5: {  	[sflag:s31] =	ssyncset.done $0x0  }
0xf6: {  	[sflag:s31] =	ssyncadd.s32 $0xFFFFFC00  }
0xf7: {  	_ =	swait.ge [sflag:s31], $0x400  }
0xf8: {  	[sflag:s31] =	ssyncset.done $0x0  }
0xf9: {  	[sflag:s31] =	ssyncadd.s32 $0xFFFFFC00  }
0xfa: {  	_ =	swait.ge [sflag:s31], $0x400  }
0xfb: {  	[sflag:s31] =	ssyncset.done $0x0  }
0xfc: {  	[sflag:s31] =	ssyncadd.s32 $0xFFFFFC00  }
0xfd: {  	_ =	swait.ge [sflag:s31], $0x400  }
0xfe: {  	[sflag:s31] =	ssyncset.done $0x0  }
0xff: {  	[sflag:s31] =	ssyncadd.s32 $0xFFFFFC00  }
0x100: {  	_ =	swait.ge [sflag:s31], $0x400  }
0x101: {  	[sflag:s31] =	ssyncset.done $0x0  }
0x102: {  	[sflag:s31] =	ssyncadd.s32 $0xFFFFFC00  }
0x103: {  	_ =	swait.ge [sflag:s31], $0x400  }
0x104: {  	[sflag:s31] =	ssyncset.done $0x0  }
0x105: {  	[sflag:s31] =	ssyncadd.s32 $0xFFFFFC00  }
0x106: {  	_ =	swait.ge [sflag:s31], $0x400  }
0x107: {  	[sflag:s31] =	ssyncset.done $0x0;
	s11 =	rddreg [dreg:$0x5]  }
0x108: {  	[sflag:s31] =	ssyncadd.s32 $0xFFFFFC00;
	s11 =	sadd.s32 s10, s11  }
0x109: {  	[hbm4b:s11+s2] =	stream.linear.scatter [tilespmem:s15], [sflag:$0x9], $0x2000, $0x38;
	[tilespmem:$0x16400] =	vst v63  }
0x10a: {  	_ =	swait.ge [sflag:s0], $0x400  }
0x10b: {  	[sflag:s0] =	ssyncset.done $0x0  }
0x10c: {  	[sflag:s0] =	ssyncadd.s32 $0xFFFFFC00  }
0x10d: {  	_ =	swait.ge [sflag:s0], $0x400  }
0x10e: {  	[sflag:s0] =	ssyncset.done $0x0  }
0x10f: {  	[sflag:s0] =	ssyncadd.s32 $0xFFFFFC00  }
0x110: {  	_ =	swait.ge [sflag:s0], $0x400  }
0x111: {  	[sflag:s0] =	ssyncset.done $0x0  }
0x112: {  	[sflag:s0] =	ssyncadd.s32 $0xFFFFFC00  }
0x113: {  	_ =	swait.ge [sflag:s0], $0x400  }
0x114: {  	[sflag:s0] =	ssyncset.done $0x0  }
0x115: {  	[sflag:s0] =	ssyncadd.s32 $0xFFFFFC00  }
0x116: {  	_ =	swait.ge [sflag:s0], $0x400  }
0x117: {  	[sflag:s0] =	ssyncset.done $0x0  }
0x118: {  	[sflag:s0] =	ssyncadd.s32 $0xFFFFFC00  }
0x119: {  	_ =	swait.ge [sflag:s0], $0x400  }
0x11a: {  	[sflag:s0] =	ssyncset.done $0x0  }
0x11b: {  	[sflag:s0] =	ssyncadd.s32 $0xFFFFFC00  }
0x11c: {  	_ =	swait.ge [sflag:s0], $0x400  }
0x11d: {  	[sflag:s0] =	ssyncset.done $0x0  }
0x11e: {  	[sflag:s0] =	ssyncadd.s32 $0xFFFFFC00  }
0x11f: {  	_ =	swait.ge [sflag:s0], $0x400  }
0x120: {  	[sflag:s0] =	ssyncset.done $0x0  }
0x121: {  	s11 =	sadd.s32 s10, s13;
	[sflag:s0] =	ssyncadd.s32 $0xFFFFFC00  }
0x122: {  	[hbm4b:s11+s2] =	stream.linear.scatter [tilespmem:s23], [sflag:$0xA], $0x2000, $0x38;
	[tilespmem:$0x16400] =	vst v63  }
0x123: {  	_ =	swait.ge [sflag:s4], $0x400  }
0x124: {  	[sflag:s4] =	ssyncset.done $0x0  }
0x125: {  	[sflag:s4] =	ssyncadd.s32 $0xFFFFFC00  }
0x126: {  	_ =	swait.ge [sflag:s4], $0x400  }
0x127: {  	[sflag:s4] =	ssyncset.done $0x0  }
0x128: {  	[sflag:s4] =	ssyncadd.s32 $0xFFFFFC00  }
0x129: {  	_ =	swait.ge [sflag:s4], $0x400  }
0x12a: {  	[sflag:s4] =	ssyncset.done $0x0  }
0x12b: {  	[sflag:s4] =	ssyncadd.s32 $0xFFFFFC00  }
0x12c: {  	_ =	swait.ge [sflag:s4], $0x400  }
0x12d: {  	[sflag:s4] =	ssyncset.done $0x0  }
0x12e: {  	[sflag:s4] =	ssyncadd.s32 $0xFFFFFC00  }
0x12f: {  	_ =	swait.ge [sflag:s4], $0x400  }
0x130: {  	[sflag:s4] =	ssyncset.done $0x0  }
0x131: {  	[sflag:s4] =	ssyncadd.s32 $0xFFFFFC00  }
0x132: {  	_ =	swait.ge [sflag:s4], $0x400  }
0x133: {  	[sflag:s4] =	ssyncset.done $0x0  }
0x134: {  	[sflag:s4] =	ssyncadd.s32 $0xFFFFFC00  }
0x135: {  	_ =	swait.ge [sflag:s4], $0x400  }
0x136: {  	[sflag:s4] =	ssyncset.done $0x0  }
0x137: {  	[sflag:s4] =	ssyncadd.s32 $0xFFFFFC00  }
0x138: {  	_ =	swait.ge [sflag:s4], $0x400  }
0x139: {  	[sflag:s4] =	ssyncset.done $0x0  }
0x13a: {  	s11 =	sadd.s32 s10, s12;
	[sflag:s4] =	ssyncadd.s32 $0xFFFFFC00  }
0x13b: {  	[hbm4b:s11+s2] =	stream.linear.scatter [tilespmem:s1], [sflag:$0xB], $0x2000, $0x38;
	[tilespmem:$0x16400] =	vst v63  }
0x13c: {  	_ =	swait.ge [sflag:s5], $0x400  }
0x13d: {  	[sflag:s5] =	ssyncset.done $0x0  }
0x13e: {  	[sflag:s5] =	ssyncadd.s32 $0xFFFFFC00  }
0x13f: {  	_ =	swait.ge [sflag:s5], $0x400  }
0x140: {  	[sflag:s5] =	ssyncset.done $0x0  }
0x141: {  	[sflag:s5] =	ssyncadd.s32 $0xFFFFFC00  }
0x142: {  	_ =	swait.ge [sflag:s5], $0x400  }
0x143: {  	[sflag:s5] =	ssyncset.done $0x0  }
0x144: {  	[sflag:s5] =	ssyncadd.s32 $0xFFFFFC00  }
0x145: {  	_ =	swait.ge [sflag:s5], $0x400  }
0x146: {  	[sflag:s5] =	ssyncset.done $0x0  }
0x147: {  	[sflag:s5] =	ssyncadd.s32 $0xFFFFFC00  }
0x148: {  	_ =	swait.ge [sflag:s5], $0x400  }
0x149: {  	[sflag:s5] =	ssyncset.done $0x0  }
0x14a: {  	[sflag:s5] =	ssyncadd.s32 $0xFFFFFC00  }
0x14b: {  	_ =	swait.ge [sflag:s5], $0x400  }
0x14c: {  	[sflag:s5] =	ssyncset.done $0x0  }
0x14d: {  	[sflag:s5] =	ssyncadd.s32 $0xFFFFFC00  }
0x14e: {  	_ =	swait.ge [sflag:s5], $0x400  }
0x14f: {  	[sflag:s5] =	ssyncset.done $0x0  }
0x150: {  	[sflag:s5] =	ssyncadd.s32 $0xFFFFFC00  }
0x151: {  	_ =	swait.ge [sflag:s5], $0x400  }
0x152: {  	[sflag:s5] =	ssyncset.done $0x0;
	s11 =	rddreg [dreg:$0xa]  }
0x153: {  	[sflag:s5] =	ssyncadd.s32 $0xFFFFFC00;
	s11 =	sadd.s32 s10, s11  }
0x154: {  	[hbm4b:s11+s2] =	stream.linear.scatter [tilespmem:s19], [sflag:$0xC], $0x2000, $0x38;
	[tilespmem:$0x16400] =	vst v63  }
0x155: {  	_ =	swait.ge [sflag:s14], $0x400  }
0x156: {  	[sflag:s14] =	ssyncset.done $0x0  }
0x157: {  	[sflag:s14] =	ssyncadd.s32 $0xFFFFFC00  }
0x158: {  	_ =	swait.ge [sflag:s14], $0x400  }
0x159: {  	[sflag:s14] =	ssyncset.done $0x0  }
0x15a: {  	[sflag:s14] =	ssyncadd.s32 $0xFFFFFC00  }
0x15b: {  	_ =	swait.ge [sflag:s14], $0x400  }
0x15c: {  	[sflag:s14] =	ssyncset.done $0x0  }
0x15d: {  	[sflag:s14] =	ssyncadd.s32 $0xFFFFFC00  }
0x15e: {  	_ =	swait.ge [sflag:s14], $0x400  }
0x15f: {  	[sflag:s14] =	ssyncset.done $0x0  }
0x160: {  	[sflag:s14] =	ssyncadd.s32 $0xFFFFFC00  }
0x161: {  	_ =	swait.ge [sflag:s14], $0x400  }
0x162: {  	[sflag:s14] =	ssyncset.done $0x0  }
0x163: {  	[sflag:s14] =	ssyncadd.s32 $0xFFFFFC00  }
0x164: {  	_ =	swait.ge [sflag:s14], $0x400  }
0x165: {  	[sflag:s14] =	ssyncset.done $0x0  }
0x166: {  	[sflag:s14] =	ssyncadd.s32 $0xFFFFFC00  }
0x167: {  	_ =	swait.ge [sflag:s14], $0x400  }
0x168: {  	[sflag:s14] =	ssyncset.done $0x0  }
0x169: {  	[sflag:s14] =	ssyncadd.s32 $0xFFFFFC00  }
0x16a: {  	_ =	swait.ge [sflag:s14], $0x400  }
0x16b: {  	[sflag:s14] =	ssyncset.done $0x0;
	s11 =	rddreg [dreg:$0x9]  }
0x16c: {  	[sflag:s14] =	ssyncadd.s32 $0xFFFFFC00;
	s11 =	sadd.s32 s10, s11  }
0x16d: {  	[hbm4b:s11+s2] =	stream.linear.scatter [tilespmem:s29], [sflag:$0xD], $0x2000, $0x38;
	[tilespmem:$0x16400] =	vst v63  }
0x16e: {  	_ =	swait.ge [sflag:s16], $0x400  }
0x16f: {  	[sflag:s16] =	ssyncset.done $0x0  }
0x170: {  	[sflag:s16] =	ssyncadd.s32 $0xFFFFFC00  }
0x171: {  	_ =	swait.ge [sflag:s16], $0x400  }
0x172: {  	[sflag:s16] =	ssyncset.done $0x0  }
0x173: {  	[sflag:s16] =	ssyncadd.s32 $0xFFFFFC00  }
0x174: {  	_ =	swait.ge [sflag:s16], $0x400  }
0x175: {  	[sflag:s16] =	ssyncset.done $0x0  }
0x176: {  	[sflag:s16] =	ssyncadd.s32 $0xFFFFFC00  }
0x177: {  	_ =	swait.ge [sflag:s16], $0x400  }
0x178: {  	[sflag:s16] =	ssyncset.done $0x0  }
0x179: {  	[sflag:s16] =	ssyncadd.s32 $0xFFFFFC00  }
0x17a: {  	_ =	swait.ge [sflag:s16], $0x400  }
0x17b: {  	[sflag:s16] =	ssyncset.done $0x0  }
0x17c: {  	[sflag:s16] =	ssyncadd.s32 $0xFFFFFC00  }
0x17d: {  	_ =	swait.ge [sflag:s16], $0x400  }
0x17e: {  	[sflag:s16] =	ssyncset.done $0x0  }
0x17f: {  	[sflag:s16] =	ssyncadd.s32 $0xFFFFFC00  }
0x180: {  	_ =	swait.ge [sflag:s16], $0x400  }
0x181: {  	[sflag:s16] =	ssyncset.done $0x0  }
0x182: {  	[sflag:s16] =	ssyncadd.s32 $0xFFFFFC00  }
0x183: {  	_ =	swait.ge [sflag:s16], $0x400  }
0x184: {  	[sflag:s16] =	ssyncset.done $0x0;
	s11 =	rddreg [dreg:$0x8]  }
0x185: {  	[sflag:s16] =	ssyncadd.s32 $0xFFFFFC00;
	s11 =	sadd.s32 s10, s11  }
0x186: {  	[hbm4b:s11+s2] =	stream.linear.scatter [tilespmem:s17], [sflag:$0xE], $0x2000, $0x38;
	[tilespmem:$0x16400] =	vst v63  }
0x187: {  	_ =	swait.ge [sflag:s20], $0x400  }
0x188: {  	[sflag:s20] =	ssyncset.done $0x0  }
0x189: {  	[sflag:s20] =	ssyncadd.s32 $0xFFFFFC00  }
0x18a: {  	_ =	swait.ge [sflag:s20], $0x400  }
0x18b: {  	[sflag:s20] =	ssyncset.done $0x0  }
0x18c: {  	[sflag:s20] =	ssyncadd.s32 $0xFFFFFC00  }
0x18d: {  	_ =	swait.ge [sflag:s20], $0x400  }
0x18e: {  	[sflag:s20] =	ssyncset.done $0x0  }
0x18f: {  	[sflag:s20] =	ssyncadd.s32 $0xFFFFFC00  }
0x190: {  	_ =	swait.ge [sflag:s20], $0x400  }
0x191: {  	[sflag:s20] =	ssyncset.done $0x0  }
0x192: {  	[sflag:s20] =	ssyncadd.s32 $0xFFFFFC00  }
0x193: {  	_ =	swait.ge [sflag:s20], $0x400  }
0x194: {  	[sflag:s20] =	ssyncset.done $0x0  }
0x195: {  	[sflag:s20] =	ssyncadd.s32 $0xFFFFFC00  }
0x196: {  	_ =	swait.ge [sflag:s20], $0x400  }
0x197: {  	[sflag:s20] =	ssyncset.done $0x0  }
0x198: {  	[sflag:s20] =	ssyncadd.s32 $0xFFFFFC00  }
0x199: {  	_ =	swait.ge [sflag:s20], $0x400  }
0x19a: {  	[sflag:s20] =	ssyncset.done $0x0  }
0x19b: {  	[sflag:s20] =	ssyncadd.s32 $0xFFFFFC00  }
0x19c: {  	_ =	swait.ge [sflag:s20], $0x400  }
0x19d: {  	[sflag:s20] =	ssyncset.done $0x0;
	s11 =	rddreg [dreg:$0x7]  }
0x19e: {  	[sflag:s20] =	ssyncadd.s32 $0xFFFFFC00;
	s11 =	sadd.s32 s10, s11  }
0x19f: {  	[hbm4b:s11+s2] =	stream.linear.scatter [tilespmem:s28], [sflag:$0xF], $0x2000, $0x38;
	[tilespmem:$0x16400] =	vst v63  }
0x1a0: {  	_ =	swait.ge [sflag:s21], $0x400  }
0x1a1: {  	[sflag:s21] =	ssyncset.done $0x0  }
0x1a2: {  	[sflag:s21] =	ssyncadd.s32 $0xFFFFFC00  }
0x1a3: {  	_ =	swait.ge [sflag:s21], $0x400  }
0x1a4: {  	[sflag:s21] =	ssyncset.done $0x0  }
0x1a5: {  	[sflag:s21] =	ssyncadd.s32 $0xFFFFFC00  }
0x1a6: {  	_ =	swait.ge [sflag:s21], $0x400  }
0x1a7: {  	[sflag:s21] =	ssyncset.done $0x0  }
0x1a8: {  	[sflag:s21] =	ssyncadd.s32 $0xFFFFFC00  }
0x1a9: {  	_ =	swait.ge [sflag:s21], $0x400  }
0x1aa: {  	[sflag:s21] =	ssyncset.done $0x0  }
0x1ab: {  	[sflag:s21] =	ssyncadd.s32 $0xFFFFFC00  }
0x1ac: {  	_ =	swait.ge [sflag:s21], $0x400  }
0x1ad: {  	[sflag:s21] =	ssyncset.done $0x0  }
0x1ae: {  	[sflag:s21] =	ssyncadd.s32 $0xFFFFFC00  }
0x1af: {  	_ =	swait.ge [sflag:s21], $0x400  }
0x1b0: {  	[sflag:s21] =	ssyncset.done $0x0  }
0x1b1: {  	[sflag:s21] =	ssyncadd.s32 $0xFFFFFC00  }
0x1b2: {  	_ =	swait.ge [sflag:s21], $0x400  }
0x1b3: {  	[sflag:s21] =	ssyncset.done $0x0  }
0x1b4: {  	[sflag:s21] =	ssyncadd.s32 $0xFFFFFC00  }
0x1b5: {  	_ =	swait.ge [sflag:s21], $0x400  }
0x1b6: {  	p0 =	sne.s32 s10, $0x30000;
	[sflag:s21] =	ssyncset.done $0x0;
	s11 =	rddreg [dreg:$0x6]  }
.Ltmp2:
0x1b7: {  	[sflag:s21] =	ssyncadd.s32 $0xFFFFFC00;
	s11 =	sadd.s32 s10, s11;
	(pc) =	sbr.rel @!p0 .LBB2_3-.Ltmp2, $4  }
0x1b8: {  	[hbm4b:s11+s2] =	stream.linear.scatter [tilespmem:s18], [sflag:$0x10], $0x2000, $0x38;
	[tilespmem:$0x16400] =	vst v63  }
0x1b9: {  	_ =	swait.ge [sflag:s22], $0x2000  }
0x1ba: {  	[sflag:s22] =	ssyncset.done $0x0  }
0x1bb: {  	[sflag:s22] =	ssyncadd.s32 $0xFFFFE000  }
0x1bc: {  	v0 =	vld [tilespmem:s9+$0xFFFFFC10];
	_ =	sdelay $0x7  }
0x1bd: {  	[tilespmem:s15], [sflag:$0x1] =	stream.indirect_vreg.gather [hbm4b:s3+s2], $0x40, v0, vm0, $0xb8;
	[tilespmem:$0x16400] =	vst v63  }
0x1be: {  	v0 =	vld [tilespmem:s9+$0xFFFFFC20];
	_ =	sdelay $0x6  }
0x1bf: {  	s11 =	simm.s32 $0x6800  }
0x1c0: {  	[tilespmem:s11], [sflag:$0x1] =	stream.indirect_vreg.gather [hbm4b:s3+s2], $0x40, v0, vm0, $0xb8;
	[tilespmem:$0x16400] =	vst v63  }
0x1c1: {  	v0 =	vld [tilespmem:s9+$0xFFFFFC30];
	_ =	sdelay $0x6  }
0x1c2: {  	s11 =	simm.s32 $0x6C00  }
0x1c3: {  	[tilespmem:s11], [sflag:$0x1] =	stream.indirect_vreg.gather [hbm4b:s3+s2], $0x40, v0, vm0, $0xb8;
	[tilespmem:$0x16400] =	vst v63  }
0x1c4: {  	v0 =	vld [tilespmem:s9+$0xFFFFFC40];
	_ =	sdelay $0x6  }
0x1c5: {  	s11 =	simm.s32 $0x7000  }
0x1c6: {  	[tilespmem:s11], [sflag:$0x1] =	stream.indirect_vreg.gather [hbm4b:s3+s2], $0x40, v0, vm0, $0xb8;
	[tilespmem:$0x16400] =	vst v63  }
0x1c7: {  	v0 =	vld [tilespmem:s9+$0xFFFFFC50];
	_ =	sdelay $0x6  }
0x1c8: {  	s11 =	simm.s32 $0x7400  }
0x1c9: {  	[tilespmem:s11], [sflag:$0x1] =	stream.indirect_vreg.gather [hbm4b:s3+s2], $0x40, v0, vm0, $0xb8;
	[tilespmem:$0x16400] =	vst v63  }
0x1ca: {  	v0 =	vld [tilespmem:s9+$0xFFFFFC60];
	_ =	sdelay $0x6  }
0x1cb: {  	s11 =	simm.s32 $0x7800  }
0x1cc: {  	[tilespmem:s11], [sflag:$0x1] =	stream.indirect_vreg.gather [hbm4b:s3+s2], $0x40, v0, vm0, $0xb8;
	[tilespmem:$0x16400] =	vst v63  }
0x1cd: {  	v0 =	vld [tilespmem:s9+$0xFFFFFC70];
	_ =	sdelay $0x6  }
0x1ce: {  	s11 =	simm.s32 $0x7C00  }
0x1cf: {  	[tilespmem:s11], [sflag:$0x1] =	stream.indirect_vreg.gather [hbm4b:s3+s2], $0x40, v0, vm0, $0xb8;
	[tilespmem:$0x16400] =	vst v63  }
0x1d0: {  	v0 =	vld [tilespmem:s9+$0xFFFFFC80];
	_ =	sdelay $0x6  }
0x1d1: {  	s11 =	simm.s32 $0x8000  }
0x1d2: {  	[tilespmem:s11], [sflag:$0x1] =	stream.indirect_vreg.gather [hbm4b:s3+s2], $0x40, v0, vm0, $0xb8;
	[tilespmem:$0x16400] =	vst v63  }
0x1d3: {  	_ =	swait.ge [sflag:s24], $0x2000  }
0x1d4: {  	[sflag:s24] =	ssyncset.done $0x0  }
0x1d5: {  	[sflag:s24] =	ssyncadd.s32 $0xFFFFE000  }
0x1d6: {  	v57 =	vld [tilespmem:s9+$0xFFFFFC90];
	_ =	sdelay $0x7  }
0x1d7: {  	[tilespmem:s23], [sflag:$0x2] =	stream.indirect_vreg.gather [hbm4b:s3+s2], $0x40, v57, vm0, $0xb8;
	[tilespmem:$0x16400] =	vst v63  }
0x1d8: {  	v0 =	vld [tilespmem:s9+$0xFFFFFCA0];
	_ =	sdelay $0x6  }
0x1d9: {  	s11 =	simm.s32 $0x8800  }
0x1da: {  	[tilespmem:s11], [sflag:$0x2] =	stream.indirect_vreg.gather [hbm4b:s3+s2], $0x40, v0, vm0, $0xb8;
	[tilespmem:$0x16400] =	vst v63  }
0x1db: {  	v0 =	vld [tilespmem:s9+$0xFFFFFCB0];
	_ =	sdelay $0x6  }
0x1dc: {  	s11 =	simm.s32 $0x8C00  }
0x1dd: {  	[tilespmem:s11], [sflag:$0x2] =	stream.indirect_vreg.gather [hbm4b:s3+s2], $0x40, v0, vm0, $0xb8;
	[tilespmem:$0x16400] =	vst v63  }
0x1de: {  	v0 =	vld [tilespmem:s9+$0xFFFFFCC0];
	_ =	sdelay $0x6  }
0x1df: {  	s11 =	simm.s32 $0x9000  }
0x1e0: {  	[tilespmem:s11], [sflag:$0x2] =	stream.indirect_vreg.gather [hbm4b:s3+s2], $0x40, v0, vm0, $0xb8;
	[tilespmem:$0x16400] =	vst v63  }
0x1e1: {  	v0 =	vld [tilespmem:s9+$0xFFFFFCD0];
	_ =	sdelay $0x6  }
0x1e2: {  	s11 =	simm.s32 $0x9400  }
0x1e3: {  	[tilespmem:s11], [sflag:$0x2] =	stream.indirect_vreg.gather [hbm4b:s3+s2], $0x40, v0, vm0, $0xb8;
	[tilespmem:$0x16400] =	vst v63  }
0x1e4: {  	v0 =	vld [tilespmem:s9+$0xFFFFFCE0];
	_ =	sdelay $0x6  }
0x1e5: {  	s11 =	simm.s32 $0x9800  }
0x1e6: {  	[tilespmem:s11], [sflag:$0x2] =	stream.indirect_vreg.gather [hbm4b:s3+s2], $0x40, v0, vm0, $0xb8;
	[tilespmem:$0x16400] =	vst v63  }
0x1e7: {  	v0 =	vld [tilespmem:s9+$0xFFFFFCF0];
	_ =	sdelay $0x6  }
0x1e8: {  	s11 =	simm.s32 $0x9C00  }
0x1e9: {  	[tilespmem:s11], [sflag:$0x2] =	stream.indirect_vreg.gather [hbm4b:s3+s2], $0x40, v0, vm0, $0xb8;
	[tilespmem:$0x16400] =	vst v63  }
0x1ea: {  	v0 =	vld [tilespmem:s9+$0xFFFFFD00];
	_ =	sdelay $0x6  }
0x1eb: {  	s11 =	simm.s32 $0xA000  }
0x1ec: {  	[tilespmem:s11], [sflag:$0x2] =	stream.indirect_vreg.gather [hbm4b:s3+s2], $0x40, v0, vm0, $0xb8;
	[tilespmem:$0x16400] =	vst v63  }
0x1ed: {  	_ =	swait.ge [sflag:s25], $0x2000  }
0x1ee: {  	[sflag:s25] =	ssyncset.done $0x0  }
0x1ef: {  	[sflag:s25] =	ssyncadd.s32 $0xFFFFE000  }
0x1f0: {  	v58 =	vld [tilespmem:s9+$0xFFFFFD10];
	_ =	sdelay $0x7  }
0x1f1: {  	[tilespmem:s1], [sflag:$0x3] =	stream.indirect_vreg.gather [hbm4b:s3+s2], $0x40, v58, vm0, $0xb8;
	[tilespmem:$0x16400] =	vst v63  }
0x1f2: {  	v0 =	vld [tilespmem:s9+$0xFFFFFD20];
	_ =	sdelay $0x6  }
0x1f3: {  	s11 =	simm.s32 $0xA800  }
0x1f4: {  	[tilespmem:s11], [sflag:$0x3] =	stream.indirect_vreg.gather [hbm4b:s3+s2], $0x40, v0, vm0, $0xb8;
	[tilespmem:$0x16400] =	vst v63  }
0x1f5: {  	v0 =	vld [tilespmem:s9+$0xFFFFFD30];
	_ =	sdelay $0x6  }
0x1f6: {  	s11 =	simm.s32 $0xAC00  }
0x1f7: {  	[tilespmem:s11], [sflag:$0x3] =	stream.indirect_vreg.gather [hbm4b:s3+s2], $0x40, v0, vm0, $0xb8;
	[tilespmem:$0x16400] =	vst v63  }
0x1f8: {  	v0 =	vld [tilespmem:s9+$0xFFFFFD40];
	_ =	sdelay $0x6  }
0x1f9: {  	s11 =	simm.s32 $0xB000  }
0x1fa: {  	[tilespmem:s11], [sflag:$0x3] =	stream.indirect_vreg.gather [hbm4b:s3+s2], $0x40, v0, vm0, $0xb8;
	[tilespmem:$0x16400] =	vst v63  }
0x1fb: {  	v0 =	vld [tilespmem:s9+$0xFFFFFD50];
	_ =	sdelay $0x6  }
0x1fc: {  	s11 =	simm.s32 $0xB400  }
0x1fd: {  	[tilespmem:s11], [sflag:$0x3] =	stream.indirect_vreg.gather [hbm4b:s3+s2], $0x40, v0, vm0, $0xb8;
	[tilespmem:$0x16400] =	vst v63  }
0x1fe: {  	v0 =	vld [tilespmem:s9+$0xFFFFFD60];
	_ =	sdelay $0x6  }
0x1ff: {  	s11 =	simm.s32 $0xB800  }
0x200: {  	[tilespmem:s11], [sflag:$0x3] =	stream.indirect_vreg.gather [hbm4b:s3+s2], $0x40, v0, vm0, $0xb8;
	[tilespmem:$0x16400] =	vst v63  }
0x201: {  	v0 =	vld [tilespmem:s9+$0xFFFFFD70];
	_ =	sdelay $0x6  }
0x202: {  	s11 =	simm.s32 $0xBC00  }
0x203: {  	[tilespmem:s11], [sflag:$0x3] =	stream.indirect_vreg.gather [hbm4b:s3+s2], $0x40, v0, vm0, $0xb8;
	[tilespmem:$0x16400] =	vst v63  }
0x204: {  	v0 =	vld [tilespmem:s9+$0xFFFFFD80];
	_ =	sdelay $0x6  }
0x205: {  	s11 =	simm.s32 $0xC000  }
0x206: {  	[tilespmem:s11], [sflag:$0x3] =	stream.indirect_vreg.gather [hbm4b:s3+s2], $0x40, v0, vm0, $0xb8;
	[tilespmem:$0x16400] =	vst v63  }
0x207: {  	_ =	swait.ge [sflag:s26], $0x2000  }
0x208: {  	[sflag:s26] =	ssyncset.done $0x0  }
0x209: {  	[sflag:s26] =	ssyncadd.s32 $0xFFFFE000  }
0x20a: {  	v59 =	vld [tilespmem:s9+$0xFFFFFD90];
	_ =	sdelay $0x7  }
0x20b: {  	[tilespmem:s19], [sflag:$0x4] =	stream.indirect_vreg.gather [hbm4b:s3+s2], $0x40, v59, vm0, $0xb8;
	[tilespmem:$0x16400] =	vst v63  }
0x20c: {  	v0 =	vld [tilespmem:s9+$0xFFFFFDA0];
	_ =	sdelay $0x6  }
0x20d: {  	s11 =	simm.s32 $0xC800  }
0x20e: {  	[tilespmem:s11], [sflag:$0x4] =	stream.indirect_vreg.gather [hbm4b:s3+s2], $0x40, v0, vm0, $0xb8;
	[tilespmem:$0x16400] =	vst v63  }
0x20f: {  	v0 =	vld [tilespmem:s9+$0xFFFFFDB0];
	_ =	sdelay $0x6  }
0x210: {  	s11 =	simm.s32 $0xCC00  }
0x211: {  	[tilespmem:s11], [sflag:$0x4] =	stream.indirect_vreg.gather [hbm4b:s3+s2], $0x40, v0, vm0, $0xb8;
	[tilespmem:$0x16400] =	vst v63  }
0x212: {  	v0 =	vld [tilespmem:s9+$0xFFFFFDC0];
	_ =	sdelay $0x6  }
0x213: {  	s11 =	simm.s32 $0xD000  }
0x214: {  	[tilespmem:s11], [sflag:$0x4] =	stream.indirect_vreg.gather [hbm4b:s3+s2], $0x40, v0, vm0, $0xb8;
	[tilespmem:$0x16400] =	vst v63  }
0x215: {  	v0 =	vld [tilespmem:s9+$0xFFFFFDD0];
	_ =	sdelay $0x6  }
0x216: {  	s11 =	simm.s32 $0xD400  }
0x217: {  	[tilespmem:s11], [sflag:$0x4] =	stream.indirect_vreg.gather [hbm4b:s3+s2], $0x40, v0, vm0, $0xb8;
	[tilespmem:$0x16400] =	vst v63  }
0x218: {  	v0 =	vld [tilespmem:s9+$0xFFFFFDE0];
	_ =	sdelay $0x6  }
0x219: {  	s11 =	simm.s32 $0xD800  }
0x21a: {  	[tilespmem:s11], [sflag:$0x4] =	stream.indirect_vreg.gather [hbm4b:s3+s2], $0x40, v0, vm0, $0xb8;
	[tilespmem:$0x16400] =	vst v63  }
0x21b: {  	v0 =	vld [tilespmem:s9+$0xFFFFFDF0];
	_ =	sdelay $0x6  }
0x21c: {  	s11 =	simm.s32 $0xDC00  }
0x21d: {  	[tilespmem:s11], [sflag:$0x4] =	stream.indirect_vreg.gather [hbm4b:s3+s2], $0x40, v0, vm0, $0xb8;
	[tilespmem:$0x16400] =	vst v63  }
0x21e: {  	v0 =	vld [tilespmem:s9+$0xFFFFFE00];
	_ =	sdelay $0x6  }
0x21f: {  	s11 =	simm.s32 $0xE000  }
0x220: {  	[tilespmem:s11], [sflag:$0x4] =	stream.indirect_vreg.gather [hbm4b:s3+s2], $0x40, v0, vm0, $0xb8;
	[tilespmem:$0x16400] =	vst v63  }
0x221: {  	_ =	swait.ge [sflag:s30], $0x2000  }
0x222: {  	[sflag:s30] =	ssyncset.done $0x0  }
0x223: {  	[sflag:s30] =	ssyncadd.s32 $0xFFFFE000  }
0x224: {  	v60 =	vld [tilespmem:s9+$0xFFFFFE10];
	_ =	sdelay $0x7  }
0x225: {  	[tilespmem:s29], [sflag:$0x5] =	stream.indirect_vreg.gather [hbm4b:s3+s2], $0x40, v60, vm0, $0xb8;
	[tilespmem:$0x16400] =	vst v63  }
0x226: {  	v0 =	vld [tilespmem:s9+$0xFFFFFE20];
	_ =	sdelay $0x6  }
0x227: {  	s11 =	simm.s32 $0xE800  }
0x228: {  	[tilespmem:s11], [sflag:$0x5] =	stream.indirect_vreg.gather [hbm4b:s3+s2], $0x40, v0, vm0, $0xb8;
	[tilespmem:$0x16400] =	vst v63  }
0x229: {  	v0 =	vld [tilespmem:s9+$0xFFFFFE30];
	_ =	sdelay $0x6  }
0x22a: {  	s11 =	simm.s32 $0xEC00  }
0x22b: {  	[tilespmem:s11], [sflag:$0x5] =	stream.indirect_vreg.gather [hbm4b:s3+s2], $0x40, v0, vm0, $0xb8;
	[tilespmem:$0x16400] =	vst v63  }
0x22c: {  	v0 =	vld [tilespmem:s9+$0xFFFFFE40];
	_ =	sdelay $0x6  }
0x22d: {  	s11 =	simm.s32 $0xF000  }
0x22e: {  	[tilespmem:s11], [sflag:$0x5] =	stream.indirect_vreg.gather [hbm4b:s3+s2], $0x40, v0, vm0, $0xb8;
	[tilespmem:$0x16400] =	vst v63  }
0x22f: {  	v0 =	vld [tilespmem:s9+$0xFFFFFE50];
	_ =	sdelay $0x6  }
0x230: {  	s11 =	simm.s32 $0xF400  }
0x231: {  	[tilespmem:s11], [sflag:$0x5] =	stream.indirect_vreg.gather [hbm4b:s3+s2], $0x40, v0, vm0, $0xb8;
	[tilespmem:$0x16400] =	vst v63  }
0x232: {  	v0 =	vld [tilespmem:s9+$0xFFFFFE60];
	_ =	sdelay $0x6  }
0x233: {  	s11 =	simm.s32 $0xF800  }
0x234: {  	[tilespmem:s11], [sflag:$0x5] =	stream.indirect_vreg.gather [hbm4b:s3+s2], $0x40, v0, vm0, $0xb8;
	[tilespmem:$0x16400] =	vst v63  }
0x235: {  	v0 =	vld [tilespmem:s9+$0xFFFFFE70];
	_ =	sdelay $0x6  }
0x236: {  	s11 =	simm.s32 $0xFC00  }
0x237: {  	[tilespmem:s11], [sflag:$0x5] =	stream.indirect_vreg.gather [hbm4b:s3+s2], $0x40, v0, vm0, $0xb8;
	[tilespmem:$0x16400] =	vst v63  }
0x238: {  	v0 =	vld [tilespmem:s9+$0xFFFFFE80];
	_ =	sdelay $0x6  }
0x239: {  	s11 =	simm.s32 $0x10000  }
0x23a: {  	[tilespmem:s11], [sflag:$0x5] =	stream.indirect_vreg.gather [hbm4b:s3+s2], $0x40, v0, vm0, $0xb8;
	[tilespmem:$0x16400] =	vst v63  }
0x23b: {  	_ =	swait.ge [sflag:s6], $0x2000  }
0x23c: {  	[sflag:s6] =	ssyncset.done $0x0  }
0x23d: {  	[sflag:s6] =	ssyncadd.s32 $0xFFFFE000  }
0x23e: {  	v61 =	vld [tilespmem:s9+$0xFFFFFE90];
	_ =	sdelay $0x7  }
0x23f: {  	[tilespmem:s17], [sflag:$0x6] =	stream.indirect_vreg.gather [hbm4b:s3+s2], $0x40, v61, vm0, $0xb8;
	[tilespmem:$0x16400] =	vst v63  }
0x240: {  	v0 =	vld [tilespmem:s9+$0xFFFFFEA0];
	_ =	sdelay $0x6  }
0x241: {  	s11 =	simm.s32 $0x10800  }
0x242: {  	[tilespmem:s11], [sflag:$0x6] =	stream.indirect_vreg.gather [hbm4b:s3+s2], $0x40, v0, vm0, $0xb8;
	[tilespmem:$0x16400] =	vst v63  }
0x243: {  	v0 =	vld [tilespmem:s9+$0xFFFFFEB0];
	_ =	sdelay $0x6  }
0x244: {  	s11 =	simm.s32 $0x10C00  }
0x245: {  	[tilespmem:s11], [sflag:$0x6] =	stream.indirect_vreg.gather [hbm4b:s3+s2], $0x40, v0, vm0, $0xb8;
	[tilespmem:$0x16400] =	vst v63  }
0x246: {  	v0 =	vld [tilespmem:s9+$0xFFFFFEC0];
	_ =	sdelay $0x6  }
0x247: {  	s11 =	simm.s32 $0x11000  }
0x248: {  	[tilespmem:s11], [sflag:$0x6] =	stream.indirect_vreg.gather [hbm4b:s3+s2], $0x40, v0, vm0, $0xb8;
	[tilespmem:$0x16400] =	vst v63  }
0x249: {  	v0 =	vld [tilespmem:s9+$0xFFFFFED0];
	_ =	sdelay $0x6  }
0x24a: {  	s11 =	simm.s32 $0x11400  }
0x24b: {  	[tilespmem:s11], [sflag:$0x6] =	stream.indirect_vreg.gather [hbm4b:s3+s2], $0x40, v0, vm0, $0xb8;
	[tilespmem:$0x16400] =	vst v63  }
0x24c: {  	v0 =	vld [tilespmem:s9+$0xFFFFFEE0];
	_ =	sdelay $0x6  }
0x24d: {  	s11 =	simm.s32 $0x11800  }
0x24e: {  	[tilespmem:s11], [sflag:$0x6] =	stream.indirect_vreg.gather [hbm4b:s3+s2], $0x40, v0, vm0, $0xb8;
	[tilespmem:$0x16400] =	vst v63  }
0x24f: {  	v0 =	vld [tilespmem:s9+$0xFFFFFEF0];
	_ =	sdelay $0x6  }
0x250: {  	s11 =	simm.s32 $0x11C00  }
0x251: {  	[tilespmem:s11], [sflag:$0x6] =	stream.indirect_vreg.gather [hbm4b:s3+s2], $0x40, v0, vm0, $0xb8;
	[tilespmem:$0x16400] =	vst v63  }
0x252: {  	v0 =	vld [tilespmem:s9+$0xFFFFFF00];
	_ =	sdelay $0x6  }
0x253: {  	s11 =	simm.s32 $0x12000  }
0x254: {  	[tilespmem:s11], [sflag:$0x6] =	stream.indirect_vreg.gather [hbm4b:s3+s2], $0x40, v0, vm0, $0xb8;
	[tilespmem:$0x16400] =	vst v63  }
0x255: {  	_ =	swait.ge [sflag:s7], $0x2000  }
0x256: {  	[sflag:s7] =	ssyncset.done $0x0  }
0x257: {  	[sflag:s7] =	ssyncadd.s32 $0xFFFFE000  }
0x258: {  	v62 =	vld [tilespmem:s9+$0xFFFFFF10];
	_ =	sdelay $0x7  }
0x259: {  	[tilespmem:s28], [sflag:$0x7] =	stream.indirect_vreg.gather [hbm4b:s3+s2], $0x40, v62, vm0, $0xb8;
	[tilespmem:$0x16400] =	vst v63  }
0x25a: {  	v0 =	vld [tilespmem:s9+$0xFFFFFF20];
	_ =	sdelay $0x6  }
0x25b: {  	s11 =	simm.s32 $0x12800  }
0x25c: {  	[tilespmem:s11], [sflag:$0x7] =	stream.indirect_vreg.gather [hbm4b:s3+s2], $0x40, v0, vm0, $0xb8;
	[tilespmem:$0x16400] =	vst v63  }
0x25d: {  	v0 =	vld [tilespmem:s9+$0xFFFFFF30];
	_ =	sdelay $0x6  }
0x25e: {  	s11 =	simm.s32 $0x12C00  }
0x25f: {  	[tilespmem:s11], [sflag:$0x7] =	stream.indirect_vreg.gather [hbm4b:s3+s2], $0x40, v0, vm0, $0xb8;
	[tilespmem:$0x16400] =	vst v63  }
0x260: {  	v0 =	vld [tilespmem:s9+$0xFFFFFF40];
	_ =	sdelay $0x6  }
0x261: {  	s11 =	simm.s32 $0x13000  }
0x262: {  	[tilespmem:s11], [sflag:$0x7] =	stream.indirect_vreg.gather [hbm4b:s3+s2], $0x40, v0, vm0, $0xb8;
	[tilespmem:$0x16400] =	vst v63  }
0x263: {  	v0 =	vld [tilespmem:s9+$0xFFFFFF50];
	_ =	sdelay $0x6  }
0x264: {  	s11 =	simm.s32 $0x13400  }
0x265: {  	[tilespmem:s11], [sflag:$0x7] =	stream.indirect_vreg.gather [hbm4b:s3+s2], $0x40, v0, vm0, $0xb8;
	[tilespmem:$0x16400] =	vst v63  }
0x266: {  	v0 =	vld [tilespmem:s9+$0xFFFFFF60];
	_ =	sdelay $0x6  }
0x267: {  	s11 =	simm.s32 $0x13800  }
0x268: {  	[tilespmem:s11], [sflag:$0x7] =	stream.indirect_vreg.gather [hbm4b:s3+s2], $0x40, v0, vm0, $0xb8;
	[tilespmem:$0x16400] =	vst v63  }
0x269: {  	v0 =	vld [tilespmem:s9+$0xFFFFFF70];
	_ =	sdelay $0x6  }
0x26a: {  	s11 =	simm.s32 $0x13C00  }
0x26b: {  	[tilespmem:s11], [sflag:$0x7] =	stream.indirect_vreg.gather [hbm4b:s3+s2], $0x40, v0, vm0, $0xb8;
	[tilespmem:$0x16400] =	vst v63  }
0x26c: {  	v0 =	vld [tilespmem:s9+$0xFFFFFF80];
	_ =	sdelay $0x6  }
0x26d: {  	s11 =	simm.s32 $0x14000  }
0x26e: {  	[tilespmem:s11], [sflag:$0x7] =	stream.indirect_vreg.gather [hbm4b:s3+s2], $0x40, v0, vm0, $0xb8;
	[tilespmem:$0x16400] =	vst v63  }
0x26f: {  	_ =	swait.ge [sflag:s8], $0x2000  }
0x270: {  	[sflag:s8] =	ssyncset.done $0x0  }
0x271: {  	[sflag:s8] =	ssyncadd.s32 $0xFFFFE000  }
0x272: {  	v63 =	vld [tilespmem:s9+$0xFFFFFF90];
	_ =	sdelay $0x7  }
0x273: {  	[tilespmem:s18], [sflag:$0x8] =	stream.indirect_vreg.gather [hbm4b:s3+s2], $0x40, v63, vm0, $0xb8;
	[tilespmem:$0x16400] =	vst v63  }
0x274: {  	v0 =	vld [tilespmem:s9+$0xFFFFFFA0];
	_ =	sdelay $0x6  }
0x275: {  	s11 =	simm.s32 $0x14800  }
0x276: {  	[tilespmem:s11], [sflag:$0x8] =	stream.indirect_vreg.gather [hbm4b:s3+s2], $0x40, v0, vm0, $0xb8;
	[tilespmem:$0x16400] =	vst v63  }
0x277: {  	v0 =	vld [tilespmem:s9+$0xFFFFFFB0];
	_ =	sdelay $0x6  }
0x278: {  	s11 =	simm.s32 $0x14C00  }
0x279: {  	[tilespmem:s11], [sflag:$0x8] =	stream.indirect_vreg.gather [hbm4b:s3+s2], $0x40, v0, vm0, $0xb8;
	[tilespmem:$0x16400] =	vst v63  }
0x27a: {  	v0 =	vld [tilespmem:s9+$0xFFFFFFC0];
	_ =	sdelay $0x6  }
0x27b: {  	s11 =	simm.s32 $0x15000  }
0x27c: {  	[tilespmem:s11], [sflag:$0x8] =	stream.indirect_vreg.gather [hbm4b:s3+s2], $0x40, v0, vm0, $0xb8;
	[tilespmem:$0x16400] =	vst v63  }
0x27d: {  	v0 =	vld [tilespmem:s9+$0xFFFFFFD0];
	_ =	sdelay $0x6  }
0x27e: {  	s11 =	simm.s32 $0x15400  }
0x27f: {  	[tilespmem:s11], [sflag:$0x8] =	stream.indirect_vreg.gather [hbm4b:s3+s2], $0x40, v0, vm0, $0xb8;
	[tilespmem:$0x16400] =	vst v63  }
0x280: {  	v0 =	vld [tilespmem:s9+$0xFFFFFFE0];
	_ =	sdelay $0x6  }
0x281: {  	s11 =	simm.s32 $0x15800  }
0x282: {  	[tilespmem:s11], [sflag:$0x8] =	stream.indirect_vreg.gather [hbm4b:s3+s2], $0x40, v0, vm0, $0xb8;
	[tilespmem:$0x16400] =	vst v63  }
0x283: {  	v0 =	vld [tilespmem:s9+$0xFFFFFFF0];
	_ =	sdelay $0x6  }
0x284: {  	s11 =	simm.s32 $0x15C00  }
0x285: {  	[tilespmem:s11], [sflag:$0x8] =	stream.indirect_vreg.gather [hbm4b:s3+s2], $0x40, v0, vm0, $0xb8;
	[tilespmem:$0x16400] =	vst v63  }
0x286: {  	v0 =	vld [tilespmem:s9+$0x0];
	_ =	sdelay $0x1  }
0x287: {  	s10 =	sadd.s32 $0x2000, s10  }
0x288: {  	p0 =	sne.s32 s10, $0x32000  }
.Ltmp3:
0x289: {  	_ = 	snop;
	(pc) =	sbr.rel @p0 .LBB2_2-.Ltmp3, $4  }
.Ltmp4:
0x28a: {  	_ = 	snop;
	(pc) =	sbr.rel @!p0 .LBB2_5-.Ltmp4, $4  }
0x28b: {  	_ = 	snop  }
0x28c: {  	s11 =	simm.s32 $0x16000;
	s9 =	sadd.s32 $0x400, s9  }
0x28d: {  	[tilespmem:s11], [sflag:$0x8] =	stream.indirect_vreg.gather [hbm4b:s3+s2], $0x40, v0, vm0, $0xb8;
	[tilespmem:$0x16400] =	vst v63  }
0x28e: {  	_ = 	snop  }
.LBB2_6:
0x28f: {  	_ =	sfence.sel $0x180000  }
0x290: {  	[bflag:$0x0] =	sbarrier.arrive $0xFFFF  }
0x291: {  	_ =	strace $0x90000047  }
0x292: {  	s0 =	stileid.u32;
	[bflag:$0x2] =	sbarrier.arrive $0xFFFF  }
0x293: {  	p0 =	sne.s32 s0, $0x0;
	s0 =	rddreg [dreg:$0x2]  }
0x294: {  	s0 =	sadd.s32 @!p0 $0x100000, s0  }
0x295: {  	[sflag:s0] =	ssyncadd.tile.s32 @!p0 $0x1;
	_ =	shalt  }
.Lfunc_end2:
_tile_overlayer_lowered:
.L_overlay_start_2:
0x296: {  	(tag) =	ssettag $0x2  }
0x297: {  	s0 =	rddreg [dreg:$0x0];
	s2 =	stileid.u32  }
0x298: {  	s1 =	rddreg [dreg:$0x1];
	p0 =	sne.s32 s2, $0x0  }
0x299: {  	s3 =	rddreg [dreg:$0x2];
	[bflag:$0x3] =	sbarrier.arrive $0xFFFF;
	s2 =	simm.s32 @!p0 $0x1C11  }
0x29a: {  	[timem:s3], [sflag:s2] =	dma.local @!p0 [hbm:s0], s1  }
0x29b: {  	s0 =	simm.s32 @!p0 $0x11  }
0x29c: {  	_ =	swait.ge @!p0 [sflag:s0], s1  }
0x29d: {  	s1 =	ssub.s32 @!p0 $0x0, s1;
	[sflag:s0] =	ssyncset.done @!p0 $0x0  }
0x29e: {  	[sflag:s0] =	ssyncadd.s32 @!p0 s1  }
0x29f: {  	[bflag:$0x3] =	sbarrier.arrive $0xFFFF  }
0x2a0: {  	_ =	shalt  }

// kernel: sparse-core-data-format-call.cloned.1.call-start
scs
called_computation_lowered:
.L_overlay_start_0:
0x0: {  	s2 =	sld [smem:$0x3FD9]  }
0x1: {  	s3 =	sld [smem:$0x3FFE];
	_ =	sdelay $0x1  }
0x2: {  	s1 =	srdreg.scid  }
0x3: {  	s0 =	sand.u32 $0x1, s1  }
0x4: {  	s18 =	sshll.u32 s0, $0xA;
	s2 =	sadd.s32 s3, s2  }
0x5: {  	s2 =	sadd.s32 s2, s18  }
0x6: {  	[smem:$0x3FC6] =	sst s2  }
0x7: {  	_ = 	snop  }
0x8: {  	s2 =	sld [smem:$0x3FD0];
	(tm) =	ssettm $0x1  }
0x9: {  	s19 =	sld [smem:$0x3FFB];
	_ =	sdelay $0x3  }
0xa: {  	_ =	strace s19  }
0xb: {  	s3 =	sld [smem:$0x3FFC];
	_ =	sdelay $0x3  }
0xc: {  	_ =	strace s3  }
0xd: {  	s3 =	sld [smem:$0x3FFD];
	_ =	sdelay $0x3  }
0xe: {  	_ =	strace s3  }
0xf: {  	_ =	strace $0x8FFFFFFF  }
0x10: {  	s20 =	sld [smem:$0x3FDB];
	_ =	sdelay $0x1  }
0x11: {  	s4 =	simm.s32 $_scs_section_size  }
0x12: {  	s5 =	simm.s32 $_size__tile_overlayer_lowered;
	s6 =	simm.s32 $_tile_overlayer_lowered  }
0x13: {  	s23 =	simm.s32 $0x1BFF;
	s22 =	sshll.u32 s6, $0x1;
	s3 =	sadd.s32 s4, s20  }
0x14: {  	s7 =	simm.s32 $0x0;
	s21 =	sshll.u32 s5, $0x1;
	s5 =	sadd.s32 s22, s3  }
0x15: {  	[timem:s7], [sflag:s23] =	dma.local [hbm:s5], s21  }
0x16: {  	_ =	swait.ge [sflag:s23], s21  }
0x17: {  	s4 =	ssub.s32 $0x0, s21;
	[sflag:s23] =	ssyncset.done $0x0  }
0x18: {  	[sflag:s23] =	ssyncadd.s32 s4;
	_ =	sdelay $0x1  }
0x19: {  	s24 =	simm.s32 $0x1B8B  }
0x1a: {  	_ =	swait.ge [sflag:s24], $0x1  }
0x1b: {  	[sflag:s24] =	ssyncset.done $0x0  }
0x1c: {  	s26 =	simm.s32 $0x1B8E;
	s25 =	sld [smem:$0x3FFE];
	[sflag:s24] =	ssyncadd.s32 $0xFFFFFFFF  }
0x1d: {  	s27 =	simm.s32 $execute0_lowered;
	[smem:$0x3FD2] =	sst s26  }
0x1e: {  	s5 =	sshll.u32 s27, $0x1;
	_ =	strace $0x80000049;
	[dreg:$0x1] =	wrdreg $0xFFFFFFFF  }
0x1f: {  	s28 =	simm.s32 $_size_execute0_lowered;
	s3 =	sadd.s32 s3, s5;
	[dreg:$0x0] =	wrdreg $0x0  }
0x20: {  	s5 =	sshll.u32 s28, $0x1;
	[dreg:$0x2] =	wrdreg s3  }
0x21: {  	[dreg:$0x3] =	wrdreg s5  }
0x22: {  	[dreg:$0x4] =	wrdreg $0xC0  }
0x23: {  	_ =	task [dreg:s7], $0x5FFFF  }
0x24: {  	[dreg:$0x1] =	wrdreg $0xFFFFFFFF  }
0x25: {  	[dreg:$0x0] =	wrdreg $0x60  }
0x26: {  	[dreg:$0x2] =	wrdreg s25  }
0x27: {  	[dreg:$0x3] =	wrdreg s2  }
0x28: {  	[dreg:$0x4] =	wrdreg $0x9  }
0x29: {  	_ =	task.clear_ibuf [dreg:s7], $0x5FFFF;
	_ =	strace $0x90000049  }
0x2a: {  	s29 =	simm.s32 $0x9;
	_ =	strace $0x8000004B  }
0x2b: {  	_ =	swait.ge [sflag:s29], $0x1  }
0x2c: {  	[sflag:s29] =	ssyncadd.s32 $0xFFFFFFFF  }
0x2d: {  	_ =	strace $0x9000004B  }
0x2e: {  	_ =	sfence  }
0x2f: {  	s30 =	sld [smem:$0x0];
	_ =	sdelay $0x2  }
0x30: {  	s31 =	sshll.u32 s1, $0xD;
	s1 =	sshrl.u32 s1, $0x2  }
0x31: {  	s3 =	sand.u32 $0x4000, s31;
	s1 =	sadd.s32 s1, s30  }
0x32: {  	s0 =	sor.u32 s3, s0;
	s1 =	sshll.u32 s1, $0x11  }
0x33: {  	s0 =	sor.u32 s1, s0  }
0x34: {  	s0 =	sadd.s32 $0x8F2B, s0  }
0x35: {  	[sflag:s0] =	ssyncadd.remote.s32 $0x1  }
0x36: {  	_ =	sfence.sel $0xFFFF  }
0x37: {  	[dreg:$0x0] =	wrdreg $0xFFFFFFFF;
	(pc) =	sbr.abs _section_cstart, $3  }
0x38: {  	[dreg:$0x1] =	wrdreg $0xFFFFFFFF  }
0x39: {  	_ =	task.clear_ibuf [dreg:s7], $0x2FFFF;
	_ =	strace $0x9FFFFFFF  }
0x3a: {  	(tm) =	ssettm $0x7FFFFFFF  }
0x3b: {  	_ =	shalt  }
tec
execute0_lowered:
.L_overlay_start_1:
0x0: {  	(tag) =	ssettag $0x1  }
0x1: {  	s0 =	srdreg.scid  }
0x2: {  	s1 =	sshll.u32 s0, $0x4  }
0x3: {  	s0 =	stileid.u32;
	s1 =	sand.u32 $0x10, s1  }
0x4: {  	s1 =	sor.u32 s0, s1  }
0x5: {  	s6 =	rddreg [dreg:$0x0];
	s4 =	simm.s32 $0x1;
	s2 =	sshll.u32 s1, $0x7  }
0x6: {  	s7 =	simm.s32 $0x2;
	s12 =	simm.s32 $0x0;
	s1 =	ssub.s32 $0x4000, s2  }
0x7: {  	s8 =	simm.s32 $0x20000;
	s13 =	simm.s32 $0x0;
	s3 =	sand.u32 $0xF80, s1  }
0x8: {  	s9 =	simm.s32 $0x0;
	s5 =	sshrl.u32 s1, $0xC;
	p0 =	sne.s32 s3, $0x0  }
.Ltmp0:
0x9: {  	s1 =	rddreg [dreg:$0x2];
	s4 =	simm.s32 @!p0 $0x0;
	(pc) =	sbr.rel .LBB1_1-.Ltmp0, $4  }
0xa: {  	s11 =	simm.s32 $0x0;
	s3 =	rddreg [dreg:$0x1];
	s5 =	sadd.s32 s4, s5  }
0xb: {  	_ =	strace $0x8000004A;
	s4 =	simm.s32 $0x1;
	s5 =	smul.u32 $0x32, s5  }
0xc: {  	s6 =	sadd.s32 $0xA00, s6;
	s10 =	smov.u32 s2;
	[sflag:s4] =	ssyncpa.u1 $0x0  }
0xd: {  	p0 =	por $0x0, $0x0;
	[sflag:s7] =	ssyncpa.u1 $0x0;
	s7 =	sor.u32 $0x1, s5  }
.LBB1_4:
0xe: {  	s16 =	sshll.u32 s13, $0x3;
	s17 =	sand.u32 $0x78, s13  }
0xf: {  	s30 =	sand.u32 $0x1F800, s13;
	s12 =	sshll.u32 s12, $0x11;
	s16 =	sand.u32 $0x3C00, s16  }
0x10: {  	[tilespmem:s15+$0x810 ss:$0x81] =	vst.msk $0xffff, v2;
	s31 =	sand.u32 $0x7, s13;
	s16 =	sor.u32 s17, s16;
	s17 =	sadd.s32 s3, s30  }
0x11: {  	[tilespmem:s15+$0x1020 ss:$0x81] =	vst.msk $0xffff, v0;
	s13 =	sshll.u32 s31, $0x12;
	s12 =	sadd.s32 s12, s17;
	s16 =	sshrl.u32 s16, $0x3  }
0x12: {  	[tilespmem:s15+$0x0 ss:$0x81] =	vst.msk $0xffff, v1;
	s13 =	sor.u32 $0x400, s13;
	s12 =	sadd.s32 s16, s12  }
0x13: {  	[hbm4b:s12+s13] =	stream.strided.scatter [tilespmem:s14], [sflag:$0x2], $0x2000, s8, s13, $0x20;
	[tilespmem:$0x8080] =	vst v63  }
.LBB1_5:
0x14: {  	s14 =	sadd.s32 $0x1, s9  }
0x15: {  	s12 =	sadd.s32 $0x1000, s10;
	s16 =	smov.u32 s10;
	p2 =	sgt.s32 s14, $0x31  }
0x16: {  	s16 =	smov.u32 @p2 s12  }
0x17: {  	s14 =	simm.s32 @p2 $0x0;
	p2 =	sgt.s32 s16, $0x3FFF  }
0x18: {  	s16 =	smov.u32 @p2 s2;
	p2 =	sne.s32 s11, s7  }
.Ltmp1:
0x19: {  	p1 =	slt.u32 s11, $0x2;
	(pc) =	sbr.rel @!p2 .LBB1_6-.Ltmp1, $4  }
0x1a: {  	s15 =	simm.s32 @!p1 $0x2  }
0x1b: {  	s13 =	smov.u32 s10;
	p0 =	por !p0, !p0;
	_ =	swait.ge @!p1 [sflag:s15], $0x2000  }
0x1c: {  	s12 =	smov.u32 s9;
	[sflag:s15] =	ssyncset.done @!p1 $0x0;
	s9 =	smov.u32 s14  }
0x1d: {  	s11 =	sadd.s32 $0x1, s11;
	[sflag:s15] =	ssyncadd.s32 @!p1 $0xFFFFE000;
	s10 =	smov.u32 s16  }
.LBB1_1:
0x1e: {  	p1 =	sge.u32 s11, s5  }
0x1f: {  	s14 =	sand.u32 @!p1 $0x1FFFFFF, s9  }
0x20: {  	s15 =	smulhi.u32 @!p1 $0x4924925, s14;
	_ =	sdelay $0x1  }
0x21: {  	s15 =	smul.u32 @!p1 $0x38, s15  }
0x22: {  	s16 =	sxor.u32 @!p1 $0xFFFFFFFF, s11;
	s17 =	smul.u32 @!p1 $0x380, s10  }
0x23: {  	s31 =	sadd.s32 $0xFFFFFFFF, s11;
	s16 =	sshll.u32 @!p1 s16, $0xD;
	s14 =	ssub.s32 @!p1 s14, s15  }
0x24: {  	s15 =	sand.u32 @!p1 $0x2000, s16;
	s16 =	sadd.s32 @!p1 s6, s17;
	s14 =	sshll.u32 @!p1 s14, $0x4  }
0x25: {  	s17 =	simm.s32 @!p1 $0x1C00;
	s14 =	sadd.s32 @!p1 s14, s16;
	s16 =	simm.s32 @!p1 $0x40  }
0x26: {  	[tilespmem:s15], [sflag:$0x1] =	stream.strided.gather @!p1 [hbm4b:s14+s16], $0x2000, s17, s16, $0x38;
	[tilespmem:$0x8080] =	vst v63  }
0x27: {  	p1 =	sge.u32 s31, s5  }
.Ltmp2:
0x28: {  	_ = 	snop;
	(pc) =	sbr.rel @p1 .LBB1_5-.Ltmp2, $1  }
0x29: {  	_ =	sdelay $0x3  }
0x2a: {  	s14 =	simm.s32 $0x1  }
0x2b: {  	_ =	swait.ge [sflag:s4], $0x2000;
	s14 =	simm.s32 @!p0 $0x0  }
0x2c: {  	[sflag:s4] =	ssyncset.done $0x0;
	s15 =	sshll.u32 s14, $0xD  }
0x2d: {  	[sflag:s4] =	ssyncadd.s32 $0xFFFFE000;
	s18 =	sor.u32 $0x20, s15  }
0x2e: {  	s14 =	smul.u32 $0x8100, s14;
	v3 =	vld [tilespmem:s18+$0x10]  }
0x2f: {  	s30 =	sand.u32 $0x1, s11;
	v2 =	vld [tilespmem:s18+$0xFFFFFFF0]  }
0x30: {  	s15 =	smul.u32 $0x8100, s30;
	s14 =	sshrl.u32 s14, $0x2;
	v0 =	vld [tilespmem:s18+$0x0]  }
0x31: {  	v1 =	vld [tilespmem:s18+$0xFFFFFFE0];
	s16 =	sor.u32 $0x4000, s14  }
0x32: {  	s31 =	sshrl.u32 s15, $0x2;
	s15 =	sadd.s32 $0x0, s16  }
0x33: {  	s17 =	simm.s32 $0x4;
	s18 =	sadd.s32 $0x40, s18;
	s14 =	sor.u32 $0x4000, s31;
	[tilespmem:s15+$0x1830 ss:$0x81] =	vst.msk $0xffff, v3  }
.LBB1_3:
0x34: {  	v3 =	vld [tilespmem:s18+$0x10];
	p1 =	sne.s32 s17, $0x1FC;
	[tilespmem:s15+$0x810 ss:$0x81] =	vst.msk $0xffff, v2;
	s19 =	smov.u32 s17;
	s17 =	sadd.s32 $0x4, s17  }
.Ltmp3:
0x35: {  	v2 =	vld [tilespmem:s18+$0xFFFFFFF0];
	[tilespmem:s15+$0x1020 ss:$0x81] =	vst.msk $0xffff, v0;
	(pc) =	sbr.rel @p1 .LBB1_3-.Ltmp3, $4  }
0x36: {  	v0 =	vld [tilespmem:s18+$0x0];
	[tilespmem:s15+$0x0 ss:$0x81] =	vst.msk $0xffff, v1  }
0x37: {  	s15 =	sshra.s32 s19, $0x2;
	v1 =	vld [tilespmem:s18+$0xFFFFFFE0]  }
0x38: {  	s15 =	sadd.s32 s15, s16  }
0x39: {  	s18 =	sadd.s32 $0x40, s18;
	[tilespmem:s15+$0x1830 ss:$0x81] =	vst.msk $0xffff, v3  }
.Ltmp4:
0x3a: {  	_ = 	snop;
	(pc) =	sbr.rel .LBB1_4-.Ltmp4, $1  }
0x3b: {  	_ =	sdelay $0x3  }
.LBB1_6:
0x3c: {  	_ =	sfence.sel $0x180000  }
0x3d: {  	s2 =	simm.s32 $0x1;
	[bflag:$0x0] =	sbarrier.arrive $0xFFFF  }
0x3e: {  	s31 =	simm.s32 $0x2;
	[sflag:s2] =	ssyncpa.u1 $0x1  }
0x3f: {  	[sflag:s31] =	ssyncpa.u1 $0x1  }
0x40: {  	p0 =	sne.s32 s0, $0x0;
	_ =	strace $0x9000004A  }
0x41: {  	s0 =	sadd.s32 @!p0 $0x100000, s1;
	[bflag:$0x2] =	sbarrier.arrive $0xFFFF  }
0x42: {  	[sflag:s0] =	ssyncadd.tile.s32 @!p0 $0x1;
	_ =	shalt  }
.Lfunc_end1:
_tile_overlayer_lowered:
.L_overlay_start_2:
0x43: {  	(tag) =	ssettag $0x2  }
0x44: {  	s0 =	rddreg [dreg:$0x0];
	s2 =	stileid.u32  }
0x45: {  	s1 =	rddreg [dreg:$0x1];
	p0 =	sne.s32 s2, $0x0  }
0x46: {  	s3 =	rddreg [dreg:$0x2];
	[bflag:$0x3] =	sbarrier.arrive $0xFFFF;
	s2 =	simm.s32 @!p0 $0x1C01  }
0x47: {  	[timem:s3], [sflag:s2] =	dma.local @!p0 [hbm:s0], s1  }
0x48: {  	s0 =	simm.s32 @!p0 $0x1  }
0x49: {  	_ =	swait.ge @!p0 [sflag:s0], s1  }
0x4a: {  	s1 =	ssub.s32 @!p0 $0x0, s1;
	[sflag:s0] =	ssyncset.done @!p0 $0x0  }
0x4b: {  	[sflag:s0] =	ssyncadd.s32 @!p0 s1  }
0x4c: {  	[bflag:$0x3] =	sbarrier.arrive $0xFFFF  }
0x4d: {  	_ =	shalt  }

</sc_bundles>
